<compile_context>
chip_gen: v7x
topology: tpu7x:2x2x1
jax: 0.10.2.dev20260603
libtpu: 0.0.44.dev20260713+nightly
codegen_flags: <defaults>
</compile_context>

<pallas_src>
import jax
import jax.numpy as jnp
from jax import lax
from jax.experimental import pallas as pl
from jax.experimental.pallas import tpu as pltpu
from jax.experimental.pallas import tpu_sc as plsc

D_MODEL = 1024
SEQ_LEN = 2048
BATCH = 4
NUM_CORES = 2
NUM_SUBCORES = 16
NUM_WORKERS = NUM_CORES * NUM_SUBCORES
POS_PER_WORKER = SEQ_LEN // NUM_WORKERS
CHUNK_POS = 8
NUM_CHUNKS = POS_PER_WORKER // CHUNK_POS
ROWS_PER_CHUNK = BATCH * CHUNK_POS
NBUF = 3
LANES = 16


def _body(ids_hbm, wtab_hbm, ptab_hbm, out_hbm, idx_v, wbuf, pbuf,
          wsem0, wsem1, wsem2, psem0, psem1, psem2, osem0, osem1, osem2):
    wsem = (wsem0, wsem1, wsem2)
    psem = (psem0, psem1, psem2)
    osem = (osem0, osem1, osem2)
    wid = lax.axis_index("s") * NUM_CORES + lax.axis_index("c")
    p0 = wid * POS_PER_WORKER

    gathers = [None] * NUM_CHUNKS
    poscopies = [None] * NUM_CHUNKS
    stores = [None] * NUM_CHUNKS

    def issue(t):
        par = t % NBUF
        gathers[t] = [
            pltpu.async_copy(
                wtab_hbm.at[idx_v.at[b, pl.ds(t * CHUNK_POS, CHUNK_POS)]],
                wbuf.at[par, pl.ds(b * CHUNK_POS, CHUNK_POS)], wsem[par])
            for b in range(BATCH)
        ]
        poscopies[t] = pltpu.async_copy(
            ptab_hbm.at[pl.ds(p0 + t * CHUNK_POS, CHUNK_POS)],
            pbuf.at[par], psem[par])

    for b in range(BATCH):
        pltpu.sync_copy(ids_hbm.at[pl.ds(b * SEQ_LEN + p0, POS_PER_WORKER)],
                        idx_v.at[b])
    issue(0)
    issue(1)

    for t in range(NUM_CHUNKS):
        par = t % NBUF
        for c in gathers[t]:
            c.wait()
        poscopies[t].wait()

        def add_pos(p, carry):
            @plsc.parallel_loop(0, D_MODEL, step=LANES, unroll=8)
            def add_vec(o):
                js = pl.ds(o, LANES)
                pv = pbuf[par, p, js]
                for b in range(BATCH):
                    wbuf[par, b * CHUNK_POS + p, js] = (
                        wbuf[par, b * CHUNK_POS + p, js] + pv)

            return carry

        lax.fori_loop(0, CHUNK_POS, add_pos, 0)

        stores[t] = [
            pltpu.async_copy(
                wbuf.at[par, pl.ds(b * CHUNK_POS, CHUNK_POS)],
                out_hbm.at[b, pl.ds(p0 + t * CHUNK_POS, CHUNK_POS), :],
                osem[par])
            for b in range(BATCH)
        ]

        if t + 2 < NUM_CHUNKS:
            if t >= 1:
                for c in stores[t - 1]:
                    c.wait()
            issue(t + 2)

    for t in (NUM_CHUNKS - 3, NUM_CHUNKS - 2, NUM_CHUNKS - 1):
        for c in stores[t]:
            c.wait()


_embed = pl.kernel(
    _body,
    out_type=jax.ShapeDtypeStruct((BATCH, SEQ_LEN, D_MODEL), jnp.float32),
    mesh=plsc.VectorSubcoreMesh(core_axis_name="c", subcore_axis_name="s"),
    scratch_types=[
        pltpu.VMEM((BATCH, POS_PER_WORKER), jnp.int32),
        pltpu.VMEM((NBUF, ROWS_PER_CHUNK, D_MODEL), jnp.float32),
        pltpu.VMEM((NBUF, CHUNK_POS, D_MODEL), jnp.float32),
        pltpu.SemaphoreType.DMA,
        pltpu.SemaphoreType.DMA,
        pltpu.SemaphoreType.DMA,
        pltpu.SemaphoreType.DMA,
        pltpu.SemaphoreType.DMA,
        pltpu.SemaphoreType.DMA,
        pltpu.SemaphoreType.DMA,
        pltpu.SemaphoreType.DMA,
        pltpu.SemaphoreType.DMA,
    ],
)


@jax.jit
def kernel(input_ids, word_embedding, position_embedding):
    batch, seq = input_ids.shape
    ids = input_ids.reshape(-1).astype(jnp.int32)
    return _embed(ids, word_embedding, position_embedding)

# --- scband reference (transcript-rebuilt; emitter-appended) ---
"""Pipeline reference for scband-gptembedding-27745488732180 (READ-ONLY COPY).

The authoritative reference and input builder live on the scoring server;
editing this copy changes nothing except your own understanding.
"""

import jax, jax.numpy as jnp
import numpy as np

VOCAB_SIZE = 100000
D_MODEL = 1024
MAX_SEQ_LENGTH = 2048
BATCH = 4
SEQ_LEN = 2048


def setup_inputs(seed: int = 0) -> dict:
    key = jax.random.key(seed)
    k1, k2, k3 = jax.random.split(key, 3)
    input_ids = jax.random.randint(k1, (BATCH, SEQ_LEN), 0, VOCAB_SIZE, dtype=jnp.int64 if jax.config.jax_enable_x64 else jnp.int32)
    word_embedding = jax.random.normal(k2, (VOCAB_SIZE, D_MODEL), dtype=jnp.float32) * 0.02
    position_embedding = jax.random.normal(k3, (MAX_SEQ_LENGTH, D_MODEL), dtype=jnp.float32) * 0.02
    return {"input_ids": input_ids, "word_embedding": word_embedding, "position_embedding": position_embedding}


def reference(input_ids, word_embedding, position_embedding):
    batch_size, seq_length = input_ids.shape
    # position ids broadcast over batch
    position_ids = jnp.arange(seq_length)
    word_embeddings = jnp.take(word_embedding, input_ids, axis=0)  # (B, S, D)
    position_embeddings = jnp.take(position_embedding, position_ids, axis=0)  # (S, D)
    embeddings = word_embeddings + position_embeddings[None, :, :]
    # dropout is identity in eval/reference mode
    return embeddings

if __name__ == "__main__":
    import jax
    _d = setup_inputs()
    print(jax.jit(kernel)(*tuple(_d.values())))

</pallas_src>

<mosaic_0001>
#map = affine_map<(d0, d1) -> (0)>
#map1 = affine_map<(d0, d1) -> (0, 0)>
#map2 = affine_map<(d0, d1) -> (0, 0, 0)>
module attributes {stable_mosaic.version = 14 : i64} {
  func.func @_body(%arg0: i32, %arg1: i32, %arg2: memref<8192xi32, #tpu.memory_space<hbm>>, %arg3: memref<100000x1024xf32, #tpu.memory_space<hbm>>, %arg4: memref<2048x1024xf32, #tpu.memory_space<hbm>>, %arg5: memref<4x2048x1024xf32, #tpu.memory_space<hbm>>, %arg6: memref<4x64xi32, #tpu.memory_space<vmem>>, %arg7: memref<3x32x1024xf32, #tpu.memory_space<vmem>>, %arg8: memref<3x8x1024xf32, #tpu.memory_space<vmem>>, %arg9: memref<!tpu.dma_semaphore, #tpu.memory_space<semaphore_mem>>, %arg10: memref<!tpu.dma_semaphore, #tpu.memory_space<semaphore_mem>>, %arg11: memref<!tpu.dma_semaphore, #tpu.memory_space<semaphore_mem>>, %arg12: memref<!tpu.dma_semaphore, #tpu.memory_space<semaphore_mem>>, %arg13: memref<!tpu.dma_semaphore, #tpu.memory_space<semaphore_mem>>, %arg14: memref<!tpu.dma_semaphore, #tpu.memory_space<semaphore_mem>>, %arg15: memref<!tpu.dma_semaphore, #tpu.memory_space<semaphore_mem>>, %arg16: memref<!tpu.dma_semaphore, #tpu.memory_space<semaphore_mem>>, %arg17: memref<!tpu.dma_semaphore, #tpu.memory_space<semaphore_mem>>) attributes {dimension_semantics = [#tpu.dimension_semantics<core_parallel>, #tpu.dimension_semantics<subcore_parallel>], iteration_bounds = array<i64: 2, 16>, scalar_prefetch = 0 : i64, scratch_operands = 12 : i64, tpu.core_type = #tpu.core_type<sc_vector_subcore>, window_params = [{transform_indices = #map}, {transform_indices = #map1}, {transform_indices = #map1}, {transform_indices = #map2}]} {
    %mul3A = arith.constant 2 : i32
    %mul3A_0 = arith.muli %arg1, %mul3A : i32
    %add3A = arith.addi %mul3A_0, %arg0 : i32
    %mul3A_1 = arith.constant 64 : i32
    %mul3A_2 = arith.muli %add3A, %mul3A_1 : i32
    %add3A_3 = arith.constant 0 : i32
    %add3A_4 = arith.addi %add3A_3, %mul3A_2 : i32
    %run_scoped3A = arith.constant 0 : i32
    "tpu.region"() ({
      %run_scoped3A_2139 = tpu.sem_alloc : memref<!tpu.dma_semaphore, #tpu.memory_space<semaphore_mem>>
      %dma_start3A_2140 = arith.constant 0 : i32
      %dma_start3A_2141 = tpu.memref_slice %arg6[%run_scoped3A, %dma_start3A_2140] : memref<4x64xi32, #tpu.memory_space<vmem>> -> memref<1x64xi32, #tpu.memory_space<vmem>>
      %dma_start3A_2142 = tpu.memref_squeeze %dma_start3A_2141 : memref<1x64xi32, #tpu.memory_space<vmem>> -> memref<64xi32, #tpu.memory_space<vmem>>
      %dma_start3A_2143 = tpu.memref_slice %arg2[%add3A_4] : memref<8192xi32, #tpu.memory_space<hbm>> -> memref<64xi32, #tpu.memory_space<hbm>>
      %dma_start3A_2144 = arith.constant 0 : i32
      %dma_start3A_2145 = tpu.memref_slice %arg6[%run_scoped3A, %dma_start3A_2144] : memref<4x64xi32, #tpu.memory_space<vmem>> -> memref<1x64xi32, #tpu.memory_space<vmem>>
      %dma_start3A_2146 = tpu.memref_squeeze %dma_start3A_2145 : memref<1x64xi32, #tpu.memory_space<vmem>> -> memref<64xi32, #tpu.memory_space<vmem>>
      %dma_start3A_2147 = tpu.memref_slice %arg2[%add3A_4] : memref<8192xi32, #tpu.memory_space<hbm>> -> memref<64xi32, #tpu.memory_space<hbm>>
      tpu.enqueue_dma source(%dma_start3A_2147 : memref<64xi32, #tpu.memory_space<hbm>>) target(%dma_start3A_2146 : memref<64xi32, #tpu.memory_space<vmem>>) target_semaphore(%run_scoped3A_2139 : memref<!tpu.dma_semaphore, #tpu.memory_space<semaphore_mem>>)
      %dma_wait3A_2148 = arith.constant 0 : i32
      %dma_wait3A_2149 = tpu.memref_slice %arg6[%run_scoped3A, %dma_wait3A_2148] : memref<4x64xi32, #tpu.memory_space<vmem>> -> memref<1x64xi32, #tpu.memory_space<vmem>>
      %dma_wait3A_2150 = tpu.memref_squeeze %dma_wait3A_2149 : memref<1x64xi32, #tpu.memory_space<vmem>> -> memref<64xi32, #tpu.memory_space<vmem>>
      %dma_wait3A_2151 = tpu.memref_slice %arg2[%add3A_4] : memref<8192xi32, #tpu.memory_space<hbm>> -> memref<64xi32, #tpu.memory_space<hbm>>
      %dma_wait3A_2152 = arith.constant 0 : i32
      %dma_wait3A_2153 = tpu.memref_slice %arg6[%run_scoped3A, %dma_wait3A_2152] : memref<4x64xi32, #tpu.memory_space<vmem>> -> memref<1x64xi32, #tpu.memory_space<vmem>>
      %dma_wait3A_2154 = tpu.memref_squeeze %dma_wait3A_2153 : memref<1x64xi32, #tpu.memory_space<vmem>> -> memref<64xi32, #tpu.memory_space<vmem>>
      %dma_wait3A_2155 = tpu.memref_slice %arg2[%add3A_4] : memref<8192xi32, #tpu.memory_space<hbm>> -> memref<64xi32, #tpu.memory_space<hbm>>
      tpu.wait_dma2 semaphore(%run_scoped3A_2139 : memref<!tpu.dma_semaphore, #tpu.memory_space<semaphore_mem>>) src(%dma_wait3A_2155 : memref<64xi32, #tpu.memory_space<hbm>>) dst(%dma_wait3A_2154 : memref<64xi32, #tpu.memory_space<vmem>>)
      tpu.yield
    }) : () -> ()
    %add3A_5 = arith.constant 2048 : i32
    %add3A_6 = arith.addi %add3A_5, %mul3A_2 : i32
    %run_scoped3A_7 = arith.constant 1 : i32
    "tpu.region"() ({
      %run_scoped3A_2139 = tpu.sem_alloc : memref<!tpu.dma_semaphore, #tpu.memory_space<semaphore_mem>>
      %dma_start3A_2140 = arith.constant 0 : i32
      %dma_start3A_2141 = tpu.memref_slice %arg6[%run_scoped3A_7, %dma_start3A_2140] : memref<4x64xi32, #tpu.memory_space<vmem>> -> memref<1x64xi32, #tpu.memory_space<vmem>>
      %dma_start3A_2142 = tpu.memref_squeeze %dma_start3A_2141 : memref<1x64xi32, #tpu.memory_space<vmem>> -> memref<64xi32, #tpu.memory_space<vmem>>
      %dma_start3A_2143 = tpu.memref_slice %arg2[%add3A_6] : memref<8192xi32, #tpu.memory_space<hbm>> -> memref<64xi32, #tpu.memory_space<hbm>>
      %dma_start3A_2144 = arith.constant 0 : i32
      %dma_start3A_2145 = tpu.memref_slice %arg6[%run_scoped3A_7, %dma_start3A_2144] : memref<4x64xi32, #tpu.memory_space<vmem>> -> memref<1x64xi32, #tpu.memory_space<vmem>>
      %dma_start3A_2146 = tpu.memref_squeeze %dma_start3A_2145 : memref<1x64xi32, #tpu.memory_space<vmem>> -> memref<64xi32, #tpu.memory_space<vmem>>
      %dma_start3A_2147 = tpu.memref_slice %arg2[%add3A_6] : memref<8192xi32, #tpu.memory_space<hbm>> -> memref<64xi32, #tpu.memory_space<hbm>>
      tpu.enqueue_dma source(%dma_start3A_2147 : memref<64xi32, #tpu.memory_space<hbm>>) target(%dma_start3A_2146 : memref<64xi32, #tpu.memory_space<vmem>>) target_semaphore(%run_scoped3A_2139 : memref<!tpu.dma_semaphore, #tpu.memory_space<semaphore_mem>>)
      %dma_wait3A_2148 = arith.constant 0 : i32
      %dma_wait3A_2149 = tpu.memref_slice %arg6[%run_scoped3A_7, %dma_wait3A_2148] : memref<4x64xi32, #tpu.memory_space<vmem>> -> memref<1x64xi32, #tpu.memory_space<vmem>>
      %dma_wait3A_2150 = tpu.memref_squeeze %dma_wait3A_2149 : memref<1x64xi32, #tpu.memory_space<vmem>> -> memref<64xi32, #tpu.memory_space<vmem>>
      %dma_wait3A_2151 = tpu.memref_slice %arg2[%add3A_6] : memref<8192xi32, #tpu.memory_space<hbm>> -> memref<64xi32, #tpu.memory_space<hbm>>
      %dma_wait3A_2152 = arith.constant 0 : i32
      %dma_wait3A_2153 = tpu.memref_slice %arg6[%run_scoped3A_7, %dma_wait3A_2152] : memref<4x64xi32, #tpu.memory_space<vmem>> -> memref<1x64xi32, #tpu.memory_space<vmem>>
      %dma_wait3A_2154 = tpu.memref_squeeze %dma_wait3A_2153 : memref<1x64xi32, #tpu.memory_space<vmem>> -> memref<64xi32, #tpu.memory_space<vmem>>
      %dma_wait3A_2155 = tpu.memref_slice %arg2[%add3A_6] : memref<8192xi32, #tpu.memory_space<hbm>> -> memref<64xi32, #tpu.memory_space<hbm>>
      tpu.wait_dma2 semaphore(%run_scoped3A_2139 : memref<!tpu.dma_semaphore, #tpu.memory_space<semaphore_mem>>) src(%dma_wait3A_2155 : memref<64xi32, #tpu.memory_space<hbm>>) dst(%dma_wait3A_2154 : memref<64xi32, #tpu.memory_space<vmem>>)
      tpu.yield
    }) : () -> ()
    %add3A_8 = arith.constant 4096 : i32
    %add3A_9 = arith.addi %add3A_8, %mul3A_2 : i32
    %run_scoped3A_10 = arith.constant 2 : i32
    "tpu.region"() ({
      %run_scoped3A_2139 = tpu.sem_alloc : memref<!tpu.dma_semaphore, #tpu.memory_space<semaphore_mem>>
      %dma_start3A_2140 = arith.constant 0 : i32
      %dma_start3A_2141 = tpu.memref_slice %arg6[%run_scoped3A_10, %dma_start3A_2140] : memref<4x64xi32, #tpu.memory_space<vmem>> -> memref<1x64xi32, #tpu.memory_space<vmem>>
      %dma_start3A_2142 = tpu.memref_squeeze %dma_start3A_2141 : memref<1x64xi32, #tpu.memory_space<vmem>> -> memref<64xi32, #tpu.memory_space<vmem>>
      %dma_start3A_2143 = tpu.memref_slice %arg2[%add3A_9] : memref<8192xi32, #tpu.memory_space<hbm>> -> memref<64xi32, #tpu.memory_space<hbm>>
      %dma_start3A_2144 = arith.constant 0 : i32
      %dma_start3A_2145 = tpu.memref_slice %arg6[%run_scoped3A_10, %dma_start3A_2144] : memref<4x64xi32, #tpu.memory_space<vmem>> -> memref<1x64xi32, #tpu.memory_space<vmem>>
      %dma_start3A_2146 = tpu.memref_squeeze %dma_start3A_2145 : memref<1x64xi32, #tpu.memory_space<vmem>> -> memref<64xi32, #tpu.memory_space<vmem>>
      %dma_start3A_2147 = tpu.memref_slice %arg2[%add3A_9] : memref<8192xi32, #tpu.memory_space<hbm>> -> memref<64xi32, #tpu.memory_space<hbm>>
      tpu.enqueue_dma source(%dma_start3A_2147 : memref<64xi32, #tpu.memory_space<hbm>>) target(%dma_start3A_2146 : memref<64xi32, #tpu.memory_space<vmem>>) target_semaphore(%run_scoped3A_2139 : memref<!tpu.dma_semaphore, #tpu.memory_space<semaphore_mem>>)
      %dma_wait3A_2148 = arith.constant 0 : i32
      %dma_wait3A_2149 = tpu.memref_slice %arg6[%run_scoped3A_10, %dma_wait3A_2148] : memref<4x64xi32, #tpu.memory_space<vmem>> -> memref<1x64xi32, #tpu.memory_space<vmem>>
      %dma_wait3A_2150 = tpu.memref_squeeze %dma_wait3A_2149 : memref<1x64xi32, #tpu.memory_space<vmem>> -> memref<64xi32, #tpu.memory_space<vmem>>
      %dma_wait3A_2151 = tpu.memref_slice %arg2[%add3A_9] : memref<8192xi32, #tpu.memory_space<hbm>> -> memref<64xi32, #tpu.memory_space<hbm>>
      %dma_wait3A_2152 = arith.constant 0 : i32
      %dma_wait3A_2153 = tpu.memref_slice %arg6[%run_scoped3A_10, %dma_wait3A_2152] : memref<4x64xi32, #tpu.memory_space<vmem>> -> memref<1x64xi32, #tpu.memory_space<vmem>>
      %dma_wait3A_2154 = tpu.memref_squeeze %dma_wait3A_2153 : memref<1x64xi32, #tpu.memory_space<vmem>> -> memref<64xi32, #tpu.memory_space<vmem>>
      %dma_wait3A_2155 = tpu.memref_slice %arg2[%add3A_9] : memref<8192xi32, #tpu.memory_space<hbm>> -> memref<64xi32, #tpu.memory_space<hbm>>
      tpu.wait_dma2 semaphore(%run_scoped3A_2139 : memref<!tpu.dma_semaphore, #tpu.memory_space<semaphore_mem>>) src(%dma_wait3A_2155 : memref<64xi32, #tpu.memory_space<hbm>>) dst(%dma_wait3A_2154 : memref<64xi32, #tpu.memory_space<vmem>>)
      tpu.yield
    }) : () -> ()
    %add3A_11 = arith.constant 6144 : i32
    %add3A_12 = arith.addi %add3A_11, %mul3A_2 : i32
    %run_scoped3A_13 = arith.constant 3 : i32
    "tpu.region"() ({
      %run_scoped3A_2139 = tpu.sem_alloc : memref<!tpu.dma_semaphore, #tpu.memory_space<semaphore_mem>>
      %dma_start3A_2140 = arith.constant 0 : i32
      %dma_start3A_2141 = tpu.memref_slice %arg6[%run_scoped3A_13, %dma_start3A_2140] : memref<4x64xi32, #tpu.memory_space<vmem>> -> memref<1x64xi32, #tpu.memory_space<vmem>>
      %dma_start3A_2142 = tpu.memref_squeeze %dma_start3A_2141 : memref<1x64xi32, #tpu.memory_space<vmem>> -> memref<64xi32, #tpu.memory_space<vmem>>
      %dma_start3A_2143 = tpu.memref_slice %arg2[%add3A_12] : memref<8192xi32, #tpu.memory_space<hbm>> -> memref<64xi32, #tpu.memory_space<hbm>>
      %dma_start3A_2144 = arith.constant 0 : i32
      %dma_start3A_2145 = tpu.memref_slice %arg6[%run_scoped3A_13, %dma_start3A_2144] : memref<4x64xi32, #tpu.memory_space<vmem>> -> memref<1x64xi32, #tpu.memory_space<vmem>>
      %dma_start3A_2146 = tpu.memref_squeeze %dma_start3A_2145 : memref<1x64xi32, #tpu.memory_space<vmem>> -> memref<64xi32, #tpu.memory_space<vmem>>
      %dma_start3A_2147 = tpu.memref_slice %arg2[%add3A_12] : memref<8192xi32, #tpu.memory_space<hbm>> -> memref<64xi32, #tpu.memory_space<hbm>>
      tpu.enqueue_dma source(%dma_start3A_2147 : memref<64xi32, #tpu.memory_space<hbm>>) target(%dma_start3A_2146 : memref<64xi32, #tpu.memory_space<vmem>>) target_semaphore(%run_scoped3A_2139 : memref<!tpu.dma_semaphore, #tpu.memory_space<semaphore_mem>>)
      %dma_wait3A_2148 = arith.constant 0 : i32
      %dma_wait3A_2149 = tpu.memref_slice %arg6[%run_scoped3A_13, %dma_wait3A_2148] : memref<4x64xi32, #tpu.memory_space<vmem>> -> memref<1x64xi32, #tpu.memory_space<vmem>>
      %dma_wait3A_2150 = tpu.memref_squeeze %dma_wait3A_2149 : memref<1x64xi32, #tpu.memory_space<vmem>> -> memref<64xi32, #tpu.memory_space<vmem>>
      %dma_wait3A_2151 = tpu.memref_slice %arg2[%add3A_12] : memref<8192xi32, #tpu.memory_space<hbm>> -> memref<64xi32, #tpu.memory_space<hbm>>
      %dma_wait3A_2152 = arith.constant 0 : i32
      %dma_wait3A_2153 = tpu.memref_slice %arg6[%run_scoped3A_13, %dma_wait3A_2152] : memref<4x64xi32, #tpu.memory_space<vmem>> -> memref<1x64xi32, #tpu.memory_space<vmem>>
      %dma_wait3A_2154 = tpu.memref_squeeze %dma_wait3A_2153 : memref<1x64xi32, #tpu.memory_space<vmem>> -> memref<64xi32, #tpu.memory_space<vmem>>
      %dma_wait3A_2155 = tpu.memref_slice %arg2[%add3A_12] : memref<8192xi32, #tpu.memory_space<hbm>> -> memref<64xi32, #tpu.memory_space<hbm>>
      tpu.wait_dma2 semaphore(%run_scoped3A_2139 : memref<!tpu.dma_semaphore, #tpu.memory_space<semaphore_mem>>) src(%dma_wait3A_2155 : memref<64xi32, #tpu.memory_space<hbm>>) dst(%dma_wait3A_2154 : memref<64xi32, #tpu.memory_space<vmem>>)
      tpu.yield
    }) : () -> ()
    %dma_start3A = arith.constant 0 : i32
    %dma_start3A_14 = arith.constant 0 : i32
    %dma_start3A_15 = arith.constant 0 : i32
    %dma_start3A_16 = arith.constant 0 : i32
    %dma_start3A_17 = tpu.memref_slice %arg7[%dma_start3A_14, %dma_start3A_15, %dma_start3A_16] : memref<3x32x1024xf32, #tpu.memory_space<vmem>> -> memref<1x8x1024xf32, #tpu.memory_space<vmem>>
    %dma_start3A_18 = tpu.memref_squeeze %dma_start3A_17 : memref<1x8x1024xf32, #tpu.memory_space<vmem>> -> memref<8x1024xf32, #tpu.memory_space<vmem>>
    %dma_start3A_19 = arith.constant 0 : i32
    %dma_start3A_20 = tpu.memref_slice %arg6[%dma_start3A, %dma_start3A_19] : memref<4x64xi32, #tpu.memory_space<vmem>> -> memref<1x8xi32, #tpu.memory_space<vmem>>
    %dma_start3A_21 = tpu.memref_squeeze %dma_start3A_20 : memref<1x8xi32, #tpu.memory_space<vmem>> -> memref<8xi32, #tpu.memory_space<vmem>>
    %dma_start3A_22 = arith.constant 0 : i32
    %dma_start3A_23 = arith.constant 0 : i32
    %dma_start3A_24 = tpu.memref_slice %arg3[%dma_start3A_22, %dma_start3A_23] : memref<100000x1024xf32, #tpu.memory_space<hbm>> -> memref<100000x1024xf32, #tpu.memory_space<hbm>>
    tpu.enqueue_indirect_dma source(%dma_start3A_24 : memref<100000x1024xf32, #tpu.memory_space<hbm>>) target(%dma_start3A_18 : memref<8x1024xf32, #tpu.memory_space<vmem>>) offsets(%dma_start3A_21 : memref<8xi32, #tpu.memory_space<vmem>>) semaphore(%arg9 : memref<!tpu.dma_semaphore, #tpu.memory_space<semaphore_mem>>)
    %dma_start3A_25 = arith.constant 1 : i32
    %dma_start3A_26 = arith.constant 0 : i32
    %dma_start3A_27 = arith.constant 8 : i32
    %dma_start3A_28 = arith.constant 0 : i32
    %dma_start3A_29 = tpu.memref_slice %arg7[%dma_start3A_26, %dma_start3A_27, %dma_start3A_28] : memref<3x32x1024xf32, #tpu.memory_space<vmem>> -> memref<1x8x1024xf32, #tpu.memory_space<vmem>>
    %dma_start3A_30 = tpu.memref_squeeze %dma_start3A_29 : memref<1x8x1024xf32, #tpu.memory_space<vmem>> -> memref<8x1024xf32, #tpu.memory_space<vmem>>
    %dma_start3A_31 = arith.constant 0 : i32
    %dma_start3A_32 = tpu.memref_slice %arg6[%dma_start3A_25, %dma_start3A_31] : memref<4x64xi32, #tpu.memory_space<vmem>> -> memref<1x8xi32, #tpu.memory_space<vmem>>
    %dma_start3A_33 = tpu.memref_squeeze %dma_start3A_32 : memref<1x8xi32, #tpu.memory_space<vmem>> -> memref<8xi32, #tpu.memory_space<vmem>>
    %dma_start3A_34 = arith.constant 0 : i32
    %dma_start3A_35 = arith.constant 0 : i32
    %dma_start3A_36 = tpu.memref_slice %arg3[%dma_start3A_34, %dma_start3A_35] : memref<100000x1024xf32, #tpu.memory_space<hbm>> -> memref<100000x1024xf32, #tpu.memory_space<hbm>>
    tpu.enqueue_indirect_dma source(%dma_start3A_36 : memref<100000x1024xf32, #tpu.memory_space<hbm>>) target(%dma_start3A_30 : memref<8x1024xf32, #tpu.memory_space<vmem>>) offsets(%dma_start3A_33 : memref<8xi32, #tpu.memory_space<vmem>>) semaphore(%arg9 : memref<!tpu.dma_semaphore, #tpu.memory_space<semaphore_mem>>)
    %dma_start3A_37 = arith.constant 2 : i32
    %dma_start3A_38 = arith.constant 0 : i32
    %dma_start3A_39 = arith.constant 16 : i32
    %dma_start3A_40 = arith.constant 0 : i32
    %dma_start3A_41 = tpu.memref_slice %arg7[%dma_start3A_38, %dma_start3A_39, %dma_start3A_40] : memref<3x32x1024xf32, #tpu.memory_space<vmem>> -> memref<1x8x1024xf32, #tpu.memory_space<vmem>>
    %dma_start3A_42 = tpu.memref_squeeze %dma_start3A_41 : memref<1x8x1024xf32, #tpu.memory_space<vmem>> -> memref<8x1024xf32, #tpu.memory_space<vmem>>
    %dma_start3A_43 = arith.constant 0 : i32
    %dma_start3A_44 = tpu.memref_slice %arg6[%dma_start3A_37, %dma_start3A_43] : memref<4x64xi32, #tpu.memory_space<vmem>> -> memref<1x8xi32, #tpu.memory_space<vmem>>
    %dma_start3A_45 = tpu.memref_squeeze %dma_start3A_44 : memref<1x8xi32, #tpu.memory_space<vmem>> -> memref<8xi32, #tpu.memory_space<vmem>>
    %dma_start3A_46 = arith.constant 0 : i32
    %dma_start3A_47 = arith.constant 0 : i32
    %dma_start3A_48 = tpu.memref_slice %arg3[%dma_start3A_46, %dma_start3A_47] : memref<100000x1024xf32, #tpu.memory_space<hbm>> -> memref<100000x1024xf32, #tpu.memory_space<hbm>>
    tpu.enqueue_indirect_dma source(%dma_start3A_48 : memref<100000x1024xf32, #tpu.memory_space<hbm>>) target(%dma_start3A_42 : memref<8x1024xf32, #tpu.memory_space<vmem>>) offsets(%dma_start3A_45 : memref<8xi32, #tpu.memory_space<vmem>>) semaphore(%arg9 : memref<!tpu.dma_semaphore, #tpu.memory_space<semaphore_mem>>)
    %dma_start3A_49 = arith.constant 3 : i32
    %dma_start3A_50 = arith.constant 0 : i32
    %dma_start3A_51 = arith.constant 24 : i32
    %dma_start3A_52 = arith.constant 0 : i32
    %dma_start3A_53 = tpu.memref_slice %arg7[%dma_start3A_50, %dma_start3A_51, %dma_start3A_52] : memref<3x32x1024xf32, #tpu.memory_space<vmem>> -> memref<1x8x1024xf32, #tpu.memory_space<vmem>>
    %dma_start3A_54 = tpu.memref_squeeze %dma_start3A_53 : memref<1x8x1024xf32, #tpu.memory_space<vmem>> -> memref<8x1024xf32, #tpu.memory_space<vmem>>
    %dma_start3A_55 = arith.constant 0 : i32
    %dma_start3A_56 = tpu.memref_slice %arg6[%dma_start3A_49, %dma_start3A_55] : memref<4x64xi32, #tpu.memory_space<vmem>> -> memref<1x8xi32, #tpu.memory_space<vmem>>
    %dma_start3A_57 = tpu.memref_squeeze %dma_start3A_56 : memref<1x8xi32, #tpu.memory_space<vmem>> -> memref<8xi32, #tpu.memory_space<vmem>>
    %dma_start3A_58 = arith.constant 0 : i32
    %dma_start3A_59 = arith.constant 0 : i32
    %dma_start3A_60 = tpu.memref_slice %arg3[%dma_start3A_58, %dma_start3A_59] : memref<100000x1024xf32, #tpu.memory_space<hbm>> -> memref<100000x1024xf32, #tpu.memory_space<hbm>>
    tpu.enqueue_indirect_dma source(%dma_start3A_60 : memref<100000x1024xf32, #tpu.memory_space<hbm>>) target(%dma_start3A_54 : memref<8x1024xf32, #tpu.memory_space<vmem>>) offsets(%dma_start3A_57 : memref<8xi32, #tpu.memory_space<vmem>>) semaphore(%arg9 : memref<!tpu.dma_semaphore, #tpu.memory_space<semaphore_mem>>)
    %add3A_61 = arith.constant 0 : i32
    %add3A_62 = arith.addi %mul3A_2, %add3A_61 : i32
    %dma_start3A_63 = arith.constant 0 : i32
    %dma_start3A_64 = arith.constant 0 : i32
    %dma_start3A_65 = arith.constant 0 : i32
    %dma_start3A_66 = tpu.memref_slice %arg8[%dma_start3A_63, %dma_start3A_64, %dma_start3A_65] : memref<3x8x1024xf32, #tpu.memory_space<vmem>> -> memref<1x8x1024xf32, #tpu.memory_space<vmem>>
    %dma_start3A_67 = tpu.memref_squeeze %dma_start3A_66 : memref<1x8x1024xf32, #tpu.memory_space<vmem>> -> memref<8x1024xf32, #tpu.memory_space<vmem>>
    %dma_start3A_68 = arith.constant 0 : i32
    %dma_start3A_69 = tpu.memref_slice %arg4[%add3A_62, %dma_start3A_68] : memref<2048x1024xf32, #tpu.memory_space<hbm>> -> memref<8x1024xf32, #tpu.memory_space<hbm>>
    %dma_start3A_70 = arith.constant 0 : i32
    %dma_start3A_71 = arith.constant 0 : i32
    %dma_start3A_72 = tpu.memref_slice %arg8[%dma_start3A_63, %dma_start3A_70, %dma_start3A_71] : memref<3x8x1024xf32, #tpu.memory_space<vmem>> -> memref<1x8x1024xf32, #tpu.memory_space<vmem>>
    %dma_start3A_73 = tpu.memref_squeeze %dma_start3A_72 : memref<1x8x1024xf32, #tpu.memory_space<vmem>> -> memref<8x1024xf32, #tpu.memory_space<vmem>>
    %dma_start3A_74 = arith.constant 0 : i32
    %dma_start3A_75 = tpu.memref_slice %arg4[%add3A_62, %dma_start3A_74] : memref<2048x1024xf32, #tpu.memory_space<hbm>> -> memref<8x1024xf32, #tpu.memory_space<hbm>>
    tpu.enqueue_dma source(%dma_start3A_75 : memref<8x1024xf32, #tpu.memory_space<hbm>>) target(%dma_start3A_73 : memref<8x1024xf32, #tpu.memory_space<vmem>>) target_semaphore(%arg12 : memref<!tpu.dma_semaphore, #tpu.memory_space<semaphore_mem>>)
    %dma_start3A_76 = arith.constant 0 : i32
    %dma_start3A_77 = arith.constant 1 : i32
    %dma_start3A_78 = arith.constant 0 : i32
    %dma_start3A_79 = arith.constant 0 : i32
    %dma_start3A_80 = tpu.memref_slice %arg7[%dma_start3A_77, %dma_start3A_78, %dma_start3A_79] : memref<3x32x1024xf32, #tpu.memory_space<vmem>> -> memref<1x8x1024xf32, #tpu.memory_space<vmem>>
    %dma_start3A_81 = tpu.memref_squeeze %dma_start3A_80 : memref<1x8x1024xf32, #tpu.memory_space<vmem>> -> memref<8x1024xf32, #tpu.memory_space<vmem>>
    %dma_start3A_82 = arith.constant 8 : i32
    %dma_start3A_83 = tpu.memref_slice %arg6[%dma_start3A_76, %dma_start3A_82] : memref<4x64xi32, #tpu.memory_space<vmem>> -> memref<1x8xi32, #tpu.memory_space<vmem>>
    %dma_start3A_84 = tpu.memref_squeeze %dma_start3A_83 : memref<1x8xi32, #tpu.memory_space<vmem>> -> memref<8xi32, #tpu.memory_space<vmem>>
    %dma_start3A_85 = arith.constant 0 : i32
    %dma_start3A_86 = arith.constant 0 : i32
    %dma_start3A_87 = tpu.memref_slice %arg3[%dma_start3A_85, %dma_start3A_86] : memref<100000x1024xf32, #tpu.memory_space<hbm>> -> memref<100000x1024xf32, #tpu.memory_space<hbm>>
    tpu.enqueue_indirect_dma source(%dma_start3A_87 : memref<100000x1024xf32, #tpu.memory_space<hbm>>) target(%dma_start3A_81 : memref<8x1024xf32, #tpu.memory_space<vmem>>) offsets(%dma_start3A_84 : memref<8xi32, #tpu.memory_space<vmem>>) semaphore(%arg10 : memref<!tpu.dma_semaphore, #tpu.memory_space<semaphore_mem>>)
    %dma_start3A_88 = arith.constant 1 : i32
    %dma_start3A_89 = arith.constant 1 : i32
    %dma_start3A_90 = arith.constant 8 : i32
    %dma_start3A_91 = arith.constant 0 : i32
    %dma_start3A_92 = tpu.memref_slice %arg7[%dma_start3A_89, %dma_start3A_90, %dma_start3A_91] : memref<3x32x1024xf32, #tpu.memory_space<vmem>> -> memref<1x8x1024xf32, #tpu.memory_space<vmem>>
    %dma_start3A_93 = tpu.memref_squeeze %dma_start3A_92 : memref<1x8x1024xf32, #tpu.memory_space<vmem>> -> memref<8x1024xf32, #tpu.memory_space<vmem>>
    %dma_start3A_94 = arith.constant 8 : i32
    %dma_start3A_95 = tpu.memref_slice %arg6[%dma_start3A_88, %dma_start3A_94] : memref<4x64xi32, #tpu.memory_space<vmem>> -> memref<1x8xi32, #tpu.memory_space<vmem>>
    %dma_start3A_96 = tpu.memref_squeeze %dma_start3A_95 : memref<1x8xi32, #tpu.memory_space<vmem>> -> memref<8xi32, #tpu.memory_space<vmem>>
    %dma_start3A_97 = arith.constant 0 : i32
    %dma_start3A_98 = arith.constant 0 : i32
    %dma_start3A_99 = tpu.memref_slice %arg3[%dma_start3A_97, %dma_start3A_98] : memref<100000x1024xf32, #tpu.memory_space<hbm>> -> memref<100000x1024xf32, #tpu.memory_space<hbm>>
    tpu.enqueue_indirect_dma source(%dma_start3A_99 : memref<100000x1024xf32, #tpu.memory_space<hbm>>) target(%dma_start3A_93 : memref<8x1024xf32, #tpu.memory_space<vmem>>) offsets(%dma_start3A_96 : memref<8xi32, #tpu.memory_space<vmem>>) semaphore(%arg10 : memref<!tpu.dma_semaphore, #tpu.memory_space<semaphore_mem>>)
    %dma_start3A_100 = arith.constant 2 : i32
    %dma_start3A_101 = arith.constant 1 : i32
    %dma_start3A_102 = arith.constant 16 : i32
    %dma_start3A_103 = arith.constant 0 : i32
    %dma_start3A_104 = tpu.memref_slice %arg7[%dma_start3A_101, %dma_start3A_102, %dma_start3A_103] : memref<3x32x1024xf32, #tpu.memory_space<vmem>> -> memref<1x8x1024xf32, #tpu.memory_space<vmem>>
    %dma_start3A_105 = tpu.memref_squeeze %dma_start3A_104 : memref<1x8x1024xf32, #tpu.memory_space<vmem>> -> memref<8x1024xf32, #tpu.memory_space<vmem>>
    %dma_start3A_106 = arith.constant 8 : i32
    %dma_start3A_107 = tpu.memref_slice %arg6[%dma_start3A_100, %dma_start3A_106] : memref<4x64xi32, #tpu.memory_space<vmem>> -> memref<1x8xi32, #tpu.memory_space<vmem>>
    %dma_start3A_108 = tpu.memref_squeeze %dma_start3A_107 : memref<1x8xi32, #tpu.memory_space<vmem>> -> memref<8xi32, #tpu.memory_space<vmem>>
    %dma_start3A_109 = arith.constant 0 : i32
    %dma_start3A_110 = arith.constant 0 : i32
    %dma_start3A_111 = tpu.memref_slice %arg3[%dma_start3A_109, %dma_start3A_110] : memref<100000x1024xf32, #tpu.memory_space<hbm>> -> memref<100000x1024xf32, #tpu.memory_space<hbm>>
    tpu.enqueue_indirect_dma source(%dma_start3A_111 : memref<100000x1024xf32, #tpu.memory_space<hbm>>) target(%dma_start3A_105 : memref<8x1024xf32, #tpu.memory_space<vmem>>) offsets(%dma_start3A_108 : memref<8xi32, #tpu.memory_space<vmem>>) semaphore(%arg10 : memref<!tpu.dma_semaphore, #tpu.memory_space<semaphore_mem>>)
    %dma_start3A_112 = arith.constant 3 : i32
    %dma_start3A_113 = arith.constant 1 : i32
    %dma_start3A_114 = arith.constant 24 : i32
    %dma_start3A_115 = arith.constant 0 : i32
    %dma_start3A_116 = tpu.memref_slice %arg7[%dma_start3A_113, %dma_start3A_114, %dma_start3A_115] : memref<3x32x1024xf32, #tpu.memory_space<vmem>> -> memref<1x8x1024xf32, #tpu.memory_space<vmem>>
    %dma_start3A_117 = tpu.memref_squeeze %dma_start3A_116 : memref<1x8x1024xf32, #tpu.memory_space<vmem>> -> memref<8x1024xf32, #tpu.memory_space<vmem>>
    %dma_start3A_118 = arith.constant 8 : i32
    %dma_start3A_119 = tpu.memref_slice %arg6[%dma_start3A_112, %dma_start3A_118] : memref<4x64xi32, #tpu.memory_space<vmem>> -> memref<1x8xi32, #tpu.memory_space<vmem>>
    %dma_start3A_120 = tpu.memref_squeeze %dma_start3A_119 : memref<1x8xi32, #tpu.memory_space<vmem>> -> memref<8xi32, #tpu.memory_space<vmem>>
    %dma_start3A_121 = arith.constant 0 : i32
    %dma_start3A_122 = arith.constant 0 : i32
    %dma_start3A_123 = tpu.memref_slice %arg3[%dma_start3A_121, %dma_start3A_122] : memref<100000x1024xf32, #tpu.memory_space<hbm>> -> memref<100000x1024xf32, #tpu.memory_space<hbm>>
    tpu.enqueue_indirect_dma source(%dma_start3A_123 : memref<100000x1024xf32, #tpu.memory_space<hbm>>) target(%dma_start3A_117 : memref<8x1024xf32, #tpu.memory_space<vmem>>) offsets(%dma_start3A_120 : memref<8xi32, #tpu.memory_space<vmem>>) semaphore(%arg10 : memref<!tpu.dma_semaphore, #tpu.memory_space<semaphore_mem>>)
    %add3A_124 = arith.constant 8 : i32
    %add3A_125 = arith.addi %mul3A_2, %add3A_124 : i32
    %dma_start3A_126 = arith.constant 1 : i32
    %dma_start3A_127 = arith.constant 0 : i32
    %dma_start3A_128 = arith.constant 0 : i32
    %dma_start3A_129 = tpu.memref_slice %arg8[%dma_start3A_126, %dma_start3A_127, %dma_start3A_128] : memref<3x8x1024xf32, #tpu.memory_space<vmem>> -> memref<1x8x1024xf32, #tpu.memory_space<vmem>>
    %dma_start3A_130 = tpu.memref_squeeze %dma_start3A_129 : memref<1x8x1024xf32, #tpu.memory_space<vmem>> -> memref<8x1024xf32, #tpu.memory_space<vmem>>
    %dma_start3A_131 = arith.constant 0 : i32
    %dma_start3A_132 = tpu.memref_slice %arg4[%add3A_125, %dma_start3A_131] : memref<2048x1024xf32, #tpu.memory_space<hbm>> -> memref<8x1024xf32, #tpu.memory_space<hbm>>
    %dma_start3A_133 = arith.constant 0 : i32
    %dma_start3A_134 = arith.constant 0 : i32
    %dma_start3A_135 = tpu.memref_slice %arg8[%dma_start3A_126, %dma_start3A_133, %dma_start3A_134] : memref<3x8x1024xf32, #tpu.memory_space<vmem>> -> memref<1x8x1024xf32, #tpu.memory_space<vmem>>
    %dma_start3A_136 = tpu.memref_squeeze %dma_start3A_135 : memref<1x8x1024xf32, #tpu.memory_space<vmem>> -> memref<8x1024xf32, #tpu.memory_space<vmem>>
    %dma_start3A_137 = arith.constant 0 : i32
    %dma_start3A_138 = tpu.memref_slice %arg4[%add3A_125, %dma_start3A_137] : memref<2048x1024xf32, #tpu.memory_space<hbm>> -> memref<8x1024xf32, #tpu.memory_space<hbm>>
    tpu.enqueue_dma source(%dma_start3A_138 : memref<8x1024xf32, #tpu.memory_space<hbm>>) target(%dma_start3A_136 : memref<8x1024xf32, #tpu.memory_space<vmem>>) target_semaphore(%arg13 : memref<!tpu.dma_semaphore, #tpu.memory_space<semaphore_mem>>)
    %dma_wait3A = arith.constant 0 : i32
    %dma_wait3A_139 = arith.constant 0 : i32
    %dma_wait3A_140 = arith.constant 0 : i32
    %dma_wait3A_141 = arith.constant 0 : i32
    %dma_wait3A_142 = tpu.memref_slice %arg7[%dma_wait3A_139, %dma_wait3A_140, %dma_wait3A_141] : memref<3x32x1024xf32, #tpu.memory_space<vmem>> -> memref<1x8x1024xf32, #tpu.memory_space<vmem>>
    %dma_wait3A_143 = tpu.memref_squeeze %dma_wait3A_142 : memref<1x8x1024xf32, #tpu.memory_space<vmem>> -> memref<8x1024xf32, #tpu.memory_space<vmem>>
    %dma_wait3A_144 = arith.constant 0 : i32
    %dma_wait3A_145 = tpu.memref_slice %arg6[%dma_wait3A, %dma_wait3A_144] : memref<4x64xi32, #tpu.memory_space<vmem>> -> memref<1x8xi32, #tpu.memory_space<vmem>>
    %dma_wait3A_146 = tpu.memref_squeeze %dma_wait3A_145 : memref<1x8xi32, #tpu.memory_space<vmem>> -> memref<8xi32, #tpu.memory_space<vmem>>
    %dma_wait3A_147 = arith.constant 0 : i32
    %dma_wait3A_148 = arith.constant 0 : i32
    %dma_wait3A_149 = tpu.memref_slice %arg3[%dma_wait3A_147, %dma_wait3A_148] : memref<100000x1024xf32, #tpu.memory_space<hbm>> -> memref<100000x1024xf32, #tpu.memory_space<hbm>>
    tpu.wait_indirect_dma semaphore(%arg9 : memref<!tpu.dma_semaphore, #tpu.memory_space<semaphore_mem>>) src(%dma_wait3A_149 : memref<100000x1024xf32, #tpu.memory_space<hbm>>) dst(%dma_wait3A_143 : memref<8x1024xf32, #tpu.memory_space<vmem>>)
    %dma_wait3A_150 = arith.constant 1 : i32
    %dma_wait3A_151 = arith.constant 0 : i32
    %dma_wait3A_152 = arith.constant 8 : i32
    %dma_wait3A_153 = arith.constant 0 : i32
    %dma_wait3A_154 = tpu.memref_slice %arg7[%dma_wait3A_151, %dma_wait3A_152, %dma_wait3A_153] : memref<3x32x1024xf32, #tpu.memory_space<vmem>> -> memref<1x8x1024xf32, #tpu.memory_space<vmem>>
    %dma_wait3A_155 = tpu.memref_squeeze %dma_wait3A_154 : memref<1x8x1024xf32, #tpu.memory_space<vmem>> -> memref<8x1024xf32, #tpu.memory_space<vmem>>
    %dma_wait3A_156 = arith.constant 0 : i32
    %dma_wait3A_157 = tpu.memref_slice %arg6[%dma_wait3A_150, %dma_wait3A_156] : memref<4x64xi32, #tpu.memory_space<vmem>> -> memref<1x8xi32, #tpu.memory_space<vmem>>
    %dma_wait3A_158 = tpu.memref_squeeze %dma_wait3A_157 : memref<1x8xi32, #tpu.memory_space<vmem>> -> memref<8xi32, #tpu.memory_space<vmem>>
    %dma_wait3A_159 = arith.constant 0 : i32
    %dma_wait3A_160 = arith.constant 0 : i32
    %dma_wait3A_161 = tpu.memref_slice %arg3[%dma_wait3A_159, %dma_wait3A_160] : memref<100000x1024xf32, #tpu.memory_space<hbm>> -> memref<100000x1024xf32, #tpu.memory_space<hbm>>
    tpu.wait_indirect_dma semaphore(%arg9 : memref<!tpu.dma_semaphore, #tpu.memory_space<semaphore_mem>>) src(%dma_wait3A_161 : memref<100000x1024xf32, #tpu.memory_space<hbm>>) dst(%dma_wait3A_155 : memref<8x1024xf32, #tpu.memory_space<vmem>>)
    %dma_wait3A_162 = arith.constant 2 : i32
    %dma_wait3A_163 = arith.constant 0 : i32
    %dma_wait3A_164 = arith.constant 16 : i32
    %dma_wait3A_165 = arith.constant 0 : i32
    %dma_wait3A_166 = tpu.memref_slice %arg7[%dma_wait3A_163, %dma_wait3A_164, %dma_wait3A_165] : memref<3x32x1024xf32, #tpu.memory_space<vmem>> -> memref<1x8x1024xf32, #tpu.memory_space<vmem>>
    %dma_wait3A_167 = tpu.memref_squeeze %dma_wait3A_166 : memref<1x8x1024xf32, #tpu.memory_space<vmem>> -> memref<8x1024xf32, #tpu.memory_space<vmem>>
    %dma_wait3A_168 = arith.constant 0 : i32
    %dma_wait3A_169 = tpu.memref_slice %arg6[%dma_wait3A_162, %dma_wait3A_168] : memref<4x64xi32, #tpu.memory_space<vmem>> -> memref<1x8xi32, #tpu.memory_space<vmem>>
    %dma_wait3A_170 = tpu.memref_squeeze %dma_wait3A_169 : memref<1x8xi32, #tpu.memory_space<vmem>> -> memref<8xi32, #tpu.memory_space<vmem>>
    %dma_wait3A_171 = arith.constant 0 : i32
    %dma_wait3A_172 = arith.constant 0 : i32
    %dma_wait3A_173 = tpu.memref_slice %arg3[%dma_wait3A_171, %dma_wait3A_172] : memref<100000x1024xf32, #tpu.memory_space<hbm>> -> memref<100000x1024xf32, #tpu.memory_space<hbm>>
    tpu.wait_indirect_dma semaphore(%arg9 : memref<!tpu.dma_semaphore, #tpu.memory_space<semaphore_mem>>) src(%dma_wait3A_173 : memref<100000x1024xf32, #tpu.memory_space<hbm>>) dst(%dma_wait3A_167 : memref<8x1024xf32, #tpu.memory_space<vmem>>)
    %dma_wait3A_174 = arith.constant 3 : i32
    %dma_wait3A_175 = arith.constant 0 : i32
    %dma_wait3A_176 = arith.constant 24 : i32
    %dma_wait3A_177 = arith.constant 0 : i32
    %dma_wait3A_178 = tpu.memref_slice %arg7[%dma_wait3A_175, %dma_wait3A_176, %dma_wait3A_177] : memref<3x32x1024xf32, #tpu.memory_space<vmem>> -> memref<1x8x1024xf32, #tpu.memory_space<vmem>>
    %dma_wait3A_179 = tpu.memref_squeeze %dma_wait3A_178 : memref<1x8x1024xf32, #tpu.memory_space<vmem>> -> memref<8x1024xf32, #tpu.memory_space<vmem>>
    %dma_wait3A_180 = arith.constant 0 : i32
    %dma_wait3A_181 = tpu.memref_slice %arg6[%dma_wait3A_174, %dma_wait3A_180] : memref<4x64xi32, #tpu.memory_space<vmem>> -> memref<1x8xi32, #tpu.memory_space<vmem>>
    %dma_wait3A_182 = tpu.memref_squeeze %dma_wait3A_181 : memref<1x8xi32, #tpu.memory_space<vmem>> -> memref<8xi32, #tpu.memory_space<vmem>>
    %dma_wait3A_183 = arith.constant 0 : i32
    %dma_wait3A_184 = arith.constant 0 : i32
    %dma_wait3A_185 = tpu.memref_slice %arg3[%dma_wait3A_183, %dma_wait3A_184] : memref<100000x1024xf32, #tpu.memory_space<hbm>> -> memref<100000x1024xf32, #tpu.memory_space<hbm>>
    tpu.wait_indirect_dma semaphore(%arg9 : memref<!tpu.dma_semaphore, #tpu.memory_space<semaphore_mem>>) src(%dma_wait3A_185 : memref<100000x1024xf32, #tpu.memory_space<hbm>>) dst(%dma_wait3A_179 : memref<8x1024xf32, #tpu.memory_space<vmem>>)
    %dma_wait3A_186 = arith.constant 0 : i32
    %dma_wait3A_187 = arith.constant 0 : i32
    %dma_wait3A_188 = arith.constant 0 : i32
    %dma_wait3A_189 = tpu.memref_slice %arg8[%dma_wait3A_186, %dma_wait3A_187, %dma_wait3A_188] : memref<3x8x1024xf32, #tpu.memory_space<vmem>> -> memref<1x8x1024xf32, #tpu.memory_space<vmem>>
    %dma_wait3A_190 = tpu.memref_squeeze %dma_wait3A_189 : memref<1x8x1024xf32, #tpu.memory_space<vmem>> -> memref<8x1024xf32, #tpu.memory_space<vmem>>
    %dma_wait3A_191 = arith.constant 0 : i32
    %dma_wait3A_192 = tpu.memref_slice %arg4[%add3A_62, %dma_wait3A_191] : memref<2048x1024xf32, #tpu.memory_space<hbm>> -> memref<8x1024xf32, #tpu.memory_space<hbm>>
    %dma_wait3A_193 = arith.constant 0 : i32
    %dma_wait3A_194 = arith.constant 0 : i32
    %dma_wait3A_195 = tpu.memref_slice %arg8[%dma_wait3A_186, %dma_wait3A_193, %dma_wait3A_194] : memref<3x8x1024xf32, #tpu.memory_space<vmem>> -> memref<1x8x1024xf32, #tpu.memory_space<vmem>>
    %dma_wait3A_196 = tpu.memref_squeeze %dma_wait3A_195 : memref<1x8x1024xf32, #tpu.memory_space<vmem>> -> memref<8x1024xf32, #tpu.memory_space<vmem>>
    %dma_wait3A_197 = arith.constant 0 : i32
    %dma_wait3A_198 = tpu.memref_slice %arg4[%add3A_62, %dma_wait3A_197] : memref<2048x1024xf32, #tpu.memory_space<hbm>> -> memref<8x1024xf32, #tpu.memory_space<hbm>>
    tpu.wait_dma2 semaphore(%arg12 : memref<!tpu.dma_semaphore, #tpu.memory_space<semaphore_mem>>) src(%dma_wait3A_198 : memref<8x1024xf32, #tpu.memory_space<hbm>>) dst(%dma_wait3A_196 : memref<8x1024xf32, #tpu.memory_space<vmem>>)
    %scan3A = arith.constant 0 : i32
    %scan3A_199 = arith.constant 0 : i32
    %scan3A_200 = arith.constant 8 : i32
    %scan3A_201 = arith.addi %scan3A_199, %scan3A_200 : i32
    %scan3A_202 = arith.constant 1 : i32
    scf.for %scan3A_2139 = %scan3A_199 to %scan3A_201 step %scan3A_202  : i32 {
      %parallel_loop3A = arith.constant 0 : i32
      %parallel_loop3A_2140 = arith.constant 1024 : i32
      %parallel_loop3A_2141 = arith.constant 16 : i32
      scf.for %parallel_loop3A_2142 = %parallel_loop3A to %parallel_loop3A_2140 step %parallel_loop3A_2141  : i32 {
        %parallel_loop3A_2143 = arith.constant 0 : i32
        %parallel_loop3A_2144 = arith.index_cast %parallel_loop3A_2143 : i32 to index
        %parallel_loop3A_2145 = arith.index_cast %scan3A_2139 : i32 to index
        %parallel_loop3A_2146 = arith.index_cast %parallel_loop3A_2142 : i32 to index
        %parallel_loop3A_2147 = tpu.vector_load %arg8[%parallel_loop3A_2144, %parallel_loop3A_2145, %parallel_loop3A_2146] {strides = array<i32>} : memref<3x8x1024xf32, #tpu.memory_space<vmem>>, vector<1x1x16xf32>,
        %parallel_loop3A_2148 = vector.shape_cast %parallel_loop3A_2147 : vector<1x1x16xf32> to vector<16xf32>
        %parallel_loop3A_2149 = arith.constant 0 : i32
        %parallel_loop3A_2150 = arith.addi %parallel_loop3A_2149, %scan3A_2139 : i32
        %parallel_loop3A_2151 = arith.constant 0 : i32
        %parallel_loop3A_2152 = arith.index_cast %parallel_loop3A_2151 : i32 to index
        %parallel_loop3A_2153 = arith.index_cast %parallel_loop3A_2150 : i32 to index
        %parallel_loop3A_2154 = arith.index_cast %parallel_loop3A_2142 : i32 to index
        %parallel_loop3A_2155 = tpu.vector_load %arg7[%parallel_loop3A_2152, %parallel_loop3A_2153, %parallel_loop3A_2154] {strides = array<i32>} : memref<3x32x1024xf32, #tpu.memory_space<vmem>>, vector<1x1x16xf32>,
        %parallel_loop3A_2156 = vector.shape_cast %parallel_loop3A_2155 : vector<1x1x16xf32> to vector<16xf32>
        %parallel_loop3A_2157 = arith.addf %parallel_loop3A_2156, %parallel_loop3A_2148 : vector<16xf32>
        %parallel_loop3A_2158 = arith.constant 0 : i32
        %parallel_loop3A_2159 = arith.addi %parallel_loop3A_2158, %scan3A_2139 : i32
        %parallel_loop3A_2160 = arith.constant 0 : i32
        %parallel_loop3A_2161 = arith.index_cast %parallel_loop3A_2160 : i32 to index
        %parallel_loop3A_2162 = arith.index_cast %parallel_loop3A_2159 : i32 to index
        %parallel_loop3A_2163 = arith.index_cast %parallel_loop3A_2142 : i32 to index
        %parallel_loop3A_2164 = tpu.vector_load %arg7[%parallel_loop3A_2161, %parallel_loop3A_2162, %parallel_loop3A_2163] {strides = array<i32>} : memref<3x32x1024xf32, #tpu.memory_space<vmem>>, vector<1x1x16xf32>,
        %parallel_loop3A_2165 = vector.shape_cast %parallel_loop3A_2164 : vector<1x1x16xf32> to vector<16xf32>
        %parallel_loop3A_2166 = vector.shape_cast %parallel_loop3A_2157 : vector<16xf32> to vector<1x1x16xf32>
        tpu.vector_store %arg7[%parallel_loop3A_2161, %parallel_loop3A_2162, %parallel_loop3A_2163], %parallel_loop3A_2166 {strides = array<i32>} : memref<3x32x1024xf32, #tpu.memory_space<vmem>>, vector<1x1x16xf32>,
        %parallel_loop3A_2167 = arith.constant 8 : i32
        %parallel_loop3A_2168 = arith.addi %parallel_loop3A_2167, %scan3A_2139 : i32
        %parallel_loop3A_2169 = arith.constant 0 : i32
        %parallel_loop3A_2170 = arith.index_cast %parallel_loop3A_2169 : i32 to index
        %parallel_loop3A_2171 = arith.index_cast %parallel_loop3A_2168 : i32 to index
        %parallel_loop3A_2172 = arith.index_cast %parallel_loop3A_2142 : i32 to index
        %parallel_loop3A_2173 = tpu.vector_load %arg7[%parallel_loop3A_2170, %parallel_loop3A_2171, %parallel_loop3A_2172] {strides = array<i32>} : memref<3x32x1024xf32, #tpu.memory_space<vmem>>, vector<1x1x16xf32>,
        %parallel_loop3A_2174 = vector.shape_cast %parallel_loop3A_2173 : vector<1x1x16xf32> to vector<16xf32>
        %parallel_loop3A_2175 = arith.addf %parallel_loop3A_2174, %parallel_loop3A_2148 : vector<16xf32>
        %parallel_loop3A_2176 = arith.constant 8 : i32
        %parallel_loop3A_2177 = arith.addi %parallel_loop3A_2176, %scan3A_2139 : i32
        %parallel_loop3A_2178 = arith.constant 0 : i32
        %parallel_loop3A_2179 = arith.index_cast %parallel_loop3A_2178 : i32 to index
        %parallel_loop3A_2180 = arith.index_cast %parallel_loop3A_2177 : i32 to index
        %parallel_loop3A_2181 = arith.index_cast %parallel_loop3A_2142 : i32 to index
        %parallel_loop3A_2182 = tpu.vector_load %arg7[%parallel_loop3A_2179, %parallel_loop3A_2180, %parallel_loop3A_2181] {strides = array<i32>} : memref<3x32x1024xf32, #tpu.memory_space<vmem>>, vector<1x1x16xf32>,
        %parallel_loop3A_2183 = vector.shape_cast %parallel_loop3A_2182 : vector<1x1x16xf32> to vector<16xf32>
        %parallel_loop3A_2184 = vector.shape_cast %parallel_loop3A_2175 : vector<16xf32> to vector<1x1x16xf32>
        tpu.vector_store %arg7[%parallel_loop3A_2179, %parallel_loop3A_2180, %parallel_loop3A_2181], %parallel_loop3A_2184 {strides = array<i32>} : memref<3x32x1024xf32, #tpu.memory_space<vmem>>, vector<1x1x16xf32>,
        %parallel_loop3A_2185 = arith.constant 16 : i32
        %parallel_loop3A_2186 = arith.addi %parallel_loop3A_2185, %scan3A_2139 : i32
        %parallel_loop3A_2187 = arith.constant 0 : i32
        %parallel_loop3A_2188 = arith.index_cast %parallel_loop3A_2187 : i32 to index
        %parallel_loop3A_2189 = arith.index_cast %parallel_loop3A_2186 : i32 to index
        %parallel_loop3A_2190 = arith.index_cast %parallel_loop3A_2142 : i32 to index
        %parallel_loop3A_2191 = tpu.vector_load %arg7[%parallel_loop3A_2188, %parallel_loop3A_2189, %parallel_loop3A_2190] {strides = array<i32>} : memref<3x32x1024xf32, #tpu.memory_space<vmem>>, vector<1x1x16xf32>,
        %parallel_loop3A_2192 = vector.shape_cast %parallel_loop3A_2191 : vector<1x1x16xf32> to vector<16xf32>
        %parallel_loop3A_2193 = arith.addf %parallel_loop3A_2192, %parallel_loop3A_2148 : vector<16xf32>
        %parallel_loop3A_2194 = arith.constant 16 : i32
        %parallel_loop3A_2195 = arith.addi %parallel_loop3A_2194, %scan3A_2139 : i32
        %parallel_loop3A_2196 = arith.constant 0 : i32
        %parallel_loop3A_2197 = arith.index_cast %parallel_loop3A_2196 : i32 to index
        %parallel_loop3A_2198 = arith.index_cast %parallel_loop3A_2195 : i32 to index
        %parallel_loop3A_2199 = arith.index_cast %parallel_loop3A_2142 : i32 to index
        %parallel_loop3A_2200 = tpu.vector_load %arg7[%parallel_loop3A_2197, %parallel_loop3A_2198, %parallel_loop3A_2199] {strides = array<i32>} : memref<3x32x1024xf32, #tpu.memory_space<vmem>>, vector<1x1x16xf32>,
        %parallel_loop3A_2201 = vector.shape_cast %parallel_loop3A_2200 : vector<1x1x16xf32> to vector<16xf32>
        %parallel_loop3A_2202 = vector.shape_cast %parallel_loop3A_2193 : vector<16xf32> to vector<1x1x16xf32>
        tpu.vector_store %arg7[%parallel_loop3A_2197, %parallel_loop3A_2198, %parallel_loop3A_2199], %parallel_loop3A_2202 {strides = array<i32>} : memref<3x32x1024xf32, #tpu.memory_space<vmem>>, vector<1x1x16xf32>,
        %parallel_loop3A_2203 = arith.constant 24 : i32
        %parallel_loop3A_2204 = arith.addi %parallel_loop3A_2203, %scan3A_2139 : i32
        %parallel_loop3A_2205 = arith.constant 0 : i32
        %parallel_loop3A_2206 = arith.index_cast %parallel_loop3A_2205 : i32 to index
        %parallel_loop3A_2207 = arith.index_cast %parallel_loop3A_2204 : i32 to index
        %parallel_loop3A_2208 = arith.index_cast %parallel_loop3A_2142 : i32 to index
        %parallel_loop3A_2209 = tpu.vector_load %arg7[%parallel_loop3A_2206, %parallel_loop3A_2207, %parallel_loop3A_2208] {strides = array<i32>} : memref<3x32x1024xf32, #tpu.memory_space<vmem>>, vector<1x1x16xf32>,
        %parallel_loop3A_2210 = vector.shape_cast %parallel_loop3A_2209 : vector<1x1x16xf32> to vector<16xf32>
        %parallel_loop3A_2211 = arith.addf %parallel_loop3A_2210, %parallel_loop3A_2148 : vector<16xf32>
        %parallel_loop3A_2212 = arith.constant 24 : i32
        %parallel_loop3A_2213 = arith.addi %parallel_loop3A_2212, %scan3A_2139 : i32
        %parallel_loop3A_2214 = arith.constant 0 : i32
        %parallel_loop3A_2215 = arith.index_cast %parallel_loop3A_2214 : i32 to index
        %parallel_loop3A_2216 = arith.index_cast %parallel_loop3A_2213 : i32 to index
        %parallel_loop3A_2217 = arith.index_cast %parallel_loop3A_2142 : i32 to index
        %parallel_loop3A_2218 = tpu.vector_load %arg7[%parallel_loop3A_2215, %parallel_loop3A_2216, %parallel_loop3A_2217] {strides = array<i32>} : memref<3x32x1024xf32, #tpu.memory_space<vmem>>, vector<1x1x16xf32>,
        %parallel_loop3A_2219 = vector.shape_cast %parallel_loop3A_2218 : vector<1x1x16xf32> to vector<16xf32>
        %parallel_loop3A_2220 = vector.shape_cast %parallel_loop3A_2211 : vector<16xf32> to vector<1x1x16xf32>
        tpu.vector_store %arg7[%parallel_loop3A_2215, %parallel_loop3A_2216, %parallel_loop3A_2217], %parallel_loop3A_2220 {strides = array<i32>} : memref<3x32x1024xf32, #tpu.memory_space<vmem>>, vector<1x1x16xf32>,
      } {sc.loop_unroll_factor = 8 : i64, sc.parallel_access}
    }
    %scan3A_203 = arith.constant 8 : i32
    %add3A_204 = arith.constant 0 : i32
    %add3A_205 = arith.addi %mul3A_2, %add3A_204 : i32
    %dma_start3A_206 = arith.constant 0 : i32
    %dma_start3A_207 = arith.constant 0 : i32
    %dma_start3A_208 = arith.constant 0 : i32
    %dma_start3A_209 = arith.constant 0 : i32
    %dma_start3A_210 = tpu.memref_slice %arg7[%dma_start3A_206, %dma_start3A_208, %dma_start3A_209] : memref<3x32x1024xf32, #tpu.memory_space<vmem>> -> memref<1x8x1024xf32, #tpu.memory_space<vmem>>
    %dma_start3A_211 = tpu.memref_squeeze %dma_start3A_210 : memref<1x8x1024xf32, #tpu.memory_space<vmem>> -> memref<8x1024xf32, #tpu.memory_space<vmem>>
    %dma_start3A_212 = arith.constant 0 : i32
    %dma_start3A_213 = tpu.memref_slice %arg5[%dma_start3A_207, %add3A_205, %dma_start3A_212] : memref<4x2048x1024xf32, #tpu.memory_space<hbm>> -> memref<1x8x1024xf32, #tpu.memory_space<hbm>>
    %dma_start3A_214 = tpu.memref_squeeze %dma_start3A_213 : memref<1x8x1024xf32, #tpu.memory_space<hbm>> -> memref<8x1024xf32, #tpu.memory_space<hbm>>
    %dma_start3A_215 = arith.constant 0 : i32
    %dma_start3A_216 = tpu.memref_slice %arg5[%dma_start3A_207, %add3A_205, %dma_start3A_215] : memref<4x2048x1024xf32, #tpu.memory_space<hbm>> -> memref<1x8x1024xf32, #tpu.memory_space<hbm>>
    %dma_start3A_217 = tpu.memref_squeeze %dma_start3A_216 : memref<1x8x1024xf32, #tpu.memory_space<hbm>> -> memref<8x1024xf32, #tpu.memory_space<hbm>>
    %dma_start3A_218 = arith.constant 0 : i32
    %dma_start3A_219 = arith.constant 0 : i32
    %dma_start3A_220 = tpu.memref_slice %arg7[%dma_start3A_206, %dma_start3A_218, %dma_start3A_219] : memref<3x32x1024xf32, #tpu.memory_space<vmem>> -> memref<1x8x1024xf32, #tpu.memory_space<vmem>>
    %dma_start3A_221 = tpu.memref_squeeze %dma_start3A_220 : memref<1x8x1024xf32, #tpu.memory_space<vmem>> -> memref<8x1024xf32, #tpu.memory_space<vmem>>
    tpu.enqueue_dma source(%dma_start3A_221 : memref<8x1024xf32, #tpu.memory_space<vmem>>) target(%dma_start3A_217 : memref<8x1024xf32, #tpu.memory_space<hbm>>) target_semaphore(%arg15 : memref<!tpu.dma_semaphore, #tpu.memory_space<semaphore_mem>>)
    %add3A_222 = arith.constant 0 : i32
    %add3A_223 = arith.addi %mul3A_2, %add3A_222 : i32
    %dma_start3A_224 = arith.constant 0 : i32
    %dma_start3A_225 = arith.constant 1 : i32
    %dma_start3A_226 = arith.constant 8 : i32
    %dma_start3A_227 = arith.constant 0 : i32
    %dma_start3A_228 = tpu.memref_slice %arg7[%dma_start3A_224, %dma_start3A_226, %dma_start3A_227] : memref<3x32x1024xf32, #tpu.memory_space<vmem>> -> memref<1x8x1024xf32, #tpu.memory_space<vmem>>
    %dma_start3A_229 = tpu.memref_squeeze %dma_start3A_228 : memref<1x8x1024xf32, #tpu.memory_space<vmem>> -> memref<8x1024xf32, #tpu.memory_space<vmem>>
    %dma_start3A_230 = arith.constant 0 : i32
    %dma_start3A_231 = tpu.memref_slice %arg5[%dma_start3A_225, %add3A_223, %dma_start3A_230] : memref<4x2048x1024xf32, #tpu.memory_space<hbm>> -> memref<1x8x1024xf32, #tpu.memory_space<hbm>>
    %dma_start3A_232 = tpu.memref_squeeze %dma_start3A_231 : memref<1x8x1024xf32, #tpu.memory_space<hbm>> -> memref<8x1024xf32, #tpu.memory_space<hbm>>
    %dma_start3A_233 = arith.constant 0 : i32
    %dma_start3A_234 = tpu.memref_slice %arg5[%dma_start3A_225, %add3A_223, %dma_start3A_233] : memref<4x2048x1024xf32, #tpu.memory_space<hbm>> -> memref<1x8x1024xf32, #tpu.memory_space<hbm>>
    %dma_start3A_235 = tpu.memref_squeeze %dma_start3A_234 : memref<1x8x1024xf32, #tpu.memory_space<hbm>> -> memref<8x1024xf32, #tpu.memory_space<hbm>>
    %dma_start3A_236 = arith.constant 8 : i32
    %dma_start3A_237 = arith.constant 0 : i32
    %dma_start3A_238 = tpu.memref_slice %arg7[%dma_start3A_224, %dma_start3A_236, %dma_start3A_237] : memref<3x32x1024xf32, #tpu.memory_space<vmem>> -> memref<1x8x1024xf32, #tpu.memory_space<vmem>>
    %dma_start3A_239 = tpu.memref_squeeze %dma_start3A_238 : memref<1x8x1024xf32, #tpu.memory_space<vmem>> -> memref<8x1024xf32, #tpu.memory_space<vmem>>
    tpu.enqueue_dma source(%dma_start3A_239 : memref<8x1024xf32, #tpu.memory_space<vmem>>) target(%dma_start3A_235 : memref<8x1024xf32, #tpu.memory_space<hbm>>) target_semaphore(%arg15 : memref<!tpu.dma_semaphore, #tpu.memory_space<semaphore_mem>>)
    %add3A_240 = arith.constant 0 : i32
    %add3A_241 = arith.addi %mul3A_2, %add3A_240 : i32
    %dma_start3A_242 = arith.constant 0 : i32
    %dma_start3A_243 = arith.constant 2 : i32
    %dma_start3A_244 = arith.constant 16 : i32
    %dma_start3A_245 = arith.constant 0 : i32
    %dma_start3A_246 = tpu.memref_slice %arg7[%dma_start3A_242, %dma_start3A_244, %dma_start3A_245] : memref<3x32x1024xf32, #tpu.memory_space<vmem>> -> memref<1x8x1024xf32, #tpu.memory_space<vmem>>
    %dma_start3A_247 = tpu.memref_squeeze %dma_start3A_246 : memref<1x8x1024xf32, #tpu.memory_space<vmem>> -> memref<8x1024xf32, #tpu.memory_space<vmem>>
    %dma_start3A_248 = arith.constant 0 : i32
    %dma_start3A_249 = tpu.memref_slice %arg5[%dma_start3A_243, %add3A_241, %dma_start3A_248] : memref<4x2048x1024xf32, #tpu.memory_space<hbm>> -> memref<1x8x1024xf32, #tpu.memory_space<hbm>>
    %dma_start3A_250 = tpu.memref_squeeze %dma_start3A_249 : memref<1x8x1024xf32, #tpu.memory_space<hbm>> -> memref<8x1024xf32, #tpu.memory_space<hbm>>
    %dma_start3A_251 = arith.constant 0 : i32
    %dma_start3A_252 = tpu.memref_slice %arg5[%dma_start3A_243, %add3A_241, %dma_start3A_251] : memref<4x2048x1024xf32, #tpu.memory_space<hbm>> -> memref<1x8x1024xf32, #tpu.memory_space<hbm>>
    %dma_start3A_253 = tpu.memref_squeeze %dma_start3A_252 : memref<1x8x1024xf32, #tpu.memory_space<hbm>> -> memref<8x1024xf32, #tpu.memory_space<hbm>>
    %dma_start3A_254 = arith.constant 16 : i32
    %dma_start3A_255 = arith.constant 0 : i32
    %dma_start3A_256 = tpu.memref_slice %arg7[%dma_start3A_242, %dma_start3A_254, %dma_start3A_255] : memref<3x32x1024xf32, #tpu.memory_space<vmem>> -> memref<1x8x1024xf32, #tpu.memory_space<vmem>>
    %dma_start3A_257 = tpu.memref_squeeze %dma_start3A_256 : memref<1x8x1024xf32, #tpu.memory_space<vmem>> -> memref<8x1024xf32, #tpu.memory_space<vmem>>
    tpu.enqueue_dma source(%dma_start3A_257 : memref<8x1024xf32, #tpu.memory_space<vmem>>) target(%dma_start3A_253 : memref<8x1024xf32, #tpu.memory_space<hbm>>) target_semaphore(%arg15 : memref<!tpu.dma_semaphore, #tpu.memory_space<semaphore_mem>>)
    %add3A_258 = arith.constant 0 : i32
    %add3A_259 = arith.addi %mul3A_2, %add3A_258 : i32
    %dma_start3A_260 = arith.constant 0 : i32
    %dma_start3A_261 = arith.constant 3 : i32
    %dma_start3A_262 = arith.constant 24 : i32
    %dma_start3A_263 = arith.constant 0 : i32
    %dma_start3A_264 = tpu.memref_slice %arg7[%dma_start3A_260, %dma_start3A_262, %dma_start3A_263] : memref<3x32x1024xf32, #tpu.memory_space<vmem>> -> memref<1x8x1024xf32, #tpu.memory_space<vmem>>
    %dma_start3A_265 = tpu.memref_squeeze %dma_start3A_264 : memref<1x8x1024xf32, #tpu.memory_space<vmem>> -> memref<8x1024xf32, #tpu.memory_space<vmem>>
    %dma_start3A_266 = arith.constant 0 : i32
    %dma_start3A_267 = tpu.memref_slice %arg5[%dma_start3A_261, %add3A_259, %dma_start3A_266] : memref<4x2048x1024xf32, #tpu.memory_space<hbm>> -> memref<1x8x1024xf32, #tpu.memory_space<hbm>>
    %dma_start3A_268 = tpu.memref_squeeze %dma_start3A_267 : memref<1x8x1024xf32, #tpu.memory_space<hbm>> -> memref<8x1024xf32, #tpu.memory_space<hbm>>
    %dma_start3A_269 = arith.constant 0 : i32
    %dma_start3A_270 = tpu.memref_slice %arg5[%dma_start3A_261, %add3A_259, %dma_start3A_269] : memref<4x2048x1024xf32, #tpu.memory_space<hbm>> -> memref<1x8x1024xf32, #tpu.memory_space<hbm>>
    %dma_start3A_271 = tpu.memref_squeeze %dma_start3A_270 : memref<1x8x1024xf32, #tpu.memory_space<hbm>> -> memref<8x1024xf32, #tpu.memory_space<hbm>>
    %dma_start3A_272 = arith.constant 24 : i32
    %dma_start3A_273 = arith.constant 0 : i32
    %dma_start3A_274 = tpu.memref_slice %arg7[%dma_start3A_260, %dma_start3A_272, %dma_start3A_273] : memref<3x32x1024xf32, #tpu.memory_space<vmem>> -> memref<1x8x1024xf32, #tpu.memory_space<vmem>>
    %dma_start3A_275 = tpu.memref_squeeze %dma_start3A_274 : memref<1x8x1024xf32, #tpu.memory_space<vmem>> -> memref<8x1024xf32, #tpu.memory_space<vmem>>
    tpu.enqueue_dma source(%dma_start3A_275 : memref<8x1024xf32, #tpu.memory_space<vmem>>) target(%dma_start3A_271 : memref<8x1024xf32, #tpu.memory_space<hbm>>) target_semaphore(%arg15 : memref<!tpu.dma_semaphore, #tpu.memory_space<semaphore_mem>>)
    %dma_start3A_276 = arith.constant 0 : i32
    %dma_start3A_277 = arith.constant 2 : i32
    %dma_start3A_278 = arith.constant 0 : i32
    %dma_start3A_279 = arith.constant 0 : i32
    %dma_start3A_280 = tpu.memref_slice %arg7[%dma_start3A_277, %dma_start3A_278, %dma_start3A_279] : memref<3x32x1024xf32, #tpu.memory_space<vmem>> -> memref<1x8x1024xf32, #tpu.memory_space<vmem>>
    %dma_start3A_281 = tpu.memref_squeeze %dma_start3A_280 : memref<1x8x1024xf32, #tpu.memory_space<vmem>> -> memref<8x1024xf32, #tpu.memory_space<vmem>>
    %dma_start3A_282 = arith.constant 16 : i32
    %dma_start3A_283 = tpu.memref_slice %arg6[%dma_start3A_276, %dma_start3A_282] : memref<4x64xi32, #tpu.memory_space<vmem>> -> memref<1x8xi32, #tpu.memory_space<vmem>>
    %dma_start3A_284 = tpu.memref_squeeze %dma_start3A_283 : memref<1x8xi32, #tpu.memory_space<vmem>> -> memref<8xi32, #tpu.memory_space<vmem>>
    %dma_start3A_285 = arith.constant 0 : i32
    %dma_start3A_286 = arith.constant 0 : i32
    %dma_start3A_287 = tpu.memref_slice %arg3[%dma_start3A_285, %dma_start3A_286] : memref<100000x1024xf32, #tpu.memory_space<hbm>> -> memref<100000x1024xf32, #tpu.memory_space<hbm>>
    tpu.enqueue_indirect_dma source(%dma_start3A_287 : memref<100000x1024xf32, #tpu.memory_space<hbm>>) target(%dma_start3A_281 : memref<8x1024xf32, #tpu.memory_space<vmem>>) offsets(%dma_start3A_284 : memref<8xi32, #tpu.memory_space<vmem>>) semaphore(%arg11 : memref<!tpu.dma_semaphore, #tpu.memory_space<semaphore_mem>>)
    %dma_start3A_288 = arith.constant 1 : i32
    %dma_start3A_289 = arith.constant 2 : i32
    %dma_start3A_290 = arith.constant 8 : i32
    %dma_start3A_291 = arith.constant 0 : i32
    %dma_start3A_292 = tpu.memref_slice %arg7[%dma_start3A_289, %dma_start3A_290, %dma_start3A_291] : memref<3x32x1024xf32, #tpu.memory_space<vmem>> -> memref<1x8x1024xf32, #tpu.memory_space<vmem>>
    %dma_start3A_293 = tpu.memref_squeeze %dma_start3A_292 : memref<1x8x1024xf32, #tpu.memory_space<vmem>> -> memref<8x1024xf32, #tpu.memory_space<vmem>>
    %dma_start3A_294 = arith.constant 16 : i32
    %dma_start3A_295 = tpu.memref_slice %arg6[%dma_start3A_288, %dma_start3A_294] : memref<4x64xi32, #tpu.memory_space<vmem>> -> memref<1x8xi32, #tpu.memory_space<vmem>>
    %dma_start3A_296 = tpu.memref_squeeze %dma_start3A_295 : memref<1x8xi32, #tpu.memory_space<vmem>> -> memref<8xi32, #tpu.memory_space<vmem>>
    %dma_start3A_297 = arith.constant 0 : i32
    %dma_start3A_298 = arith.constant 0 : i32
    %dma_start3A_299 = tpu.memref_slice %arg3[%dma_start3A_297, %dma_start3A_298] : memref<100000x1024xf32, #tpu.memory_space<hbm>> -> memref<100000x1024xf32, #tpu.memory_space<hbm>>
    tpu.enqueue_indirect_dma source(%dma_start3A_299 : memref<100000x1024xf32, #tpu.memory_space<hbm>>) target(%dma_start3A_293 : memref<8x1024xf32, #tpu.memory_space<vmem>>) offsets(%dma_start3A_296 : memref<8xi32, #tpu.memory_space<vmem>>) semaphore(%arg11 : memref<!tpu.dma_semaphore, #tpu.memory_space<semaphore_mem>>)
    %dma_start3A_300 = arith.constant 2 : i32
    %dma_start3A_301 = arith.constant 2 : i32
    %dma_start3A_302 = arith.constant 16 : i32
    %dma_start3A_303 = arith.constant 0 : i32
    %dma_start3A_304 = tpu.memref_slice %arg7[%dma_start3A_301, %dma_start3A_302, %dma_start3A_303] : memref<3x32x1024xf32, #tpu.memory_space<vmem>> -> memref<1x8x1024xf32, #tpu.memory_space<vmem>>
    %dma_start3A_305 = tpu.memref_squeeze %dma_start3A_304 : memref<1x8x1024xf32, #tpu.memory_space<vmem>> -> memref<8x1024xf32, #tpu.memory_space<vmem>>
    %dma_start3A_306 = arith.constant 16 : i32
    %dma_start3A_307 = tpu.memref_slice %arg6[%dma_start3A_300, %dma_start3A_306] : memref<4x64xi32, #tpu.memory_space<vmem>> -> memref<1x8xi32, #tpu.memory_space<vmem>>
    %dma_start3A_308 = tpu.memref_squeeze %dma_start3A_307 : memref<1x8xi32, #tpu.memory_space<vmem>> -> memref<8xi32, #tpu.memory_space<vmem>>
    %dma_start3A_309 = arith.constant 0 : i32
    %dma_start3A_310 = arith.constant 0 : i32
    %dma_start3A_311 = tpu.memref_slice %arg3[%dma_start3A_309, %dma_start3A_310] : memref<100000x1024xf32, #tpu.memory_space<hbm>> -> memref<100000x1024xf32, #tpu.memory_space<hbm>>
    tpu.enqueue_indirect_dma source(%dma_start3A_311 : memref<100000x1024xf32, #tpu.memory_space<hbm>>) target(%dma_start3A_305 : memref<8x1024xf32, #tpu.memory_space<vmem>>) offsets(%dma_start3A_308 : memref<8xi32, #tpu.memory_space<vmem>>) semaphore(%arg11 : memref<!tpu.dma_semaphore, #tpu.memory_space<semaphore_mem>>)
    %dma_start3A_312 = arith.constant 3 : i32
    %dma_start3A_313 = arith.constant 2 : i32
    %dma_start3A_314 = arith.constant 24 : i32
    %dma_start3A_315 = arith.constant 0 : i32
    %dma_start3A_316 = tpu.memref_slice %arg7[%dma_start3A_313, %dma_start3A_314, %dma_start3A_315] : memref<3x32x1024xf32, #tpu.memory_space<vmem>> -> memref<1x8x1024xf32, #tpu.memory_space<vmem>>
    %dma_start3A_317 = tpu.memref_squeeze %dma_start3A_316 : memref<1x8x1024xf32, #tpu.memory_space<vmem>> -> memref<8x1024xf32, #tpu.memory_space<vmem>>
    %dma_start3A_318 = arith.constant 16 : i32
    %dma_start3A_319 = tpu.memref_slice %arg6[%dma_start3A_312, %dma_start3A_318] : memref<4x64xi32, #tpu.memory_space<vmem>> -> memref<1x8xi32, #tpu.memory_space<vmem>>
    %dma_start3A_320 = tpu.memref_squeeze %dma_start3A_319 : memref<1x8xi32, #tpu.memory_space<vmem>> -> memref<8xi32, #tpu.memory_space<vmem>>
    %dma_start3A_321 = arith.constant 0 : i32
    %dma_start3A_322 = arith.constant 0 : i32
    %dma_start3A_323 = tpu.memref_slice %arg3[%dma_start3A_321, %dma_start3A_322] : memref<100000x1024xf32, #tpu.memory_space<hbm>> -> memref<100000x1024xf32, #tpu.memory_space<hbm>>
    tpu.enqueue_indirect_dma source(%dma_start3A_323 : memref<100000x1024xf32, #tpu.memory_space<hbm>>) target(%dma_start3A_317 : memref<8x1024xf32, #tpu.memory_space<vmem>>) offsets(%dma_start3A_320 : memref<8xi32, #tpu.memory_space<vmem>>) semaphore(%arg11 : memref<!tpu.dma_semaphore, #tpu.memory_space<semaphore_mem>>)
    %add3A_324 = arith.constant 16 : i32
    %add3A_325 = arith.addi %mul3A_2, %add3A_324 : i32
    %dma_start3A_326 = arith.constant 2 : i32
    %dma_start3A_327 = arith.constant 0 : i32
    %dma_start3A_328 = arith.constant 0 : i32
    %dma_start3A_329 = tpu.memref_slice %arg8[%dma_start3A_326, %dma_start3A_327, %dma_start3A_328] : memref<3x8x1024xf32, #tpu.memory_space<vmem>> -> memref<1x8x1024xf32, #tpu.memory_space<vmem>>
    %dma_start3A_330 = tpu.memref_squeeze %dma_start3A_329 : memref<1x8x1024xf32, #tpu.memory_space<vmem>> -> memref<8x1024xf32, #tpu.memory_space<vmem>>
    %dma_start3A_331 = arith.constant 0 : i32
    %dma_start3A_332 = tpu.memref_slice %arg4[%add3A_325, %dma_start3A_331] : memref<2048x1024xf32, #tpu.memory_space<hbm>> -> memref<8x1024xf32, #tpu.memory_space<hbm>>
    %dma_start3A_333 = arith.constant 0 : i32
    %dma_start3A_334 = arith.constant 0 : i32
    %dma_start3A_335 = tpu.memref_slice %arg8[%dma_start3A_326, %dma_start3A_333, %dma_start3A_334] : memref<3x8x1024xf32, #tpu.memory_space<vmem>> -> memref<1x8x1024xf32, #tpu.memory_space<vmem>>
    %dma_start3A_336 = tpu.memref_squeeze %dma_start3A_335 : memref<1x8x1024xf32, #tpu.memory_space<vmem>> -> memref<8x1024xf32, #tpu.memory_space<vmem>>
    %dma_start3A_337 = arith.constant 0 : i32
    %dma_start3A_338 = tpu.memref_slice %arg4[%add3A_325, %dma_start3A_337] : memref<2048x1024xf32, #tpu.memory_space<hbm>> -> memref<8x1024xf32, #tpu.memory_space<hbm>>
    tpu.enqueue_dma source(%dma_start3A_338 : memref<8x1024xf32, #tpu.memory_space<hbm>>) target(%dma_start3A_336 : memref<8x1024xf32, #tpu.memory_space<vmem>>) target_semaphore(%arg14 : memref<!tpu.dma_semaphore, #tpu.memory_space<semaphore_mem>>)
    %dma_wait3A_339 = arith.constant 0 : i32
    %dma_wait3A_340 = arith.constant 1 : i32
    %dma_wait3A_341 = arith.constant 0 : i32
    %dma_wait3A_342 = arith.constant 0 : i32
    %dma_wait3A_343 = tpu.memref_slice %arg7[%dma_wait3A_340, %dma_wait3A_341, %dma_wait3A_342] : memref<3x32x1024xf32, #tpu.memory_space<vmem>> -> memref<1x8x1024xf32, #tpu.memory_space<vmem>>
    %dma_wait3A_344 = tpu.memref_squeeze %dma_wait3A_343 : memref<1x8x1024xf32, #tpu.memory_space<vmem>> -> memref<8x1024xf32, #tpu.memory_space<vmem>>
    %dma_wait3A_345 = arith.constant 8 : i32
    %dma_wait3A_346 = tpu.memref_slice %arg6[%dma_wait3A_339, %dma_wait3A_345] : memref<4x64xi32, #tpu.memory_space<vmem>> -> memref<1x8xi32, #tpu.memory_space<vmem>>
    %dma_wait3A_347 = tpu.memref_squeeze %dma_wait3A_346 : memref<1x8xi32, #tpu.memory_space<vmem>> -> memref<8xi32, #tpu.memory_space<vmem>>
    %dma_wait3A_348 = arith.constant 0 : i32
    %dma_wait3A_349 = arith.constant 0 : i32
    %dma_wait3A_350 = tpu.memref_slice %arg3[%dma_wait3A_348, %dma_wait3A_349] : memref<100000x1024xf32, #tpu.memory_space<hbm>> -> memref<100000x1024xf32, #tpu.memory_space<hbm>>
    tpu.wait_indirect_dma semaphore(%arg10 : memref<!tpu.dma_semaphore, #tpu.memory_space<semaphore_mem>>) src(%dma_wait3A_350 : memref<100000x1024xf32, #tpu.memory_space<hbm>>) dst(%dma_wait3A_344 : memref<8x1024xf32, #tpu.memory_space<vmem>>)
    %dma_wait3A_351 = arith.constant 1 : i32
    %dma_wait3A_352 = arith.constant 1 : i32
    %dma_wait3A_353 = arith.constant 8 : i32
    %dma_wait3A_354 = arith.constant 0 : i32
    %dma_wait3A_355 = tpu.memref_slice %arg7[%dma_wait3A_352, %dma_wait3A_353, %dma_wait3A_354] : memref<3x32x1024xf32, #tpu.memory_space<vmem>> -> memref<1x8x1024xf32, #tpu.memory_space<vmem>>
    %dma_wait3A_356 = tpu.memref_squeeze %dma_wait3A_355 : memref<1x8x1024xf32, #tpu.memory_space<vmem>> -> memref<8x1024xf32, #tpu.memory_space<vmem>>
    %dma_wait3A_357 = arith.constant 8 : i32
    %dma_wait3A_358 = tpu.memref_slice %arg6[%dma_wait3A_351, %dma_wait3A_357] : memref<4x64xi32, #tpu.memory_space<vmem>> -> memref<1x8xi32, #tpu.memory_space<vmem>>
    %dma_wait3A_359 = tpu.memref_squeeze %dma_wait3A_358 : memref<1x8xi32, #tpu.memory_space<vmem>> -> memref<8xi32, #tpu.memory_space<vmem>>
    %dma_wait3A_360 = arith.constant 0 : i32
    %dma_wait3A_361 = arith.constant 0 : i32
    %dma_wait3A_362 = tpu.memref_slice %arg3[%dma_wait3A_360, %dma_wait3A_361] : memref<100000x1024xf32, #tpu.memory_space<hbm>> -> memref<100000x1024xf32, #tpu.memory_space<hbm>>
    tpu.wait_indirect_dma semaphore(%arg10 : memref<!tpu.dma_semaphore, #tpu.memory_space<semaphore_mem>>) src(%dma_wait3A_362 : memref<100000x1024xf32, #tpu.memory_space<hbm>>) dst(%dma_wait3A_356 : memref<8x1024xf32, #tpu.memory_space<vmem>>)
    %dma_wait3A_363 = arith.constant 2 : i32
    %dma_wait3A_364 = arith.constant 1 : i32
    %dma_wait3A_365 = arith.constant 16 : i32
    %dma_wait3A_366 = arith.constant 0 : i32
    %dma_wait3A_367 = tpu.memref_slice %arg7[%dma_wait3A_364, %dma_wait3A_365, %dma_wait3A_366] : memref<3x32x1024xf32, #tpu.memory_space<vmem>> -> memref<1x8x1024xf32, #tpu.memory_space<vmem>>
    %dma_wait3A_368 = tpu.memref_squeeze %dma_wait3A_367 : memref<1x8x1024xf32, #tpu.memory_space<vmem>> -> memref<8x1024xf32, #tpu.memory_space<vmem>>
    %dma_wait3A_369 = arith.constant 8 : i32
    %dma_wait3A_370 = tpu.memref_slice %arg6[%dma_wait3A_363, %dma_wait3A_369] : memref<4x64xi32, #tpu.memory_space<vmem>> -> memref<1x8xi32, #tpu.memory_space<vmem>>
    %dma_wait3A_371 = tpu.memref_squeeze %dma_wait3A_370 : memref<1x8xi32, #tpu.memory_space<vmem>> -> memref<8xi32, #tpu.memory_space<vmem>>
    %dma_wait3A_372 = arith.constant 0 : i32
    %dma_wait3A_373 = arith.constant 0 : i32
    %dma_wait3A_374 = tpu.memref_slice %arg3[%dma_wait3A_372, %dma_wait3A_373] : memref<100000x1024xf32, #tpu.memory_space<hbm>> -> memref<100000x1024xf32, #tpu.memory_space<hbm>>
    tpu.wait_indirect_dma semaphore(%arg10 : memref<!tpu.dma_semaphore, #tpu.memory_space<semaphore_mem>>) src(%dma_wait3A_374 : memref<100000x1024xf32, #tpu.memory_space<hbm>>) dst(%dma_wait3A_368 : memref<8x1024xf32, #tpu.memory_space<vmem>>)
    %dma_wait3A_375 = arith.constant 3 : i32
    %dma_wait3A_376 = arith.constant 1 : i32
    %dma_wait3A_377 = arith.constant 24 : i32
    %dma_wait3A_378 = arith.constant 0 : i32
    %dma_wait3A_379 = tpu.memref_slice %arg7[%dma_wait3A_376, %dma_wait3A_377, %dma_wait3A_378] : memref<3x32x1024xf32, #tpu.memory_space<vmem>> -> memref<1x8x1024xf32, #tpu.memory_space<vmem>>
    %dma_wait3A_380 = tpu.memref_squeeze %dma_wait3A_379 : memref<1x8x1024xf32, #tpu.memory_space<vmem>> -> memref<8x1024xf32, #tpu.memory_space<vmem>>
    %dma_wait3A_381 = arith.constant 8 : i32
    %dma_wait3A_382 = tpu.memref_slice %arg6[%dma_wait3A_375, %dma_wait3A_381] : memref<4x64xi32, #tpu.memory_space<vmem>> -> memref<1x8xi32, #tpu.memory_space<vmem>>
    %dma_wait3A_383 = tpu.memref_squeeze %dma_wait3A_382 : memref<1x8xi32, #tpu.memory_space<vmem>> -> memref<8xi32, #tpu.memory_space<vmem>>
    %dma_wait3A_384 = arith.constant 0 : i32
    %dma_wait3A_385 = arith.constant 0 : i32
    %dma_wait3A_386 = tpu.memref_slice %arg3[%dma_wait3A_384, %dma_wait3A_385] : memref<100000x1024xf32, #tpu.memory_space<hbm>> -> memref<100000x1024xf32, #tpu.memory_space<hbm>>
    tpu.wait_indirect_dma semaphore(%arg10 : memref<!tpu.dma_semaphore, #tpu.memory_space<semaphore_mem>>) src(%dma_wait3A_386 : memref<100000x1024xf32, #tpu.memory_space<hbm>>) dst(%dma_wait3A_380 : memref<8x1024xf32, #tpu.memory_space<vmem>>)
    %dma_wait3A_387 = arith.constant 1 : i32
    %dma_wait3A_388 = arith.constant 0 : i32
    %dma_wait3A_389 = arith.constant 0 : i32
    %dma_wait3A_390 = tpu.memref_slice %arg8[%dma_wait3A_387, %dma_wait3A_388, %dma_wait3A_389] : memref<3x8x1024xf32, #tpu.memory_space<vmem>> -> memref<1x8x1024xf32, #tpu.memory_space<vmem>>
    %dma_wait3A_391 = tpu.memref_squeeze %dma_wait3A_390 : memref<1x8x1024xf32, #tpu.memory_space<vmem>> -> memref<8x1024xf32, #tpu.memory_space<vmem>>
    %dma_wait3A_392 = arith.constant 0 : i32
    %dma_wait3A_393 = tpu.memref_slice %arg4[%add3A_125, %dma_wait3A_392] : memref<2048x1024xf32, #tpu.memory_space<hbm>> -> memref<8x1024xf32, #tpu.memory_space<hbm>>
    %dma_wait3A_394 = arith.constant 0 : i32
    %dma_wait3A_395 = arith.constant 0 : i32
    %dma_wait3A_396 = tpu.memref_slice %arg8[%dma_wait3A_387, %dma_wait3A_394, %dma_wait3A_395] : memref<3x8x1024xf32, #tpu.memory_space<vmem>> -> memref<1x8x1024xf32, #tpu.memory_space<vmem>>
    %dma_wait3A_397 = tpu.memref_squeeze %dma_wait3A_396 : memref<1x8x1024xf32, #tpu.memory_space<vmem>> -> memref<8x1024xf32, #tpu.memory_space<vmem>>
    %dma_wait3A_398 = arith.constant 0 : i32
    %dma_wait3A_399 = tpu.memref_slice %arg4[%add3A_125, %dma_wait3A_398] : memref<2048x1024xf32, #tpu.memory_space<hbm>> -> memref<8x1024xf32, #tpu.memory_space<hbm>>
    tpu.wait_dma2 semaphore(%arg13 : memref<!tpu.dma_semaphore, #tpu.memory_space<semaphore_mem>>) src(%dma_wait3A_399 : memref<8x1024xf32, #tpu.memory_space<hbm>>) dst(%dma_wait3A_397 : memref<8x1024xf32, #tpu.memory_space<vmem>>)
    %scan3A_400 = arith.constant 0 : i32
    %scan3A_401 = arith.constant 0 : i32
    %scan3A_402 = arith.constant 8 : i32
    %scan3A_403 = arith.addi %scan3A_401, %scan3A_402 : i32
    %scan3A_404 = arith.constant 1 : i32
    scf.for %scan3A_2139 = %scan3A_401 to %scan3A_403 step %scan3A_404  : i32 {
      %parallel_loop3A = arith.constant 0 : i32
      %parallel_loop3A_2140 = arith.constant 1024 : i32
      %parallel_loop3A_2141 = arith.constant 16 : i32
      scf.for %parallel_loop3A_2142 = %parallel_loop3A to %parallel_loop3A_2140 step %parallel_loop3A_2141  : i32 {
        %parallel_loop3A_2143 = arith.constant 1 : i32
        %parallel_loop3A_2144 = arith.index_cast %parallel_loop3A_2143 : i32 to index
        %parallel_loop3A_2145 = arith.index_cast %scan3A_2139 : i32 to index
        %parallel_loop3A_2146 = arith.index_cast %parallel_loop3A_2142 : i32 to index
        %parallel_loop3A_2147 = tpu.vector_load %arg8[%parallel_loop3A_2144, %parallel_loop3A_2145, %parallel_loop3A_2146] {strides = array<i32>} : memref<3x8x1024xf32, #tpu.memory_space<vmem>>, vector<1x1x16xf32>,
        %parallel_loop3A_2148 = vector.shape_cast %parallel_loop3A_2147 : vector<1x1x16xf32> to vector<16xf32>
        %parallel_loop3A_2149 = arith.constant 0 : i32
        %parallel_loop3A_2150 = arith.addi %parallel_loop3A_2149, %scan3A_2139 : i32
        %parallel_loop3A_2151 = arith.constant 1 : i32
        %parallel_loop3A_2152 = arith.index_cast %parallel_loop3A_2151 : i32 to index
        %parallel_loop3A_2153 = arith.index_cast %parallel_loop3A_2150 : i32 to index
        %parallel_loop3A_2154 = arith.index_cast %parallel_loop3A_2142 : i32 to index
        %parallel_loop3A_2155 = tpu.vector_load %arg7[%parallel_loop3A_2152, %parallel_loop3A_2153, %parallel_loop3A_2154] {strides = array<i32>} : memref<3x32x1024xf32, #tpu.memory_space<vmem>>, vector<1x1x16xf32>,
        %parallel_loop3A_2156 = vector.shape_cast %parallel_loop3A_2155 : vector<1x1x16xf32> to vector<16xf32>
        %parallel_loop3A_2157 = arith.addf %parallel_loop3A_2156, %parallel_loop3A_2148 : vector<16xf32>
        %parallel_loop3A_2158 = arith.constant 0 : i32
        %parallel_loop3A_2159 = arith.addi %parallel_loop3A_2158, %scan3A_2139 : i32
        %parallel_loop3A_2160 = arith.constant 1 : i32
        %parallel_loop3A_2161 = arith.index_cast %parallel_loop3A_2160 : i32 to index
        %parallel_loop3A_2162 = arith.index_cast %parallel_loop3A_2159 : i32 to index
        %parallel_loop3A_2163 = arith.index_cast %parallel_loop3A_2142 : i32 to index
        %parallel_loop3A_2164 = tpu.vector_load %arg7[%parallel_loop3A_2161, %parallel_loop3A_2162, %parallel_loop3A_2163] {strides = array<i32>} : memref<3x32x1024xf32, #tpu.memory_space<vmem>>, vector<1x1x16xf32>,
        %parallel_loop3A_2165 = vector.shape_cast %parallel_loop3A_2164 : vector<1x1x16xf32> to vector<16xf32>
        %parallel_loop3A_2166 = vector.shape_cast %parallel_loop3A_2157 : vector<16xf32> to vector<1x1x16xf32>
        tpu.vector_store %arg7[%parallel_loop3A_2161, %parallel_loop3A_2162, %parallel_loop3A_2163], %parallel_loop3A_2166 {strides = array<i32>} : memref<3x32x1024xf32, #tpu.memory_space<vmem>>, vector<1x1x16xf32>,
        %parallel_loop3A_2167 = arith.constant 8 : i32
        %parallel_loop3A_2168 = arith.addi %parallel_loop3A_2167, %scan3A_2139 : i32
        %parallel_loop3A_2169 = arith.constant 1 : i32
        %parallel_loop3A_2170 = arith.index_cast %parallel_loop3A_2169 : i32 to index
        %parallel_loop3A_2171 = arith.index_cast %parallel_loop3A_2168 : i32 to index
        %parallel_loop3A_2172 = arith.index_cast %parallel_loop3A_2142 : i32 to index
        %parallel_loop3A_2173 = tpu.vector_load %arg7[%parallel_loop3A_2170, %parallel_loop3A_2171, %parallel_loop3A_2172] {strides = array<i32>} : memref<3x32x1024xf32, #tpu.memory_space<vmem>>, vector<1x1x16xf32>,
        %parallel_loop3A_2174 = vector.shape_cast %parallel_loop3A_2173 : vector<1x1x16xf32> to vector<16xf32>
        %parallel_loop3A_2175 = arith.addf %parallel_loop3A_2174, %parallel_loop3A_2148 : vector<16xf32>
        %parallel_loop3A_2176 = arith.constant 8 : i32
        %parallel_loop3A_2177 = arith.addi %parallel_loop3A_2176, %scan3A_2139 : i32
        %parallel_loop3A_2178 = arith.constant 1 : i32
        %parallel_loop3A_2179 = arith.index_cast %parallel_loop3A_2178 : i32 to index
        %parallel_loop3A_2180 = arith.index_cast %parallel_loop3A_2177 : i32 to index
        %parallel_loop3A_2181 = arith.index_cast %parallel_loop3A_2142 : i32 to index
        %parallel_loop3A_2182 = tpu.vector_load %arg7[%parallel_loop3A_2179, %parallel_loop3A_2180, %parallel_loop3A_2181] {strides = array<i32>} : memref<3x32x1024xf32, #tpu.memory_space<vmem>>, vector<1x1x16xf32>,
        %parallel_loop3A_2183 = vector.shape_cast %parallel_loop3A_2182 : vector<1x1x16xf32> to vector<16xf32>
        %parallel_loop3A_2184 = vector.shape_cast %parallel_loop3A_2175 : vector<16xf32> to vector<1x1x16xf32>
        tpu.vector_store %arg7[%parallel_loop3A_2179, %parallel_loop3A_2180, %parallel_loop3A_2181], %parallel_loop3A_2184 {strides = array<i32>} : memref<3x32x1024xf32, #tpu.memory_space<vmem>>, vector<1x1x16xf32>,
        %parallel_loop3A_2185 = arith.constant 16 : i32
        %parallel_loop3A_2186 = arith.addi %parallel_loop3A_2185, %scan3A_2139 : i32
        %parallel_loop3A_2187 = arith.constant 1 : i32
        %parallel_loop3A_2188 = arith.index_cast %parallel_loop3A_2187 : i32 to index
        %parallel_loop3A_2189 = arith.index_cast %parallel_loop3A_2186 : i32 to index
        %parallel_loop3A_2190 = arith.index_cast %parallel_loop3A_2142 : i32 to index
        %parallel_loop3A_2191 = tpu.vector_load %arg7[%parallel_loop3A_2188, %parallel_loop3A_2189, %parallel_loop3A_2190] {strides = array<i32>} : memref<3x32x1024xf32, #tpu.memory_space<vmem>>, vector<1x1x16xf32>,
        %parallel_loop3A_2192 = vector.shape_cast %parallel_loop3A_2191 : vector<1x1x16xf32> to vector<16xf32>
        %parallel_loop3A_2193 = arith.addf %parallel_loop3A_2192, %parallel_loop3A_2148 : vector<16xf32>
        %parallel_loop3A_2194 = arith.constant 16 : i32
        %parallel_loop3A_2195 = arith.addi %parallel_loop3A_2194, %scan3A_2139 : i32
        %parallel_loop3A_2196 = arith.constant 1 : i32
        %parallel_loop3A_2197 = arith.index_cast %parallel_loop3A_2196 : i32 to index
        %parallel_loop3A_2198 = arith.index_cast %parallel_loop3A_2195 : i32 to index
        %parallel_loop3A_2199 = arith.index_cast %parallel_loop3A_2142 : i32 to index
        %parallel_loop3A_2200 = tpu.vector_load %arg7[%parallel_loop3A_2197, %parallel_loop3A_2198, %parallel_loop3A_2199] {strides = array<i32>} : memref<3x32x1024xf32, #tpu.memory_space<vmem>>, vector<1x1x16xf32>,
        %parallel_loop3A_2201 = vector.shape_cast %parallel_loop3A_2200 : vector<1x1x16xf32> to vector<16xf32>
        %parallel_loop3A_2202 = vector.shape_cast %parallel_loop3A_2193 : vector<16xf32> to vector<1x1x16xf32>
        tpu.vector_store %arg7[%parallel_loop3A_2197, %parallel_loop3A_2198, %parallel_loop3A_2199], %parallel_loop3A_2202 {strides = array<i32>} : memref<3x32x1024xf32, #tpu.memory_space<vmem>>, vector<1x1x16xf32>,
        %parallel_loop3A_2203 = arith.constant 24 : i32
        %parallel_loop3A_2204 = arith.addi %parallel_loop3A_2203, %scan3A_2139 : i32
        %parallel_loop3A_2205 = arith.constant 1 : i32
        %parallel_loop3A_2206 = arith.index_cast %parallel_loop3A_2205 : i32 to index
        %parallel_loop3A_2207 = arith.index_cast %parallel_loop3A_2204 : i32 to index
        %parallel_loop3A_2208 = arith.index_cast %parallel_loop3A_2142 : i32 to index
        %parallel_loop3A_2209 = tpu.vector_load %arg7[%parallel_loop3A_2206, %parallel_loop3A_2207, %parallel_loop3A_2208] {strides = array<i32>} : memref<3x32x1024xf32, #tpu.memory_space<vmem>>, vector<1x1x16xf32>,
        %parallel_loop3A_2210 = vector.shape_cast %parallel_loop3A_2209 : vector<1x1x16xf32> to vector<16xf32>
        %parallel_loop3A_2211 = arith.addf %parallel_loop3A_2210, %parallel_loop3A_2148 : vector<16xf32>
        %parallel_loop3A_2212 = arith.constant 24 : i32
        %parallel_loop3A_2213 = arith.addi %parallel_loop3A_2212, %scan3A_2139 : i32
        %parallel_loop3A_2214 = arith.constant 1 : i32
        %parallel_loop3A_2215 = arith.index_cast %parallel_loop3A_2214 : i32 to index
        %parallel_loop3A_2216 = arith.index_cast %parallel_loop3A_2213 : i32 to index
        %parallel_loop3A_2217 = arith.index_cast %parallel_loop3A_2142 : i32 to index
        %parallel_loop3A_2218 = tpu.vector_load %arg7[%parallel_loop3A_2215, %parallel_loop3A_2216, %parallel_loop3A_2217] {strides = array<i32>} : memref<3x32x1024xf32, #tpu.memory_space<vmem>>, vector<1x1x16xf32>,
        %parallel_loop3A_2219 = vector.shape_cast %parallel_loop3A_2218 : vector<1x1x16xf32> to vector<16xf32>
        %parallel_loop3A_2220 = vector.shape_cast %parallel_loop3A_2211 : vector<16xf32> to vector<1x1x16xf32>
        tpu.vector_store %arg7[%parallel_loop3A_2215, %parallel_loop3A_2216, %parallel_loop3A_2217], %parallel_loop3A_2220 {strides = array<i32>} : memref<3x32x1024xf32, #tpu.memory_space<vmem>>, vector<1x1x16xf32>,
      } {sc.loop_unroll_factor = 8 : i64, sc.parallel_access}
    }
    %scan3A_405 = arith.constant 8 : i32
    %add3A_406 = arith.constant 8 : i32
    %add3A_407 = arith.addi %mul3A_2, %add3A_406 : i32
    %dma_start3A_408 = arith.constant 1 : i32
    %dma_start3A_409 = arith.constant 0 : i32
    %dma_start3A_410 = arith.constant 0 : i32
    %dma_start3A_411 = arith.constant 0 : i32
    %dma_start3A_412 = tpu.memref_slice %arg7[%dma_start3A_408, %dma_start3A_410, %dma_start3A_411] : memref<3x32x1024xf32, #tpu.memory_space<vmem>> -> memref<1x8x1024xf32, #tpu.memory_space<vmem>>
    %dma_start3A_413 = tpu.memref_squeeze %dma_start3A_412 : memref<1x8x1024xf32, #tpu.memory_space<vmem>> -> memref<8x1024xf32, #tpu.memory_space<vmem>>
    %dma_start3A_414 = arith.constant 0 : i32
    %dma_start3A_415 = tpu.memref_slice %arg5[%dma_start3A_409, %add3A_407, %dma_start3A_414] : memref<4x2048x1024xf32, #tpu.memory_space<hbm>> -> memref<1x8x1024xf32, #tpu.memory_space<hbm>>
    %dma_start3A_416 = tpu.memref_squeeze %dma_start3A_415 : memref<1x8x1024xf32, #tpu.memory_space<hbm>> -> memref<8x1024xf32, #tpu.memory_space<hbm>>
    %dma_start3A_417 = arith.constant 0 : i32
    %dma_start3A_418 = tpu.memref_slice %arg5[%dma_start3A_409, %add3A_407, %dma_start3A_417] : memref<4x2048x1024xf32, #tpu.memory_space<hbm>> -> memref<1x8x1024xf32, #tpu.memory_space<hbm>>
    %dma_start3A_419 = tpu.memref_squeeze %dma_start3A_418 : memref<1x8x1024xf32, #tpu.memory_space<hbm>> -> memref<8x1024xf32, #tpu.memory_space<hbm>>
    %dma_start3A_420 = arith.constant 0 : i32
    %dma_start3A_421 = arith.constant 0 : i32
    %dma_start3A_422 = tpu.memref_slice %arg7[%dma_start3A_408, %dma_start3A_420, %dma_start3A_421] : memref<3x32x1024xf32, #tpu.memory_space<vmem>> -> memref<1x8x1024xf32, #tpu.memory_space<vmem>>
    %dma_start3A_423 = tpu.memref_squeeze %dma_start3A_422 : memref<1x8x1024xf32, #tpu.memory_space<vmem>> -> memref<8x1024xf32, #tpu.memory_space<vmem>>
    tpu.enqueue_dma source(%dma_start3A_423 : memref<8x1024xf32, #tpu.memory_space<vmem>>) target(%dma_start3A_419 : memref<8x1024xf32, #tpu.memory_space<hbm>>) target_semaphore(%arg16 : memref<!tpu.dma_semaphore, #tpu.memory_space<semaphore_mem>>)
    %add3A_424 = arith.constant 8 : i32
    %add3A_425 = arith.addi %mul3A_2, %add3A_424 : i32
    %dma_start3A_426 = arith.constant 1 : i32
    %dma_start3A_427 = arith.constant 1 : i32
    %dma_start3A_428 = arith.constant 8 : i32
    %dma_start3A_429 = arith.constant 0 : i32
    %dma_start3A_430 = tpu.memref_slice %arg7[%dma_start3A_426, %dma_start3A_428, %dma_start3A_429] : memref<3x32x1024xf32, #tpu.memory_space<vmem>> -> memref<1x8x1024xf32, #tpu.memory_space<vmem>>
    %dma_start3A_431 = tpu.memref_squeeze %dma_start3A_430 : memref<1x8x1024xf32, #tpu.memory_space<vmem>> -> memref<8x1024xf32, #tpu.memory_space<vmem>>
    %dma_start3A_432 = arith.constant 0 : i32
    %dma_start3A_433 = tpu.memref_slice %arg5[%dma_start3A_427, %add3A_425, %dma_start3A_432] : memref<4x2048x1024xf32, #tpu.memory_space<hbm>> -> memref<1x8x1024xf32, #tpu.memory_space<hbm>>
    %dma_start3A_434 = tpu.memref_squeeze %dma_start3A_433 : memref<1x8x1024xf32, #tpu.memory_space<hbm>> -> memref<8x1024xf32, #tpu.memory_space<hbm>>
    %dma_start3A_435 = arith.constant 0 : i32
    %dma_start3A_436 = tpu.memref_slice %arg5[%dma_start3A_427, %add3A_425, %dma_start3A_435] : memref<4x2048x1024xf32, #tpu.memory_space<hbm>> -> memref<1x8x1024xf32, #tpu.memory_space<hbm>>
    %dma_start3A_437 = tpu.memref_squeeze %dma_start3A_436 : memref<1x8x1024xf32, #tpu.memory_space<hbm>> -> memref<8x1024xf32, #tpu.memory_space<hbm>>
    %dma_start3A_438 = arith.constant 8 : i32
    %dma_start3A_439 = arith.constant 0 : i32
    %dma_start3A_440 = tpu.memref_slice %arg7[%dma_start3A_426, %dma_start3A_438, %dma_start3A_439] : memref<3x32x1024xf32, #tpu.memory_space<vmem>> -> memref<1x8x1024xf32, #tpu.memory_space<vmem>>
    %dma_start3A_441 = tpu.memref_squeeze %dma_start3A_440 : memref<1x8x1024xf32, #tpu.memory_space<vmem>> -> memref<8x1024xf32, #tpu.memory_space<vmem>>
    tpu.enqueue_dma source(%dma_start3A_441 : memref<8x1024xf32, #tpu.memory_space<vmem>>) target(%dma_start3A_437 : memref<8x1024xf32, #tpu.memory_space<hbm>>) target_semaphore(%arg16 : memref<!tpu.dma_semaphore, #tpu.memory_space<semaphore_mem>>)
    %add3A_442 = arith.constant 8 : i32
    %add3A_443 = arith.addi %mul3A_2, %add3A_442 : i32
    %dma_start3A_444 = arith.constant 1 : i32
    %dma_start3A_445 = arith.constant 2 : i32
    %dma_start3A_446 = arith.constant 16 : i32
    %dma_start3A_447 = arith.constant 0 : i32
    %dma_start3A_448 = tpu.memref_slice %arg7[%dma_start3A_444, %dma_start3A_446, %dma_start3A_447] : memref<3x32x1024xf32, #tpu.memory_space<vmem>> -> memref<1x8x1024xf32, #tpu.memory_space<vmem>>
    %dma_start3A_449 = tpu.memref_squeeze %dma_start3A_448 : memref<1x8x1024xf32, #tpu.memory_space<vmem>> -> memref<8x1024xf32, #tpu.memory_space<vmem>>
    %dma_start3A_450 = arith.constant 0 : i32
    %dma_start3A_451 = tpu.memref_slice %arg5[%dma_start3A_445, %add3A_443, %dma_start3A_450] : memref<4x2048x1024xf32, #tpu.memory_space<hbm>> -> memref<1x8x1024xf32, #tpu.memory_space<hbm>>
    %dma_start3A_452 = tpu.memref_squeeze %dma_start3A_451 : memref<1x8x1024xf32, #tpu.memory_space<hbm>> -> memref<8x1024xf32, #tpu.memory_space<hbm>>
    %dma_start3A_453 = arith.constant 0 : i32
    %dma_start3A_454 = tpu.memref_slice %arg5[%dma_start3A_445, %add3A_443, %dma_start3A_453] : memref<4x2048x1024xf32, #tpu.memory_space<hbm>> -> memref<1x8x1024xf32, #tpu.memory_space<hbm>>
    %dma_start3A_455 = tpu.memref_squeeze %dma_start3A_454 : memref<1x8x1024xf32, #tpu.memory_space<hbm>> -> memref<8x1024xf32, #tpu.memory_space<hbm>>
    %dma_start3A_456 = arith.constant 16 : i32
    %dma_start3A_457 = arith.constant 0 : i32
    %dma_start3A_458 = tpu.memref_slice %arg7[%dma_start3A_444, %dma_start3A_456, %dma_start3A_457] : memref<3x32x1024xf32, #tpu.memory_space<vmem>> -> memref<1x8x1024xf32, #tpu.memory_space<vmem>>
    %dma_start3A_459 = tpu.memref_squeeze %dma_start3A_458 : memref<1x8x1024xf32, #tpu.memory_space<vmem>> -> memref<8x1024xf32, #tpu.memory_space<vmem>>
    tpu.enqueue_dma source(%dma_start3A_459 : memref<8x1024xf32, #tpu.memory_space<vmem>>) target(%dma_start3A_455 : memref<8x1024xf32, #tpu.memory_space<hbm>>) target_semaphore(%arg16 : memref<!tpu.dma_semaphore, #tpu.memory_space<semaphore_mem>>)
    %add3A_460 = arith.constant 8 : i32
    %add3A_461 = arith.addi %mul3A_2, %add3A_460 : i32
    %dma_start3A_462 = arith.constant 1 : i32
    %dma_start3A_463 = arith.constant 3 : i32
    %dma_start3A_464 = arith.constant 24 : i32
    %dma_start3A_465 = arith.constant 0 : i32
    %dma_start3A_466 = tpu.memref_slice %arg7[%dma_start3A_462, %dma_start3A_464, %dma_start3A_465] : memref<3x32x1024xf32, #tpu.memory_space<vmem>> -> memref<1x8x1024xf32, #tpu.memory_space<vmem>>
    %dma_start3A_467 = tpu.memref_squeeze %dma_start3A_466 : memref<1x8x1024xf32, #tpu.memory_space<vmem>> -> memref<8x1024xf32, #tpu.memory_space<vmem>>
    %dma_start3A_468 = arith.constant 0 : i32
    %dma_start3A_469 = tpu.memref_slice %arg5[%dma_start3A_463, %add3A_461, %dma_start3A_468] : memref<4x2048x1024xf32, #tpu.memory_space<hbm>> -> memref<1x8x1024xf32, #tpu.memory_space<hbm>>
    %dma_start3A_470 = tpu.memref_squeeze %dma_start3A_469 : memref<1x8x1024xf32, #tpu.memory_space<hbm>> -> memref<8x1024xf32, #tpu.memory_space<hbm>>
    %dma_start3A_471 = arith.constant 0 : i32
    %dma_start3A_472 = tpu.memref_slice %arg5[%dma_start3A_463, %add3A_461, %dma_start3A_471] : memref<4x2048x1024xf32, #tpu.memory_space<hbm>> -> memref<1x8x1024xf32, #tpu.memory_space<hbm>>
    %dma_start3A_473 = tpu.memref_squeeze %dma_start3A_472 : memref<1x8x1024xf32, #tpu.memory_space<hbm>> -> memref<8x1024xf32, #tpu.memory_space<hbm>>
    %dma_start3A_474 = arith.constant 24 : i32
    %dma_start3A_475 = arith.constant 0 : i32
    %dma_start3A_476 = tpu.memref_slice %arg7[%dma_start3A_462, %dma_start3A_474, %dma_start3A_475] : memref<3x32x1024xf32, #tpu.memory_space<vmem>> -> memref<1x8x1024xf32, #tpu.memory_space<vmem>>
    %dma_start3A_477 = tpu.memref_squeeze %dma_start3A_476 : memref<1x8x1024xf32, #tpu.memory_space<vmem>> -> memref<8x1024xf32, #tpu.memory_space<vmem>>
    tpu.enqueue_dma source(%dma_start3A_477 : memref<8x1024xf32, #tpu.memory_space<vmem>>) target(%dma_start3A_473 : memref<8x1024xf32, #tpu.memory_space<hbm>>) target_semaphore(%arg16 : memref<!tpu.dma_semaphore, #tpu.memory_space<semaphore_mem>>)
    %dma_wait3A_478 = arith.constant 0 : i32
    %dma_wait3A_479 = arith.constant 0 : i32
    %dma_wait3A_480 = arith.constant 0 : i32
    %dma_wait3A_481 = arith.constant 0 : i32
    %dma_wait3A_482 = tpu.memref_slice %arg7[%dma_wait3A_478, %dma_wait3A_480, %dma_wait3A_481] : memref<3x32x1024xf32, #tpu.memory_space<vmem>> -> memref<1x8x1024xf32, #tpu.memory_space<vmem>>
    %dma_wait3A_483 = tpu.memref_squeeze %dma_wait3A_482 : memref<1x8x1024xf32, #tpu.memory_space<vmem>> -> memref<8x1024xf32, #tpu.memory_space<vmem>>
    %dma_wait3A_484 = arith.constant 0 : i32
    %dma_wait3A_485 = tpu.memref_slice %arg5[%dma_wait3A_479, %add3A_205, %dma_wait3A_484] : memref<4x2048x1024xf32, #tpu.memory_space<hbm>> -> memref<1x8x1024xf32, #tpu.memory_space<hbm>>
    %dma_wait3A_486 = tpu.memref_squeeze %dma_wait3A_485 : memref<1x8x1024xf32, #tpu.memory_space<hbm>> -> memref<8x1024xf32, #tpu.memory_space<hbm>>
    %dma_wait3A_487 = arith.constant 0 : i32
    %dma_wait3A_488 = tpu.memref_slice %arg5[%dma_wait3A_479, %add3A_205, %dma_wait3A_487] : memref<4x2048x1024xf32, #tpu.memory_space<hbm>> -> memref<1x8x1024xf32, #tpu.memory_space<hbm>>
    %dma_wait3A_489 = tpu.memref_squeeze %dma_wait3A_488 : memref<1x8x1024xf32, #tpu.memory_space<hbm>> -> memref<8x1024xf32, #tpu.memory_space<hbm>>
    %dma_wait3A_490 = arith.constant 0 : i32
    %dma_wait3A_491 = arith.constant 0 : i32
    %dma_wait3A_492 = tpu.memref_slice %arg7[%dma_wait3A_478, %dma_wait3A_490, %dma_wait3A_491] : memref<3x32x1024xf32, #tpu.memory_space<vmem>> -> memref<1x8x1024xf32, #tpu.memory_space<vmem>>
    %dma_wait3A_493 = tpu.memref_squeeze %dma_wait3A_492 : memref<1x8x1024xf32, #tpu.memory_space<vmem>> -> memref<8x1024xf32, #tpu.memory_space<vmem>>
    tpu.wait_dma2 semaphore(%arg15 : memref<!tpu.dma_semaphore, #tpu.memory_space<semaphore_mem>>) src(%dma_wait3A_493 : memref<8x1024xf32, #tpu.memory_space<vmem>>) dst(%dma_wait3A_489 : memref<8x1024xf32, #tpu.memory_space<hbm>>)
    %dma_wait3A_494 = arith.constant 0 : i32
    %dma_wait3A_495 = arith.constant 1 : i32
    %dma_wait3A_496 = arith.constant 8 : i32
    %dma_wait3A_497 = arith.constant 0 : i32
    %dma_wait3A_498 = tpu.memref_slice %arg7[%dma_wait3A_494, %dma_wait3A_496, %dma_wait3A_497] : memref<3x32x1024xf32, #tpu.memory_space<vmem>> -> memref<1x8x1024xf32, #tpu.memory_space<vmem>>
    %dma_wait3A_499 = tpu.memref_squeeze %dma_wait3A_498 : memref<1x8x1024xf32, #tpu.memory_space<vmem>> -> memref<8x1024xf32, #tpu.memory_space<vmem>>
    %dma_wait3A_500 = arith.constant 0 : i32
    %dma_wait3A_501 = tpu.memref_slice %arg5[%dma_wait3A_495, %add3A_223, %dma_wait3A_500] : memref<4x2048x1024xf32, #tpu.memory_space<hbm>> -> memref<1x8x1024xf32, #tpu.memory_space<hbm>>
    %dma_wait3A_502 = tpu.memref_squeeze %dma_wait3A_501 : memref<1x8x1024xf32, #tpu.memory_space<hbm>> -> memref<8x1024xf32, #tpu.memory_space<hbm>>
    %dma_wait3A_503 = arith.constant 0 : i32
    %dma_wait3A_504 = tpu.memref_slice %arg5[%dma_wait3A_495, %add3A_223, %dma_wait3A_503] : memref<4x2048x1024xf32, #tpu.memory_space<hbm>> -> memref<1x8x1024xf32, #tpu.memory_space<hbm>>
    %dma_wait3A_505 = tpu.memref_squeeze %dma_wait3A_504 : memref<1x8x1024xf32, #tpu.memory_space<hbm>> -> memref<8x1024xf32, #tpu.memory_space<hbm>>
    %dma_wait3A_506 = arith.constant 8 : i32
    %dma_wait3A_507 = arith.constant 0 : i32
    %dma_wait3A_508 = tpu.memref_slice %arg7[%dma_wait3A_494, %dma_wait3A_506, %dma_wait3A_507] : memref<3x32x1024xf32, #tpu.memory_space<vmem>> -> memref<1x8x1024xf32, #tpu.memory_space<vmem>>
    %dma_wait3A_509 = tpu.memref_squeeze %dma_wait3A_508 : memref<1x8x1024xf32, #tpu.memory_space<vmem>> -> memref<8x1024xf32, #tpu.memory_space<vmem>>
    tpu.wait_dma2 semaphore(%arg15 : memref<!tpu.dma_semaphore, #tpu.memory_space<semaphore_mem>>) src(%dma_wait3A_509 : memref<8x1024xf32, #tpu.memory_space<vmem>>) dst(%dma_wait3A_505 : memref<8x1024xf32, #tpu.memory_space<hbm>>)
    %dma_wait3A_510 = arith.constant 0 : i32
    %dma_wait3A_511 = arith.constant 2 : i32
    %dma_wait3A_512 = arith.constant 16 : i32
    %dma_wait3A_513 = arith.constant 0 : i32
    %dma_wait3A_514 = tpu.memref_slice %arg7[%dma_wait3A_510, %dma_wait3A_512, %dma_wait3A_513] : memref<3x32x1024xf32, #tpu.memory_space<vmem>> -> memref<1x8x1024xf32, #tpu.memory_space<vmem>>
    %dma_wait3A_515 = tpu.memref_squeeze %dma_wait3A_514 : memref<1x8x1024xf32, #tpu.memory_space<vmem>> -> memref<8x1024xf32, #tpu.memory_space<vmem>>
    %dma_wait3A_516 = arith.constant 0 : i32
    %dma_wait3A_517 = tpu.memref_slice %arg5[%dma_wait3A_511, %add3A_241, %dma_wait3A_516] : memref<4x2048x1024xf32, #tpu.memory_space<hbm>> -> memref<1x8x1024xf32, #tpu.memory_space<hbm>>
    %dma_wait3A_518 = tpu.memref_squeeze %dma_wait3A_517 : memref<1x8x1024xf32, #tpu.memory_space<hbm>> -> memref<8x1024xf32, #tpu.memory_space<hbm>>
    %dma_wait3A_519 = arith.constant 0 : i32
    %dma_wait3A_520 = tpu.memref_slice %arg5[%dma_wait3A_511, %add3A_241, %dma_wait3A_519] : memref<4x2048x1024xf32, #tpu.memory_space<hbm>> -> memref<1x8x1024xf32, #tpu.memory_space<hbm>>
    %dma_wait3A_521 = tpu.memref_squeeze %dma_wait3A_520 : memref<1x8x1024xf32, #tpu.memory_space<hbm>> -> memref<8x1024xf32, #tpu.memory_space<hbm>>
    %dma_wait3A_522 = arith.constant 16 : i32
    %dma_wait3A_523 = arith.constant 0 : i32
    %dma_wait3A_524 = tpu.memref_slice %arg7[%dma_wait3A_510, %dma_wait3A_522, %dma_wait3A_523] : memref<3x32x1024xf32, #tpu.memory_space<vmem>> -> memref<1x8x1024xf32, #tpu.memory_space<vmem>>
    %dma_wait3A_525 = tpu.memref_squeeze %dma_wait3A_524 : memref<1x8x1024xf32, #tpu.memory_space<vmem>> -> memref<8x1024xf32, #tpu.memory_space<vmem>>
    tpu.wait_dma2 semaphore(%arg15 : memref<!tpu.dma_semaphore, #tpu.memory_space<semaphore_mem>>) src(%dma_wait3A_525 : memref<8x1024xf32, #tpu.memory_space<vmem>>) dst(%dma_wait3A_521 : memref<8x1024xf32, #tpu.memory_space<hbm>>)
    %dma_wait3A_526 = arith.constant 0 : i32
    %dma_wait3A_527 = arith.constant 3 : i32
    %dma_wait3A_528 = arith.constant 24 : i32
    %dma_wait3A_529 = arith.constant 0 : i32
    %dma_wait3A_530 = tpu.memref_slice %arg7[%dma_wait3A_526, %dma_wait3A_528, %dma_wait3A_529] : memref<3x32x1024xf32, #tpu.memory_space<vmem>> -> memref<1x8x1024xf32, #tpu.memory_space<vmem>>
    %dma_wait3A_531 = tpu.memref_squeeze %dma_wait3A_530 : memref<1x8x1024xf32, #tpu.memory_space<vmem>> -> memref<8x1024xf32, #tpu.memory_space<vmem>>
    %dma_wait3A_532 = arith.constant 0 : i32
    %dma_wait3A_533 = tpu.memref_slice %arg5[%dma_wait3A_527, %add3A_259, %dma_wait3A_532] : memref<4x2048x1024xf32, #tpu.memory_space<hbm>> -> memref<1x8x1024xf32, #tpu.memory_space<hbm>>
    %dma_wait3A_534 = tpu.memref_squeeze %dma_wait3A_533 : memref<1x8x1024xf32, #tpu.memory_space<hbm>> -> memref<8x1024xf32, #tpu.memory_space<hbm>>
    %dma_wait3A_535 = arith.constant 0 : i32
    %dma_wait3A_536 = tpu.memref_slice %arg5[%dma_wait3A_527, %add3A_259, %dma_wait3A_535] : memref<4x2048x1024xf32, #tpu.memory_space<hbm>> -> memref<1x8x1024xf32, #tpu.memory_space<hbm>>
    %dma_wait3A_537 = tpu.memref_squeeze %dma_wait3A_536 : memref<1x8x1024xf32, #tpu.memory_space<hbm>> -> memref<8x1024xf32, #tpu.memory_space<hbm>>
    %dma_wait3A_538 = arith.constant 24 : i32
    %dma_wait3A_539 = arith.constant 0 : i32
    %dma_wait3A_540 = tpu.memref_slice %arg7[%dma_wait3A_526, %dma_wait3A_538, %dma_wait3A_539] : memref<3x32x1024xf32, #tpu.memory_space<vmem>> -> memref<1x8x1024xf32, #tpu.memory_space<vmem>>
    %dma_wait3A_541 = tpu.memref_squeeze %dma_wait3A_540 : memref<1x8x1024xf32, #tpu.memory_space<vmem>> -> memref<8x1024xf32, #tpu.memory_space<vmem>>
    tpu.wait_dma2 semaphore(%arg15 : memref<!tpu.dma_semaphore, #tpu.memory_space<semaphore_mem>>) src(%dma_wait3A_541 : memref<8x1024xf32, #tpu.memory_space<vmem>>) dst(%dma_wait3A_537 : memref<8x1024xf32, #tpu.memory_space<hbm>>)
    %dma_start3A_542 = arith.constant 0 : i32
    %dma_start3A_543 = arith.constant 0 : i32
    %dma_start3A_544 = arith.constant 0 : i32
    %dma_start3A_545 = arith.constant 0 : i32
    %dma_start3A_546 = tpu.memref_slice %arg7[%dma_start3A_543, %dma_start3A_544, %dma_start3A_545] : memref<3x32x1024xf32, #tpu.memory_space<vmem>> -> memref<1x8x1024xf32, #tpu.memory_space<vmem>>
    %dma_start3A_547 = tpu.memref_squeeze %dma_start3A_546 : memref<1x8x1024xf32, #tpu.memory_space<vmem>> -> memref<8x1024xf32, #tpu.memory_space<vmem>>
    %dma_start3A_548 = arith.constant 24 : i32
    %dma_start3A_549 = tpu.memref_slice %arg6[%dma_start3A_542, %dma_start3A_548] : memref<4x64xi32, #tpu.memory_space<vmem>> -> memref<1x8xi32, #tpu.memory_space<vmem>>
    %dma_start3A_550 = tpu.memref_squeeze %dma_start3A_549 : memref<1x8xi32, #tpu.memory_space<vmem>> -> memref<8xi32, #tpu.memory_space<vmem>>
    %dma_start3A_551 = arith.constant 0 : i32
    %dma_start3A_552 = arith.constant 0 : i32
    %dma_start3A_553 = tpu.memref_slice %arg3[%dma_start3A_551, %dma_start3A_552] : memref<100000x1024xf32, #tpu.memory_space<hbm>> -> memref<100000x1024xf32, #tpu.memory_space<hbm>>
    tpu.enqueue_indirect_dma source(%dma_start3A_553 : memref<100000x1024xf32, #tpu.memory_space<hbm>>) target(%dma_start3A_547 : memref<8x1024xf32, #tpu.memory_space<vmem>>) offsets(%dma_start3A_550 : memref<8xi32, #tpu.memory_space<vmem>>) semaphore(%arg9 : memref<!tpu.dma_semaphore, #tpu.memory_space<semaphore_mem>>)
    %dma_start3A_554 = arith.constant 1 : i32
    %dma_start3A_555 = arith.constant 0 : i32
    %dma_start3A_556 = arith.constant 8 : i32
    %dma_start3A_557 = arith.constant 0 : i32
    %dma_start3A_558 = tpu.memref_slice %arg7[%dma_start3A_555, %dma_start3A_556, %dma_start3A_557] : memref<3x32x1024xf32, #tpu.memory_space<vmem>> -> memref<1x8x1024xf32, #tpu.memory_space<vmem>>
    %dma_start3A_559 = tpu.memref_squeeze %dma_start3A_558 : memref<1x8x1024xf32, #tpu.memory_space<vmem>> -> memref<8x1024xf32, #tpu.memory_space<vmem>>
    %dma_start3A_560 = arith.constant 24 : i32
    %dma_start3A_561 = tpu.memref_slice %arg6[%dma_start3A_554, %dma_start3A_560] : memref<4x64xi32, #tpu.memory_space<vmem>> -> memref<1x8xi32, #tpu.memory_space<vmem>>
    %dma_start3A_562 = tpu.memref_squeeze %dma_start3A_561 : memref<1x8xi32, #tpu.memory_space<vmem>> -> memref<8xi32, #tpu.memory_space<vmem>>
    %dma_start3A_563 = arith.constant 0 : i32
    %dma_start3A_564 = arith.constant 0 : i32
    %dma_start3A_565 = tpu.memref_slice %arg3[%dma_start3A_563, %dma_start3A_564] : memref<100000x1024xf32, #tpu.memory_space<hbm>> -> memref<100000x1024xf32, #tpu.memory_space<hbm>>
    tpu.enqueue_indirect_dma source(%dma_start3A_565 : memref<100000x1024xf32, #tpu.memory_space<hbm>>) target(%dma_start3A_559 : memref<8x1024xf32, #tpu.memory_space<vmem>>) offsets(%dma_start3A_562 : memref<8xi32, #tpu.memory_space<vmem>>) semaphore(%arg9 : memref<!tpu.dma_semaphore, #tpu.memory_space<semaphore_mem>>)
    %dma_start3A_566 = arith.constant 2 : i32
    %dma_start3A_567 = arith.constant 0 : i32
    %dma_start3A_568 = arith.constant 16 : i32
    %dma_start3A_569 = arith.constant 0 : i32
    %dma_start3A_570 = tpu.memref_slice %arg7[%dma_start3A_567, %dma_start3A_568, %dma_start3A_569] : memref<3x32x1024xf32, #tpu.memory_space<vmem>> -> memref<1x8x1024xf32, #tpu.memory_space<vmem>>
    %dma_start3A_571 = tpu.memref_squeeze %dma_start3A_570 : memref<1x8x1024xf32, #tpu.memory_space<vmem>> -> memref<8x1024xf32, #tpu.memory_space<vmem>>
    %dma_start3A_572 = arith.constant 24 : i32
    %dma_start3A_573 = tpu.memref_slice %arg6[%dma_start3A_566, %dma_start3A_572] : memref<4x64xi32, #tpu.memory_space<vmem>> -> memref<1x8xi32, #tpu.memory_space<vmem>>
    %dma_start3A_574 = tpu.memref_squeeze %dma_start3A_573 : memref<1x8xi32, #tpu.memory_space<vmem>> -> memref<8xi32, #tpu.memory_space<vmem>>
    %dma_start3A_575 = arith.constant 0 : i32
    %dma_start3A_576 = arith.constant 0 : i32
    %dma_start3A_577 = tpu.memref_slice %arg3[%dma_start3A_575, %dma_start3A_576] : memref<100000x1024xf32, #tpu.memory_space<hbm>> -> memref<100000x1024xf32, #tpu.memory_space<hbm>>
    tpu.enqueue_indirect_dma source(%dma_start3A_577 : memref<100000x1024xf32, #tpu.memory_space<hbm>>) target(%dma_start3A_571 : memref<8x1024xf32, #tpu.memory_space<vmem>>) offsets(%dma_start3A_574 : memref<8xi32, #tpu.memory_space<vmem>>) semaphore(%arg9 : memref<!tpu.dma_semaphore, #tpu.memory_space<semaphore_mem>>)
    %dma_start3A_578 = arith.constant 3 : i32
    %dma_start3A_579 = arith.constant 0 : i32
    %dma_start3A_580 = arith.constant 24 : i32
    %dma_start3A_581 = arith.constant 0 : i32
    %dma_start3A_582 = tpu.memref_slice %arg7[%dma_start3A_579, %dma_start3A_580, %dma_start3A_581] : memref<3x32x1024xf32, #tpu.memory_space<vmem>> -> memref<1x8x1024xf32, #tpu.memory_space<vmem>>
    %dma_start3A_583 = tpu.memref_squeeze %dma_start3A_582 : memref<1x8x1024xf32, #tpu.memory_space<vmem>> -> memref<8x1024xf32, #tpu.memory_space<vmem>>
    %dma_start3A_584 = arith.constant 24 : i32
    %dma_start3A_585 = tpu.memref_slice %arg6[%dma_start3A_578, %dma_start3A_584] : memref<4x64xi32, #tpu.memory_space<vmem>> -> memref<1x8xi32, #tpu.memory_space<vmem>>
    %dma_start3A_586 = tpu.memref_squeeze %dma_start3A_585 : memref<1x8xi32, #tpu.memory_space<vmem>> -> memref<8xi32, #tpu.memory_space<vmem>>
    %dma_start3A_587 = arith.constant 0 : i32
    %dma_start3A_588 = arith.constant 0 : i32
    %dma_start3A_589 = tpu.memref_slice %arg3[%dma_start3A_587, %dma_start3A_588] : memref<100000x1024xf32, #tpu.memory_space<hbm>> -> memref<100000x1024xf32, #tpu.memory_space<hbm>>
    tpu.enqueue_indirect_dma source(%dma_start3A_589 : memref<100000x1024xf32, #tpu.memory_space<hbm>>) target(%dma_start3A_583 : memref<8x1024xf32, #tpu.memory_space<vmem>>) offsets(%dma_start3A_586 : memref<8xi32, #tpu.memory_space<vmem>>) semaphore(%arg9 : memref<!tpu.dma_semaphore, #tpu.memory_space<semaphore_mem>>)
    %add3A_590 = arith.constant 24 : i32
    %add3A_591 = arith.addi %mul3A_2, %add3A_590 : i32
    %dma_start3A_592 = arith.constant 0 : i32
    %dma_start3A_593 = arith.constant 0 : i32
    %dma_start3A_594 = arith.constant 0 : i32
    %dma_start3A_595 = tpu.memref_slice %arg8[%dma_start3A_592, %dma_start3A_593, %dma_start3A_594] : memref<3x8x1024xf32, #tpu.memory_space<vmem>> -> memref<1x8x1024xf32, #tpu.memory_space<vmem>>
    %dma_start3A_596 = tpu.memref_squeeze %dma_start3A_595 : memref<1x8x1024xf32, #tpu.memory_space<vmem>> -> memref<8x1024xf32, #tpu.memory_space<vmem>>
    %dma_start3A_597 = arith.constant 0 : i32
    %dma_start3A_598 = tpu.memref_slice %arg4[%add3A_591, %dma_start3A_597] : memref<2048x1024xf32, #tpu.memory_space<hbm>> -> memref<8x1024xf32, #tpu.memory_space<hbm>>
    %dma_start3A_599 = arith.constant 0 : i32
    %dma_start3A_600 = arith.constant 0 : i32
    %dma_start3A_601 = tpu.memref_slice %arg8[%dma_start3A_592, %dma_start3A_599, %dma_start3A_600] : memref<3x8x1024xf32, #tpu.memory_space<vmem>> -> memref<1x8x1024xf32, #tpu.memory_space<vmem>>
    %dma_start3A_602 = tpu.memref_squeeze %dma_start3A_601 : memref<1x8x1024xf32, #tpu.memory_space<vmem>> -> memref<8x1024xf32, #tpu.memory_space<vmem>>
    %dma_start3A_603 = arith.constant 0 : i32
    %dma_start3A_604 = tpu.memref_slice %arg4[%add3A_591, %dma_start3A_603] : memref<2048x1024xf32, #tpu.memory_space<hbm>> -> memref<8x1024xf32, #tpu.memory_space<hbm>>
    tpu.enqueue_dma source(%dma_start3A_604 : memref<8x1024xf32, #tpu.memory_space<hbm>>) target(%dma_start3A_602 : memref<8x1024xf32, #tpu.memory_space<vmem>>) target_semaphore(%arg12 : memref<!tpu.dma_semaphore, #tpu.memory_space<semaphore_mem>>)
    %dma_wait3A_605 = arith.constant 0 : i32
    %dma_wait3A_606 = arith.constant 2 : i32
    %dma_wait3A_607 = arith.constant 0 : i32
    %dma_wait3A_608 = arith.constant 0 : i32
    %dma_wait3A_609 = tpu.memref_slice %arg7[%dma_wait3A_606, %dma_wait3A_607, %dma_wait3A_608] : memref<3x32x1024xf32, #tpu.memory_space<vmem>> -> memref<1x8x1024xf32, #tpu.memory_space<vmem>>
    %dma_wait3A_610 = tpu.memref_squeeze %dma_wait3A_609 : memref<1x8x1024xf32, #tpu.memory_space<vmem>> -> memref<8x1024xf32, #tpu.memory_space<vmem>>
    %dma_wait3A_611 = arith.constant 16 : i32
    %dma_wait3A_612 = tpu.memref_slice %arg6[%dma_wait3A_605, %dma_wait3A_611] : memref<4x64xi32, #tpu.memory_space<vmem>> -> memref<1x8xi32, #tpu.memory_space<vmem>>
    %dma_wait3A_613 = tpu.memref_squeeze %dma_wait3A_612 : memref<1x8xi32, #tpu.memory_space<vmem>> -> memref<8xi32, #tpu.memory_space<vmem>>
    %dma_wait3A_614 = arith.constant 0 : i32
    %dma_wait3A_615 = arith.constant 0 : i32
    %dma_wait3A_616 = tpu.memref_slice %arg3[%dma_wait3A_614, %dma_wait3A_615] : memref<100000x1024xf32, #tpu.memory_space<hbm>> -> memref<100000x1024xf32, #tpu.memory_space<hbm>>
    tpu.wait_indirect_dma semaphore(%arg11 : memref<!tpu.dma_semaphore, #tpu.memory_space<semaphore_mem>>) src(%dma_wait3A_616 : memref<100000x1024xf32, #tpu.memory_space<hbm>>) dst(%dma_wait3A_610 : memref<8x1024xf32, #tpu.memory_space<vmem>>)
    %dma_wait3A_617 = arith.constant 1 : i32
    %dma_wait3A_618 = arith.constant 2 : i32
    %dma_wait3A_619 = arith.constant 8 : i32
    %dma_wait3A_620 = arith.constant 0 : i32
    %dma_wait3A_621 = tpu.memref_slice %arg7[%dma_wait3A_618, %dma_wait3A_619, %dma_wait3A_620] : memref<3x32x1024xf32, #tpu.memory_space<vmem>> -> memref<1x8x1024xf32, #tpu.memory_space<vmem>>
    %dma_wait3A_622 = tpu.memref_squeeze %dma_wait3A_621 : memref<1x8x1024xf32, #tpu.memory_space<vmem>> -> memref<8x1024xf32, #tpu.memory_space<vmem>>
    %dma_wait3A_623 = arith.constant 16 : i32
    %dma_wait3A_624 = tpu.memref_slice %arg6[%dma_wait3A_617, %dma_wait3A_623] : memref<4x64xi32, #tpu.memory_space<vmem>> -> memref<1x8xi32, #tpu.memory_space<vmem>>
    %dma_wait3A_625 = tpu.memref_squeeze %dma_wait3A_624 : memref<1x8xi32, #tpu.memory_space<vmem>> -> memref<8xi32, #tpu.memory_space<vmem>>
    %dma_wait3A_626 = arith.constant 0 : i32
    %dma_wait3A_627 = arith.constant 0 : i32
    %dma_wait3A_628 = tpu.memref_slice %arg3[%dma_wait3A_626, %dma_wait3A_627] : memref<100000x1024xf32, #tpu.memory_space<hbm>> -> memref<100000x1024xf32, #tpu.memory_space<hbm>>
    tpu.wait_indirect_dma semaphore(%arg11 : memref<!tpu.dma_semaphore, #tpu.memory_space<semaphore_mem>>) src(%dma_wait3A_628 : memref<100000x1024xf32, #tpu.memory_space<hbm>>) dst(%dma_wait3A_622 : memref<8x1024xf32, #tpu.memory_space<vmem>>)
    %dma_wait3A_629 = arith.constant 2 : i32
    %dma_wait3A_630 = arith.constant 2 : i32
    %dma_wait3A_631 = arith.constant 16 : i32
    %dma_wait3A_632 = arith.constant 0 : i32
    %dma_wait3A_633 = tpu.memref_slice %arg7[%dma_wait3A_630, %dma_wait3A_631, %dma_wait3A_632] : memref<3x32x1024xf32, #tpu.memory_space<vmem>> -> memref<1x8x1024xf32, #tpu.memory_space<vmem>>
    %dma_wait3A_634 = tpu.memref_squeeze %dma_wait3A_633 : memref<1x8x1024xf32, #tpu.memory_space<vmem>> -> memref<8x1024xf32, #tpu.memory_space<vmem>>
    %dma_wait3A_635 = arith.constant 16 : i32
    %dma_wait3A_636 = tpu.memref_slice %arg6[%dma_wait3A_629, %dma_wait3A_635] : memref<4x64xi32, #tpu.memory_space<vmem>> -> memref<1x8xi32, #tpu.memory_space<vmem>>
    %dma_wait3A_637 = tpu.memref_squeeze %dma_wait3A_636 : memref<1x8xi32, #tpu.memory_space<vmem>> -> memref<8xi32, #tpu.memory_space<vmem>>
    %dma_wait3A_638 = arith.constant 0 : i32
    %dma_wait3A_639 = arith.constant 0 : i32
    %dma_wait3A_640 = tpu.memref_slice %arg3[%dma_wait3A_638, %dma_wait3A_639] : memref<100000x1024xf32, #tpu.memory_space<hbm>> -> memref<100000x1024xf32, #tpu.memory_space<hbm>>
    tpu.wait_indirect_dma semaphore(%arg11 : memref<!tpu.dma_semaphore, #tpu.memory_space<semaphore_mem>>) src(%dma_wait3A_640 : memref<100000x1024xf32, #tpu.memory_space<hbm>>) dst(%dma_wait3A_634 : memref<8x1024xf32, #tpu.memory_space<vmem>>)
    %dma_wait3A_641 = arith.constant 3 : i32
    %dma_wait3A_642 = arith.constant 2 : i32
    %dma_wait3A_643 = arith.constant 24 : i32
    %dma_wait3A_644 = arith.constant 0 : i32
    %dma_wait3A_645 = tpu.memref_slice %arg7[%dma_wait3A_642, %dma_wait3A_643, %dma_wait3A_644] : memref<3x32x1024xf32, #tpu.memory_space<vmem>> -> memref<1x8x1024xf32, #tpu.memory_space<vmem>>
    %dma_wait3A_646 = tpu.memref_squeeze %dma_wait3A_645 : memref<1x8x1024xf32, #tpu.memory_space<vmem>> -> memref<8x1024xf32, #tpu.memory_space<vmem>>
    %dma_wait3A_647 = arith.constant 16 : i32
    %dma_wait3A_648 = tpu.memref_slice %arg6[%dma_wait3A_641, %dma_wait3A_647] : memref<4x64xi32, #tpu.memory_space<vmem>> -> memref<1x8xi32, #tpu.memory_space<vmem>>
    %dma_wait3A_649 = tpu.memref_squeeze %dma_wait3A_648 : memref<1x8xi32, #tpu.memory_space<vmem>> -> memref<8xi32, #tpu.memory_space<vmem>>
    %dma_wait3A_650 = arith.constant 0 : i32
    %dma_wait3A_651 = arith.constant 0 : i32
    %dma_wait3A_652 = tpu.memref_slice %arg3[%dma_wait3A_650, %dma_wait3A_651] : memref<100000x1024xf32, #tpu.memory_space<hbm>> -> memref<100000x1024xf32, #tpu.memory_space<hbm>>
    tpu.wait_indirect_dma semaphore(%arg11 : memref<!tpu.dma_semaphore, #tpu.memory_space<semaphore_mem>>) src(%dma_wait3A_652 : memref<100000x1024xf32, #tpu.memory_space<hbm>>) dst(%dma_wait3A_646 : memref<8x1024xf32, #tpu.memory_space<vmem>>)
    %dma_wait3A_653 = arith.constant 2 : i32
    %dma_wait3A_654 = arith.constant 0 : i32
    %dma_wait3A_655 = arith.constant 0 : i32
    %dma_wait3A_656 = tpu.memref_slice %arg8[%dma_wait3A_653, %dma_wait3A_654, %dma_wait3A_655] : memref<3x8x1024xf32, #tpu.memory_space<vmem>> -> memref<1x8x1024xf32, #tpu.memory_space<vmem>>
    %dma_wait3A_657 = tpu.memref_squeeze %dma_wait3A_656 : memref<1x8x1024xf32, #tpu.memory_space<vmem>> -> memref<8x1024xf32, #tpu.memory_space<vmem>>
    %dma_wait3A_658 = arith.constant 0 : i32
    %dma_wait3A_659 = tpu.memref_slice %arg4[%add3A_325, %dma_wait3A_658] : memref<2048x1024xf32, #tpu.memory_space<hbm>> -> memref<8x1024xf32, #tpu.memory_space<hbm>>
    %dma_wait3A_660 = arith.constant 0 : i32
    %dma_wait3A_661 = arith.constant 0 : i32
    %dma_wait3A_662 = tpu.memref_slice %arg8[%dma_wait3A_653, %dma_wait3A_660, %dma_wait3A_661] : memref<3x8x1024xf32, #tpu.memory_space<vmem>> -> memref<1x8x1024xf32, #tpu.memory_space<vmem>>
    %dma_wait3A_663 = tpu.memref_squeeze %dma_wait3A_662 : memref<1x8x1024xf32, #tpu.memory_space<vmem>> -> memref<8x1024xf32, #tpu.memory_space<vmem>>
    %dma_wait3A_664 = arith.constant 0 : i32
    %dma_wait3A_665 = tpu.memref_slice %arg4[%add3A_325, %dma_wait3A_664] : memref<2048x1024xf32, #tpu.memory_space<hbm>> -> memref<8x1024xf32, #tpu.memory_space<hbm>>
    tpu.wait_dma2 semaphore(%arg14 : memref<!tpu.dma_semaphore, #tpu.memory_space<semaphore_mem>>) src(%dma_wait3A_665 : memref<8x1024xf32, #tpu.memory_space<hbm>>) dst(%dma_wait3A_663 : memref<8x1024xf32, #tpu.memory_space<vmem>>)
    %scan3A_666 = arith.constant 0 : i32
    %scan3A_667 = arith.constant 0 : i32
    %scan3A_668 = arith.constant 8 : i32
    %scan3A_669 = arith.addi %scan3A_667, %scan3A_668 : i32
    %scan3A_670 = arith.constant 1 : i32
    scf.for %scan3A_2139 = %scan3A_667 to %scan3A_669 step %scan3A_670  : i32 {
      %parallel_loop3A = arith.constant 0 : i32
      %parallel_loop3A_2140 = arith.constant 1024 : i32
      %parallel_loop3A_2141 = arith.constant 16 : i32
      scf.for %parallel_loop3A_2142 = %parallel_loop3A to %parallel_loop3A_2140 step %parallel_loop3A_2141  : i32 {
        %parallel_loop3A_2143 = arith.constant 2 : i32
        %parallel_loop3A_2144 = arith.index_cast %parallel_loop3A_2143 : i32 to index
        %parallel_loop3A_2145 = arith.index_cast %scan3A_2139 : i32 to index
        %parallel_loop3A_2146 = arith.index_cast %parallel_loop3A_2142 : i32 to index
        %parallel_loop3A_2147 = tpu.vector_load %arg8[%parallel_loop3A_2144, %parallel_loop3A_2145, %parallel_loop3A_2146] {strides = array<i32>} : memref<3x8x1024xf32, #tpu.memory_space<vmem>>, vector<1x1x16xf32>,
        %parallel_loop3A_2148 = vector.shape_cast %parallel_loop3A_2147 : vector<1x1x16xf32> to vector<16xf32>
        %parallel_loop3A_2149 = arith.constant 0 : i32
        %parallel_loop3A_2150 = arith.addi %parallel_loop3A_2149, %scan3A_2139 : i32
        %parallel_loop3A_2151 = arith.constant 2 : i32
        %parallel_loop3A_2152 = arith.index_cast %parallel_loop3A_2151 : i32 to index
        %parallel_loop3A_2153 = arith.index_cast %parallel_loop3A_2150 : i32 to index
        %parallel_loop3A_2154 = arith.index_cast %parallel_loop3A_2142 : i32 to index
        %parallel_loop3A_2155 = tpu.vector_load %arg7[%parallel_loop3A_2152, %parallel_loop3A_2153, %parallel_loop3A_2154] {strides = array<i32>} : memref<3x32x1024xf32, #tpu.memory_space<vmem>>, vector<1x1x16xf32>,
        %parallel_loop3A_2156 = vector.shape_cast %parallel_loop3A_2155 : vector<1x1x16xf32> to vector<16xf32>
        %parallel_loop3A_2157 = arith.addf %parallel_loop3A_2156, %parallel_loop3A_2148 : vector<16xf32>
        %parallel_loop3A_2158 = arith.constant 0 : i32
        %parallel_loop3A_2159 = arith.addi %parallel_loop3A_2158, %scan3A_2139 : i32
        %parallel_loop3A_2160 = arith.constant 2 : i32
        %parallel_loop3A_2161 = arith.index_cast %parallel_loop3A_2160 : i32 to index
        %parallel_loop3A_2162 = arith.index_cast %parallel_loop3A_2159 : i32 to index
        %parallel_loop3A_2163 = arith.index_cast %parallel_loop3A_2142 : i32 to index
        %parallel_loop3A_2164 = tpu.vector_load %arg7[%parallel_loop3A_2161, %parallel_loop3A_2162, %parallel_loop3A_2163] {strides = array<i32>} : memref<3x32x1024xf32, #tpu.memory_space<vmem>>, vector<1x1x16xf32>,
        %parallel_loop3A_2165 = vector.shape_cast %parallel_loop3A_2164 : vector<1x1x16xf32> to vector<16xf32>
        %parallel_loop3A_2166 = vector.shape_cast %parallel_loop3A_2157 : vector<16xf32> to vector<1x1x16xf32>
        tpu.vector_store %arg7[%parallel_loop3A_2161, %parallel_loop3A_2162, %parallel_loop3A_2163], %parallel_loop3A_2166 {strides = array<i32>} : memref<3x32x1024xf32, #tpu.memory_space<vmem>>, vector<1x1x16xf32>,
        %parallel_loop3A_2167 = arith.constant 8 : i32
        %parallel_loop3A_2168 = arith.addi %parallel_loop3A_2167, %scan3A_2139 : i32
        %parallel_loop3A_2169 = arith.constant 2 : i32
        %parallel_loop3A_2170 = arith.index_cast %parallel_loop3A_2169 : i32 to index
        %parallel_loop3A_2171 = arith.index_cast %parallel_loop3A_2168 : i32 to index
        %parallel_loop3A_2172 = arith.index_cast %parallel_loop3A_2142 : i32 to index
        %parallel_loop3A_2173 = tpu.vector_load %arg7[%parallel_loop3A_2170, %parallel_loop3A_2171, %parallel_loop3A_2172] {strides = array<i32>} : memref<3x32x1024xf32, #tpu.memory_space<vmem>>, vector<1x1x16xf32>,
        %parallel_loop3A_2174 = vector.shape_cast %parallel_loop3A_2173 : vector<1x1x16xf32> to vector<16xf32>
        %parallel_loop3A_2175 = arith.addf %parallel_loop3A_2174, %parallel_loop3A_2148 : vector<16xf32>
        %parallel_loop3A_2176 = arith.constant 8 : i32
        %parallel_loop3A_2177 = arith.addi %parallel_loop3A_2176, %scan3A_2139 : i32
        %parallel_loop3A_2178 = arith.constant 2 : i32
        %parallel_loop3A_2179 = arith.index_cast %parallel_loop3A_2178 : i32 to index
        %parallel_loop3A_2180 = arith.index_cast %parallel_loop3A_2177 : i32 to index
        %parallel_loop3A_2181 = arith.index_cast %parallel_loop3A_2142 : i32 to index
        %parallel_loop3A_2182 = tpu.vector_load %arg7[%parallel_loop3A_2179, %parallel_loop3A_2180, %parallel_loop3A_2181] {strides = array<i32>} : memref<3x32x1024xf32, #tpu.memory_space<vmem>>, vector<1x1x16xf32>,
        %parallel_loop3A_2183 = vector.shape_cast %parallel_loop3A_2182 : vector<1x1x16xf32> to vector<16xf32>
        %parallel_loop3A_2184 = vector.shape_cast %parallel_loop3A_2175 : vector<16xf32> to vector<1x1x16xf32>
        tpu.vector_store %arg7[%parallel_loop3A_2179, %parallel_loop3A_2180, %parallel_loop3A_2181], %parallel_loop3A_2184 {strides = array<i32>} : memref<3x32x1024xf32, #tpu.memory_space<vmem>>, vector<1x1x16xf32>,
        %parallel_loop3A_2185 = arith.constant 16 : i32
        %parallel_loop3A_2186 = arith.addi %parallel_loop3A_2185, %scan3A_2139 : i32
        %parallel_loop3A_2187 = arith.constant 2 : i32
        %parallel_loop3A_2188 = arith.index_cast %parallel_loop3A_2187 : i32 to index
        %parallel_loop3A_2189 = arith.index_cast %parallel_loop3A_2186 : i32 to index
        %parallel_loop3A_2190 = arith.index_cast %parallel_loop3A_2142 : i32 to index
        %parallel_loop3A_2191 = tpu.vector_load %arg7[%parallel_loop3A_2188, %parallel_loop3A_2189, %parallel_loop3A_2190] {strides = array<i32>} : memref<3x32x1024xf32, #tpu.memory_space<vmem>>, vector<1x1x16xf32>,
        %parallel_loop3A_2192 = vector.shape_cast %parallel_loop3A_2191 : vector<1x1x16xf32> to vector<16xf32>
        %parallel_loop3A_2193 = arith.addf %parallel_loop3A_2192, %parallel_loop3A_2148 : vector<16xf32>
        %parallel_loop3A_2194 = arith.constant 16 : i32
        %parallel_loop3A_2195 = arith.addi %parallel_loop3A_2194, %scan3A_2139 : i32
        %parallel_loop3A_2196 = arith.constant 2 : i32
        %parallel_loop3A_2197 = arith.index_cast %parallel_loop3A_2196 : i32 to index
        %parallel_loop3A_2198 = arith.index_cast %parallel_loop3A_2195 : i32 to index
        %parallel_loop3A_2199 = arith.index_cast %parallel_loop3A_2142 : i32 to index
        %parallel_loop3A_2200 = tpu.vector_load %arg7[%parallel_loop3A_2197, %parallel_loop3A_2198, %parallel_loop3A_2199] {strides = array<i32>} : memref<3x32x1024xf32, #tpu.memory_space<vmem>>, vector<1x1x16xf32>,
        %parallel_loop3A_2201 = vector.shape_cast %parallel_loop3A_2200 : vector<1x1x16xf32> to vector<16xf32>
        %parallel_loop3A_2202 = vector.shape_cast %parallel_loop3A_2193 : vector<16xf32> to vector<1x1x16xf32>
        tpu.vector_store %arg7[%parallel_loop3A_2197, %parallel_loop3A_2198, %parallel_loop3A_2199], %parallel_loop3A_2202 {strides = array<i32>} : memref<3x32x1024xf32, #tpu.memory_space<vmem>>, vector<1x1x16xf32>,
        %parallel_loop3A_2203 = arith.constant 24 : i32
        %parallel_loop3A_2204 = arith.addi %parallel_loop3A_2203, %scan3A_2139 : i32
        %parallel_loop3A_2205 = arith.constant 2 : i32
        %parallel_loop3A_2206 = arith.index_cast %parallel_loop3A_2205 : i32 to index
        %parallel_loop3A_2207 = arith.index_cast %parallel_loop3A_2204 : i32 to index
        %parallel_loop3A_2208 = arith.index_cast %parallel_loop3A_2142 : i32 to index
        %parallel_loop3A_2209 = tpu.vector_load %arg7[%parallel_loop3A_2206, %parallel_loop3A_2207, %parallel_loop3A_2208] {strides = array<i32>} : memref<3x32x1024xf32, #tpu.memory_space<vmem>>, vector<1x1x16xf32>,
        %parallel_loop3A_2210 = vector.shape_cast %parallel_loop3A_2209 : vector<1x1x16xf32> to vector<16xf32>
        %parallel_loop3A_2211 = arith.addf %parallel_loop3A_2210, %parallel_loop3A_2148 : vector<16xf32>
        %parallel_loop3A_2212 = arith.constant 24 : i32
        %parallel_loop3A_2213 = arith.addi %parallel_loop3A_2212, %scan3A_2139 : i32
        %parallel_loop3A_2214 = arith.constant 2 : i32
        %parallel_loop3A_2215 = arith.index_cast %parallel_loop3A_2214 : i32 to index
        %parallel_loop3A_2216 = arith.index_cast %parallel_loop3A_2213 : i32 to index
        %parallel_loop3A_2217 = arith.index_cast %parallel_loop3A_2142 : i32 to index
        %parallel_loop3A_2218 = tpu.vector_load %arg7[%parallel_loop3A_2215, %parallel_loop3A_2216, %parallel_loop3A_2217] {strides = array<i32>} : memref<3x32x1024xf32, #tpu.memory_space<vmem>>, vector<1x1x16xf32>,
        %parallel_loop3A_2219 = vector.shape_cast %parallel_loop3A_2218 : vector<1x1x16xf32> to vector<16xf32>
        %parallel_loop3A_2220 = vector.shape_cast %parallel_loop3A_2211 : vector<16xf32> to vector<1x1x16xf32>
        tpu.vector_store %arg7[%parallel_loop3A_2215, %parallel_loop3A_2216, %parallel_loop3A_2217], %parallel_loop3A_2220 {strides = array<i32>} : memref<3x32x1024xf32, #tpu.memory_space<vmem>>, vector<1x1x16xf32>,
      } {sc.loop_unroll_factor = 8 : i64, sc.parallel_access}
    }
    %scan3A_671 = arith.constant 8 : i32
    %add3A_672 = arith.constant 16 : i32
    %add3A_673 = arith.addi %mul3A_2, %add3A_672 : i32
    %dma_start3A_674 = arith.constant 2 : i32
    %dma_start3A_675 = arith.constant 0 : i32
    %dma_start3A_676 = arith.constant 0 : i32
    %dma_start3A_677 = arith.constant 0 : i32
    %dma_start3A_678 = tpu.memref_slice %arg7[%dma_start3A_674, %dma_start3A_676, %dma_start3A_677] : memref<3x32x1024xf32, #tpu.memory_space<vmem>> -> memref<1x8x1024xf32, #tpu.memory_space<vmem>>
    %dma_start3A_679 = tpu.memref_squeeze %dma_start3A_678 : memref<1x8x1024xf32, #tpu.memory_space<vmem>> -> memref<8x1024xf32, #tpu.memory_space<vmem>>
    %dma_start3A_680 = arith.constant 0 : i32
    %dma_start3A_681 = tpu.memref_slice %arg5[%dma_start3A_675, %add3A_673, %dma_start3A_680] : memref<4x2048x1024xf32, #tpu.memory_space<hbm>> -> memref<1x8x1024xf32, #tpu.memory_space<hbm>>
    %dma_start3A_682 = tpu.memref_squeeze %dma_start3A_681 : memref<1x8x1024xf32, #tpu.memory_space<hbm>> -> memref<8x1024xf32, #tpu.memory_space<hbm>>
    %dma_start3A_683 = arith.constant 0 : i32
    %dma_start3A_684 = tpu.memref_slice %arg5[%dma_start3A_675, %add3A_673, %dma_start3A_683] : memref<4x2048x1024xf32, #tpu.memory_space<hbm>> -> memref<1x8x1024xf32, #tpu.memory_space<hbm>>
    %dma_start3A_685 = tpu.memref_squeeze %dma_start3A_684 : memref<1x8x1024xf32, #tpu.memory_space<hbm>> -> memref<8x1024xf32, #tpu.memory_space<hbm>>
    %dma_start3A_686 = arith.constant 0 : i32
    %dma_start3A_687 = arith.constant 0 : i32
    %dma_start3A_688 = tpu.memref_slice %arg7[%dma_start3A_674, %dma_start3A_686, %dma_start3A_687] : memref<3x32x1024xf32, #tpu.memory_space<vmem>> -> memref<1x8x1024xf32, #tpu.memory_space<vmem>>
    %dma_start3A_689 = tpu.memref_squeeze %dma_start3A_688 : memref<1x8x1024xf32, #tpu.memory_space<vmem>> -> memref<8x1024xf32, #tpu.memory_space<vmem>>
    tpu.enqueue_dma source(%dma_start3A_689 : memref<8x1024xf32, #tpu.memory_space<vmem>>) target(%dma_start3A_685 : memref<8x1024xf32, #tpu.memory_space<hbm>>) target_semaphore(%arg17 : memref<!tpu.dma_semaphore, #tpu.memory_space<semaphore_mem>>)
    %add3A_690 = arith.constant 16 : i32
    %add3A_691 = arith.addi %mul3A_2, %add3A_690 : i32
    %dma_start3A_692 = arith.constant 2 : i32
    %dma_start3A_693 = arith.constant 1 : i32
    %dma_start3A_694 = arith.constant 8 : i32
    %dma_start3A_695 = arith.constant 0 : i32
    %dma_start3A_696 = tpu.memref_slice %arg7[%dma_start3A_692, %dma_start3A_694, %dma_start3A_695] : memref<3x32x1024xf32, #tpu.memory_space<vmem>> -> memref<1x8x1024xf32, #tpu.memory_space<vmem>>
    %dma_start3A_697 = tpu.memref_squeeze %dma_start3A_696 : memref<1x8x1024xf32, #tpu.memory_space<vmem>> -> memref<8x1024xf32, #tpu.memory_space<vmem>>
    %dma_start3A_698 = arith.constant 0 : i32
    %dma_start3A_699 = tpu.memref_slice %arg5[%dma_start3A_693, %add3A_691, %dma_start3A_698] : memref<4x2048x1024xf32, #tpu.memory_space<hbm>> -> memref<1x8x1024xf32, #tpu.memory_space<hbm>>
    %dma_start3A_700 = tpu.memref_squeeze %dma_start3A_699 : memref<1x8x1024xf32, #tpu.memory_space<hbm>> -> memref<8x1024xf32, #tpu.memory_space<hbm>>
    %dma_start3A_701 = arith.constant 0 : i32
    %dma_start3A_702 = tpu.memref_slice %arg5[%dma_start3A_693, %add3A_691, %dma_start3A_701] : memref<4x2048x1024xf32, #tpu.memory_space<hbm>> -> memref<1x8x1024xf32, #tpu.memory_space<hbm>>
    %dma_start3A_703 = tpu.memref_squeeze %dma_start3A_702 : memref<1x8x1024xf32, #tpu.memory_space<hbm>> -> memref<8x1024xf32, #tpu.memory_space<hbm>>
    %dma_start3A_704 = arith.constant 8 : i32
    %dma_start3A_705 = arith.constant 0 : i32
    %dma_start3A_706 = tpu.memref_slice %arg7[%dma_start3A_692, %dma_start3A_704, %dma_start3A_705] : memref<3x32x1024xf32, #tpu.memory_space<vmem>> -> memref<1x8x1024xf32, #tpu.memory_space<vmem>>
    %dma_start3A_707 = tpu.memref_squeeze %dma_start3A_706 : memref<1x8x1024xf32, #tpu.memory_space<vmem>> -> memref<8x1024xf32, #tpu.memory_space<vmem>>
    tpu.enqueue_dma source(%dma_start3A_707 : memref<8x1024xf32, #tpu.memory_space<vmem>>) target(%dma_start3A_703 : memref<8x1024xf32, #tpu.memory_space<hbm>>) target_semaphore(%arg17 : memref<!tpu.dma_semaphore, #tpu.memory_space<semaphore_mem>>)
    %add3A_708 = arith.constant 16 : i32
    %add3A_709 = arith.addi %mul3A_2, %add3A_708 : i32
    %dma_start3A_710 = arith.constant 2 : i32
    %dma_start3A_711 = arith.constant 2 : i32
    %dma_start3A_712 = arith.constant 16 : i32
    %dma_start3A_713 = arith.constant 0 : i32
    %dma_start3A_714 = tpu.memref_slice %arg7[%dma_start3A_710, %dma_start3A_712, %dma_start3A_713] : memref<3x32x1024xf32, #tpu.memory_space<vmem>> -> memref<1x8x1024xf32, #tpu.memory_space<vmem>>
    %dma_start3A_715 = tpu.memref_squeeze %dma_start3A_714 : memref<1x8x1024xf32, #tpu.memory_space<vmem>> -> memref<8x1024xf32, #tpu.memory_space<vmem>>
    %dma_start3A_716 = arith.constant 0 : i32
    %dma_start3A_717 = tpu.memref_slice %arg5[%dma_start3A_711, %add3A_709, %dma_start3A_716] : memref<4x2048x1024xf32, #tpu.memory_space<hbm>> -> memref<1x8x1024xf32, #tpu.memory_space<hbm>>
    %dma_start3A_718 = tpu.memref_squeeze %dma_start3A_717 : memref<1x8x1024xf32, #tpu.memory_space<hbm>> -> memref<8x1024xf32, #tpu.memory_space<hbm>>
    %dma_start3A_719 = arith.constant 0 : i32
    %dma_start3A_720 = tpu.memref_slice %arg5[%dma_start3A_711, %add3A_709, %dma_start3A_719] : memref<4x2048x1024xf32, #tpu.memory_space<hbm>> -> memref<1x8x1024xf32, #tpu.memory_space<hbm>>
    %dma_start3A_721 = tpu.memref_squeeze %dma_start3A_720 : memref<1x8x1024xf32, #tpu.memory_space<hbm>> -> memref<8x1024xf32, #tpu.memory_space<hbm>>
    %dma_start3A_722 = arith.constant 16 : i32
    %dma_start3A_723 = arith.constant 0 : i32
    %dma_start3A_724 = tpu.memref_slice %arg7[%dma_start3A_710, %dma_start3A_722, %dma_start3A_723] : memref<3x32x1024xf32, #tpu.memory_space<vmem>> -> memref<1x8x1024xf32, #tpu.memory_space<vmem>>
    %dma_start3A_725 = tpu.memref_squeeze %dma_start3A_724 : memref<1x8x1024xf32, #tpu.memory_space<vmem>> -> memref<8x1024xf32, #tpu.memory_space<vmem>>
    tpu.enqueue_dma source(%dma_start3A_725 : memref<8x1024xf32, #tpu.memory_space<vmem>>) target(%dma_start3A_721 : memref<8x1024xf32, #tpu.memory_space<hbm>>) target_semaphore(%arg17 : memref<!tpu.dma_semaphore, #tpu.memory_space<semaphore_mem>>)
    %add3A_726 = arith.constant 16 : i32
    %add3A_727 = arith.addi %mul3A_2, %add3A_726 : i32
    %dma_start3A_728 = arith.constant 2 : i32
    %dma_start3A_729 = arith.constant 3 : i32
    %dma_start3A_730 = arith.constant 24 : i32
    %dma_start3A_731 = arith.constant 0 : i32
    %dma_start3A_732 = tpu.memref_slice %arg7[%dma_start3A_728, %dma_start3A_730, %dma_start3A_731] : memref<3x32x1024xf32, #tpu.memory_space<vmem>> -> memref<1x8x1024xf32, #tpu.memory_space<vmem>>
    %dma_start3A_733 = tpu.memref_squeeze %dma_start3A_732 : memref<1x8x1024xf32, #tpu.memory_space<vmem>> -> memref<8x1024xf32, #tpu.memory_space<vmem>>
    %dma_start3A_734 = arith.constant 0 : i32
    %dma_start3A_735 = tpu.memref_slice %arg5[%dma_start3A_729, %add3A_727, %dma_start3A_734] : memref<4x2048x1024xf32, #tpu.memory_space<hbm>> -> memref<1x8x1024xf32, #tpu.memory_space<hbm>>
    %dma_start3A_736 = tpu.memref_squeeze %dma_start3A_735 : memref<1x8x1024xf32, #tpu.memory_space<hbm>> -> memref<8x1024xf32, #tpu.memory_space<hbm>>
    %dma_start3A_737 = arith.constant 0 : i32
    %dma_start3A_738 = tpu.memref_slice %arg5[%dma_start3A_729, %add3A_727, %dma_start3A_737] : memref<4x2048x1024xf32, #tpu.memory_space<hbm>> -> memref<1x8x1024xf32, #tpu.memory_space<hbm>>
    %dma_start3A_739 = tpu.memref_squeeze %dma_start3A_738 : memref<1x8x1024xf32, #tpu.memory_space<hbm>> -> memref<8x1024xf32, #tpu.memory_space<hbm>>
    %dma_start3A_740 = arith.constant 24 : i32
    %dma_start3A_741 = arith.constant 0 : i32
    %dma_start3A_742 = tpu.memref_slice %arg7[%dma_start3A_728, %dma_start3A_740, %dma_start3A_741] : memref<3x32x1024xf32, #tpu.memory_space<vmem>> -> memref<1x8x1024xf32, #tpu.memory_space<vmem>>
    %dma_start3A_743 = tpu.memref_squeeze %dma_start3A_742 : memref<1x8x1024xf32, #tpu.memory_space<vmem>> -> memref<8x1024xf32, #tpu.memory_space<vmem>>
    tpu.enqueue_dma source(%dma_start3A_743 : memref<8x1024xf32, #tpu.memory_space<vmem>>) target(%dma_start3A_739 : memref<8x1024xf32, #tpu.memory_space<hbm>>) target_semaphore(%arg17 : memref<!tpu.dma_semaphore, #tpu.memory_space<semaphore_mem>>)
    %dma_wait3A_744 = arith.constant 1 : i32
    %dma_wait3A_745 = arith.constant 0 : i32
    %dma_wait3A_746 = arith.constant 0 : i32
    %dma_wait3A_747 = arith.constant 0 : i32
    %dma_wait3A_748 = tpu.memref_slice %arg7[%dma_wait3A_744, %dma_wait3A_746, %dma_wait3A_747] : memref<3x32x1024xf32, #tpu.memory_space<vmem>> -> memref<1x8x1024xf32, #tpu.memory_space<vmem>>
    %dma_wait3A_749 = tpu.memref_squeeze %dma_wait3A_748 : memref<1x8x1024xf32, #tpu.memory_space<vmem>> -> memref<8x1024xf32, #tpu.memory_space<vmem>>
    %dma_wait3A_750 = arith.constant 0 : i32
    %dma_wait3A_751 = tpu.memref_slice %arg5[%dma_wait3A_745, %add3A_407, %dma_wait3A_750] : memref<4x2048x1024xf32, #tpu.memory_space<hbm>> -> memref<1x8x1024xf32, #tpu.memory_space<hbm>>
    %dma_wait3A_752 = tpu.memref_squeeze %dma_wait3A_751 : memref<1x8x1024xf32, #tpu.memory_space<hbm>> -> memref<8x1024xf32, #tpu.memory_space<hbm>>
    %dma_wait3A_753 = arith.constant 0 : i32
    %dma_wait3A_754 = tpu.memref_slice %arg5[%dma_wait3A_745, %add3A_407, %dma_wait3A_753] : memref<4x2048x1024xf32, #tpu.memory_space<hbm>> -> memref<1x8x1024xf32, #tpu.memory_space<hbm>>
    %dma_wait3A_755 = tpu.memref_squeeze %dma_wait3A_754 : memref<1x8x1024xf32, #tpu.memory_space<hbm>> -> memref<8x1024xf32, #tpu.memory_space<hbm>>
    %dma_wait3A_756 = arith.constant 0 : i32
    %dma_wait3A_757 = arith.constant 0 : i32
    %dma_wait3A_758 = tpu.memref_slice %arg7[%dma_wait3A_744, %dma_wait3A_756, %dma_wait3A_757] : memref<3x32x1024xf32, #tpu.memory_space<vmem>> -> memref<1x8x1024xf32, #tpu.memory_space<vmem>>
    %dma_wait3A_759 = tpu.memref_squeeze %dma_wait3A_758 : memref<1x8x1024xf32, #tpu.memory_space<vmem>> -> memref<8x1024xf32, #tpu.memory_space<vmem>>
    tpu.wait_dma2 semaphore(%arg16 : memref<!tpu.dma_semaphore, #tpu.memory_space<semaphore_mem>>) src(%dma_wait3A_759 : memref<8x1024xf32, #tpu.memory_space<vmem>>) dst(%dma_wait3A_755 : memref<8x1024xf32, #tpu.memory_space<hbm>>)
    %dma_wait3A_760 = arith.constant 1 : i32
    %dma_wait3A_761 = arith.constant 1 : i32
    %dma_wait3A_762 = arith.constant 8 : i32
    %dma_wait3A_763 = arith.constant 0 : i32
    %dma_wait3A_764 = tpu.memref_slice %arg7[%dma_wait3A_760, %dma_wait3A_762, %dma_wait3A_763] : memref<3x32x1024xf32, #tpu.memory_space<vmem>> -> memref<1x8x1024xf32, #tpu.memory_space<vmem>>
    %dma_wait3A_765 = tpu.memref_squeeze %dma_wait3A_764 : memref<1x8x1024xf32, #tpu.memory_space<vmem>> -> memref<8x1024xf32, #tpu.memory_space<vmem>>
    %dma_wait3A_766 = arith.constant 0 : i32
    %dma_wait3A_767 = tpu.memref_slice %arg5[%dma_wait3A_761, %add3A_425, %dma_wait3A_766] : memref<4x2048x1024xf32, #tpu.memory_space<hbm>> -> memref<1x8x1024xf32, #tpu.memory_space<hbm>>
    %dma_wait3A_768 = tpu.memref_squeeze %dma_wait3A_767 : memref<1x8x1024xf32, #tpu.memory_space<hbm>> -> memref<8x1024xf32, #tpu.memory_space<hbm>>
    %dma_wait3A_769 = arith.constant 0 : i32
    %dma_wait3A_770 = tpu.memref_slice %arg5[%dma_wait3A_761, %add3A_425, %dma_wait3A_769] : memref<4x2048x1024xf32, #tpu.memory_space<hbm>> -> memref<1x8x1024xf32, #tpu.memory_space<hbm>>
    %dma_wait3A_771 = tpu.memref_squeeze %dma_wait3A_770 : memref<1x8x1024xf32, #tpu.memory_space<hbm>> -> memref<8x1024xf32, #tpu.memory_space<hbm>>
    %dma_wait3A_772 = arith.constant 8 : i32
    %dma_wait3A_773 = arith.constant 0 : i32
    %dma_wait3A_774 = tpu.memref_slice %arg7[%dma_wait3A_760, %dma_wait3A_772, %dma_wait3A_773] : memref<3x32x1024xf32, #tpu.memory_space<vmem>> -> memref<1x8x1024xf32, #tpu.memory_space<vmem>>
    %dma_wait3A_775 = tpu.memref_squeeze %dma_wait3A_774 : memref<1x8x1024xf32, #tpu.memory_space<vmem>> -> memref<8x1024xf32, #tpu.memory_space<vmem>>
    tpu.wait_dma2 semaphore(%arg16 : memref<!tpu.dma_semaphore, #tpu.memory_space<semaphore_mem>>) src(%dma_wait3A_775 : memref<8x1024xf32, #tpu.memory_space<vmem>>) dst(%dma_wait3A_771 : memref<8x1024xf32, #tpu.memory_space<hbm>>)
    %dma_wait3A_776 = arith.constant 1 : i32
    %dma_wait3A_777 = arith.constant 2 : i32
    %dma_wait3A_778 = arith.constant 16 : i32
    %dma_wait3A_779 = arith.constant 0 : i32
    %dma_wait3A_780 = tpu.memref_slice %arg7[%dma_wait3A_776, %dma_wait3A_778, %dma_wait3A_779] : memref<3x32x1024xf32, #tpu.memory_space<vmem>> -> memref<1x8x1024xf32, #tpu.memory_space<vmem>>
    %dma_wait3A_781 = tpu.memref_squeeze %dma_wait3A_780 : memref<1x8x1024xf32, #tpu.memory_space<vmem>> -> memref<8x1024xf32, #tpu.memory_space<vmem>>
    %dma_wait3A_782 = arith.constant 0 : i32
    %dma_wait3A_783 = tpu.memref_slice %arg5[%dma_wait3A_777, %add3A_443, %dma_wait3A_782] : memref<4x2048x1024xf32, #tpu.memory_space<hbm>> -> memref<1x8x1024xf32, #tpu.memory_space<hbm>>
    %dma_wait3A_784 = tpu.memref_squeeze %dma_wait3A_783 : memref<1x8x1024xf32, #tpu.memory_space<hbm>> -> memref<8x1024xf32, #tpu.memory_space<hbm>>
    %dma_wait3A_785 = arith.constant 0 : i32
    %dma_wait3A_786 = tpu.memref_slice %arg5[%dma_wait3A_777, %add3A_443, %dma_wait3A_785] : memref<4x2048x1024xf32, #tpu.memory_space<hbm>> -> memref<1x8x1024xf32, #tpu.memory_space<hbm>>
    %dma_wait3A_787 = tpu.memref_squeeze %dma_wait3A_786 : memref<1x8x1024xf32, #tpu.memory_space<hbm>> -> memref<8x1024xf32, #tpu.memory_space<hbm>>
    %dma_wait3A_788 = arith.constant 16 : i32
    %dma_wait3A_789 = arith.constant 0 : i32
    %dma_wait3A_790 = tpu.memref_slice %arg7[%dma_wait3A_776, %dma_wait3A_788, %dma_wait3A_789] : memref<3x32x1024xf32, #tpu.memory_space<vmem>> -> memref<1x8x1024xf32, #tpu.memory_space<vmem>>
    %dma_wait3A_791 = tpu.memref_squeeze %dma_wait3A_790 : memref<1x8x1024xf32, #tpu.memory_space<vmem>> -> memref<8x1024xf32, #tpu.memory_space<vmem>>
    tpu.wait_dma2 semaphore(%arg16 : memref<!tpu.dma_semaphore, #tpu.memory_space<semaphore_mem>>) src(%dma_wait3A_791 : memref<8x1024xf32, #tpu.memory_space<vmem>>) dst(%dma_wait3A_787 : memref<8x1024xf32, #tpu.memory_space<hbm>>)
    %dma_wait3A_792 = arith.constant 1 : i32
    %dma_wait3A_793 = arith.constant 3 : i32
    %dma_wait3A_794 = arith.constant 24 : i32
    %dma_wait3A_795 = arith.constant 0 : i32
    %dma_wait3A_796 = tpu.memref_slice %arg7[%dma_wait3A_792, %dma_wait3A_794, %dma_wait3A_795] : memref<3x32x1024xf32, #tpu.memory_space<vmem>> -> memref<1x8x1024xf32, #tpu.memory_space<vmem>>
    %dma_wait3A_797 = tpu.memref_squeeze %dma_wait3A_796 : memref<1x8x1024xf32, #tpu.memory_space<vmem>> -> memref<8x1024xf32, #tpu.memory_space<vmem>>
    %dma_wait3A_798 = arith.constant 0 : i32
    %dma_wait3A_799 = tpu.memref_slice %arg5[%dma_wait3A_793, %add3A_461, %dma_wait3A_798] : memref<4x2048x1024xf32, #tpu.memory_space<hbm>> -> memref<1x8x1024xf32, #tpu.memory_space<hbm>>
    %dma_wait3A_800 = tpu.memref_squeeze %dma_wait3A_799 : memref<1x8x1024xf32, #tpu.memory_space<hbm>> -> memref<8x1024xf32, #tpu.memory_space<hbm>>
    %dma_wait3A_801 = arith.constant 0 : i32
    %dma_wait3A_802 = tpu.memref_slice %arg5[%dma_wait3A_793, %add3A_461, %dma_wait3A_801] : memref<4x2048x1024xf32, #tpu.memory_space<hbm>> -> memref<1x8x1024xf32, #tpu.memory_space<hbm>>
    %dma_wait3A_803 = tpu.memref_squeeze %dma_wait3A_802 : memref<1x8x1024xf32, #tpu.memory_space<hbm>> -> memref<8x1024xf32, #tpu.memory_space<hbm>>
    %dma_wait3A_804 = arith.constant 24 : i32
    %dma_wait3A_805 = arith.constant 0 : i32
    %dma_wait3A_806 = tpu.memref_slice %arg7[%dma_wait3A_792, %dma_wait3A_804, %dma_wait3A_805] : memref<3x32x1024xf32, #tpu.memory_space<vmem>> -> memref<1x8x1024xf32, #tpu.memory_space<vmem>>
    %dma_wait3A_807 = tpu.memref_squeeze %dma_wait3A_806 : memref<1x8x1024xf32, #tpu.memory_space<vmem>> -> memref<8x1024xf32, #tpu.memory_space<vmem>>
    tpu.wait_dma2 semaphore(%arg16 : memref<!tpu.dma_semaphore, #tpu.memory_space<semaphore_mem>>) src(%dma_wait3A_807 : memref<8x1024xf32, #tpu.memory_space<vmem>>) dst(%dma_wait3A_803 : memref<8x1024xf32, #tpu.memory_space<hbm>>)
    %dma_start3A_808 = arith.constant 0 : i32
    %dma_start3A_809 = arith.constant 1 : i32
    %dma_start3A_810 = arith.constant 0 : i32
    %dma_start3A_811 = arith.constant 0 : i32
    %dma_start3A_812 = tpu.memref_slice %arg7[%dma_start3A_809, %dma_start3A_810, %dma_start3A_811] : memref<3x32x1024xf32, #tpu.memory_space<vmem>> -> memref<1x8x1024xf32, #tpu.memory_space<vmem>>
    %dma_start3A_813 = tpu.memref_squeeze %dma_start3A_812 : memref<1x8x1024xf32, #tpu.memory_space<vmem>> -> memref<8x1024xf32, #tpu.memory_space<vmem>>
    %dma_start3A_814 = arith.constant 32 : i32
    %dma_start3A_815 = tpu.memref_slice %arg6[%dma_start3A_808, %dma_start3A_814] : memref<4x64xi32, #tpu.memory_space<vmem>> -> memref<1x8xi32, #tpu.memory_space<vmem>>
    %dma_start3A_816 = tpu.memref_squeeze %dma_start3A_815 : memref<1x8xi32, #tpu.memory_space<vmem>> -> memref<8xi32, #tpu.memory_space<vmem>>
    %dma_start3A_817 = arith.constant 0 : i32
    %dma_start3A_818 = arith.constant 0 : i32
    %dma_start3A_819 = tpu.memref_slice %arg3[%dma_start3A_817, %dma_start3A_818] : memref<100000x1024xf32, #tpu.memory_space<hbm>> -> memref<100000x1024xf32, #tpu.memory_space<hbm>>
    tpu.enqueue_indirect_dma source(%dma_start3A_819 : memref<100000x1024xf32, #tpu.memory_space<hbm>>) target(%dma_start3A_813 : memref<8x1024xf32, #tpu.memory_space<vmem>>) offsets(%dma_start3A_816 : memref<8xi32, #tpu.memory_space<vmem>>) semaphore(%arg10 : memref<!tpu.dma_semaphore, #tpu.memory_space<semaphore_mem>>)
    %dma_start3A_820 = arith.constant 1 : i32
    %dma_start3A_821 = arith.constant 1 : i32
    %dma_start3A_822 = arith.constant 8 : i32
    %dma_start3A_823 = arith.constant 0 : i32
    %dma_start3A_824 = tpu.memref_slice %arg7[%dma_start3A_821, %dma_start3A_822, %dma_start3A_823] : memref<3x32x1024xf32, #tpu.memory_space<vmem>> -> memref<1x8x1024xf32, #tpu.memory_space<vmem>>
    %dma_start3A_825 = tpu.memref_squeeze %dma_start3A_824 : memref<1x8x1024xf32, #tpu.memory_space<vmem>> -> memref<8x1024xf32, #tpu.memory_space<vmem>>
    %dma_start3A_826 = arith.constant 32 : i32
    %dma_start3A_827 = tpu.memref_slice %arg6[%dma_start3A_820, %dma_start3A_826] : memref<4x64xi32, #tpu.memory_space<vmem>> -> memref<1x8xi32, #tpu.memory_space<vmem>>
    %dma_start3A_828 = tpu.memref_squeeze %dma_start3A_827 : memref<1x8xi32, #tpu.memory_space<vmem>> -> memref<8xi32, #tpu.memory_space<vmem>>
    %dma_start3A_829 = arith.constant 0 : i32
    %dma_start3A_830 = arith.constant 0 : i32
    %dma_start3A_831 = tpu.memref_slice %arg3[%dma_start3A_829, %dma_start3A_830] : memref<100000x1024xf32, #tpu.memory_space<hbm>> -> memref<100000x1024xf32, #tpu.memory_space<hbm>>
    tpu.enqueue_indirect_dma source(%dma_start3A_831 : memref<100000x1024xf32, #tpu.memory_space<hbm>>) target(%dma_start3A_825 : memref<8x1024xf32, #tpu.memory_space<vmem>>) offsets(%dma_start3A_828 : memref<8xi32, #tpu.memory_space<vmem>>) semaphore(%arg10 : memref<!tpu.dma_semaphore, #tpu.memory_space<semaphore_mem>>)
    %dma_start3A_832 = arith.constant 2 : i32
    %dma_start3A_833 = arith.constant 1 : i32
    %dma_start3A_834 = arith.constant 16 : i32
    %dma_start3A_835 = arith.constant 0 : i32
    %dma_start3A_836 = tpu.memref_slice %arg7[%dma_start3A_833, %dma_start3A_834, %dma_start3A_835] : memref<3x32x1024xf32, #tpu.memory_space<vmem>> -> memref<1x8x1024xf32, #tpu.memory_space<vmem>>
    %dma_start3A_837 = tpu.memref_squeeze %dma_start3A_836 : memref<1x8x1024xf32, #tpu.memory_space<vmem>> -> memref<8x1024xf32, #tpu.memory_space<vmem>>
    %dma_start3A_838 = arith.constant 32 : i32
    %dma_start3A_839 = tpu.memref_slice %arg6[%dma_start3A_832, %dma_start3A_838] : memref<4x64xi32, #tpu.memory_space<vmem>> -> memref<1x8xi32, #tpu.memory_space<vmem>>
    %dma_start3A_840 = tpu.memref_squeeze %dma_start3A_839 : memref<1x8xi32, #tpu.memory_space<vmem>> -> memref<8xi32, #tpu.memory_space<vmem>>
    %dma_start3A_841 = arith.constant 0 : i32
    %dma_start3A_842 = arith.constant 0 : i32
    %dma_start3A_843 = tpu.memref_slice %arg3[%dma_start3A_841, %dma_start3A_842] : memref<100000x1024xf32, #tpu.memory_space<hbm>> -> memref<100000x1024xf32, #tpu.memory_space<hbm>>
    tpu.enqueue_indirect_dma source(%dma_start3A_843 : memref<100000x1024xf32, #tpu.memory_space<hbm>>) target(%dma_start3A_837 : memref<8x1024xf32, #tpu.memory_space<vmem>>) offsets(%dma_start3A_840 : memref<8xi32, #tpu.memory_space<vmem>>) semaphore(%arg10 : memref<!tpu.dma_semaphore, #tpu.memory_space<semaphore_mem>>)
    %dma_start3A_844 = arith.constant 3 : i32
    %dma_start3A_845 = arith.constant 1 : i32
    %dma_start3A_846 = arith.constant 24 : i32
    %dma_start3A_847 = arith.constant 0 : i32
    %dma_start3A_848 = tpu.memref_slice %arg7[%dma_start3A_845, %dma_start3A_846, %dma_start3A_847] : memref<3x32x1024xf32, #tpu.memory_space<vmem>> -> memref<1x8x1024xf32, #tpu.memory_space<vmem>>
    %dma_start3A_849 = tpu.memref_squeeze %dma_start3A_848 : memref<1x8x1024xf32, #tpu.memory_space<vmem>> -> memref<8x1024xf32, #tpu.memory_space<vmem>>
    %dma_start3A_850 = arith.constant 32 : i32
    %dma_start3A_851 = tpu.memref_slice %arg6[%dma_start3A_844, %dma_start3A_850] : memref<4x64xi32, #tpu.memory_space<vmem>> -> memref<1x8xi32, #tpu.memory_space<vmem>>
    %dma_start3A_852 = tpu.memref_squeeze %dma_start3A_851 : memref<1x8xi32, #tpu.memory_space<vmem>> -> memref<8xi32, #tpu.memory_space<vmem>>
    %dma_start3A_853 = arith.constant 0 : i32
    %dma_start3A_854 = arith.constant 0 : i32
    %dma_start3A_855 = tpu.memref_slice %arg3[%dma_start3A_853, %dma_start3A_854] : memref<100000x1024xf32, #tpu.memory_space<hbm>> -> memref<100000x1024xf32, #tpu.memory_space<hbm>>
    tpu.enqueue_indirect_dma source(%dma_start3A_855 : memref<100000x1024xf32, #tpu.memory_space<hbm>>) target(%dma_start3A_849 : memref<8x1024xf32, #tpu.memory_space<vmem>>) offsets(%dma_start3A_852 : memref<8xi32, #tpu.memory_space<vmem>>) semaphore(%arg10 : memref<!tpu.dma_semaphore, #tpu.memory_space<semaphore_mem>>)
    %add3A_856 = arith.constant 32 : i32
    %add3A_857 = arith.addi %mul3A_2, %add3A_856 : i32
    %dma_start3A_858 = arith.constant 1 : i32
    %dma_start3A_859 = arith.constant 0 : i32
    %dma_start3A_860 = arith.constant 0 : i32
    %dma_start3A_861 = tpu.memref_slice %arg8[%dma_start3A_858, %dma_start3A_859, %dma_start3A_860] : memref<3x8x1024xf32, #tpu.memory_space<vmem>> -> memref<1x8x1024xf32, #tpu.memory_space<vmem>>
    %dma_start3A_862 = tpu.memref_squeeze %dma_start3A_861 : memref<1x8x1024xf32, #tpu.memory_space<vmem>> -> memref<8x1024xf32, #tpu.memory_space<vmem>>
    %dma_start3A_863 = arith.constant 0 : i32
    %dma_start3A_864 = tpu.memref_slice %arg4[%add3A_857, %dma_start3A_863] : memref<2048x1024xf32, #tpu.memory_space<hbm>> -> memref<8x1024xf32, #tpu.memory_space<hbm>>
    %dma_start3A_865 = arith.constant 0 : i32
    %dma_start3A_866 = arith.constant 0 : i32
    %dma_start3A_867 = tpu.memref_slice %arg8[%dma_start3A_858, %dma_start3A_865, %dma_start3A_866] : memref<3x8x1024xf32, #tpu.memory_space<vmem>> -> memref<1x8x1024xf32, #tpu.memory_space<vmem>>
    %dma_start3A_868 = tpu.memref_squeeze %dma_start3A_867 : memref<1x8x1024xf32, #tpu.memory_space<vmem>> -> memref<8x1024xf32, #tpu.memory_space<vmem>>
    %dma_start3A_869 = arith.constant 0 : i32
    %dma_start3A_870 = tpu.memref_slice %arg4[%add3A_857, %dma_start3A_869] : memref<2048x1024xf32, #tpu.memory_space<hbm>> -> memref<8x1024xf32, #tpu.memory_space<hbm>>
    tpu.enqueue_dma source(%dma_start3A_870 : memref<8x1024xf32, #tpu.memory_space<hbm>>) target(%dma_start3A_868 : memref<8x1024xf32, #tpu.memory_space<vmem>>) target_semaphore(%arg13 : memref<!tpu.dma_semaphore, #tpu.memory_space<semaphore_mem>>)
    %dma_wait3A_871 = arith.constant 0 : i32
    %dma_wait3A_872 = arith.constant 0 : i32
    %dma_wait3A_873 = arith.constant 0 : i32
    %dma_wait3A_874 = arith.constant 0 : i32
    %dma_wait3A_875 = tpu.memref_slice %arg7[%dma_wait3A_872, %dma_wait3A_873, %dma_wait3A_874] : memref<3x32x1024xf32, #tpu.memory_space<vmem>> -> memref<1x8x1024xf32, #tpu.memory_space<vmem>>
    %dma_wait3A_876 = tpu.memref_squeeze %dma_wait3A_875 : memref<1x8x1024xf32, #tpu.memory_space<vmem>> -> memref<8x1024xf32, #tpu.memory_space<vmem>>
    %dma_wait3A_877 = arith.constant 24 : i32
    %dma_wait3A_878 = tpu.memref_slice %arg6[%dma_wait3A_871, %dma_wait3A_877] : memref<4x64xi32, #tpu.memory_space<vmem>> -> memref<1x8xi32, #tpu.memory_space<vmem>>
    %dma_wait3A_879 = tpu.memref_squeeze %dma_wait3A_878 : memref<1x8xi32, #tpu.memory_space<vmem>> -> memref<8xi32, #tpu.memory_space<vmem>>
    %dma_wait3A_880 = arith.constant 0 : i32
    %dma_wait3A_881 = arith.constant 0 : i32
    %dma_wait3A_882 = tpu.memref_slice %arg3[%dma_wait3A_880, %dma_wait3A_881] : memref<100000x1024xf32, #tpu.memory_space<hbm>> -> memref<100000x1024xf32, #tpu.memory_space<hbm>>
    tpu.wait_indirect_dma semaphore(%arg9 : memref<!tpu.dma_semaphore, #tpu.memory_space<semaphore_mem>>) src(%dma_wait3A_882 : memref<100000x1024xf32, #tpu.memory_space<hbm>>) dst(%dma_wait3A_876 : memref<8x1024xf32, #tpu.memory_space<vmem>>)
    %dma_wait3A_883 = arith.constant 1 : i32
    %dma_wait3A_884 = arith.constant 0 : i32
    %dma_wait3A_885 = arith.constant 8 : i32
    %dma_wait3A_886 = arith.constant 0 : i32
    %dma_wait3A_887 = tpu.memref_slice %arg7[%dma_wait3A_884, %dma_wait3A_885, %dma_wait3A_886] : memref<3x32x1024xf32, #tpu.memory_space<vmem>> -> memref<1x8x1024xf32, #tpu.memory_space<vmem>>
    %dma_wait3A_888 = tpu.memref_squeeze %dma_wait3A_887 : memref<1x8x1024xf32, #tpu.memory_space<vmem>> -> memref<8x1024xf32, #tpu.memory_space<vmem>>
    %dma_wait3A_889 = arith.constant 24 : i32
    %dma_wait3A_890 = tpu.memref_slice %arg6[%dma_wait3A_883, %dma_wait3A_889] : memref<4x64xi32, #tpu.memory_space<vmem>> -> memref<1x8xi32, #tpu.memory_space<vmem>>
    %dma_wait3A_891 = tpu.memref_squeeze %dma_wait3A_890 : memref<1x8xi32, #tpu.memory_space<vmem>> -> memref<8xi32, #tpu.memory_space<vmem>>
    %dma_wait3A_892 = arith.constant 0 : i32
    %dma_wait3A_893 = arith.constant 0 : i32
    %dma_wait3A_894 = tpu.memref_slice %arg3[%dma_wait3A_892, %dma_wait3A_893] : memref<100000x1024xf32, #tpu.memory_space<hbm>> -> memref<100000x1024xf32, #tpu.memory_space<hbm>>
    tpu.wait_indirect_dma semaphore(%arg9 : memref<!tpu.dma_semaphore, #tpu.memory_space<semaphore_mem>>) src(%dma_wait3A_894 : memref<100000x1024xf32, #tpu.memory_space<hbm>>) dst(%dma_wait3A_888 : memref<8x1024xf32, #tpu.memory_space<vmem>>)
    %dma_wait3A_895 = arith.constant 2 : i32
    %dma_wait3A_896 = arith.constant 0 : i32
    %dma_wait3A_897 = arith.constant 16 : i32
    %dma_wait3A_898 = arith.constant 0 : i32
    %dma_wait3A_899 = tpu.memref_slice %arg7[%dma_wait3A_896, %dma_wait3A_897, %dma_wait3A_898] : memref<3x32x1024xf32, #tpu.memory_space<vmem>> -> memref<1x8x1024xf32, #tpu.memory_space<vmem>>
    %dma_wait3A_900 = tpu.memref_squeeze %dma_wait3A_899 : memref<1x8x1024xf32, #tpu.memory_space<vmem>> -> memref<8x1024xf32, #tpu.memory_space<vmem>>
    %dma_wait3A_901 = arith.constant 24 : i32
    %dma_wait3A_902 = tpu.memref_slice %arg6[%dma_wait3A_895, %dma_wait3A_901] : memref<4x64xi32, #tpu.memory_space<vmem>> -> memref<1x8xi32, #tpu.memory_space<vmem>>
    %dma_wait3A_903 = tpu.memref_squeeze %dma_wait3A_902 : memref<1x8xi32, #tpu.memory_space<vmem>> -> memref<8xi32, #tpu.memory_space<vmem>>
    %dma_wait3A_904 = arith.constant 0 : i32
    %dma_wait3A_905 = arith.constant 0 : i32
    %dma_wait3A_906 = tpu.memref_slice %arg3[%dma_wait3A_904, %dma_wait3A_905] : memref<100000x1024xf32, #tpu.memory_space<hbm>> -> memref<100000x1024xf32, #tpu.memory_space<hbm>>
    tpu.wait_indirect_dma semaphore(%arg9 : memref<!tpu.dma_semaphore, #tpu.memory_space<semaphore_mem>>) src(%dma_wait3A_906 : memref<100000x1024xf32, #tpu.memory_space<hbm>>) dst(%dma_wait3A_900 : memref<8x1024xf32, #tpu.memory_space<vmem>>)
    %dma_wait3A_907 = arith.constant 3 : i32
    %dma_wait3A_908 = arith.constant 0 : i32
    %dma_wait3A_909 = arith.constant 24 : i32
    %dma_wait3A_910 = arith.constant 0 : i32
    %dma_wait3A_911 = tpu.memref_slice %arg7[%dma_wait3A_908, %dma_wait3A_909, %dma_wait3A_910] : memref<3x32x1024xf32, #tpu.memory_space<vmem>> -> memref<1x8x1024xf32, #tpu.memory_space<vmem>>
    %dma_wait3A_912 = tpu.memref_squeeze %dma_wait3A_911 : memref<1x8x1024xf32, #tpu.memory_space<vmem>> -> memref<8x1024xf32, #tpu.memory_space<vmem>>
    %dma_wait3A_913 = arith.constant 24 : i32
    %dma_wait3A_914 = tpu.memref_slice %arg6[%dma_wait3A_907, %dma_wait3A_913] : memref<4x64xi32, #tpu.memory_space<vmem>> -> memref<1x8xi32, #tpu.memory_space<vmem>>
    %dma_wait3A_915 = tpu.memref_squeeze %dma_wait3A_914 : memref<1x8xi32, #tpu.memory_space<vmem>> -> memref<8xi32, #tpu.memory_space<vmem>>
    %dma_wait3A_916 = arith.constant 0 : i32
    %dma_wait3A_917 = arith.constant 0 : i32
    %dma_wait3A_918 = tpu.memref_slice %arg3[%dma_wait3A_916, %dma_wait3A_917] : memref<100000x1024xf32, #tpu.memory_space<hbm>> -> memref<100000x1024xf32, #tpu.memory_space<hbm>>
    tpu.wait_indirect_dma semaphore(%arg9 : memref<!tpu.dma_semaphore, #tpu.memory_space<semaphore_mem>>) src(%dma_wait3A_918 : memref<100000x1024xf32, #tpu.memory_space<hbm>>) dst(%dma_wait3A_912 : memref<8x1024xf32, #tpu.memory_space<vmem>>)
    %dma_wait3A_919 = arith.constant 0 : i32
    %dma_wait3A_920 = arith.constant 0 : i32
    %dma_wait3A_921 = arith.constant 0 : i32
    %dma_wait3A_922 = tpu.memref_slice %arg8[%dma_wait3A_919, %dma_wait3A_920, %dma_wait3A_921] : memref<3x8x1024xf32, #tpu.memory_space<vmem>> -> memref<1x8x1024xf32, #tpu.memory_space<vmem>>
    %dma_wait3A_923 = tpu.memref_squeeze %dma_wait3A_922 : memref<1x8x1024xf32, #tpu.memory_space<vmem>> -> memref<8x1024xf32, #tpu.memory_space<vmem>>
    %dma_wait3A_924 = arith.constant 0 : i32
    %dma_wait3A_925 = tpu.memref_slice %arg4[%add3A_591, %dma_wait3A_924] : memref<2048x1024xf32, #tpu.memory_space<hbm>> -> memref<8x1024xf32, #tpu.memory_space<hbm>>
    %dma_wait3A_926 = arith.constant 0 : i32
    %dma_wait3A_927 = arith.constant 0 : i32
    %dma_wait3A_928 = tpu.memref_slice %arg8[%dma_wait3A_919, %dma_wait3A_926, %dma_wait3A_927] : memref<3x8x1024xf32, #tpu.memory_space<vmem>> -> memref<1x8x1024xf32, #tpu.memory_space<vmem>>
    %dma_wait3A_929 = tpu.memref_squeeze %dma_wait3A_928 : memref<1x8x1024xf32, #tpu.memory_space<vmem>> -> memref<8x1024xf32, #tpu.memory_space<vmem>>
    %dma_wait3A_930 = arith.constant 0 : i32
    %dma_wait3A_931 = tpu.memref_slice %arg4[%add3A_591, %dma_wait3A_930] : memref<2048x1024xf32, #tpu.memory_space<hbm>> -> memref<8x1024xf32, #tpu.memory_space<hbm>>
    tpu.wait_dma2 semaphore(%arg12 : memref<!tpu.dma_semaphore, #tpu.memory_space<semaphore_mem>>) src(%dma_wait3A_931 : memref<8x1024xf32, #tpu.memory_space<hbm>>) dst(%dma_wait3A_929 : memref<8x1024xf32, #tpu.memory_space<vmem>>)
    %scan3A_932 = arith.constant 0 : i32
    %scan3A_933 = arith.constant 0 : i32
    %scan3A_934 = arith.constant 8 : i32
    %scan3A_935 = arith.addi %scan3A_933, %scan3A_934 : i32
    %scan3A_936 = arith.constant 1 : i32
    scf.for %scan3A_2139 = %scan3A_933 to %scan3A_935 step %scan3A_936  : i32 {
      %parallel_loop3A = arith.constant 0 : i32
      %parallel_loop3A_2140 = arith.constant 1024 : i32
      %parallel_loop3A_2141 = arith.constant 16 : i32
      scf.for %parallel_loop3A_2142 = %parallel_loop3A to %parallel_loop3A_2140 step %parallel_loop3A_2141  : i32 {
        %parallel_loop3A_2143 = arith.constant 0 : i32
        %parallel_loop3A_2144 = arith.index_cast %parallel_loop3A_2143 : i32 to index
        %parallel_loop3A_2145 = arith.index_cast %scan3A_2139 : i32 to index
        %parallel_loop3A_2146 = arith.index_cast %parallel_loop3A_2142 : i32 to index
        %parallel_loop3A_2147 = tpu.vector_load %arg8[%parallel_loop3A_2144, %parallel_loop3A_2145, %parallel_loop3A_2146] {strides = array<i32>} : memref<3x8x1024xf32, #tpu.memory_space<vmem>>, vector<1x1x16xf32>,
        %parallel_loop3A_2148 = vector.shape_cast %parallel_loop3A_2147 : vector<1x1x16xf32> to vector<16xf32>
        %parallel_loop3A_2149 = arith.constant 0 : i32
        %parallel_loop3A_2150 = arith.addi %parallel_loop3A_2149, %scan3A_2139 : i32
        %parallel_loop3A_2151 = arith.constant 0 : i32
        %parallel_loop3A_2152 = arith.index_cast %parallel_loop3A_2151 : i32 to index
        %parallel_loop3A_2153 = arith.index_cast %parallel_loop3A_2150 : i32 to index
        %parallel_loop3A_2154 = arith.index_cast %parallel_loop3A_2142 : i32 to index
        %parallel_loop3A_2155 = tpu.vector_load %arg7[%parallel_loop3A_2152, %parallel_loop3A_2153, %parallel_loop3A_2154] {strides = array<i32>} : memref<3x32x1024xf32, #tpu.memory_space<vmem>>, vector<1x1x16xf32>,
        %parallel_loop3A_2156 = vector.shape_cast %parallel_loop3A_2155 : vector<1x1x16xf32> to vector<16xf32>
        %parallel_loop3A_2157 = arith.addf %parallel_loop3A_2156, %parallel_loop3A_2148 : vector<16xf32>
        %parallel_loop3A_2158 = arith.constant 0 : i32
        %parallel_loop3A_2159 = arith.addi %parallel_loop3A_2158, %scan3A_2139 : i32
        %parallel_loop3A_2160 = arith.constant 0 : i32
        %parallel_loop3A_2161 = arith.index_cast %parallel_loop3A_2160 : i32 to index
        %parallel_loop3A_2162 = arith.index_cast %parallel_loop3A_2159 : i32 to index
        %parallel_loop3A_2163 = arith.index_cast %parallel_loop3A_2142 : i32 to index
        %parallel_loop3A_2164 = tpu.vector_load %arg7[%parallel_loop3A_2161, %parallel_loop3A_2162, %parallel_loop3A_2163] {strides = array<i32>} : memref<3x32x1024xf32, #tpu.memory_space<vmem>>, vector<1x1x16xf32>,
        %parallel_loop3A_2165 = vector.shape_cast %parallel_loop3A_2164 : vector<1x1x16xf32> to vector<16xf32>
        %parallel_loop3A_2166 = vector.shape_cast %parallel_loop3A_2157 : vector<16xf32> to vector<1x1x16xf32>
        tpu.vector_store %arg7[%parallel_loop3A_2161, %parallel_loop3A_2162, %parallel_loop3A_2163], %parallel_loop3A_2166 {strides = array<i32>} : memref<3x32x1024xf32, #tpu.memory_space<vmem>>, vector<1x1x16xf32>,
        %parallel_loop3A_2167 = arith.constant 8 : i32
        %parallel_loop3A_2168 = arith.addi %parallel_loop3A_2167, %scan3A_2139 : i32
        %parallel_loop3A_2169 = arith.constant 0 : i32
        %parallel_loop3A_2170 = arith.index_cast %parallel_loop3A_2169 : i32 to index
        %parallel_loop3A_2171 = arith.index_cast %parallel_loop3A_2168 : i32 to index
        %parallel_loop3A_2172 = arith.index_cast %parallel_loop3A_2142 : i32 to index
        %parallel_loop3A_2173 = tpu.vector_load %arg7[%parallel_loop3A_2170, %parallel_loop3A_2171, %parallel_loop3A_2172] {strides = array<i32>} : memref<3x32x1024xf32, #tpu.memory_space<vmem>>, vector<1x1x16xf32>,
        %parallel_loop3A_2174 = vector.shape_cast %parallel_loop3A_2173 : vector<1x1x16xf32> to vector<16xf32>
        %parallel_loop3A_2175 = arith.addf %parallel_loop3A_2174, %parallel_loop3A_2148 : vector<16xf32>
        %parallel_loop3A_2176 = arith.constant 8 : i32
        %parallel_loop3A_2177 = arith.addi %parallel_loop3A_2176, %scan3A_2139 : i32
        %parallel_loop3A_2178 = arith.constant 0 : i32
        %parallel_loop3A_2179 = arith.index_cast %parallel_loop3A_2178 : i32 to index
        %parallel_loop3A_2180 = arith.index_cast %parallel_loop3A_2177 : i32 to index
        %parallel_loop3A_2181 = arith.index_cast %parallel_loop3A_2142 : i32 to index
        %parallel_loop3A_2182 = tpu.vector_load %arg7[%parallel_loop3A_2179, %parallel_loop3A_2180, %parallel_loop3A_2181] {strides = array<i32>} : memref<3x32x1024xf32, #tpu.memory_space<vmem>>, vector<1x1x16xf32>,
        %parallel_loop3A_2183 = vector.shape_cast %parallel_loop3A_2182 : vector<1x1x16xf32> to vector<16xf32>
        %parallel_loop3A_2184 = vector.shape_cast %parallel_loop3A_2175 : vector<16xf32> to vector<1x1x16xf32>
        tpu.vector_store %arg7[%parallel_loop3A_2179, %parallel_loop3A_2180, %parallel_loop3A_2181], %parallel_loop3A_2184 {strides = array<i32>} : memref<3x32x1024xf32, #tpu.memory_space<vmem>>, vector<1x1x16xf32>,
        %parallel_loop3A_2185 = arith.constant 16 : i32
        %parallel_loop3A_2186 = arith.addi %parallel_loop3A_2185, %scan3A_2139 : i32
        %parallel_loop3A_2187 = arith.constant 0 : i32
        %parallel_loop3A_2188 = arith.index_cast %parallel_loop3A_2187 : i32 to index
        %parallel_loop3A_2189 = arith.index_cast %parallel_loop3A_2186 : i32 to index
        %parallel_loop3A_2190 = arith.index_cast %parallel_loop3A_2142 : i32 to index
        %parallel_loop3A_2191 = tpu.vector_load %arg7[%parallel_loop3A_2188, %parallel_loop3A_2189, %parallel_loop3A_2190] {strides = array<i32>} : memref<3x32x1024xf32, #tpu.memory_space<vmem>>, vector<1x1x16xf32>,
        %parallel_loop3A_2192 = vector.shape_cast %parallel_loop3A_2191 : vector<1x1x16xf32> to vector<16xf32>
        %parallel_loop3A_2193 = arith.addf %parallel_loop3A_2192, %parallel_loop3A_2148 : vector<16xf32>
        %parallel_loop3A_2194 = arith.constant 16 : i32
        %parallel_loop3A_2195 = arith.addi %parallel_loop3A_2194, %scan3A_2139 : i32
        %parallel_loop3A_2196 = arith.constant 0 : i32
        %parallel_loop3A_2197 = arith.index_cast %parallel_loop3A_2196 : i32 to index
        %parallel_loop3A_2198 = arith.index_cast %parallel_loop3A_2195 : i32 to index
        %parallel_loop3A_2199 = arith.index_cast %parallel_loop3A_2142 : i32 to index
        %parallel_loop3A_2200 = tpu.vector_load %arg7[%parallel_loop3A_2197, %parallel_loop3A_2198, %parallel_loop3A_2199] {strides = array<i32>} : memref<3x32x1024xf32, #tpu.memory_space<vmem>>, vector<1x1x16xf32>,
        %parallel_loop3A_2201 = vector.shape_cast %parallel_loop3A_2200 : vector<1x1x16xf32> to vector<16xf32>
        %parallel_loop3A_2202 = vector.shape_cast %parallel_loop3A_2193 : vector<16xf32> to vector<1x1x16xf32>
        tpu.vector_store %arg7[%parallel_loop3A_2197, %parallel_loop3A_2198, %parallel_loop3A_2199], %parallel_loop3A_2202 {strides = array<i32>} : memref<3x32x1024xf32, #tpu.memory_space<vmem>>, vector<1x1x16xf32>,
        %parallel_loop3A_2203 = arith.constant 24 : i32
        %parallel_loop3A_2204 = arith.addi %parallel_loop3A_2203, %scan3A_2139 : i32
        %parallel_loop3A_2205 = arith.constant 0 : i32
        %parallel_loop3A_2206 = arith.index_cast %parallel_loop3A_2205 : i32 to index
        %parallel_loop3A_2207 = arith.index_cast %parallel_loop3A_2204 : i32 to index
        %parallel_loop3A_2208 = arith.index_cast %parallel_loop3A_2142 : i32 to index
        %parallel_loop3A_2209 = tpu.vector_load %arg7[%parallel_loop3A_2206, %parallel_loop3A_2207, %parallel_loop3A_2208] {strides = array<i32>} : memref<3x32x1024xf32, #tpu.memory_space<vmem>>, vector<1x1x16xf32>,
        %parallel_loop3A_2210 = vector.shape_cast %parallel_loop3A_2209 : vector<1x1x16xf32> to vector<16xf32>
        %parallel_loop3A_2211 = arith.addf %parallel_loop3A_2210, %parallel_loop3A_2148 : vector<16xf32>
        %parallel_loop3A_2212 = arith.constant 24 : i32
        %parallel_loop3A_2213 = arith.addi %parallel_loop3A_2212, %scan3A_2139 : i32
        %parallel_loop3A_2214 = arith.constant 0 : i32
        %parallel_loop3A_2215 = arith.index_cast %parallel_loop3A_2214 : i32 to index
        %parallel_loop3A_2216 = arith.index_cast %parallel_loop3A_2213 : i32 to index
        %parallel_loop3A_2217 = arith.index_cast %parallel_loop3A_2142 : i32 to index
        %parallel_loop3A_2218 = tpu.vector_load %arg7[%parallel_loop3A_2215, %parallel_loop3A_2216, %parallel_loop3A_2217] {strides = array<i32>} : memref<3x32x1024xf32, #tpu.memory_space<vmem>>, vector<1x1x16xf32>,
        %parallel_loop3A_2219 = vector.shape_cast %parallel_loop3A_2218 : vector<1x1x16xf32> to vector<16xf32>
        %parallel_loop3A_2220 = vector.shape_cast %parallel_loop3A_2211 : vector<16xf32> to vector<1x1x16xf32>
        tpu.vector_store %arg7[%parallel_loop3A_2215, %parallel_loop3A_2216, %parallel_loop3A_2217], %parallel_loop3A_2220 {strides = array<i32>} : memref<3x32x1024xf32, #tpu.memory_space<vmem>>, vector<1x1x16xf32>,
      } {sc.loop_unroll_factor = 8 : i64, sc.parallel_access}
    }
    %scan3A_937 = arith.constant 8 : i32
    %add3A_938 = arith.constant 24 : i32
    %add3A_939 = arith.addi %mul3A_2, %add3A_938 : i32
    %dma_start3A_940 = arith.constant 0 : i32
    %dma_start3A_941 = arith.constant 0 : i32
    %dma_start3A_942 = arith.constant 0 : i32
    %dma_start3A_943 = arith.constant 0 : i32
    %dma_start3A_944 = tpu.memref_slice %arg7[%dma_start3A_940, %dma_start3A_942, %dma_start3A_943] : memref<3x32x1024xf32, #tpu.memory_space<vmem>> -> memref<1x8x1024xf32, #tpu.memory_space<vmem>>
    %dma_start3A_945 = tpu.memref_squeeze %dma_start3A_944 : memref<1x8x1024xf32, #tpu.memory_space<vmem>> -> memref<8x1024xf32, #tpu.memory_space<vmem>>
    %dma_start3A_946 = arith.constant 0 : i32
    %dma_start3A_947 = tpu.memref_slice %arg5[%dma_start3A_941, %add3A_939, %dma_start3A_946] : memref<4x2048x1024xf32, #tpu.memory_space<hbm>> -> memref<1x8x1024xf32, #tpu.memory_space<hbm>>
    %dma_start3A_948 = tpu.memref_squeeze %dma_start3A_947 : memref<1x8x1024xf32, #tpu.memory_space<hbm>> -> memref<8x1024xf32, #tpu.memory_space<hbm>>
    %dma_start3A_949 = arith.constant 0 : i32
    %dma_start3A_950 = tpu.memref_slice %arg5[%dma_start3A_941, %add3A_939, %dma_start3A_949] : memref<4x2048x1024xf32, #tpu.memory_space<hbm>> -> memref<1x8x1024xf32, #tpu.memory_space<hbm>>
    %dma_start3A_951 = tpu.memref_squeeze %dma_start3A_950 : memref<1x8x1024xf32, #tpu.memory_space<hbm>> -> memref<8x1024xf32, #tpu.memory_space<hbm>>
    %dma_start3A_952 = arith.constant 0 : i32
    %dma_start3A_953 = arith.constant 0 : i32
    %dma_start3A_954 = tpu.memref_slice %arg7[%dma_start3A_940, %dma_start3A_952, %dma_start3A_953] : memref<3x32x1024xf32, #tpu.memory_space<vmem>> -> memref<1x8x1024xf32, #tpu.memory_space<vmem>>
    %dma_start3A_955 = tpu.memref_squeeze %dma_start3A_954 : memref<1x8x1024xf32, #tpu.memory_space<vmem>> -> memref<8x1024xf32, #tpu.memory_space<vmem>>
    tpu.enqueue_dma source(%dma_start3A_955 : memref<8x1024xf32, #tpu.memory_space<vmem>>) target(%dma_start3A_951 : memref<8x1024xf32, #tpu.memory_space<hbm>>) target_semaphore(%arg15 : memref<!tpu.dma_semaphore, #tpu.memory_space<semaphore_mem>>)
    %add3A_956 = arith.constant 24 : i32
    %add3A_957 = arith.addi %mul3A_2, %add3A_956 : i32
    %dma_start3A_958 = arith.constant 0 : i32
    %dma_start3A_959 = arith.constant 1 : i32
    %dma_start3A_960 = arith.constant 8 : i32
    %dma_start3A_961 = arith.constant 0 : i32
    %dma_start3A_962 = tpu.memref_slice %arg7[%dma_start3A_958, %dma_start3A_960, %dma_start3A_961] : memref<3x32x1024xf32, #tpu.memory_space<vmem>> -> memref<1x8x1024xf32, #tpu.memory_space<vmem>>
    %dma_start3A_963 = tpu.memref_squeeze %dma_start3A_962 : memref<1x8x1024xf32, #tpu.memory_space<vmem>> -> memref<8x1024xf32, #tpu.memory_space<vmem>>
    %dma_start3A_964 = arith.constant 0 : i32
    %dma_start3A_965 = tpu.memref_slice %arg5[%dma_start3A_959, %add3A_957, %dma_start3A_964] : memref<4x2048x1024xf32, #tpu.memory_space<hbm>> -> memref<1x8x1024xf32, #tpu.memory_space<hbm>>
    %dma_start3A_966 = tpu.memref_squeeze %dma_start3A_965 : memref<1x8x1024xf32, #tpu.memory_space<hbm>> -> memref<8x1024xf32, #tpu.memory_space<hbm>>
    %dma_start3A_967 = arith.constant 0 : i32
    %dma_start3A_968 = tpu.memref_slice %arg5[%dma_start3A_959, %add3A_957, %dma_start3A_967] : memref<4x2048x1024xf32, #tpu.memory_space<hbm>> -> memref<1x8x1024xf32, #tpu.memory_space<hbm>>
    %dma_start3A_969 = tpu.memref_squeeze %dma_start3A_968 : memref<1x8x1024xf32, #tpu.memory_space<hbm>> -> memref<8x1024xf32, #tpu.memory_space<hbm>>
    %dma_start3A_970 = arith.constant 8 : i32
    %dma_start3A_971 = arith.constant 0 : i32
    %dma_start3A_972 = tpu.memref_slice %arg7[%dma_start3A_958, %dma_start3A_970, %dma_start3A_971] : memref<3x32x1024xf32, #tpu.memory_space<vmem>> -> memref<1x8x1024xf32, #tpu.memory_space<vmem>>
    %dma_start3A_973 = tpu.memref_squeeze %dma_start3A_972 : memref<1x8x1024xf32, #tpu.memory_space<vmem>> -> memref<8x1024xf32, #tpu.memory_space<vmem>>
    tpu.enqueue_dma source(%dma_start3A_973 : memref<8x1024xf32, #tpu.memory_space<vmem>>) target(%dma_start3A_969 : memref<8x1024xf32, #tpu.memory_space<hbm>>) target_semaphore(%arg15 : memref<!tpu.dma_semaphore, #tpu.memory_space<semaphore_mem>>)
    %add3A_974 = arith.constant 24 : i32
    %add3A_975 = arith.addi %mul3A_2, %add3A_974 : i32
    %dma_start3A_976 = arith.constant 0 : i32
    %dma_start3A_977 = arith.constant 2 : i32
    %dma_start3A_978 = arith.constant 16 : i32
    %dma_start3A_979 = arith.constant 0 : i32
    %dma_start3A_980 = tpu.memref_slice %arg7[%dma_start3A_976, %dma_start3A_978, %dma_start3A_979] : memref<3x32x1024xf32, #tpu.memory_space<vmem>> -> memref<1x8x1024xf32, #tpu.memory_space<vmem>>
    %dma_start3A_981 = tpu.memref_squeeze %dma_start3A_980 : memref<1x8x1024xf32, #tpu.memory_space<vmem>> -> memref<8x1024xf32, #tpu.memory_space<vmem>>
    %dma_start3A_982 = arith.constant 0 : i32
    %dma_start3A_983 = tpu.memref_slice %arg5[%dma_start3A_977, %add3A_975, %dma_start3A_982] : memref<4x2048x1024xf32, #tpu.memory_space<hbm>> -> memref<1x8x1024xf32, #tpu.memory_space<hbm>>
    %dma_start3A_984 = tpu.memref_squeeze %dma_start3A_983 : memref<1x8x1024xf32, #tpu.memory_space<hbm>> -> memref<8x1024xf32, #tpu.memory_space<hbm>>
    %dma_start3A_985 = arith.constant 0 : i32
    %dma_start3A_986 = tpu.memref_slice %arg5[%dma_start3A_977, %add3A_975, %dma_start3A_985] : memref<4x2048x1024xf32, #tpu.memory_space<hbm>> -> memref<1x8x1024xf32, #tpu.memory_space<hbm>>
    %dma_start3A_987 = tpu.memref_squeeze %dma_start3A_986 : memref<1x8x1024xf32, #tpu.memory_space<hbm>> -> memref<8x1024xf32, #tpu.memory_space<hbm>>
    %dma_start3A_988 = arith.constant 16 : i32
    %dma_start3A_989 = arith.constant 0 : i32
    %dma_start3A_990 = tpu.memref_slice %arg7[%dma_start3A_976, %dma_start3A_988, %dma_start3A_989] : memref<3x32x1024xf32, #tpu.memory_space<vmem>> -> memref<1x8x1024xf32, #tpu.memory_space<vmem>>
    %dma_start3A_991 = tpu.memref_squeeze %dma_start3A_990 : memref<1x8x1024xf32, #tpu.memory_space<vmem>> -> memref<8x1024xf32, #tpu.memory_space<vmem>>
    tpu.enqueue_dma source(%dma_start3A_991 : memref<8x1024xf32, #tpu.memory_space<vmem>>) target(%dma_start3A_987 : memref<8x1024xf32, #tpu.memory_space<hbm>>) target_semaphore(%arg15 : memref<!tpu.dma_semaphore, #tpu.memory_space<semaphore_mem>>)
    %add3A_992 = arith.constant 24 : i32
    %add3A_993 = arith.addi %mul3A_2, %add3A_992 : i32
    %dma_start3A_994 = arith.constant 0 : i32
    %dma_start3A_995 = arith.constant 3 : i32
    %dma_start3A_996 = arith.constant 24 : i32
    %dma_start3A_997 = arith.constant 0 : i32
    %dma_start3A_998 = tpu.memref_slice %arg7[%dma_start3A_994, %dma_start3A_996, %dma_start3A_997] : memref<3x32x1024xf32, #tpu.memory_space<vmem>> -> memref<1x8x1024xf32, #tpu.memory_space<vmem>>
    %dma_start3A_999 = tpu.memref_squeeze %dma_start3A_998 : memref<1x8x1024xf32, #tpu.memory_space<vmem>> -> memref<8x1024xf32, #tpu.memory_space<vmem>>
    %dma_start3A_1000 = arith.constant 0 : i32
    %dma_start3A_1001 = tpu.memref_slice %arg5[%dma_start3A_995, %add3A_993, %dma_start3A_1000] : memref<4x2048x1024xf32, #tpu.memory_space<hbm>> -> memref<1x8x1024xf32, #tpu.memory_space<hbm>>
    %dma_start3A_1002 = tpu.memref_squeeze %dma_start3A_1001 : memref<1x8x1024xf32, #tpu.memory_space<hbm>> -> memref<8x1024xf32, #tpu.memory_space<hbm>>
    %dma_start3A_1003 = arith.constant 0 : i32
    %dma_start3A_1004 = tpu.memref_slice %arg5[%dma_start3A_995, %add3A_993, %dma_start3A_1003] : memref<4x2048x1024xf32, #tpu.memory_space<hbm>> -> memref<1x8x1024xf32, #tpu.memory_space<hbm>>
    %dma_start3A_1005 = tpu.memref_squeeze %dma_start3A_1004 : memref<1x8x1024xf32, #tpu.memory_space<hbm>> -> memref<8x1024xf32, #tpu.memory_space<hbm>>
    %dma_start3A_1006 = arith.constant 24 : i32
    %dma_start3A_1007 = arith.constant 0 : i32
    %dma_start3A_1008 = tpu.memref_slice %arg7[%dma_start3A_994, %dma_start3A_1006, %dma_start3A_1007] : memref<3x32x1024xf32, #tpu.memory_space<vmem>> -> memref<1x8x1024xf32, #tpu.memory_space<vmem>>
    %dma_start3A_1009 = tpu.memref_squeeze %dma_start3A_1008 : memref<1x8x1024xf32, #tpu.memory_space<vmem>> -> memref<8x1024xf32, #tpu.memory_space<vmem>>
    tpu.enqueue_dma source(%dma_start3A_1009 : memref<8x1024xf32, #tpu.memory_space<vmem>>) target(%dma_start3A_1005 : memref<8x1024xf32, #tpu.memory_space<hbm>>) target_semaphore(%arg15 : memref<!tpu.dma_semaphore, #tpu.memory_space<semaphore_mem>>)
    %dma_wait3A_1010 = arith.constant 2 : i32
    %dma_wait3A_1011 = arith.constant 0 : i32
    %dma_wait3A_1012 = arith.constant 0 : i32
    %dma_wait3A_1013 = arith.constant 0 : i32
    %dma_wait3A_1014 = tpu.memref_slice %arg7[%dma_wait3A_1010, %dma_wait3A_1012, %dma_wait3A_1013] : memref<3x32x1024xf32, #tpu.memory_space<vmem>> -> memref<1x8x1024xf32, #tpu.memory_space<vmem>>
    %dma_wait3A_1015 = tpu.memref_squeeze %dma_wait3A_1014 : memref<1x8x1024xf32, #tpu.memory_space<vmem>> -> memref<8x1024xf32, #tpu.memory_space<vmem>>
    %dma_wait3A_1016 = arith.constant 0 : i32
    %dma_wait3A_1017 = tpu.memref_slice %arg5[%dma_wait3A_1011, %add3A_673, %dma_wait3A_1016] : memref<4x2048x1024xf32, #tpu.memory_space<hbm>> -> memref<1x8x1024xf32, #tpu.memory_space<hbm>>
    %dma_wait3A_1018 = tpu.memref_squeeze %dma_wait3A_1017 : memref<1x8x1024xf32, #tpu.memory_space<hbm>> -> memref<8x1024xf32, #tpu.memory_space<hbm>>
    %dma_wait3A_1019 = arith.constant 0 : i32
    %dma_wait3A_1020 = tpu.memref_slice %arg5[%dma_wait3A_1011, %add3A_673, %dma_wait3A_1019] : memref<4x2048x1024xf32, #tpu.memory_space<hbm>> -> memref<1x8x1024xf32, #tpu.memory_space<hbm>>
    %dma_wait3A_1021 = tpu.memref_squeeze %dma_wait3A_1020 : memref<1x8x1024xf32, #tpu.memory_space<hbm>> -> memref<8x1024xf32, #tpu.memory_space<hbm>>
    %dma_wait3A_1022 = arith.constant 0 : i32
    %dma_wait3A_1023 = arith.constant 0 : i32
    %dma_wait3A_1024 = tpu.memref_slice %arg7[%dma_wait3A_1010, %dma_wait3A_1022, %dma_wait3A_1023] : memref<3x32x1024xf32, #tpu.memory_space<vmem>> -> memref<1x8x1024xf32, #tpu.memory_space<vmem>>
    %dma_wait3A_1025 = tpu.memref_squeeze %dma_wait3A_1024 : memref<1x8x1024xf32, #tpu.memory_space<vmem>> -> memref<8x1024xf32, #tpu.memory_space<vmem>>
    tpu.wait_dma2 semaphore(%arg17 : memref<!tpu.dma_semaphore, #tpu.memory_space<semaphore_mem>>) src(%dma_wait3A_1025 : memref<8x1024xf32, #tpu.memory_space<vmem>>) dst(%dma_wait3A_1021 : memref<8x1024xf32, #tpu.memory_space<hbm>>)
    %dma_wait3A_1026 = arith.constant 2 : i32
    %dma_wait3A_1027 = arith.constant 1 : i32
    %dma_wait3A_1028 = arith.constant 8 : i32
    %dma_wait3A_1029 = arith.constant 0 : i32
    %dma_wait3A_1030 = tpu.memref_slice %arg7[%dma_wait3A_1026, %dma_wait3A_1028, %dma_wait3A_1029] : memref<3x32x1024xf32, #tpu.memory_space<vmem>> -> memref<1x8x1024xf32, #tpu.memory_space<vmem>>
    %dma_wait3A_1031 = tpu.memref_squeeze %dma_wait3A_1030 : memref<1x8x1024xf32, #tpu.memory_space<vmem>> -> memref<8x1024xf32, #tpu.memory_space<vmem>>
    %dma_wait3A_1032 = arith.constant 0 : i32
    %dma_wait3A_1033 = tpu.memref_slice %arg5[%dma_wait3A_1027, %add3A_691, %dma_wait3A_1032] : memref<4x2048x1024xf32, #tpu.memory_space<hbm>> -> memref<1x8x1024xf32, #tpu.memory_space<hbm>>
    %dma_wait3A_1034 = tpu.memref_squeeze %dma_wait3A_1033 : memref<1x8x1024xf32, #tpu.memory_space<hbm>> -> memref<8x1024xf32, #tpu.memory_space<hbm>>
    %dma_wait3A_1035 = arith.constant 0 : i32
    %dma_wait3A_1036 = tpu.memref_slice %arg5[%dma_wait3A_1027, %add3A_691, %dma_wait3A_1035] : memref<4x2048x1024xf32, #tpu.memory_space<hbm>> -> memref<1x8x1024xf32, #tpu.memory_space<hbm>>
    %dma_wait3A_1037 = tpu.memref_squeeze %dma_wait3A_1036 : memref<1x8x1024xf32, #tpu.memory_space<hbm>> -> memref<8x1024xf32, #tpu.memory_space<hbm>>
    %dma_wait3A_1038 = arith.constant 8 : i32
    %dma_wait3A_1039 = arith.constant 0 : i32
    %dma_wait3A_1040 = tpu.memref_slice %arg7[%dma_wait3A_1026, %dma_wait3A_1038, %dma_wait3A_1039] : memref<3x32x1024xf32, #tpu.memory_space<vmem>> -> memref<1x8x1024xf32, #tpu.memory_space<vmem>>
    %dma_wait3A_1041 = tpu.memref_squeeze %dma_wait3A_1040 : memref<1x8x1024xf32, #tpu.memory_space<vmem>> -> memref<8x1024xf32, #tpu.memory_space<vmem>>
    tpu.wait_dma2 semaphore(%arg17 : memref<!tpu.dma_semaphore, #tpu.memory_space<semaphore_mem>>) src(%dma_wait3A_1041 : memref<8x1024xf32, #tpu.memory_space<vmem>>) dst(%dma_wait3A_1037 : memref<8x1024xf32, #tpu.memory_space<hbm>>)
    %dma_wait3A_1042 = arith.constant 2 : i32
    %dma_wait3A_1043 = arith.constant 2 : i32
    %dma_wait3A_1044 = arith.constant 16 : i32
    %dma_wait3A_1045 = arith.constant 0 : i32
    %dma_wait3A_1046 = tpu.memref_slice %arg7[%dma_wait3A_1042, %dma_wait3A_1044, %dma_wait3A_1045] : memref<3x32x1024xf32, #tpu.memory_space<vmem>> -> memref<1x8x1024xf32, #tpu.memory_space<vmem>>
    %dma_wait3A_1047 = tpu.memref_squeeze %dma_wait3A_1046 : memref<1x8x1024xf32, #tpu.memory_space<vmem>> -> memref<8x1024xf32, #tpu.memory_space<vmem>>
    %dma_wait3A_1048 = arith.constant 0 : i32
    %dma_wait3A_1049 = tpu.memref_slice %arg5[%dma_wait3A_1043, %add3A_709, %dma_wait3A_1048] : memref<4x2048x1024xf32, #tpu.memory_space<hbm>> -> memref<1x8x1024xf32, #tpu.memory_space<hbm>>
    %dma_wait3A_1050 = tpu.memref_squeeze %dma_wait3A_1049 : memref<1x8x1024xf32, #tpu.memory_space<hbm>> -> memref<8x1024xf32, #tpu.memory_space<hbm>>
    %dma_wait3A_1051 = arith.constant 0 : i32
    %dma_wait3A_1052 = tpu.memref_slice %arg5[%dma_wait3A_1043, %add3A_709, %dma_wait3A_1051] : memref<4x2048x1024xf32, #tpu.memory_space<hbm>> -> memref<1x8x1024xf32, #tpu.memory_space<hbm>>
    %dma_wait3A_1053 = tpu.memref_squeeze %dma_wait3A_1052 : memref<1x8x1024xf32, #tpu.memory_space<hbm>> -> memref<8x1024xf32, #tpu.memory_space<hbm>>
    %dma_wait3A_1054 = arith.constant 16 : i32
    %dma_wait3A_1055 = arith.constant 0 : i32
    %dma_wait3A_1056 = tpu.memref_slice %arg7[%dma_wait3A_1042, %dma_wait3A_1054, %dma_wait3A_1055] : memref<3x32x1024xf32, #tpu.memory_space<vmem>> -> memref<1x8x1024xf32, #tpu.memory_space<vmem>>
    %dma_wait3A_1057 = tpu.memref_squeeze %dma_wait3A_1056 : memref<1x8x1024xf32, #tpu.memory_space<vmem>> -> memref<8x1024xf32, #tpu.memory_space<vmem>>
    tpu.wait_dma2 semaphore(%arg17 : memref<!tpu.dma_semaphore, #tpu.memory_space<semaphore_mem>>) src(%dma_wait3A_1057 : memref<8x1024xf32, #tpu.memory_space<vmem>>) dst(%dma_wait3A_1053 : memref<8x1024xf32, #tpu.memory_space<hbm>>)
    %dma_wait3A_1058 = arith.constant 2 : i32
    %dma_wait3A_1059 = arith.constant 3 : i32
    %dma_wait3A_1060 = arith.constant 24 : i32
    %dma_wait3A_1061 = arith.constant 0 : i32
    %dma_wait3A_1062 = tpu.memref_slice %arg7[%dma_wait3A_1058, %dma_wait3A_1060, %dma_wait3A_1061] : memref<3x32x1024xf32, #tpu.memory_space<vmem>> -> memref<1x8x1024xf32, #tpu.memory_space<vmem>>
    %dma_wait3A_1063 = tpu.memref_squeeze %dma_wait3A_1062 : memref<1x8x1024xf32, #tpu.memory_space<vmem>> -> memref<8x1024xf32, #tpu.memory_space<vmem>>
    %dma_wait3A_1064 = arith.constant 0 : i32
    %dma_wait3A_1065 = tpu.memref_slice %arg5[%dma_wait3A_1059, %add3A_727, %dma_wait3A_1064] : memref<4x2048x1024xf32, #tpu.memory_space<hbm>> -> memref<1x8x1024xf32, #tpu.memory_space<hbm>>
    %dma_wait3A_1066 = tpu.memref_squeeze %dma_wait3A_1065 : memref<1x8x1024xf32, #tpu.memory_space<hbm>> -> memref<8x1024xf32, #tpu.memory_space<hbm>>
    %dma_wait3A_1067 = arith.constant 0 : i32
    %dma_wait3A_1068 = tpu.memref_slice %arg5[%dma_wait3A_1059, %add3A_727, %dma_wait3A_1067] : memref<4x2048x1024xf32, #tpu.memory_space<hbm>> -> memref<1x8x1024xf32, #tpu.memory_space<hbm>>
    %dma_wait3A_1069 = tpu.memref_squeeze %dma_wait3A_1068 : memref<1x8x1024xf32, #tpu.memory_space<hbm>> -> memref<8x1024xf32, #tpu.memory_space<hbm>>
    %dma_wait3A_1070 = arith.constant 24 : i32
    %dma_wait3A_1071 = arith.constant 0 : i32
    %dma_wait3A_1072 = tpu.memref_slice %arg7[%dma_wait3A_1058, %dma_wait3A_1070, %dma_wait3A_1071] : memref<3x32x1024xf32, #tpu.memory_space<vmem>> -> memref<1x8x1024xf32, #tpu.memory_space<vmem>>
    %dma_wait3A_1073 = tpu.memref_squeeze %dma_wait3A_1072 : memref<1x8x1024xf32, #tpu.memory_space<vmem>> -> memref<8x1024xf32, #tpu.memory_space<vmem>>
    tpu.wait_dma2 semaphore(%arg17 : memref<!tpu.dma_semaphore, #tpu.memory_space<semaphore_mem>>) src(%dma_wait3A_1073 : memref<8x1024xf32, #tpu.memory_space<vmem>>) dst(%dma_wait3A_1069 : memref<8x1024xf32, #tpu.memory_space<hbm>>)
    %dma_start3A_1074 = arith.constant 0 : i32
    %dma_start3A_1075 = arith.constant 2 : i32
    %dma_start3A_1076 = arith.constant 0 : i32
    %dma_start3A_1077 = arith.constant 0 : i32
    %dma_start3A_1078 = tpu.memref_slice %arg7[%dma_start3A_1075, %dma_start3A_1076, %dma_start3A_1077] : memref<3x32x1024xf32, #tpu.memory_space<vmem>> -> memref<1x8x1024xf32, #tpu.memory_space<vmem>>
    %dma_start3A_1079 = tpu.memref_squeeze %dma_start3A_1078 : memref<1x8x1024xf32, #tpu.memory_space<vmem>> -> memref<8x1024xf32, #tpu.memory_space<vmem>>
    %dma_start3A_1080 = arith.constant 40 : i32
    %dma_start3A_1081 = tpu.memref_slice %arg6[%dma_start3A_1074, %dma_start3A_1080] : memref<4x64xi32, #tpu.memory_space<vmem>> -> memref<1x8xi32, #tpu.memory_space<vmem>>
    %dma_start3A_1082 = tpu.memref_squeeze %dma_start3A_1081 : memref<1x8xi32, #tpu.memory_space<vmem>> -> memref<8xi32, #tpu.memory_space<vmem>>
    %dma_start3A_1083 = arith.constant 0 : i32
    %dma_start3A_1084 = arith.constant 0 : i32
    %dma_start3A_1085 = tpu.memref_slice %arg3[%dma_start3A_1083, %dma_start3A_1084] : memref<100000x1024xf32, #tpu.memory_space<hbm>> -> memref<100000x1024xf32, #tpu.memory_space<hbm>>
    tpu.enqueue_indirect_dma source(%dma_start3A_1085 : memref<100000x1024xf32, #tpu.memory_space<hbm>>) target(%dma_start3A_1079 : memref<8x1024xf32, #tpu.memory_space<vmem>>) offsets(%dma_start3A_1082 : memref<8xi32, #tpu.memory_space<vmem>>) semaphore(%arg11 : memref<!tpu.dma_semaphore, #tpu.memory_space<semaphore_mem>>)
    %dma_start3A_1086 = arith.constant 1 : i32
    %dma_start3A_1087 = arith.constant 2 : i32
    %dma_start3A_1088 = arith.constant 8 : i32
    %dma_start3A_1089 = arith.constant 0 : i32
    %dma_start3A_1090 = tpu.memref_slice %arg7[%dma_start3A_1087, %dma_start3A_1088, %dma_start3A_1089] : memref<3x32x1024xf32, #tpu.memory_space<vmem>> -> memref<1x8x1024xf32, #tpu.memory_space<vmem>>
    %dma_start3A_1091 = tpu.memref_squeeze %dma_start3A_1090 : memref<1x8x1024xf32, #tpu.memory_space<vmem>> -> memref<8x1024xf32, #tpu.memory_space<vmem>>
    %dma_start3A_1092 = arith.constant 40 : i32
    %dma_start3A_1093 = tpu.memref_slice %arg6[%dma_start3A_1086, %dma_start3A_1092] : memref<4x64xi32, #tpu.memory_space<vmem>> -> memref<1x8xi32, #tpu.memory_space<vmem>>
    %dma_start3A_1094 = tpu.memref_squeeze %dma_start3A_1093 : memref<1x8xi32, #tpu.memory_space<vmem>> -> memref<8xi32, #tpu.memory_space<vmem>>
    %dma_start3A_1095 = arith.constant 0 : i32
    %dma_start3A_1096 = arith.constant 0 : i32
    %dma_start3A_1097 = tpu.memref_slice %arg3[%dma_start3A_1095, %dma_start3A_1096] : memref<100000x1024xf32, #tpu.memory_space<hbm>> -> memref<100000x1024xf32, #tpu.memory_space<hbm>>
    tpu.enqueue_indirect_dma source(%dma_start3A_1097 : memref<100000x1024xf32, #tpu.memory_space<hbm>>) target(%dma_start3A_1091 : memref<8x1024xf32, #tpu.memory_space<vmem>>) offsets(%dma_start3A_1094 : memref<8xi32, #tpu.memory_space<vmem>>) semaphore(%arg11 : memref<!tpu.dma_semaphore, #tpu.memory_space<semaphore_mem>>)
    %dma_start3A_1098 = arith.constant 2 : i32
    %dma_start3A_1099 = arith.constant 2 : i32
    %dma_start3A_1100 = arith.constant 16 : i32
    %dma_start3A_1101 = arith.constant 0 : i32
    %dma_start3A_1102 = tpu.memref_slice %arg7[%dma_start3A_1099, %dma_start3A_1100, %dma_start3A_1101] : memref<3x32x1024xf32, #tpu.memory_space<vmem>> -> memref<1x8x1024xf32, #tpu.memory_space<vmem>>
    %dma_start3A_1103 = tpu.memref_squeeze %dma_start3A_1102 : memref<1x8x1024xf32, #tpu.memory_space<vmem>> -> memref<8x1024xf32, #tpu.memory_space<vmem>>
    %dma_start3A_1104 = arith.constant 40 : i32
    %dma_start3A_1105 = tpu.memref_slice %arg6[%dma_start3A_1098, %dma_start3A_1104] : memref<4x64xi32, #tpu.memory_space<vmem>> -> memref<1x8xi32, #tpu.memory_space<vmem>>
    %dma_start3A_1106 = tpu.memref_squeeze %dma_start3A_1105 : memref<1x8xi32, #tpu.memory_space<vmem>> -> memref<8xi32, #tpu.memory_space<vmem>>
    %dma_start3A_1107 = arith.constant 0 : i32
    %dma_start3A_1108 = arith.constant 0 : i32
    %dma_start3A_1109 = tpu.memref_slice %arg3[%dma_start3A_1107, %dma_start3A_1108] : memref<100000x1024xf32, #tpu.memory_space<hbm>> -> memref<100000x1024xf32, #tpu.memory_space<hbm>>
    tpu.enqueue_indirect_dma source(%dma_start3A_1109 : memref<100000x1024xf32, #tpu.memory_space<hbm>>) target(%dma_start3A_1103 : memref<8x1024xf32, #tpu.memory_space<vmem>>) offsets(%dma_start3A_1106 : memref<8xi32, #tpu.memory_space<vmem>>) semaphore(%arg11 : memref<!tpu.dma_semaphore, #tpu.memory_space<semaphore_mem>>)
    %dma_start3A_1110 = arith.constant 3 : i32
    %dma_start3A_1111 = arith.constant 2 : i32
    %dma_start3A_1112 = arith.constant 24 : i32
    %dma_start3A_1113 = arith.constant 0 : i32
    %dma_start3A_1114 = tpu.memref_slice %arg7[%dma_start3A_1111, %dma_start3A_1112, %dma_start3A_1113] : memref<3x32x1024xf32, #tpu.memory_space<vmem>> -> memref<1x8x1024xf32, #tpu.memory_space<vmem>>
    %dma_start3A_1115 = tpu.memref_squeeze %dma_start3A_1114 : memref<1x8x1024xf32, #tpu.memory_space<vmem>> -> memref<8x1024xf32, #tpu.memory_space<vmem>>
    %dma_start3A_1116 = arith.constant 40 : i32
    %dma_start3A_1117 = tpu.memref_slice %arg6[%dma_start3A_1110, %dma_start3A_1116] : memref<4x64xi32, #tpu.memory_space<vmem>> -> memref<1x8xi32, #tpu.memory_space<vmem>>
    %dma_start3A_1118 = tpu.memref_squeeze %dma_start3A_1117 : memref<1x8xi32, #tpu.memory_space<vmem>> -> memref<8xi32, #tpu.memory_space<vmem>>
    %dma_start3A_1119 = arith.constant 0 : i32
    %dma_start3A_1120 = arith.constant 0 : i32
    %dma_start3A_1121 = tpu.memref_slice %arg3[%dma_start3A_1119, %dma_start3A_1120] : memref<100000x1024xf32, #tpu.memory_space<hbm>> -> memref<100000x1024xf32, #tpu.memory_space<hbm>>
    tpu.enqueue_indirect_dma source(%dma_start3A_1121 : memref<100000x1024xf32, #tpu.memory_space<hbm>>) target(%dma_start3A_1115 : memref<8x1024xf32, #tpu.memory_space<vmem>>) offsets(%dma_start3A_1118 : memref<8xi32, #tpu.memory_space<vmem>>) semaphore(%arg11 : memref<!tpu.dma_semaphore, #tpu.memory_space<semaphore_mem>>)
    %add3A_1122 = arith.constant 40 : i32
    %add3A_1123 = arith.addi %mul3A_2, %add3A_1122 : i32
    %dma_start3A_1124 = arith.constant 2 : i32
    %dma_start3A_1125 = arith.constant 0 : i32
    %dma_start3A_1126 = arith.constant 0 : i32
    %dma_start3A_1127 = tpu.memref_slice %arg8[%dma_start3A_1124, %dma_start3A_1125, %dma_start3A_1126] : memref<3x8x1024xf32, #tpu.memory_space<vmem>> -> memref<1x8x1024xf32, #tpu.memory_space<vmem>>
    %dma_start3A_1128 = tpu.memref_squeeze %dma_start3A_1127 : memref<1x8x1024xf32, #tpu.memory_space<vmem>> -> memref<8x1024xf32, #tpu.memory_space<vmem>>
    %dma_start3A_1129 = arith.constant 0 : i32
    %dma_start3A_1130 = tpu.memref_slice %arg4[%add3A_1123, %dma_start3A_1129] : memref<2048x1024xf32, #tpu.memory_space<hbm>> -> memref<8x1024xf32, #tpu.memory_space<hbm>>
    %dma_start3A_1131 = arith.constant 0 : i32
    %dma_start3A_1132 = arith.constant 0 : i32
    %dma_start3A_1133 = tpu.memref_slice %arg8[%dma_start3A_1124, %dma_start3A_1131, %dma_start3A_1132] : memref<3x8x1024xf32, #tpu.memory_space<vmem>> -> memref<1x8x1024xf32, #tpu.memory_space<vmem>>
    %dma_start3A_1134 = tpu.memref_squeeze %dma_start3A_1133 : memref<1x8x1024xf32, #tpu.memory_space<vmem>> -> memref<8x1024xf32, #tpu.memory_space<vmem>>
    %dma_start3A_1135 = arith.constant 0 : i32
    %dma_start3A_1136 = tpu.memref_slice %arg4[%add3A_1123, %dma_start3A_1135] : memref<2048x1024xf32, #tpu.memory_space<hbm>> -> memref<8x1024xf32, #tpu.memory_space<hbm>>
    tpu.enqueue_dma source(%dma_start3A_1136 : memref<8x1024xf32, #tpu.memory_space<hbm>>) target(%dma_start3A_1134 : memref<8x1024xf32, #tpu.memory_space<vmem>>) target_semaphore(%arg14 : memref<!tpu.dma_semaphore, #tpu.memory_space<semaphore_mem>>)
    %dma_wait3A_1137 = arith.constant 0 : i32
    %dma_wait3A_1138 = arith.constant 1 : i32
    %dma_wait3A_1139 = arith.constant 0 : i32
    %dma_wait3A_1140 = arith.constant 0 : i32
    %dma_wait3A_1141 = tpu.memref_slice %arg7[%dma_wait3A_1138, %dma_wait3A_1139, %dma_wait3A_1140] : memref<3x32x1024xf32, #tpu.memory_space<vmem>> -> memref<1x8x1024xf32, #tpu.memory_space<vmem>>
    %dma_wait3A_1142 = tpu.memref_squeeze %dma_wait3A_1141 : memref<1x8x1024xf32, #tpu.memory_space<vmem>> -> memref<8x1024xf32, #tpu.memory_space<vmem>>
    %dma_wait3A_1143 = arith.constant 32 : i32
    %dma_wait3A_1144 = tpu.memref_slice %arg6[%dma_wait3A_1137, %dma_wait3A_1143] : memref<4x64xi32, #tpu.memory_space<vmem>> -> memref<1x8xi32, #tpu.memory_space<vmem>>
    %dma_wait3A_1145 = tpu.memref_squeeze %dma_wait3A_1144 : memref<1x8xi32, #tpu.memory_space<vmem>> -> memref<8xi32, #tpu.memory_space<vmem>>
    %dma_wait3A_1146 = arith.constant 0 : i32
    %dma_wait3A_1147 = arith.constant 0 : i32
    %dma_wait3A_1148 = tpu.memref_slice %arg3[%dma_wait3A_1146, %dma_wait3A_1147] : memref<100000x1024xf32, #tpu.memory_space<hbm>> -> memref<100000x1024xf32, #tpu.memory_space<hbm>>
    tpu.wait_indirect_dma semaphore(%arg10 : memref<!tpu.dma_semaphore, #tpu.memory_space<semaphore_mem>>) src(%dma_wait3A_1148 : memref<100000x1024xf32, #tpu.memory_space<hbm>>) dst(%dma_wait3A_1142 : memref<8x1024xf32, #tpu.memory_space<vmem>>)
    %dma_wait3A_1149 = arith.constant 1 : i32
    %dma_wait3A_1150 = arith.constant 1 : i32
    %dma_wait3A_1151 = arith.constant 8 : i32
    %dma_wait3A_1152 = arith.constant 0 : i32
    %dma_wait3A_1153 = tpu.memref_slice %arg7[%dma_wait3A_1150, %dma_wait3A_1151, %dma_wait3A_1152] : memref<3x32x1024xf32, #tpu.memory_space<vmem>> -> memref<1x8x1024xf32, #tpu.memory_space<vmem>>
    %dma_wait3A_1154 = tpu.memref_squeeze %dma_wait3A_1153 : memref<1x8x1024xf32, #tpu.memory_space<vmem>> -> memref<8x1024xf32, #tpu.memory_space<vmem>>
    %dma_wait3A_1155 = arith.constant 32 : i32
    %dma_wait3A_1156 = tpu.memref_slice %arg6[%dma_wait3A_1149, %dma_wait3A_1155] : memref<4x64xi32, #tpu.memory_space<vmem>> -> memref<1x8xi32, #tpu.memory_space<vmem>>
    %dma_wait3A_1157 = tpu.memref_squeeze %dma_wait3A_1156 : memref<1x8xi32, #tpu.memory_space<vmem>> -> memref<8xi32, #tpu.memory_space<vmem>>
    %dma_wait3A_1158 = arith.constant 0 : i32
    %dma_wait3A_1159 = arith.constant 0 : i32
    %dma_wait3A_1160 = tpu.memref_slice %arg3[%dma_wait3A_1158, %dma_wait3A_1159] : memref<100000x1024xf32, #tpu.memory_space<hbm>> -> memref<100000x1024xf32, #tpu.memory_space<hbm>>
    tpu.wait_indirect_dma semaphore(%arg10 : memref<!tpu.dma_semaphore, #tpu.memory_space<semaphore_mem>>) src(%dma_wait3A_1160 : memref<100000x1024xf32, #tpu.memory_space<hbm>>) dst(%dma_wait3A_1154 : memref<8x1024xf32, #tpu.memory_space<vmem>>)
    %dma_wait3A_1161 = arith.constant 2 : i32
    %dma_wait3A_1162 = arith.constant 1 : i32
    %dma_wait3A_1163 = arith.constant 16 : i32
    %dma_wait3A_1164 = arith.constant 0 : i32
    %dma_wait3A_1165 = tpu.memref_slice %arg7[%dma_wait3A_1162, %dma_wait3A_1163, %dma_wait3A_1164] : memref<3x32x1024xf32, #tpu.memory_space<vmem>> -> memref<1x8x1024xf32, #tpu.memory_space<vmem>>
    %dma_wait3A_1166 = tpu.memref_squeeze %dma_wait3A_1165 : memref<1x8x1024xf32, #tpu.memory_space<vmem>> -> memref<8x1024xf32, #tpu.memory_space<vmem>>
    %dma_wait3A_1167 = arith.constant 32 : i32
    %dma_wait3A_1168 = tpu.memref_slice %arg6[%dma_wait3A_1161, %dma_wait3A_1167] : memref<4x64xi32, #tpu.memory_space<vmem>> -> memref<1x8xi32, #tpu.memory_space<vmem>>
    %dma_wait3A_1169 = tpu.memref_squeeze %dma_wait3A_1168 : memref<1x8xi32, #tpu.memory_space<vmem>> -> memref<8xi32, #tpu.memory_space<vmem>>
    %dma_wait3A_1170 = arith.constant 0 : i32
    %dma_wait3A_1171 = arith.constant 0 : i32
    %dma_wait3A_1172 = tpu.memref_slice %arg3[%dma_wait3A_1170, %dma_wait3A_1171] : memref<100000x1024xf32, #tpu.memory_space<hbm>> -> memref<100000x1024xf32, #tpu.memory_space<hbm>>
    tpu.wait_indirect_dma semaphore(%arg10 : memref<!tpu.dma_semaphore, #tpu.memory_space<semaphore_mem>>) src(%dma_wait3A_1172 : memref<100000x1024xf32, #tpu.memory_space<hbm>>) dst(%dma_wait3A_1166 : memref<8x1024xf32, #tpu.memory_space<vmem>>)
    %dma_wait3A_1173 = arith.constant 3 : i32
    %dma_wait3A_1174 = arith.constant 1 : i32
    %dma_wait3A_1175 = arith.constant 24 : i32
    %dma_wait3A_1176 = arith.constant 0 : i32
    %dma_wait3A_1177 = tpu.memref_slice %arg7[%dma_wait3A_1174, %dma_wait3A_1175, %dma_wait3A_1176] : memref<3x32x1024xf32, #tpu.memory_space<vmem>> -> memref<1x8x1024xf32, #tpu.memory_space<vmem>>
    %dma_wait3A_1178 = tpu.memref_squeeze %dma_wait3A_1177 : memref<1x8x1024xf32, #tpu.memory_space<vmem>> -> memref<8x1024xf32, #tpu.memory_space<vmem>>
    %dma_wait3A_1179 = arith.constant 32 : i32
    %dma_wait3A_1180 = tpu.memref_slice %arg6[%dma_wait3A_1173, %dma_wait3A_1179] : memref<4x64xi32, #tpu.memory_space<vmem>> -> memref<1x8xi32, #tpu.memory_space<vmem>>
    %dma_wait3A_1181 = tpu.memref_squeeze %dma_wait3A_1180 : memref<1x8xi32, #tpu.memory_space<vmem>> -> memref<8xi32, #tpu.memory_space<vmem>>
    %dma_wait3A_1182 = arith.constant 0 : i32
    %dma_wait3A_1183 = arith.constant 0 : i32
    %dma_wait3A_1184 = tpu.memref_slice %arg3[%dma_wait3A_1182, %dma_wait3A_1183] : memref<100000x1024xf32, #tpu.memory_space<hbm>> -> memref<100000x1024xf32, #tpu.memory_space<hbm>>
    tpu.wait_indirect_dma semaphore(%arg10 : memref<!tpu.dma_semaphore, #tpu.memory_space<semaphore_mem>>) src(%dma_wait3A_1184 : memref<100000x1024xf32, #tpu.memory_space<hbm>>) dst(%dma_wait3A_1178 : memref<8x1024xf32, #tpu.memory_space<vmem>>)
    %dma_wait3A_1185 = arith.constant 1 : i32
    %dma_wait3A_1186 = arith.constant 0 : i32
    %dma_wait3A_1187 = arith.constant 0 : i32
    %dma_wait3A_1188 = tpu.memref_slice %arg8[%dma_wait3A_1185, %dma_wait3A_1186, %dma_wait3A_1187] : memref<3x8x1024xf32, #tpu.memory_space<vmem>> -> memref<1x8x1024xf32, #tpu.memory_space<vmem>>
    %dma_wait3A_1189 = tpu.memref_squeeze %dma_wait3A_1188 : memref<1x8x1024xf32, #tpu.memory_space<vmem>> -> memref<8x1024xf32, #tpu.memory_space<vmem>>
    %dma_wait3A_1190 = arith.constant 0 : i32
    %dma_wait3A_1191 = tpu.memref_slice %arg4[%add3A_857, %dma_wait3A_1190] : memref<2048x1024xf32, #tpu.memory_space<hbm>> -> memref<8x1024xf32, #tpu.memory_space<hbm>>
    %dma_wait3A_1192 = arith.constant 0 : i32
    %dma_wait3A_1193 = arith.constant 0 : i32
    %dma_wait3A_1194 = tpu.memref_slice %arg8[%dma_wait3A_1185, %dma_wait3A_1192, %dma_wait3A_1193] : memref<3x8x1024xf32, #tpu.memory_space<vmem>> -> memref<1x8x1024xf32, #tpu.memory_space<vmem>>
    %dma_wait3A_1195 = tpu.memref_squeeze %dma_wait3A_1194 : memref<1x8x1024xf32, #tpu.memory_space<vmem>> -> memref<8x1024xf32, #tpu.memory_space<vmem>>
    %dma_wait3A_1196 = arith.constant 0 : i32
    %dma_wait3A_1197 = tpu.memref_slice %arg4[%add3A_857, %dma_wait3A_1196] : memref<2048x1024xf32, #tpu.memory_space<hbm>> -> memref<8x1024xf32, #tpu.memory_space<hbm>>
    tpu.wait_dma2 semaphore(%arg13 : memref<!tpu.dma_semaphore, #tpu.memory_space<semaphore_mem>>) src(%dma_wait3A_1197 : memref<8x1024xf32, #tpu.memory_space<hbm>>) dst(%dma_wait3A_1195 : memref<8x1024xf32, #tpu.memory_space<vmem>>)
    %scan3A_1198 = arith.constant 0 : i32
    %scan3A_1199 = arith.constant 0 : i32
    %scan3A_1200 = arith.constant 8 : i32
    %scan3A_1201 = arith.addi %scan3A_1199, %scan3A_1200 : i32
    %scan3A_1202 = arith.constant 1 : i32
    scf.for %scan3A_2139 = %scan3A_1199 to %scan3A_1201 step %scan3A_1202  : i32 {
      %parallel_loop3A = arith.constant 0 : i32
      %parallel_loop3A_2140 = arith.constant 1024 : i32
      %parallel_loop3A_2141 = arith.constant 16 : i32
      scf.for %parallel_loop3A_2142 = %parallel_loop3A to %parallel_loop3A_2140 step %parallel_loop3A_2141  : i32 {
        %parallel_loop3A_2143 = arith.constant 1 : i32
        %parallel_loop3A_2144 = arith.index_cast %parallel_loop3A_2143 : i32 to index
        %parallel_loop3A_2145 = arith.index_cast %scan3A_2139 : i32 to index
        %parallel_loop3A_2146 = arith.index_cast %parallel_loop3A_2142 : i32 to index
        %parallel_loop3A_2147 = tpu.vector_load %arg8[%parallel_loop3A_2144, %parallel_loop3A_2145, %parallel_loop3A_2146] {strides = array<i32>} : memref<3x8x1024xf32, #tpu.memory_space<vmem>>, vector<1x1x16xf32>,
        %parallel_loop3A_2148 = vector.shape_cast %parallel_loop3A_2147 : vector<1x1x16xf32> to vector<16xf32>
        %parallel_loop3A_2149 = arith.constant 0 : i32
        %parallel_loop3A_2150 = arith.addi %parallel_loop3A_2149, %scan3A_2139 : i32
        %parallel_loop3A_2151 = arith.constant 1 : i32
        %parallel_loop3A_2152 = arith.index_cast %parallel_loop3A_2151 : i32 to index
        %parallel_loop3A_2153 = arith.index_cast %parallel_loop3A_2150 : i32 to index
        %parallel_loop3A_2154 = arith.index_cast %parallel_loop3A_2142 : i32 to index
        %parallel_loop3A_2155 = tpu.vector_load %arg7[%parallel_loop3A_2152, %parallel_loop3A_2153, %parallel_loop3A_2154] {strides = array<i32>} : memref<3x32x1024xf32, #tpu.memory_space<vmem>>, vector<1x1x16xf32>,
        %parallel_loop3A_2156 = vector.shape_cast %parallel_loop3A_2155 : vector<1x1x16xf32> to vector<16xf32>
        %parallel_loop3A_2157 = arith.addf %parallel_loop3A_2156, %parallel_loop3A_2148 : vector<16xf32>
        %parallel_loop3A_2158 = arith.constant 0 : i32
        %parallel_loop3A_2159 = arith.addi %parallel_loop3A_2158, %scan3A_2139 : i32
        %parallel_loop3A_2160 = arith.constant 1 : i32
        %parallel_loop3A_2161 = arith.index_cast %parallel_loop3A_2160 : i32 to index
        %parallel_loop3A_2162 = arith.index_cast %parallel_loop3A_2159 : i32 to index
        %parallel_loop3A_2163 = arith.index_cast %parallel_loop3A_2142 : i32 to index
        %parallel_loop3A_2164 = tpu.vector_load %arg7[%parallel_loop3A_2161, %parallel_loop3A_2162, %parallel_loop3A_2163] {strides = array<i32>} : memref<3x32x1024xf32, #tpu.memory_space<vmem>>, vector<1x1x16xf32>,
        %parallel_loop3A_2165 = vector.shape_cast %parallel_loop3A_2164 : vector<1x1x16xf32> to vector<16xf32>
        %parallel_loop3A_2166 = vector.shape_cast %parallel_loop3A_2157 : vector<16xf32> to vector<1x1x16xf32>
        tpu.vector_store %arg7[%parallel_loop3A_2161, %parallel_loop3A_2162, %parallel_loop3A_2163], %parallel_loop3A_2166 {strides = array<i32>} : memref<3x32x1024xf32, #tpu.memory_space<vmem>>, vector<1x1x16xf32>,
        %parallel_loop3A_2167 = arith.constant 8 : i32
        %parallel_loop3A_2168 = arith.addi %parallel_loop3A_2167, %scan3A_2139 : i32
        %parallel_loop3A_2169 = arith.constant 1 : i32
        %parallel_loop3A_2170 = arith.index_cast %parallel_loop3A_2169 : i32 to index
        %parallel_loop3A_2171 = arith.index_cast %parallel_loop3A_2168 : i32 to index
        %parallel_loop3A_2172 = arith.index_cast %parallel_loop3A_2142 : i32 to index
        %parallel_loop3A_2173 = tpu.vector_load %arg7[%parallel_loop3A_2170, %parallel_loop3A_2171, %parallel_loop3A_2172] {strides = array<i32>} : memref<3x32x1024xf32, #tpu.memory_space<vmem>>, vector<1x1x16xf32>,
        %parallel_loop3A_2174 = vector.shape_cast %parallel_loop3A_2173 : vector<1x1x16xf32> to vector<16xf32>
        %parallel_loop3A_2175 = arith.addf %parallel_loop3A_2174, %parallel_loop3A_2148 : vector<16xf32>
        %parallel_loop3A_2176 = arith.constant 8 : i32
        %parallel_loop3A_2177 = arith.addi %parallel_loop3A_2176, %scan3A_2139 : i32
        %parallel_loop3A_2178 = arith.constant 1 : i32
        %parallel_loop3A_2179 = arith.index_cast %parallel_loop3A_2178 : i32 to index
        %parallel_loop3A_2180 = arith.index_cast %parallel_loop3A_2177 : i32 to index
        %parallel_loop3A_2181 = arith.index_cast %parallel_loop3A_2142 : i32 to index
        %parallel_loop3A_2182 = tpu.vector_load %arg7[%parallel_loop3A_2179, %parallel_loop3A_2180, %parallel_loop3A_2181] {strides = array<i32>} : memref<3x32x1024xf32, #tpu.memory_space<vmem>>, vector<1x1x16xf32>,
        %parallel_loop3A_2183 = vector.shape_cast %parallel_loop3A_2182 : vector<1x1x16xf32> to vector<16xf32>
        %parallel_loop3A_2184 = vector.shape_cast %parallel_loop3A_2175 : vector<16xf32> to vector<1x1x16xf32>
        tpu.vector_store %arg7[%parallel_loop3A_2179, %parallel_loop3A_2180, %parallel_loop3A_2181], %parallel_loop3A_2184 {strides = array<i32>} : memref<3x32x1024xf32, #tpu.memory_space<vmem>>, vector<1x1x16xf32>,
        %parallel_loop3A_2185 = arith.constant 16 : i32
        %parallel_loop3A_2186 = arith.addi %parallel_loop3A_2185, %scan3A_2139 : i32
        %parallel_loop3A_2187 = arith.constant 1 : i32
        %parallel_loop3A_2188 = arith.index_cast %parallel_loop3A_2187 : i32 to index
        %parallel_loop3A_2189 = arith.index_cast %parallel_loop3A_2186 : i32 to index
        %parallel_loop3A_2190 = arith.index_cast %parallel_loop3A_2142 : i32 to index
        %parallel_loop3A_2191 = tpu.vector_load %arg7[%parallel_loop3A_2188, %parallel_loop3A_2189, %parallel_loop3A_2190] {strides = array<i32>} : memref<3x32x1024xf32, #tpu.memory_space<vmem>>, vector<1x1x16xf32>,
        %parallel_loop3A_2192 = vector.shape_cast %parallel_loop3A_2191 : vector<1x1x16xf32> to vector<16xf32>
        %parallel_loop3A_2193 = arith.addf %parallel_loop3A_2192, %parallel_loop3A_2148 : vector<16xf32>
        %parallel_loop3A_2194 = arith.constant 16 : i32
        %parallel_loop3A_2195 = arith.addi %parallel_loop3A_2194, %scan3A_2139 : i32
        %parallel_loop3A_2196 = arith.constant 1 : i32
        %parallel_loop3A_2197 = arith.index_cast %parallel_loop3A_2196 : i32 to index
        %parallel_loop3A_2198 = arith.index_cast %parallel_loop3A_2195 : i32 to index
        %parallel_loop3A_2199 = arith.index_cast %parallel_loop3A_2142 : i32 to index
        %parallel_loop3A_2200 = tpu.vector_load %arg7[%parallel_loop3A_2197, %parallel_loop3A_2198, %parallel_loop3A_2199] {strides = array<i32>} : memref<3x32x1024xf32, #tpu.memory_space<vmem>>, vector<1x1x16xf32>,
        %parallel_loop3A_2201 = vector.shape_cast %parallel_loop3A_2200 : vector<1x1x16xf32> to vector<16xf32>
        %parallel_loop3A_2202 = vector.shape_cast %parallel_loop3A_2193 : vector<16xf32> to vector<1x1x16xf32>
        tpu.vector_store %arg7[%parallel_loop3A_2197, %parallel_loop3A_2198, %parallel_loop3A_2199], %parallel_loop3A_2202 {strides = array<i32>} : memref<3x32x1024xf32, #tpu.memory_space<vmem>>, vector<1x1x16xf32>,
        %parallel_loop3A_2203 = arith.constant 24 : i32
        %parallel_loop3A_2204 = arith.addi %parallel_loop3A_2203, %scan3A_2139 : i32
        %parallel_loop3A_2205 = arith.constant 1 : i32
        %parallel_loop3A_2206 = arith.index_cast %parallel_loop3A_2205 : i32 to index
        %parallel_loop3A_2207 = arith.index_cast %parallel_loop3A_2204 : i32 to index
        %parallel_loop3A_2208 = arith.index_cast %parallel_loop3A_2142 : i32 to index
        %parallel_loop3A_2209 = tpu.vector_load %arg7[%parallel_loop3A_2206, %parallel_loop3A_2207, %parallel_loop3A_2208] {strides = array<i32>} : memref<3x32x1024xf32, #tpu.memory_space<vmem>>, vector<1x1x16xf32>,
        %parallel_loop3A_2210 = vector.shape_cast %parallel_loop3A_2209 : vector<1x1x16xf32> to vector<16xf32>
        %parallel_loop3A_2211 = arith.addf %parallel_loop3A_2210, %parallel_loop3A_2148 : vector<16xf32>
        %parallel_loop3A_2212 = arith.constant 24 : i32
        %parallel_loop3A_2213 = arith.addi %parallel_loop3A_2212, %scan3A_2139 : i32
        %parallel_loop3A_2214 = arith.constant 1 : i32
        %parallel_loop3A_2215 = arith.index_cast %parallel_loop3A_2214 : i32 to index
        %parallel_loop3A_2216 = arith.index_cast %parallel_loop3A_2213 : i32 to index
        %parallel_loop3A_2217 = arith.index_cast %parallel_loop3A_2142 : i32 to index
        %parallel_loop3A_2218 = tpu.vector_load %arg7[%parallel_loop3A_2215, %parallel_loop3A_2216, %parallel_loop3A_2217] {strides = array<i32>} : memref<3x32x1024xf32, #tpu.memory_space<vmem>>, vector<1x1x16xf32>,
        %parallel_loop3A_2219 = vector.shape_cast %parallel_loop3A_2218 : vector<1x1x16xf32> to vector<16xf32>
        %parallel_loop3A_2220 = vector.shape_cast %parallel_loop3A_2211 : vector<16xf32> to vector<1x1x16xf32>
        tpu.vector_store %arg7[%parallel_loop3A_2215, %parallel_loop3A_2216, %parallel_loop3A_2217], %parallel_loop3A_2220 {strides = array<i32>} : memref<3x32x1024xf32, #tpu.memory_space<vmem>>, vector<1x1x16xf32>,
      } {sc.loop_unroll_factor = 8 : i64, sc.parallel_access}
    }
    %scan3A_1203 = arith.constant 8 : i32
    %add3A_1204 = arith.constant 32 : i32
    %add3A_1205 = arith.addi %mul3A_2, %add3A_1204 : i32
    %dma_start3A_1206 = arith.constant 1 : i32
    %dma_start3A_1207 = arith.constant 0 : i32
    %dma_start3A_1208 = arith.constant 0 : i32
    %dma_start3A_1209 = arith.constant 0 : i32
    %dma_start3A_1210 = tpu.memref_slice %arg7[%dma_start3A_1206, %dma_start3A_1208, %dma_start3A_1209] : memref<3x32x1024xf32, #tpu.memory_space<vmem>> -> memref<1x8x1024xf32, #tpu.memory_space<vmem>>
    %dma_start3A_1211 = tpu.memref_squeeze %dma_start3A_1210 : memref<1x8x1024xf32, #tpu.memory_space<vmem>> -> memref<8x1024xf32, #tpu.memory_space<vmem>>
    %dma_start3A_1212 = arith.constant 0 : i32
    %dma_start3A_1213 = tpu.memref_slice %arg5[%dma_start3A_1207, %add3A_1205, %dma_start3A_1212] : memref<4x2048x1024xf32, #tpu.memory_space<hbm>> -> memref<1x8x1024xf32, #tpu.memory_space<hbm>>
    %dma_start3A_1214 = tpu.memref_squeeze %dma_start3A_1213 : memref<1x8x1024xf32, #tpu.memory_space<hbm>> -> memref<8x1024xf32, #tpu.memory_space<hbm>>
    %dma_start3A_1215 = arith.constant 0 : i32
    %dma_start3A_1216 = tpu.memref_slice %arg5[%dma_start3A_1207, %add3A_1205, %dma_start3A_1215] : memref<4x2048x1024xf32, #tpu.memory_space<hbm>> -> memref<1x8x1024xf32, #tpu.memory_space<hbm>>
    %dma_start3A_1217 = tpu.memref_squeeze %dma_start3A_1216 : memref<1x8x1024xf32, #tpu.memory_space<hbm>> -> memref<8x1024xf32, #tpu.memory_space<hbm>>
    %dma_start3A_1218 = arith.constant 0 : i32
    %dma_start3A_1219 = arith.constant 0 : i32
    %dma_start3A_1220 = tpu.memref_slice %arg7[%dma_start3A_1206, %dma_start3A_1218, %dma_start3A_1219] : memref<3x32x1024xf32, #tpu.memory_space<vmem>> -> memref<1x8x1024xf32, #tpu.memory_space<vmem>>
    %dma_start3A_1221 = tpu.memref_squeeze %dma_start3A_1220 : memref<1x8x1024xf32, #tpu.memory_space<vmem>> -> memref<8x1024xf32, #tpu.memory_space<vmem>>
    tpu.enqueue_dma source(%dma_start3A_1221 : memref<8x1024xf32, #tpu.memory_space<vmem>>) target(%dma_start3A_1217 : memref<8x1024xf32, #tpu.memory_space<hbm>>) target_semaphore(%arg16 : memref<!tpu.dma_semaphore, #tpu.memory_space<semaphore_mem>>)
    %add3A_1222 = arith.constant 32 : i32
    %add3A_1223 = arith.addi %mul3A_2, %add3A_1222 : i32
    %dma_start3A_1224 = arith.constant 1 : i32
    %dma_start3A_1225 = arith.constant 1 : i32
    %dma_start3A_1226 = arith.constant 8 : i32
    %dma_start3A_1227 = arith.constant 0 : i32
    %dma_start3A_1228 = tpu.memref_slice %arg7[%dma_start3A_1224, %dma_start3A_1226, %dma_start3A_1227] : memref<3x32x1024xf32, #tpu.memory_space<vmem>> -> memref<1x8x1024xf32, #tpu.memory_space<vmem>>
    %dma_start3A_1229 = tpu.memref_squeeze %dma_start3A_1228 : memref<1x8x1024xf32, #tpu.memory_space<vmem>> -> memref<8x1024xf32, #tpu.memory_space<vmem>>
    %dma_start3A_1230 = arith.constant 0 : i32
    %dma_start3A_1231 = tpu.memref_slice %arg5[%dma_start3A_1225, %add3A_1223, %dma_start3A_1230] : memref<4x2048x1024xf32, #tpu.memory_space<hbm>> -> memref<1x8x1024xf32, #tpu.memory_space<hbm>>
    %dma_start3A_1232 = tpu.memref_squeeze %dma_start3A_1231 : memref<1x8x1024xf32, #tpu.memory_space<hbm>> -> memref<8x1024xf32, #tpu.memory_space<hbm>>
    %dma_start3A_1233 = arith.constant 0 : i32
    %dma_start3A_1234 = tpu.memref_slice %arg5[%dma_start3A_1225, %add3A_1223, %dma_start3A_1233] : memref<4x2048x1024xf32, #tpu.memory_space<hbm>> -> memref<1x8x1024xf32, #tpu.memory_space<hbm>>
    %dma_start3A_1235 = tpu.memref_squeeze %dma_start3A_1234 : memref<1x8x1024xf32, #tpu.memory_space<hbm>> -> memref<8x1024xf32, #tpu.memory_space<hbm>>
    %dma_start3A_1236 = arith.constant 8 : i32
    %dma_start3A_1237 = arith.constant 0 : i32
    %dma_start3A_1238 = tpu.memref_slice %arg7[%dma_start3A_1224, %dma_start3A_1236, %dma_start3A_1237] : memref<3x32x1024xf32, #tpu.memory_space<vmem>> -> memref<1x8x1024xf32, #tpu.memory_space<vmem>>
    %dma_start3A_1239 = tpu.memref_squeeze %dma_start3A_1238 : memref<1x8x1024xf32, #tpu.memory_space<vmem>> -> memref<8x1024xf32, #tpu.memory_space<vmem>>
    tpu.enqueue_dma source(%dma_start3A_1239 : memref<8x1024xf32, #tpu.memory_space<vmem>>) target(%dma_start3A_1235 : memref<8x1024xf32, #tpu.memory_space<hbm>>) target_semaphore(%arg16 : memref<!tpu.dma_semaphore, #tpu.memory_space<semaphore_mem>>)
    %add3A_1240 = arith.constant 32 : i32
    %add3A_1241 = arith.addi %mul3A_2, %add3A_1240 : i32
    %dma_start3A_1242 = arith.constant 1 : i32
    %dma_start3A_1243 = arith.constant 2 : i32
    %dma_start3A_1244 = arith.constant 16 : i32
    %dma_start3A_1245 = arith.constant 0 : i32
    %dma_start3A_1246 = tpu.memref_slice %arg7[%dma_start3A_1242, %dma_start3A_1244, %dma_start3A_1245] : memref<3x32x1024xf32, #tpu.memory_space<vmem>> -> memref<1x8x1024xf32, #tpu.memory_space<vmem>>
    %dma_start3A_1247 = tpu.memref_squeeze %dma_start3A_1246 : memref<1x8x1024xf32, #tpu.memory_space<vmem>> -> memref<8x1024xf32, #tpu.memory_space<vmem>>
    %dma_start3A_1248 = arith.constant 0 : i32
    %dma_start3A_1249 = tpu.memref_slice %arg5[%dma_start3A_1243, %add3A_1241, %dma_start3A_1248] : memref<4x2048x1024xf32, #tpu.memory_space<hbm>> -> memref<1x8x1024xf32, #tpu.memory_space<hbm>>
    %dma_start3A_1250 = tpu.memref_squeeze %dma_start3A_1249 : memref<1x8x1024xf32, #tpu.memory_space<hbm>> -> memref<8x1024xf32, #tpu.memory_space<hbm>>
    %dma_start3A_1251 = arith.constant 0 : i32
    %dma_start3A_1252 = tpu.memref_slice %arg5[%dma_start3A_1243, %add3A_1241, %dma_start3A_1251] : memref<4x2048x1024xf32, #tpu.memory_space<hbm>> -> memref<1x8x1024xf32, #tpu.memory_space<hbm>>
    %dma_start3A_1253 = tpu.memref_squeeze %dma_start3A_1252 : memref<1x8x1024xf32, #tpu.memory_space<hbm>> -> memref<8x1024xf32, #tpu.memory_space<hbm>>
    %dma_start3A_1254 = arith.constant 16 : i32
    %dma_start3A_1255 = arith.constant 0 : i32
    %dma_start3A_1256 = tpu.memref_slice %arg7[%dma_start3A_1242, %dma_start3A_1254, %dma_start3A_1255] : memref<3x32x1024xf32, #tpu.memory_space<vmem>> -> memref<1x8x1024xf32, #tpu.memory_space<vmem>>
    %dma_start3A_1257 = tpu.memref_squeeze %dma_start3A_1256 : memref<1x8x1024xf32, #tpu.memory_space<vmem>> -> memref<8x1024xf32, #tpu.memory_space<vmem>>
    tpu.enqueue_dma source(%dma_start3A_1257 : memref<8x1024xf32, #tpu.memory_space<vmem>>) target(%dma_start3A_1253 : memref<8x1024xf32, #tpu.memory_space<hbm>>) target_semaphore(%arg16 : memref<!tpu.dma_semaphore, #tpu.memory_space<semaphore_mem>>)
    %add3A_1258 = arith.constant 32 : i32
    %add3A_1259 = arith.addi %mul3A_2, %add3A_1258 : i32
    %dma_start3A_1260 = arith.constant 1 : i32
    %dma_start3A_1261 = arith.constant 3 : i32
    %dma_start3A_1262 = arith.constant 24 : i32
    %dma_start3A_1263 = arith.constant 0 : i32
    %dma_start3A_1264 = tpu.memref_slice %arg7[%dma_start3A_1260, %dma_start3A_1262, %dma_start3A_1263] : memref<3x32x1024xf32, #tpu.memory_space<vmem>> -> memref<1x8x1024xf32, #tpu.memory_space<vmem>>
    %dma_start3A_1265 = tpu.memref_squeeze %dma_start3A_1264 : memref<1x8x1024xf32, #tpu.memory_space<vmem>> -> memref<8x1024xf32, #tpu.memory_space<vmem>>
    %dma_start3A_1266 = arith.constant 0 : i32
    %dma_start3A_1267 = tpu.memref_slice %arg5[%dma_start3A_1261, %add3A_1259, %dma_start3A_1266] : memref<4x2048x1024xf32, #tpu.memory_space<hbm>> -> memref<1x8x1024xf32, #tpu.memory_space<hbm>>
    %dma_start3A_1268 = tpu.memref_squeeze %dma_start3A_1267 : memref<1x8x1024xf32, #tpu.memory_space<hbm>> -> memref<8x1024xf32, #tpu.memory_space<hbm>>
    %dma_start3A_1269 = arith.constant 0 : i32
    %dma_start3A_1270 = tpu.memref_slice %arg5[%dma_start3A_1261, %add3A_1259, %dma_start3A_1269] : memref<4x2048x1024xf32, #tpu.memory_space<hbm>> -> memref<1x8x1024xf32, #tpu.memory_space<hbm>>
    %dma_start3A_1271 = tpu.memref_squeeze %dma_start3A_1270 : memref<1x8x1024xf32, #tpu.memory_space<hbm>> -> memref<8x1024xf32, #tpu.memory_space<hbm>>
    %dma_start3A_1272 = arith.constant 24 : i32
    %dma_start3A_1273 = arith.constant 0 : i32
    %dma_start3A_1274 = tpu.memref_slice %arg7[%dma_start3A_1260, %dma_start3A_1272, %dma_start3A_1273] : memref<3x32x1024xf32, #tpu.memory_space<vmem>> -> memref<1x8x1024xf32, #tpu.memory_space<vmem>>
    %dma_start3A_1275 = tpu.memref_squeeze %dma_start3A_1274 : memref<1x8x1024xf32, #tpu.memory_space<vmem>> -> memref<8x1024xf32, #tpu.memory_space<vmem>>
    tpu.enqueue_dma source(%dma_start3A_1275 : memref<8x1024xf32, #tpu.memory_space<vmem>>) target(%dma_start3A_1271 : memref<8x1024xf32, #tpu.memory_space<hbm>>) target_semaphore(%arg16 : memref<!tpu.dma_semaphore, #tpu.memory_space<semaphore_mem>>)
    %dma_wait3A_1276 = arith.constant 0 : i32
    %dma_wait3A_1277 = arith.constant 0 : i32
    %dma_wait3A_1278 = arith.constant 0 : i32
    %dma_wait3A_1279 = arith.constant 0 : i32
    %dma_wait3A_1280 = tpu.memref_slice %arg7[%dma_wait3A_1276, %dma_wait3A_1278, %dma_wait3A_1279] : memref<3x32x1024xf32, #tpu.memory_space<vmem>> -> memref<1x8x1024xf32, #tpu.memory_space<vmem>>
    %dma_wait3A_1281 = tpu.memref_squeeze %dma_wait3A_1280 : memref<1x8x1024xf32, #tpu.memory_space<vmem>> -> memref<8x1024xf32, #tpu.memory_space<vmem>>
    %dma_wait3A_1282 = arith.constant 0 : i32
    %dma_wait3A_1283 = tpu.memref_slice %arg5[%dma_wait3A_1277, %add3A_939, %dma_wait3A_1282] : memref<4x2048x1024xf32, #tpu.memory_space<hbm>> -> memref<1x8x1024xf32, #tpu.memory_space<hbm>>
    %dma_wait3A_1284 = tpu.memref_squeeze %dma_wait3A_1283 : memref<1x8x1024xf32, #tpu.memory_space<hbm>> -> memref<8x1024xf32, #tpu.memory_space<hbm>>
    %dma_wait3A_1285 = arith.constant 0 : i32
    %dma_wait3A_1286 = tpu.memref_slice %arg5[%dma_wait3A_1277, %add3A_939, %dma_wait3A_1285] : memref<4x2048x1024xf32, #tpu.memory_space<hbm>> -> memref<1x8x1024xf32, #tpu.memory_space<hbm>>
    %dma_wait3A_1287 = tpu.memref_squeeze %dma_wait3A_1286 : memref<1x8x1024xf32, #tpu.memory_space<hbm>> -> memref<8x1024xf32, #tpu.memory_space<hbm>>
    %dma_wait3A_1288 = arith.constant 0 : i32
    %dma_wait3A_1289 = arith.constant 0 : i32
    %dma_wait3A_1290 = tpu.memref_slice %arg7[%dma_wait3A_1276, %dma_wait3A_1288, %dma_wait3A_1289] : memref<3x32x1024xf32, #tpu.memory_space<vmem>> -> memref<1x8x1024xf32, #tpu.memory_space<vmem>>
    %dma_wait3A_1291 = tpu.memref_squeeze %dma_wait3A_1290 : memref<1x8x1024xf32, #tpu.memory_space<vmem>> -> memref<8x1024xf32, #tpu.memory_space<vmem>>
    tpu.wait_dma2 semaphore(%arg15 : memref<!tpu.dma_semaphore, #tpu.memory_space<semaphore_mem>>) src(%dma_wait3A_1291 : memref<8x1024xf32, #tpu.memory_space<vmem>>) dst(%dma_wait3A_1287 : memref<8x1024xf32, #tpu.memory_space<hbm>>)
    %dma_wait3A_1292 = arith.constant 0 : i32
    %dma_wait3A_1293 = arith.constant 1 : i32
    %dma_wait3A_1294 = arith.constant 8 : i32
    %dma_wait3A_1295 = arith.constant 0 : i32
    %dma_wait3A_1296 = tpu.memref_slice %arg7[%dma_wait3A_1292, %dma_wait3A_1294, %dma_wait3A_1295] : memref<3x32x1024xf32, #tpu.memory_space<vmem>> -> memref<1x8x1024xf32, #tpu.memory_space<vmem>>
    %dma_wait3A_1297 = tpu.memref_squeeze %dma_wait3A_1296 : memref<1x8x1024xf32, #tpu.memory_space<vmem>> -> memref<8x1024xf32, #tpu.memory_space<vmem>>
    %dma_wait3A_1298 = arith.constant 0 : i32
    %dma_wait3A_1299 = tpu.memref_slice %arg5[%dma_wait3A_1293, %add3A_957, %dma_wait3A_1298] : memref<4x2048x1024xf32, #tpu.memory_space<hbm>> -> memref<1x8x1024xf32, #tpu.memory_space<hbm>>
    %dma_wait3A_1300 = tpu.memref_squeeze %dma_wait3A_1299 : memref<1x8x1024xf32, #tpu.memory_space<hbm>> -> memref<8x1024xf32, #tpu.memory_space<hbm>>
    %dma_wait3A_1301 = arith.constant 0 : i32
    %dma_wait3A_1302 = tpu.memref_slice %arg5[%dma_wait3A_1293, %add3A_957, %dma_wait3A_1301] : memref<4x2048x1024xf32, #tpu.memory_space<hbm>> -> memref<1x8x1024xf32, #tpu.memory_space<hbm>>
    %dma_wait3A_1303 = tpu.memref_squeeze %dma_wait3A_1302 : memref<1x8x1024xf32, #tpu.memory_space<hbm>> -> memref<8x1024xf32, #tpu.memory_space<hbm>>
    %dma_wait3A_1304 = arith.constant 8 : i32
    %dma_wait3A_1305 = arith.constant 0 : i32
    %dma_wait3A_1306 = tpu.memref_slice %arg7[%dma_wait3A_1292, %dma_wait3A_1304, %dma_wait3A_1305] : memref<3x32x1024xf32, #tpu.memory_space<vmem>> -> memref<1x8x1024xf32, #tpu.memory_space<vmem>>
    %dma_wait3A_1307 = tpu.memref_squeeze %dma_wait3A_1306 : memref<1x8x1024xf32, #tpu.memory_space<vmem>> -> memref<8x1024xf32, #tpu.memory_space<vmem>>
    tpu.wait_dma2 semaphore(%arg15 : memref<!tpu.dma_semaphore, #tpu.memory_space<semaphore_mem>>) src(%dma_wait3A_1307 : memref<8x1024xf32, #tpu.memory_space<vmem>>) dst(%dma_wait3A_1303 : memref<8x1024xf32, #tpu.memory_space<hbm>>)
    %dma_wait3A_1308 = arith.constant 0 : i32
    %dma_wait3A_1309 = arith.constant 2 : i32
    %dma_wait3A_1310 = arith.constant 16 : i32
    %dma_wait3A_1311 = arith.constant 0 : i32
    %dma_wait3A_1312 = tpu.memref_slice %arg7[%dma_wait3A_1308, %dma_wait3A_1310, %dma_wait3A_1311] : memref<3x32x1024xf32, #tpu.memory_space<vmem>> -> memref<1x8x1024xf32, #tpu.memory_space<vmem>>
    %dma_wait3A_1313 = tpu.memref_squeeze %dma_wait3A_1312 : memref<1x8x1024xf32, #tpu.memory_space<vmem>> -> memref<8x1024xf32, #tpu.memory_space<vmem>>
    %dma_wait3A_1314 = arith.constant 0 : i32
    %dma_wait3A_1315 = tpu.memref_slice %arg5[%dma_wait3A_1309, %add3A_975, %dma_wait3A_1314] : memref<4x2048x1024xf32, #tpu.memory_space<hbm>> -> memref<1x8x1024xf32, #tpu.memory_space<hbm>>
    %dma_wait3A_1316 = tpu.memref_squeeze %dma_wait3A_1315 : memref<1x8x1024xf32, #tpu.memory_space<hbm>> -> memref<8x1024xf32, #tpu.memory_space<hbm>>
    %dma_wait3A_1317 = arith.constant 0 : i32
    %dma_wait3A_1318 = tpu.memref_slice %arg5[%dma_wait3A_1309, %add3A_975, %dma_wait3A_1317] : memref<4x2048x1024xf32, #tpu.memory_space<hbm>> -> memref<1x8x1024xf32, #tpu.memory_space<hbm>>
    %dma_wait3A_1319 = tpu.memref_squeeze %dma_wait3A_1318 : memref<1x8x1024xf32, #tpu.memory_space<hbm>> -> memref<8x1024xf32, #tpu.memory_space<hbm>>
    %dma_wait3A_1320 = arith.constant 16 : i32
    %dma_wait3A_1321 = arith.constant 0 : i32
    %dma_wait3A_1322 = tpu.memref_slice %arg7[%dma_wait3A_1308, %dma_wait3A_1320, %dma_wait3A_1321] : memref<3x32x1024xf32, #tpu.memory_space<vmem>> -> memref<1x8x1024xf32, #tpu.memory_space<vmem>>
    %dma_wait3A_1323 = tpu.memref_squeeze %dma_wait3A_1322 : memref<1x8x1024xf32, #tpu.memory_space<vmem>> -> memref<8x1024xf32, #tpu.memory_space<vmem>>
    tpu.wait_dma2 semaphore(%arg15 : memref<!tpu.dma_semaphore, #tpu.memory_space<semaphore_mem>>) src(%dma_wait3A_1323 : memref<8x1024xf32, #tpu.memory_space<vmem>>) dst(%dma_wait3A_1319 : memref<8x1024xf32, #tpu.memory_space<hbm>>)
    %dma_wait3A_1324 = arith.constant 0 : i32
    %dma_wait3A_1325 = arith.constant 3 : i32
    %dma_wait3A_1326 = arith.constant 24 : i32
    %dma_wait3A_1327 = arith.constant 0 : i32
    %dma_wait3A_1328 = tpu.memref_slice %arg7[%dma_wait3A_1324, %dma_wait3A_1326, %dma_wait3A_1327] : memref<3x32x1024xf32, #tpu.memory_space<vmem>> -> memref<1x8x1024xf32, #tpu.memory_space<vmem>>
    %dma_wait3A_1329 = tpu.memref_squeeze %dma_wait3A_1328 : memref<1x8x1024xf32, #tpu.memory_space<vmem>> -> memref<8x1024xf32, #tpu.memory_space<vmem>>
    %dma_wait3A_1330 = arith.constant 0 : i32
    %dma_wait3A_1331 = tpu.memref_slice %arg5[%dma_wait3A_1325, %add3A_993, %dma_wait3A_1330] : memref<4x2048x1024xf32, #tpu.memory_space<hbm>> -> memref<1x8x1024xf32, #tpu.memory_space<hbm>>
    %dma_wait3A_1332 = tpu.memref_squeeze %dma_wait3A_1331 : memref<1x8x1024xf32, #tpu.memory_space<hbm>> -> memref<8x1024xf32, #tpu.memory_space<hbm>>
    %dma_wait3A_1333 = arith.constant 0 : i32
    %dma_wait3A_1334 = tpu.memref_slice %arg5[%dma_wait3A_1325, %add3A_993, %dma_wait3A_1333] : memref<4x2048x1024xf32, #tpu.memory_space<hbm>> -> memref<1x8x1024xf32, #tpu.memory_space<hbm>>
    %dma_wait3A_1335 = tpu.memref_squeeze %dma_wait3A_1334 : memref<1x8x1024xf32, #tpu.memory_space<hbm>> -> memref<8x1024xf32, #tpu.memory_space<hbm>>
    %dma_wait3A_1336 = arith.constant 24 : i32
    %dma_wait3A_1337 = arith.constant 0 : i32
    %dma_wait3A_1338 = tpu.memref_slice %arg7[%dma_wait3A_1324, %dma_wait3A_1336, %dma_wait3A_1337] : memref<3x32x1024xf32, #tpu.memory_space<vmem>> -> memref<1x8x1024xf32, #tpu.memory_space<vmem>>
    %dma_wait3A_1339 = tpu.memref_squeeze %dma_wait3A_1338 : memref<1x8x1024xf32, #tpu.memory_space<vmem>> -> memref<8x1024xf32, #tpu.memory_space<vmem>>
    tpu.wait_dma2 semaphore(%arg15 : memref<!tpu.dma_semaphore, #tpu.memory_space<semaphore_mem>>) src(%dma_wait3A_1339 : memref<8x1024xf32, #tpu.memory_space<vmem>>) dst(%dma_wait3A_1335 : memref<8x1024xf32, #tpu.memory_space<hbm>>)
    %dma_start3A_1340 = arith.constant 0 : i32
    %dma_start3A_1341 = arith.constant 0 : i32
    %dma_start3A_1342 = arith.constant 0 : i32
    %dma_start3A_1343 = arith.constant 0 : i32
    %dma_start3A_1344 = tpu.memref_slice %arg7[%dma_start3A_1341, %dma_start3A_1342, %dma_start3A_1343] : memref<3x32x1024xf32, #tpu.memory_space<vmem>> -> memref<1x8x1024xf32, #tpu.memory_space<vmem>>
    %dma_start3A_1345 = tpu.memref_squeeze %dma_start3A_1344 : memref<1x8x1024xf32, #tpu.memory_space<vmem>> -> memref<8x1024xf32, #tpu.memory_space<vmem>>
    %dma_start3A_1346 = arith.constant 48 : i32
    %dma_start3A_1347 = tpu.memref_slice %arg6[%dma_start3A_1340, %dma_start3A_1346] : memref<4x64xi32, #tpu.memory_space<vmem>> -> memref<1x8xi32, #tpu.memory_space<vmem>>
    %dma_start3A_1348 = tpu.memref_squeeze %dma_start3A_1347 : memref<1x8xi32, #tpu.memory_space<vmem>> -> memref<8xi32, #tpu.memory_space<vmem>>
    %dma_start3A_1349 = arith.constant 0 : i32
    %dma_start3A_1350 = arith.constant 0 : i32
    %dma_start3A_1351 = tpu.memref_slice %arg3[%dma_start3A_1349, %dma_start3A_1350] : memref<100000x1024xf32, #tpu.memory_space<hbm>> -> memref<100000x1024xf32, #tpu.memory_space<hbm>>
    tpu.enqueue_indirect_dma source(%dma_start3A_1351 : memref<100000x1024xf32, #tpu.memory_space<hbm>>) target(%dma_start3A_1345 : memref<8x1024xf32, #tpu.memory_space<vmem>>) offsets(%dma_start3A_1348 : memref<8xi32, #tpu.memory_space<vmem>>) semaphore(%arg9 : memref<!tpu.dma_semaphore, #tpu.memory_space<semaphore_mem>>)
    %dma_start3A_1352 = arith.constant 1 : i32
    %dma_start3A_1353 = arith.constant 0 : i32
    %dma_start3A_1354 = arith.constant 8 : i32
    %dma_start3A_1355 = arith.constant 0 : i32
    %dma_start3A_1356 = tpu.memref_slice %arg7[%dma_start3A_1353, %dma_start3A_1354, %dma_start3A_1355] : memref<3x32x1024xf32, #tpu.memory_space<vmem>> -> memref<1x8x1024xf32, #tpu.memory_space<vmem>>
    %dma_start3A_1357 = tpu.memref_squeeze %dma_start3A_1356 : memref<1x8x1024xf32, #tpu.memory_space<vmem>> -> memref<8x1024xf32, #tpu.memory_space<vmem>>
    %dma_start3A_1358 = arith.constant 48 : i32
    %dma_start3A_1359 = tpu.memref_slice %arg6[%dma_start3A_1352, %dma_start3A_1358] : memref<4x64xi32, #tpu.memory_space<vmem>> -> memref<1x8xi32, #tpu.memory_space<vmem>>
    %dma_start3A_1360 = tpu.memref_squeeze %dma_start3A_1359 : memref<1x8xi32, #tpu.memory_space<vmem>> -> memref<8xi32, #tpu.memory_space<vmem>>
    %dma_start3A_1361 = arith.constant 0 : i32
    %dma_start3A_1362 = arith.constant 0 : i32
    %dma_start3A_1363 = tpu.memref_slice %arg3[%dma_start3A_1361, %dma_start3A_1362] : memref<100000x1024xf32, #tpu.memory_space<hbm>> -> memref<100000x1024xf32, #tpu.memory_space<hbm>>
    tpu.enqueue_indirect_dma source(%dma_start3A_1363 : memref<100000x1024xf32, #tpu.memory_space<hbm>>) target(%dma_start3A_1357 : memref<8x1024xf32, #tpu.memory_space<vmem>>) offsets(%dma_start3A_1360 : memref<8xi32, #tpu.memory_space<vmem>>) semaphore(%arg9 : memref<!tpu.dma_semaphore, #tpu.memory_space<semaphore_mem>>)
    %dma_start3A_1364 = arith.constant 2 : i32
    %dma_start3A_1365 = arith.constant 0 : i32
    %dma_start3A_1366 = arith.constant 16 : i32
    %dma_start3A_1367 = arith.constant 0 : i32
    %dma_start3A_1368 = tpu.memref_slice %arg7[%dma_start3A_1365, %dma_start3A_1366, %dma_start3A_1367] : memref<3x32x1024xf32, #tpu.memory_space<vmem>> -> memref<1x8x1024xf32, #tpu.memory_space<vmem>>
    %dma_start3A_1369 = tpu.memref_squeeze %dma_start3A_1368 : memref<1x8x1024xf32, #tpu.memory_space<vmem>> -> memref<8x1024xf32, #tpu.memory_space<vmem>>
    %dma_start3A_1370 = arith.constant 48 : i32
    %dma_start3A_1371 = tpu.memref_slice %arg6[%dma_start3A_1364, %dma_start3A_1370] : memref<4x64xi32, #tpu.memory_space<vmem>> -> memref<1x8xi32, #tpu.memory_space<vmem>>
    %dma_start3A_1372 = tpu.memref_squeeze %dma_start3A_1371 : memref<1x8xi32, #tpu.memory_space<vmem>> -> memref<8xi32, #tpu.memory_space<vmem>>
    %dma_start3A_1373 = arith.constant 0 : i32
    %dma_start3A_1374 = arith.constant 0 : i32
    %dma_start3A_1375 = tpu.memref_slice %arg3[%dma_start3A_1373, %dma_start3A_1374] : memref<100000x1024xf32, #tpu.memory_space<hbm>> -> memref<100000x1024xf32, #tpu.memory_space<hbm>>
    tpu.enqueue_indirect_dma source(%dma_start3A_1375 : memref<100000x1024xf32, #tpu.memory_space<hbm>>) target(%dma_start3A_1369 : memref<8x1024xf32, #tpu.memory_space<vmem>>) offsets(%dma_start3A_1372 : memref<8xi32, #tpu.memory_space<vmem>>) semaphore(%arg9 : memref<!tpu.dma_semaphore, #tpu.memory_space<semaphore_mem>>)
    %dma_start3A_1376 = arith.constant 3 : i32
    %dma_start3A_1377 = arith.constant 0 : i32
    %dma_start3A_1378 = arith.constant 24 : i32
    %dma_start3A_1379 = arith.constant 0 : i32
    %dma_start3A_1380 = tpu.memref_slice %arg7[%dma_start3A_1377, %dma_start3A_1378, %dma_start3A_1379] : memref<3x32x1024xf32, #tpu.memory_space<vmem>> -> memref<1x8x1024xf32, #tpu.memory_space<vmem>>
    %dma_start3A_1381 = tpu.memref_squeeze %dma_start3A_1380 : memref<1x8x1024xf32, #tpu.memory_space<vmem>> -> memref<8x1024xf32, #tpu.memory_space<vmem>>
    %dma_start3A_1382 = arith.constant 48 : i32
    %dma_start3A_1383 = tpu.memref_slice %arg6[%dma_start3A_1376, %dma_start3A_1382] : memref<4x64xi32, #tpu.memory_space<vmem>> -> memref<1x8xi32, #tpu.memory_space<vmem>>
    %dma_start3A_1384 = tpu.memref_squeeze %dma_start3A_1383 : memref<1x8xi32, #tpu.memory_space<vmem>> -> memref<8xi32, #tpu.memory_space<vmem>>
    %dma_start3A_1385 = arith.constant 0 : i32
    %dma_start3A_1386 = arith.constant 0 : i32
    %dma_start3A_1387 = tpu.memref_slice %arg3[%dma_start3A_1385, %dma_start3A_1386] : memref<100000x1024xf32, #tpu.memory_space<hbm>> -> memref<100000x1024xf32, #tpu.memory_space<hbm>>
    tpu.enqueue_indirect_dma source(%dma_start3A_1387 : memref<100000x1024xf32, #tpu.memory_space<hbm>>) target(%dma_start3A_1381 : memref<8x1024xf32, #tpu.memory_space<vmem>>) offsets(%dma_start3A_1384 : memref<8xi32, #tpu.memory_space<vmem>>) semaphore(%arg9 : memref<!tpu.dma_semaphore, #tpu.memory_space<semaphore_mem>>)
    %add3A_1388 = arith.constant 48 : i32
    %add3A_1389 = arith.addi %mul3A_2, %add3A_1388 : i32
    %dma_start3A_1390 = arith.constant 0 : i32
    %dma_start3A_1391 = arith.constant 0 : i32
    %dma_start3A_1392 = arith.constant 0 : i32
    %dma_start3A_1393 = tpu.memref_slice %arg8[%dma_start3A_1390, %dma_start3A_1391, %dma_start3A_1392] : memref<3x8x1024xf32, #tpu.memory_space<vmem>> -> memref<1x8x1024xf32, #tpu.memory_space<vmem>>
    %dma_start3A_1394 = tpu.memref_squeeze %dma_start3A_1393 : memref<1x8x1024xf32, #tpu.memory_space<vmem>> -> memref<8x1024xf32, #tpu.memory_space<vmem>>
    %dma_start3A_1395 = arith.constant 0 : i32
    %dma_start3A_1396 = tpu.memref_slice %arg4[%add3A_1389, %dma_start3A_1395] : memref<2048x1024xf32, #tpu.memory_space<hbm>> -> memref<8x1024xf32, #tpu.memory_space<hbm>>
    %dma_start3A_1397 = arith.constant 0 : i32
    %dma_start3A_1398 = arith.constant 0 : i32
    %dma_start3A_1399 = tpu.memref_slice %arg8[%dma_start3A_1390, %dma_start3A_1397, %dma_start3A_1398] : memref<3x8x1024xf32, #tpu.memory_space<vmem>> -> memref<1x8x1024xf32, #tpu.memory_space<vmem>>
    %dma_start3A_1400 = tpu.memref_squeeze %dma_start3A_1399 : memref<1x8x1024xf32, #tpu.memory_space<vmem>> -> memref<8x1024xf32, #tpu.memory_space<vmem>>
    %dma_start3A_1401 = arith.constant 0 : i32
    %dma_start3A_1402 = tpu.memref_slice %arg4[%add3A_1389, %dma_start3A_1401] : memref<2048x1024xf32, #tpu.memory_space<hbm>> -> memref<8x1024xf32, #tpu.memory_space<hbm>>
    tpu.enqueue_dma source(%dma_start3A_1402 : memref<8x1024xf32, #tpu.memory_space<hbm>>) target(%dma_start3A_1400 : memref<8x1024xf32, #tpu.memory_space<vmem>>) target_semaphore(%arg12 : memref<!tpu.dma_semaphore, #tpu.memory_space<semaphore_mem>>)
    %dma_wait3A_1403 = arith.constant 0 : i32
    %dma_wait3A_1404 = arith.constant 2 : i32
    %dma_wait3A_1405 = arith.constant 0 : i32
    %dma_wait3A_1406 = arith.constant 0 : i32
    %dma_wait3A_1407 = tpu.memref_slice %arg7[%dma_wait3A_1404, %dma_wait3A_1405, %dma_wait3A_1406] : memref<3x32x1024xf32, #tpu.memory_space<vmem>> -> memref<1x8x1024xf32, #tpu.memory_space<vmem>>
    %dma_wait3A_1408 = tpu.memref_squeeze %dma_wait3A_1407 : memref<1x8x1024xf32, #tpu.memory_space<vmem>> -> memref<8x1024xf32, #tpu.memory_space<vmem>>
    %dma_wait3A_1409 = arith.constant 40 : i32
    %dma_wait3A_1410 = tpu.memref_slice %arg6[%dma_wait3A_1403, %dma_wait3A_1409] : memref<4x64xi32, #tpu.memory_space<vmem>> -> memref<1x8xi32, #tpu.memory_space<vmem>>
    %dma_wait3A_1411 = tpu.memref_squeeze %dma_wait3A_1410 : memref<1x8xi32, #tpu.memory_space<vmem>> -> memref<8xi32, #tpu.memory_space<vmem>>
    %dma_wait3A_1412 = arith.constant 0 : i32
    %dma_wait3A_1413 = arith.constant 0 : i32
    %dma_wait3A_1414 = tpu.memref_slice %arg3[%dma_wait3A_1412, %dma_wait3A_1413] : memref<100000x1024xf32, #tpu.memory_space<hbm>> -> memref<100000x1024xf32, #tpu.memory_space<hbm>>
    tpu.wait_indirect_dma semaphore(%arg11 : memref<!tpu.dma_semaphore, #tpu.memory_space<semaphore_mem>>) src(%dma_wait3A_1414 : memref<100000x1024xf32, #tpu.memory_space<hbm>>) dst(%dma_wait3A_1408 : memref<8x1024xf32, #tpu.memory_space<vmem>>)
    %dma_wait3A_1415 = arith.constant 1 : i32
    %dma_wait3A_1416 = arith.constant 2 : i32
    %dma_wait3A_1417 = arith.constant 8 : i32
    %dma_wait3A_1418 = arith.constant 0 : i32
    %dma_wait3A_1419 = tpu.memref_slice %arg7[%dma_wait3A_1416, %dma_wait3A_1417, %dma_wait3A_1418] : memref<3x32x1024xf32, #tpu.memory_space<vmem>> -> memref<1x8x1024xf32, #tpu.memory_space<vmem>>
    %dma_wait3A_1420 = tpu.memref_squeeze %dma_wait3A_1419 : memref<1x8x1024xf32, #tpu.memory_space<vmem>> -> memref<8x1024xf32, #tpu.memory_space<vmem>>
    %dma_wait3A_1421 = arith.constant 40 : i32
    %dma_wait3A_1422 = tpu.memref_slice %arg6[%dma_wait3A_1415, %dma_wait3A_1421] : memref<4x64xi32, #tpu.memory_space<vmem>> -> memref<1x8xi32, #tpu.memory_space<vmem>>
    %dma_wait3A_1423 = tpu.memref_squeeze %dma_wait3A_1422 : memref<1x8xi32, #tpu.memory_space<vmem>> -> memref<8xi32, #tpu.memory_space<vmem>>
    %dma_wait3A_1424 = arith.constant 0 : i32
    %dma_wait3A_1425 = arith.constant 0 : i32
    %dma_wait3A_1426 = tpu.memref_slice %arg3[%dma_wait3A_1424, %dma_wait3A_1425] : memref<100000x1024xf32, #tpu.memory_space<hbm>> -> memref<100000x1024xf32, #tpu.memory_space<hbm>>
    tpu.wait_indirect_dma semaphore(%arg11 : memref<!tpu.dma_semaphore, #tpu.memory_space<semaphore_mem>>) src(%dma_wait3A_1426 : memref<100000x1024xf32, #tpu.memory_space<hbm>>) dst(%dma_wait3A_1420 : memref<8x1024xf32, #tpu.memory_space<vmem>>)
    %dma_wait3A_1427 = arith.constant 2 : i32
    %dma_wait3A_1428 = arith.constant 2 : i32
    %dma_wait3A_1429 = arith.constant 16 : i32
    %dma_wait3A_1430 = arith.constant 0 : i32
    %dma_wait3A_1431 = tpu.memref_slice %arg7[%dma_wait3A_1428, %dma_wait3A_1429, %dma_wait3A_1430] : memref<3x32x1024xf32, #tpu.memory_space<vmem>> -> memref<1x8x1024xf32, #tpu.memory_space<vmem>>
    %dma_wait3A_1432 = tpu.memref_squeeze %dma_wait3A_1431 : memref<1x8x1024xf32, #tpu.memory_space<vmem>> -> memref<8x1024xf32, #tpu.memory_space<vmem>>
    %dma_wait3A_1433 = arith.constant 40 : i32
    %dma_wait3A_1434 = tpu.memref_slice %arg6[%dma_wait3A_1427, %dma_wait3A_1433] : memref<4x64xi32, #tpu.memory_space<vmem>> -> memref<1x8xi32, #tpu.memory_space<vmem>>
    %dma_wait3A_1435 = tpu.memref_squeeze %dma_wait3A_1434 : memref<1x8xi32, #tpu.memory_space<vmem>> -> memref<8xi32, #tpu.memory_space<vmem>>
    %dma_wait3A_1436 = arith.constant 0 : i32
    %dma_wait3A_1437 = arith.constant 0 : i32
    %dma_wait3A_1438 = tpu.memref_slice %arg3[%dma_wait3A_1436, %dma_wait3A_1437] : memref<100000x1024xf32, #tpu.memory_space<hbm>> -> memref<100000x1024xf32, #tpu.memory_space<hbm>>
    tpu.wait_indirect_dma semaphore(%arg11 : memref<!tpu.dma_semaphore, #tpu.memory_space<semaphore_mem>>) src(%dma_wait3A_1438 : memref<100000x1024xf32, #tpu.memory_space<hbm>>) dst(%dma_wait3A_1432 : memref<8x1024xf32, #tpu.memory_space<vmem>>)
    %dma_wait3A_1439 = arith.constant 3 : i32
    %dma_wait3A_1440 = arith.constant 2 : i32
    %dma_wait3A_1441 = arith.constant 24 : i32
    %dma_wait3A_1442 = arith.constant 0 : i32
    %dma_wait3A_1443 = tpu.memref_slice %arg7[%dma_wait3A_1440, %dma_wait3A_1441, %dma_wait3A_1442] : memref<3x32x1024xf32, #tpu.memory_space<vmem>> -> memref<1x8x1024xf32, #tpu.memory_space<vmem>>
    %dma_wait3A_1444 = tpu.memref_squeeze %dma_wait3A_1443 : memref<1x8x1024xf32, #tpu.memory_space<vmem>> -> memref<8x1024xf32, #tpu.memory_space<vmem>>
    %dma_wait3A_1445 = arith.constant 40 : i32
    %dma_wait3A_1446 = tpu.memref_slice %arg6[%dma_wait3A_1439, %dma_wait3A_1445] : memref<4x64xi32, #tpu.memory_space<vmem>> -> memref<1x8xi32, #tpu.memory_space<vmem>>
    %dma_wait3A_1447 = tpu.memref_squeeze %dma_wait3A_1446 : memref<1x8xi32, #tpu.memory_space<vmem>> -> memref<8xi32, #tpu.memory_space<vmem>>
    %dma_wait3A_1448 = arith.constant 0 : i32
    %dma_wait3A_1449 = arith.constant 0 : i32
    %dma_wait3A_1450 = tpu.memref_slice %arg3[%dma_wait3A_1448, %dma_wait3A_1449] : memref<100000x1024xf32, #tpu.memory_space<hbm>> -> memref<100000x1024xf32, #tpu.memory_space<hbm>>
    tpu.wait_indirect_dma semaphore(%arg11 : memref<!tpu.dma_semaphore, #tpu.memory_space<semaphore_mem>>) src(%dma_wait3A_1450 : memref<100000x1024xf32, #tpu.memory_space<hbm>>) dst(%dma_wait3A_1444 : memref<8x1024xf32, #tpu.memory_space<vmem>>)
    %dma_wait3A_1451 = arith.constant 2 : i32
    %dma_wait3A_1452 = arith.constant 0 : i32
    %dma_wait3A_1453 = arith.constant 0 : i32
    %dma_wait3A_1454 = tpu.memref_slice %arg8[%dma_wait3A_1451, %dma_wait3A_1452, %dma_wait3A_1453] : memref<3x8x1024xf32, #tpu.memory_space<vmem>> -> memref<1x8x1024xf32, #tpu.memory_space<vmem>>
    %dma_wait3A_1455 = tpu.memref_squeeze %dma_wait3A_1454 : memref<1x8x1024xf32, #tpu.memory_space<vmem>> -> memref<8x1024xf32, #tpu.memory_space<vmem>>
    %dma_wait3A_1456 = arith.constant 0 : i32
    %dma_wait3A_1457 = tpu.memref_slice %arg4[%add3A_1123, %dma_wait3A_1456] : memref<2048x1024xf32, #tpu.memory_space<hbm>> -> memref<8x1024xf32, #tpu.memory_space<hbm>>
    %dma_wait3A_1458 = arith.constant 0 : i32
    %dma_wait3A_1459 = arith.constant 0 : i32
    %dma_wait3A_1460 = tpu.memref_slice %arg8[%dma_wait3A_1451, %dma_wait3A_1458, %dma_wait3A_1459] : memref<3x8x1024xf32, #tpu.memory_space<vmem>> -> memref<1x8x1024xf32, #tpu.memory_space<vmem>>
    %dma_wait3A_1461 = tpu.memref_squeeze %dma_wait3A_1460 : memref<1x8x1024xf32, #tpu.memory_space<vmem>> -> memref<8x1024xf32, #tpu.memory_space<vmem>>
    %dma_wait3A_1462 = arith.constant 0 : i32
    %dma_wait3A_1463 = tpu.memref_slice %arg4[%add3A_1123, %dma_wait3A_1462] : memref<2048x1024xf32, #tpu.memory_space<hbm>> -> memref<8x1024xf32, #tpu.memory_space<hbm>>
    tpu.wait_dma2 semaphore(%arg14 : memref<!tpu.dma_semaphore, #tpu.memory_space<semaphore_mem>>) src(%dma_wait3A_1463 : memref<8x1024xf32, #tpu.memory_space<hbm>>) dst(%dma_wait3A_1461 : memref<8x1024xf32, #tpu.memory_space<vmem>>)
    %scan3A_1464 = arith.constant 0 : i32
    %scan3A_1465 = arith.constant 0 : i32
    %scan3A_1466 = arith.constant 8 : i32
    %scan3A_1467 = arith.addi %scan3A_1465, %scan3A_1466 : i32
    %scan3A_1468 = arith.constant 1 : i32
    scf.for %scan3A_2139 = %scan3A_1465 to %scan3A_1467 step %scan3A_1468  : i32 {
      %parallel_loop3A = arith.constant 0 : i32
      %parallel_loop3A_2140 = arith.constant 1024 : i32
      %parallel_loop3A_2141 = arith.constant 16 : i32
      scf.for %parallel_loop3A_2142 = %parallel_loop3A to %parallel_loop3A_2140 step %parallel_loop3A_2141  : i32 {
        %parallel_loop3A_2143 = arith.constant 2 : i32
        %parallel_loop3A_2144 = arith.index_cast %parallel_loop3A_2143 : i32 to index
        %parallel_loop3A_2145 = arith.index_cast %scan3A_2139 : i32 to index
        %parallel_loop3A_2146 = arith.index_cast %parallel_loop3A_2142 : i32 to index
        %parallel_loop3A_2147 = tpu.vector_load %arg8[%parallel_loop3A_2144, %parallel_loop3A_2145, %parallel_loop3A_2146] {strides = array<i32>} : memref<3x8x1024xf32, #tpu.memory_space<vmem>>, vector<1x1x16xf32>,
        %parallel_loop3A_2148 = vector.shape_cast %parallel_loop3A_2147 : vector<1x1x16xf32> to vector<16xf32>
        %parallel_loop3A_2149 = arith.constant 0 : i32
        %parallel_loop3A_2150 = arith.addi %parallel_loop3A_2149, %scan3A_2139 : i32
        %parallel_loop3A_2151 = arith.constant 2 : i32
        %parallel_loop3A_2152 = arith.index_cast %parallel_loop3A_2151 : i32 to index
        %parallel_loop3A_2153 = arith.index_cast %parallel_loop3A_2150 : i32 to index
        %parallel_loop3A_2154 = arith.index_cast %parallel_loop3A_2142 : i32 to index
        %parallel_loop3A_2155 = tpu.vector_load %arg7[%parallel_loop3A_2152, %parallel_loop3A_2153, %parallel_loop3A_2154] {strides = array<i32>} : memref<3x32x1024xf32, #tpu.memory_space<vmem>>, vector<1x1x16xf32>,
        %parallel_loop3A_2156 = vector.shape_cast %parallel_loop3A_2155 : vector<1x1x16xf32> to vector<16xf32>
        %parallel_loop3A_2157 = arith.addf %parallel_loop3A_2156, %parallel_loop3A_2148 : vector<16xf32>
        %parallel_loop3A_2158 = arith.constant 0 : i32
        %parallel_loop3A_2159 = arith.addi %parallel_loop3A_2158, %scan3A_2139 : i32
        %parallel_loop3A_2160 = arith.constant 2 : i32
        %parallel_loop3A_2161 = arith.index_cast %parallel_loop3A_2160 : i32 to index
        %parallel_loop3A_2162 = arith.index_cast %parallel_loop3A_2159 : i32 to index
        %parallel_loop3A_2163 = arith.index_cast %parallel_loop3A_2142 : i32 to index
        %parallel_loop3A_2164 = tpu.vector_load %arg7[%parallel_loop3A_2161, %parallel_loop3A_2162, %parallel_loop3A_2163] {strides = array<i32>} : memref<3x32x1024xf32, #tpu.memory_space<vmem>>, vector<1x1x16xf32>,
        %parallel_loop3A_2165 = vector.shape_cast %parallel_loop3A_2164 : vector<1x1x16xf32> to vector<16xf32>
        %parallel_loop3A_2166 = vector.shape_cast %parallel_loop3A_2157 : vector<16xf32> to vector<1x1x16xf32>
        tpu.vector_store %arg7[%parallel_loop3A_2161, %parallel_loop3A_2162, %parallel_loop3A_2163], %parallel_loop3A_2166 {strides = array<i32>} : memref<3x32x1024xf32, #tpu.memory_space<vmem>>, vector<1x1x16xf32>,
        %parallel_loop3A_2167 = arith.constant 8 : i32
        %parallel_loop3A_2168 = arith.addi %parallel_loop3A_2167, %scan3A_2139 : i32
        %parallel_loop3A_2169 = arith.constant 2 : i32
        %parallel_loop3A_2170 = arith.index_cast %parallel_loop3A_2169 : i32 to index
        %parallel_loop3A_2171 = arith.index_cast %parallel_loop3A_2168 : i32 to index
        %parallel_loop3A_2172 = arith.index_cast %parallel_loop3A_2142 : i32 to index
        %parallel_loop3A_2173 = tpu.vector_load %arg7[%parallel_loop3A_2170, %parallel_loop3A_2171, %parallel_loop3A_2172] {strides = array<i32>} : memref<3x32x1024xf32, #tpu.memory_space<vmem>>, vector<1x1x16xf32>,
        %parallel_loop3A_2174 = vector.shape_cast %parallel_loop3A_2173 : vector<1x1x16xf32> to vector<16xf32>
        %parallel_loop3A_2175 = arith.addf %parallel_loop3A_2174, %parallel_loop3A_2148 : vector<16xf32>
        %parallel_loop3A_2176 = arith.constant 8 : i32
        %parallel_loop3A_2177 = arith.addi %parallel_loop3A_2176, %scan3A_2139 : i32
        %parallel_loop3A_2178 = arith.constant 2 : i32
        %parallel_loop3A_2179 = arith.index_cast %parallel_loop3A_2178 : i32 to index
        %parallel_loop3A_2180 = arith.index_cast %parallel_loop3A_2177 : i32 to index
        %parallel_loop3A_2181 = arith.index_cast %parallel_loop3A_2142 : i32 to index
        %parallel_loop3A_2182 = tpu.vector_load %arg7[%parallel_loop3A_2179, %parallel_loop3A_2180, %parallel_loop3A_2181] {strides = array<i32>} : memref<3x32x1024xf32, #tpu.memory_space<vmem>>, vector<1x1x16xf32>,
        %parallel_loop3A_2183 = vector.shape_cast %parallel_loop3A_2182 : vector<1x1x16xf32> to vector<16xf32>
        %parallel_loop3A_2184 = vector.shape_cast %parallel_loop3A_2175 : vector<16xf32> to vector<1x1x16xf32>
        tpu.vector_store %arg7[%parallel_loop3A_2179, %parallel_loop3A_2180, %parallel_loop3A_2181], %parallel_loop3A_2184 {strides = array<i32>} : memref<3x32x1024xf32, #tpu.memory_space<vmem>>, vector<1x1x16xf32>,
        %parallel_loop3A_2185 = arith.constant 16 : i32
        %parallel_loop3A_2186 = arith.addi %parallel_loop3A_2185, %scan3A_2139 : i32
        %parallel_loop3A_2187 = arith.constant 2 : i32
        %parallel_loop3A_2188 = arith.index_cast %parallel_loop3A_2187 : i32 to index
        %parallel_loop3A_2189 = arith.index_cast %parallel_loop3A_2186 : i32 to index
        %parallel_loop3A_2190 = arith.index_cast %parallel_loop3A_2142 : i32 to index
        %parallel_loop3A_2191 = tpu.vector_load %arg7[%parallel_loop3A_2188, %parallel_loop3A_2189, %parallel_loop3A_2190] {strides = array<i32>} : memref<3x32x1024xf32, #tpu.memory_space<vmem>>, vector<1x1x16xf32>,
        %parallel_loop3A_2192 = vector.shape_cast %parallel_loop3A_2191 : vector<1x1x16xf32> to vector<16xf32>
        %parallel_loop3A_2193 = arith.addf %parallel_loop3A_2192, %parallel_loop3A_2148 : vector<16xf32>
        %parallel_loop3A_2194 = arith.constant 16 : i32
        %parallel_loop3A_2195 = arith.addi %parallel_loop3A_2194, %scan3A_2139 : i32
        %parallel_loop3A_2196 = arith.constant 2 : i32
        %parallel_loop3A_2197 = arith.index_cast %parallel_loop3A_2196 : i32 to index
        %parallel_loop3A_2198 = arith.index_cast %parallel_loop3A_2195 : i32 to index
        %parallel_loop3A_2199 = arith.index_cast %parallel_loop3A_2142 : i32 to index
        %parallel_loop3A_2200 = tpu.vector_load %arg7[%parallel_loop3A_2197, %parallel_loop3A_2198, %parallel_loop3A_2199] {strides = array<i32>} : memref<3x32x1024xf32, #tpu.memory_space<vmem>>, vector<1x1x16xf32>,
        %parallel_loop3A_2201 = vector.shape_cast %parallel_loop3A_2200 : vector<1x1x16xf32> to vector<16xf32>
        %parallel_loop3A_2202 = vector.shape_cast %parallel_loop3A_2193 : vector<16xf32> to vector<1x1x16xf32>
        tpu.vector_store %arg7[%parallel_loop3A_2197, %parallel_loop3A_2198, %parallel_loop3A_2199], %parallel_loop3A_2202 {strides = array<i32>} : memref<3x32x1024xf32, #tpu.memory_space<vmem>>, vector<1x1x16xf32>,
        %parallel_loop3A_2203 = arith.constant 24 : i32
        %parallel_loop3A_2204 = arith.addi %parallel_loop3A_2203, %scan3A_2139 : i32
        %parallel_loop3A_2205 = arith.constant 2 : i32
        %parallel_loop3A_2206 = arith.index_cast %parallel_loop3A_2205 : i32 to index
        %parallel_loop3A_2207 = arith.index_cast %parallel_loop3A_2204 : i32 to index
        %parallel_loop3A_2208 = arith.index_cast %parallel_loop3A_2142 : i32 to index
        %parallel_loop3A_2209 = tpu.vector_load %arg7[%parallel_loop3A_2206, %parallel_loop3A_2207, %parallel_loop3A_2208] {strides = array<i32>} : memref<3x32x1024xf32, #tpu.memory_space<vmem>>, vector<1x1x16xf32>,
        %parallel_loop3A_2210 = vector.shape_cast %parallel_loop3A_2209 : vector<1x1x16xf32> to vector<16xf32>
        %parallel_loop3A_2211 = arith.addf %parallel_loop3A_2210, %parallel_loop3A_2148 : vector<16xf32>
        %parallel_loop3A_2212 = arith.constant 24 : i32
        %parallel_loop3A_2213 = arith.addi %parallel_loop3A_2212, %scan3A_2139 : i32
        %parallel_loop3A_2214 = arith.constant 2 : i32
        %parallel_loop3A_2215 = arith.index_cast %parallel_loop3A_2214 : i32 to index
        %parallel_loop3A_2216 = arith.index_cast %parallel_loop3A_2213 : i32 to index
        %parallel_loop3A_2217 = arith.index_cast %parallel_loop3A_2142 : i32 to index
        %parallel_loop3A_2218 = tpu.vector_load %arg7[%parallel_loop3A_2215, %parallel_loop3A_2216, %parallel_loop3A_2217] {strides = array<i32>} : memref<3x32x1024xf32, #tpu.memory_space<vmem>>, vector<1x1x16xf32>,
        %parallel_loop3A_2219 = vector.shape_cast %parallel_loop3A_2218 : vector<1x1x16xf32> to vector<16xf32>
        %parallel_loop3A_2220 = vector.shape_cast %parallel_loop3A_2211 : vector<16xf32> to vector<1x1x16xf32>
        tpu.vector_store %arg7[%parallel_loop3A_2215, %parallel_loop3A_2216, %parallel_loop3A_2217], %parallel_loop3A_2220 {strides = array<i32>} : memref<3x32x1024xf32, #tpu.memory_space<vmem>>, vector<1x1x16xf32>,
      } {sc.loop_unroll_factor = 8 : i64, sc.parallel_access}
    }
    %scan3A_1469 = arith.constant 8 : i32
    %add3A_1470 = arith.constant 40 : i32
    %add3A_1471 = arith.addi %mul3A_2, %add3A_1470 : i32
    %dma_start3A_1472 = arith.constant 2 : i32
    %dma_start3A_1473 = arith.constant 0 : i32
    %dma_start3A_1474 = arith.constant 0 : i32
    %dma_start3A_1475 = arith.constant 0 : i32
    %dma_start3A_1476 = tpu.memref_slice %arg7[%dma_start3A_1472, %dma_start3A_1474, %dma_start3A_1475] : memref<3x32x1024xf32, #tpu.memory_space<vmem>> -> memref<1x8x1024xf32, #tpu.memory_space<vmem>>
    %dma_start3A_1477 = tpu.memref_squeeze %dma_start3A_1476 : memref<1x8x1024xf32, #tpu.memory_space<vmem>> -> memref<8x1024xf32, #tpu.memory_space<vmem>>
    %dma_start3A_1478 = arith.constant 0 : i32
    %dma_start3A_1479 = tpu.memref_slice %arg5[%dma_start3A_1473, %add3A_1471, %dma_start3A_1478] : memref<4x2048x1024xf32, #tpu.memory_space<hbm>> -> memref<1x8x1024xf32, #tpu.memory_space<hbm>>
    %dma_start3A_1480 = tpu.memref_squeeze %dma_start3A_1479 : memref<1x8x1024xf32, #tpu.memory_space<hbm>> -> memref<8x1024xf32, #tpu.memory_space<hbm>>
    %dma_start3A_1481 = arith.constant 0 : i32
    %dma_start3A_1482 = tpu.memref_slice %arg5[%dma_start3A_1473, %add3A_1471, %dma_start3A_1481] : memref<4x2048x1024xf32, #tpu.memory_space<hbm>> -> memref<1x8x1024xf32, #tpu.memory_space<hbm>>
    %dma_start3A_1483 = tpu.memref_squeeze %dma_start3A_1482 : memref<1x8x1024xf32, #tpu.memory_space<hbm>> -> memref<8x1024xf32, #tpu.memory_space<hbm>>
    %dma_start3A_1484 = arith.constant 0 : i32
    %dma_start3A_1485 = arith.constant 0 : i32
    %dma_start3A_1486 = tpu.memref_slice %arg7[%dma_start3A_1472, %dma_start3A_1484, %dma_start3A_1485] : memref<3x32x1024xf32, #tpu.memory_space<vmem>> -> memref<1x8x1024xf32, #tpu.memory_space<vmem>>
    %dma_start3A_1487 = tpu.memref_squeeze %dma_start3A_1486 : memref<1x8x1024xf32, #tpu.memory_space<vmem>> -> memref<8x1024xf32, #tpu.memory_space<vmem>>
    tpu.enqueue_dma source(%dma_start3A_1487 : memref<8x1024xf32, #tpu.memory_space<vmem>>) target(%dma_start3A_1483 : memref<8x1024xf32, #tpu.memory_space<hbm>>) target_semaphore(%arg17 : memref<!tpu.dma_semaphore, #tpu.memory_space<semaphore_mem>>)
    %add3A_1488 = arith.constant 40 : i32
    %add3A_1489 = arith.addi %mul3A_2, %add3A_1488 : i32
    %dma_start3A_1490 = arith.constant 2 : i32
    %dma_start3A_1491 = arith.constant 1 : i32
    %dma_start3A_1492 = arith.constant 8 : i32
    %dma_start3A_1493 = arith.constant 0 : i32
    %dma_start3A_1494 = tpu.memref_slice %arg7[%dma_start3A_1490, %dma_start3A_1492, %dma_start3A_1493] : memref<3x32x1024xf32, #tpu.memory_space<vmem>> -> memref<1x8x1024xf32, #tpu.memory_space<vmem>>
    %dma_start3A_1495 = tpu.memref_squeeze %dma_start3A_1494 : memref<1x8x1024xf32, #tpu.memory_space<vmem>> -> memref<8x1024xf32, #tpu.memory_space<vmem>>
    %dma_start3A_1496 = arith.constant 0 : i32
    %dma_start3A_1497 = tpu.memref_slice %arg5[%dma_start3A_1491, %add3A_1489, %dma_start3A_1496] : memref<4x2048x1024xf32, #tpu.memory_space<hbm>> -> memref<1x8x1024xf32, #tpu.memory_space<hbm>>
    %dma_start3A_1498 = tpu.memref_squeeze %dma_start3A_1497 : memref<1x8x1024xf32, #tpu.memory_space<hbm>> -> memref<8x1024xf32, #tpu.memory_space<hbm>>
    %dma_start3A_1499 = arith.constant 0 : i32
    %dma_start3A_1500 = tpu.memref_slice %arg5[%dma_start3A_1491, %add3A_1489, %dma_start3A_1499] : memref<4x2048x1024xf32, #tpu.memory_space<hbm>> -> memref<1x8x1024xf32, #tpu.memory_space<hbm>>
    %dma_start3A_1501 = tpu.memref_squeeze %dma_start3A_1500 : memref<1x8x1024xf32, #tpu.memory_space<hbm>> -> memref<8x1024xf32, #tpu.memory_space<hbm>>
    %dma_start3A_1502 = arith.constant 8 : i32
    %dma_start3A_1503 = arith.constant 0 : i32
    %dma_start3A_1504 = tpu.memref_slice %arg7[%dma_start3A_1490, %dma_start3A_1502, %dma_start3A_1503] : memref<3x32x1024xf32, #tpu.memory_space<vmem>> -> memref<1x8x1024xf32, #tpu.memory_space<vmem>>
    %dma_start3A_1505 = tpu.memref_squeeze %dma_start3A_1504 : memref<1x8x1024xf32, #tpu.memory_space<vmem>> -> memref<8x1024xf32, #tpu.memory_space<vmem>>
    tpu.enqueue_dma source(%dma_start3A_1505 : memref<8x1024xf32, #tpu.memory_space<vmem>>) target(%dma_start3A_1501 : memref<8x1024xf32, #tpu.memory_space<hbm>>) target_semaphore(%arg17 : memref<!tpu.dma_semaphore, #tpu.memory_space<semaphore_mem>>)
    %add3A_1506 = arith.constant 40 : i32
    %add3A_1507 = arith.addi %mul3A_2, %add3A_1506 : i32
    %dma_start3A_1508 = arith.constant 2 : i32
    %dma_start3A_1509 = arith.constant 2 : i32
    %dma_start3A_1510 = arith.constant 16 : i32
    %dma_start3A_1511 = arith.constant 0 : i32
    %dma_start3A_1512 = tpu.memref_slice %arg7[%dma_start3A_1508, %dma_start3A_1510, %dma_start3A_1511] : memref<3x32x1024xf32, #tpu.memory_space<vmem>> -> memref<1x8x1024xf32, #tpu.memory_space<vmem>>
    %dma_start3A_1513 = tpu.memref_squeeze %dma_start3A_1512 : memref<1x8x1024xf32, #tpu.memory_space<vmem>> -> memref<8x1024xf32, #tpu.memory_space<vmem>>
    %dma_start3A_1514 = arith.constant 0 : i32
    %dma_start3A_1515 = tpu.memref_slice %arg5[%dma_start3A_1509, %add3A_1507, %dma_start3A_1514] : memref<4x2048x1024xf32, #tpu.memory_space<hbm>> -> memref<1x8x1024xf32, #tpu.memory_space<hbm>>
    %dma_start3A_1516 = tpu.memref_squeeze %dma_start3A_1515 : memref<1x8x1024xf32, #tpu.memory_space<hbm>> -> memref<8x1024xf32, #tpu.memory_space<hbm>>
    %dma_start3A_1517 = arith.constant 0 : i32
    %dma_start3A_1518 = tpu.memref_slice %arg5[%dma_start3A_1509, %add3A_1507, %dma_start3A_1517] : memref<4x2048x1024xf32, #tpu.memory_space<hbm>> -> memref<1x8x1024xf32, #tpu.memory_space<hbm>>
    %dma_start3A_1519 = tpu.memref_squeeze %dma_start3A_1518 : memref<1x8x1024xf32, #tpu.memory_space<hbm>> -> memref<8x1024xf32, #tpu.memory_space<hbm>>
    %dma_start3A_1520 = arith.constant 16 : i32
    %dma_start3A_1521 = arith.constant 0 : i32
    %dma_start3A_1522 = tpu.memref_slice %arg7[%dma_start3A_1508, %dma_start3A_1520, %dma_start3A_1521] : memref<3x32x1024xf32, #tpu.memory_space<vmem>> -> memref<1x8x1024xf32, #tpu.memory_space<vmem>>
    %dma_start3A_1523 = tpu.memref_squeeze %dma_start3A_1522 : memref<1x8x1024xf32, #tpu.memory_space<vmem>> -> memref<8x1024xf32, #tpu.memory_space<vmem>>
    tpu.enqueue_dma source(%dma_start3A_1523 : memref<8x1024xf32, #tpu.memory_space<vmem>>) target(%dma_start3A_1519 : memref<8x1024xf32, #tpu.memory_space<hbm>>) target_semaphore(%arg17 : memref<!tpu.dma_semaphore, #tpu.memory_space<semaphore_mem>>)
    %add3A_1524 = arith.constant 40 : i32
    %add3A_1525 = arith.addi %mul3A_2, %add3A_1524 : i32
    %dma_start3A_1526 = arith.constant 2 : i32
    %dma_start3A_1527 = arith.constant 3 : i32
    %dma_start3A_1528 = arith.constant 24 : i32
    %dma_start3A_1529 = arith.constant 0 : i32
    %dma_start3A_1530 = tpu.memref_slice %arg7[%dma_start3A_1526, %dma_start3A_1528, %dma_start3A_1529] : memref<3x32x1024xf32, #tpu.memory_space<vmem>> -> memref<1x8x1024xf32, #tpu.memory_space<vmem>>
    %dma_start3A_1531 = tpu.memref_squeeze %dma_start3A_1530 : memref<1x8x1024xf32, #tpu.memory_space<vmem>> -> memref<8x1024xf32, #tpu.memory_space<vmem>>
    %dma_start3A_1532 = arith.constant 0 : i32
    %dma_start3A_1533 = tpu.memref_slice %arg5[%dma_start3A_1527, %add3A_1525, %dma_start3A_1532] : memref<4x2048x1024xf32, #tpu.memory_space<hbm>> -> memref<1x8x1024xf32, #tpu.memory_space<hbm>>
    %dma_start3A_1534 = tpu.memref_squeeze %dma_start3A_1533 : memref<1x8x1024xf32, #tpu.memory_space<hbm>> -> memref<8x1024xf32, #tpu.memory_space<hbm>>
    %dma_start3A_1535 = arith.constant 0 : i32
    %dma_start3A_1536 = tpu.memref_slice %arg5[%dma_start3A_1527, %add3A_1525, %dma_start3A_1535] : memref<4x2048x1024xf32, #tpu.memory_space<hbm>> -> memref<1x8x1024xf32, #tpu.memory_space<hbm>>
    %dma_start3A_1537 = tpu.memref_squeeze %dma_start3A_1536 : memref<1x8x1024xf32, #tpu.memory_space<hbm>> -> memref<8x1024xf32, #tpu.memory_space<hbm>>
    %dma_start3A_1538 = arith.constant 24 : i32
    %dma_start3A_1539 = arith.constant 0 : i32
    %dma_start3A_1540 = tpu.memref_slice %arg7[%dma_start3A_1526, %dma_start3A_1538, %dma_start3A_1539] : memref<3x32x1024xf32, #tpu.memory_space<vmem>> -> memref<1x8x1024xf32, #tpu.memory_space<vmem>>
    %dma_start3A_1541 = tpu.memref_squeeze %dma_start3A_1540 : memref<1x8x1024xf32, #tpu.memory_space<vmem>> -> memref<8x1024xf32, #tpu.memory_space<vmem>>
    tpu.enqueue_dma source(%dma_start3A_1541 : memref<8x1024xf32, #tpu.memory_space<vmem>>) target(%dma_start3A_1537 : memref<8x1024xf32, #tpu.memory_space<hbm>>) target_semaphore(%arg17 : memref<!tpu.dma_semaphore, #tpu.memory_space<semaphore_mem>>)
    %dma_wait3A_1542 = arith.constant 1 : i32
    %dma_wait3A_1543 = arith.constant 0 : i32
    %dma_wait3A_1544 = arith.constant 0 : i32
    %dma_wait3A_1545 = arith.constant 0 : i32
    %dma_wait3A_1546 = tpu.memref_slice %arg7[%dma_wait3A_1542, %dma_wait3A_1544, %dma_wait3A_1545] : memref<3x32x1024xf32, #tpu.memory_space<vmem>> -> memref<1x8x1024xf32, #tpu.memory_space<vmem>>
    %dma_wait3A_1547 = tpu.memref_squeeze %dma_wait3A_1546 : memref<1x8x1024xf32, #tpu.memory_space<vmem>> -> memref<8x1024xf32, #tpu.memory_space<vmem>>
    %dma_wait3A_1548 = arith.constant 0 : i32
    %dma_wait3A_1549 = tpu.memref_slice %arg5[%dma_wait3A_1543, %add3A_1205, %dma_wait3A_1548] : memref<4x2048x1024xf32, #tpu.memory_space<hbm>> -> memref<1x8x1024xf32, #tpu.memory_space<hbm>>
    %dma_wait3A_1550 = tpu.memref_squeeze %dma_wait3A_1549 : memref<1x8x1024xf32, #tpu.memory_space<hbm>> -> memref<8x1024xf32, #tpu.memory_space<hbm>>
    %dma_wait3A_1551 = arith.constant 0 : i32
    %dma_wait3A_1552 = tpu.memref_slice %arg5[%dma_wait3A_1543, %add3A_1205, %dma_wait3A_1551] : memref<4x2048x1024xf32, #tpu.memory_space<hbm>> -> memref<1x8x1024xf32, #tpu.memory_space<hbm>>
    %dma_wait3A_1553 = tpu.memref_squeeze %dma_wait3A_1552 : memref<1x8x1024xf32, #tpu.memory_space<hbm>> -> memref<8x1024xf32, #tpu.memory_space<hbm>>
    %dma_wait3A_1554 = arith.constant 0 : i32
    %dma_wait3A_1555 = arith.constant 0 : i32
    %dma_wait3A_1556 = tpu.memref_slice %arg7[%dma_wait3A_1542, %dma_wait3A_1554, %dma_wait3A_1555] : memref<3x32x1024xf32, #tpu.memory_space<vmem>> -> memref<1x8x1024xf32, #tpu.memory_space<vmem>>
    %dma_wait3A_1557 = tpu.memref_squeeze %dma_wait3A_1556 : memref<1x8x1024xf32, #tpu.memory_space<vmem>> -> memref<8x1024xf32, #tpu.memory_space<vmem>>
    tpu.wait_dma2 semaphore(%arg16 : memref<!tpu.dma_semaphore, #tpu.memory_space<semaphore_mem>>) src(%dma_wait3A_1557 : memref<8x1024xf32, #tpu.memory_space<vmem>>) dst(%dma_wait3A_1553 : memref<8x1024xf32, #tpu.memory_space<hbm>>)
    %dma_wait3A_1558 = arith.constant 1 : i32
    %dma_wait3A_1559 = arith.constant 1 : i32
    %dma_wait3A_1560 = arith.constant 8 : i32
    %dma_wait3A_1561 = arith.constant 0 : i32
    %dma_wait3A_1562 = tpu.memref_slice %arg7[%dma_wait3A_1558, %dma_wait3A_1560, %dma_wait3A_1561] : memref<3x32x1024xf32, #tpu.memory_space<vmem>> -> memref<1x8x1024xf32, #tpu.memory_space<vmem>>
    %dma_wait3A_1563 = tpu.memref_squeeze %dma_wait3A_1562 : memref<1x8x1024xf32, #tpu.memory_space<vmem>> -> memref<8x1024xf32, #tpu.memory_space<vmem>>
    %dma_wait3A_1564 = arith.constant 0 : i32
    %dma_wait3A_1565 = tpu.memref_slice %arg5[%dma_wait3A_1559, %add3A_1223, %dma_wait3A_1564] : memref<4x2048x1024xf32, #tpu.memory_space<hbm>> -> memref<1x8x1024xf32, #tpu.memory_space<hbm>>
    %dma_wait3A_1566 = tpu.memref_squeeze %dma_wait3A_1565 : memref<1x8x1024xf32, #tpu.memory_space<hbm>> -> memref<8x1024xf32, #tpu.memory_space<hbm>>
    %dma_wait3A_1567 = arith.constant 0 : i32
    %dma_wait3A_1568 = tpu.memref_slice %arg5[%dma_wait3A_1559, %add3A_1223, %dma_wait3A_1567] : memref<4x2048x1024xf32, #tpu.memory_space<hbm>> -> memref<1x8x1024xf32, #tpu.memory_space<hbm>>
    %dma_wait3A_1569 = tpu.memref_squeeze %dma_wait3A_1568 : memref<1x8x1024xf32, #tpu.memory_space<hbm>> -> memref<8x1024xf32, #tpu.memory_space<hbm>>
    %dma_wait3A_1570 = arith.constant 8 : i32
    %dma_wait3A_1571 = arith.constant 0 : i32
    %dma_wait3A_1572 = tpu.memref_slice %arg7[%dma_wait3A_1558, %dma_wait3A_1570, %dma_wait3A_1571] : memref<3x32x1024xf32, #tpu.memory_space<vmem>> -> memref<1x8x1024xf32, #tpu.memory_space<vmem>>
    %dma_wait3A_1573 = tpu.memref_squeeze %dma_wait3A_1572 : memref<1x8x1024xf32, #tpu.memory_space<vmem>> -> memref<8x1024xf32, #tpu.memory_space<vmem>>
    tpu.wait_dma2 semaphore(%arg16 : memref<!tpu.dma_semaphore, #tpu.memory_space<semaphore_mem>>) src(%dma_wait3A_1573 : memref<8x1024xf32, #tpu.memory_space<vmem>>) dst(%dma_wait3A_1569 : memref<8x1024xf32, #tpu.memory_space<hbm>>)
    %dma_wait3A_1574 = arith.constant 1 : i32
    %dma_wait3A_1575 = arith.constant 2 : i32
    %dma_wait3A_1576 = arith.constant 16 : i32
    %dma_wait3A_1577 = arith.constant 0 : i32
    %dma_wait3A_1578 = tpu.memref_slice %arg7[%dma_wait3A_1574, %dma_wait3A_1576, %dma_wait3A_1577] : memref<3x32x1024xf32, #tpu.memory_space<vmem>> -> memref<1x8x1024xf32, #tpu.memory_space<vmem>>
    %dma_wait3A_1579 = tpu.memref_squeeze %dma_wait3A_1578 : memref<1x8x1024xf32, #tpu.memory_space<vmem>> -> memref<8x1024xf32, #tpu.memory_space<vmem>>
    %dma_wait3A_1580 = arith.constant 0 : i32
    %dma_wait3A_1581 = tpu.memref_slice %arg5[%dma_wait3A_1575, %add3A_1241, %dma_wait3A_1580] : memref<4x2048x1024xf32, #tpu.memory_space<hbm>> -> memref<1x8x1024xf32, #tpu.memory_space<hbm>>
    %dma_wait3A_1582 = tpu.memref_squeeze %dma_wait3A_1581 : memref<1x8x1024xf32, #tpu.memory_space<hbm>> -> memref<8x1024xf32, #tpu.memory_space<hbm>>
    %dma_wait3A_1583 = arith.constant 0 : i32
    %dma_wait3A_1584 = tpu.memref_slice %arg5[%dma_wait3A_1575, %add3A_1241, %dma_wait3A_1583] : memref<4x2048x1024xf32, #tpu.memory_space<hbm>> -> memref<1x8x1024xf32, #tpu.memory_space<hbm>>
    %dma_wait3A_1585 = tpu.memref_squeeze %dma_wait3A_1584 : memref<1x8x1024xf32, #tpu.memory_space<hbm>> -> memref<8x1024xf32, #tpu.memory_space<hbm>>
    %dma_wait3A_1586 = arith.constant 16 : i32
    %dma_wait3A_1587 = arith.constant 0 : i32
    %dma_wait3A_1588 = tpu.memref_slice %arg7[%dma_wait3A_1574, %dma_wait3A_1586, %dma_wait3A_1587] : memref<3x32x1024xf32, #tpu.memory_space<vmem>> -> memref<1x8x1024xf32, #tpu.memory_space<vmem>>
    %dma_wait3A_1589 = tpu.memref_squeeze %dma_wait3A_1588 : memref<1x8x1024xf32, #tpu.memory_space<vmem>> -> memref<8x1024xf32, #tpu.memory_space<vmem>>
    tpu.wait_dma2 semaphore(%arg16 : memref<!tpu.dma_semaphore, #tpu.memory_space<semaphore_mem>>) src(%dma_wait3A_1589 : memref<8x1024xf32, #tpu.memory_space<vmem>>) dst(%dma_wait3A_1585 : memref<8x1024xf32, #tpu.memory_space<hbm>>)
    %dma_wait3A_1590 = arith.constant 1 : i32
    %dma_wait3A_1591 = arith.constant 3 : i32
    %dma_wait3A_1592 = arith.constant 24 : i32
    %dma_wait3A_1593 = arith.constant 0 : i32
    %dma_wait3A_1594 = tpu.memref_slice %arg7[%dma_wait3A_1590, %dma_wait3A_1592, %dma_wait3A_1593] : memref<3x32x1024xf32, #tpu.memory_space<vmem>> -> memref<1x8x1024xf32, #tpu.memory_space<vmem>>
    %dma_wait3A_1595 = tpu.memref_squeeze %dma_wait3A_1594 : memref<1x8x1024xf32, #tpu.memory_space<vmem>> -> memref<8x1024xf32, #tpu.memory_space<vmem>>
    %dma_wait3A_1596 = arith.constant 0 : i32
    %dma_wait3A_1597 = tpu.memref_slice %arg5[%dma_wait3A_1591, %add3A_1259, %dma_wait3A_1596] : memref<4x2048x1024xf32, #tpu.memory_space<hbm>> -> memref<1x8x1024xf32, #tpu.memory_space<hbm>>
    %dma_wait3A_1598 = tpu.memref_squeeze %dma_wait3A_1597 : memref<1x8x1024xf32, #tpu.memory_space<hbm>> -> memref<8x1024xf32, #tpu.memory_space<hbm>>
    %dma_wait3A_1599 = arith.constant 0 : i32
    %dma_wait3A_1600 = tpu.memref_slice %arg5[%dma_wait3A_1591, %add3A_1259, %dma_wait3A_1599] : memref<4x2048x1024xf32, #tpu.memory_space<hbm>> -> memref<1x8x1024xf32, #tpu.memory_space<hbm>>
    %dma_wait3A_1601 = tpu.memref_squeeze %dma_wait3A_1600 : memref<1x8x1024xf32, #tpu.memory_space<hbm>> -> memref<8x1024xf32, #tpu.memory_space<hbm>>
    %dma_wait3A_1602 = arith.constant 24 : i32
    %dma_wait3A_1603 = arith.constant 0 : i32
    %dma_wait3A_1604 = tpu.memref_slice %arg7[%dma_wait3A_1590, %dma_wait3A_1602, %dma_wait3A_1603] : memref<3x32x1024xf32, #tpu.memory_space<vmem>> -> memref<1x8x1024xf32, #tpu.memory_space<vmem>>
    %dma_wait3A_1605 = tpu.memref_squeeze %dma_wait3A_1604 : memref<1x8x1024xf32, #tpu.memory_space<vmem>> -> memref<8x1024xf32, #tpu.memory_space<vmem>>
    tpu.wait_dma2 semaphore(%arg16 : memref<!tpu.dma_semaphore, #tpu.memory_space<semaphore_mem>>) src(%dma_wait3A_1605 : memref<8x1024xf32, #tpu.memory_space<vmem>>) dst(%dma_wait3A_1601 : memref<8x1024xf32, #tpu.memory_space<hbm>>)
    %dma_start3A_1606 = arith.constant 0 : i32
    %dma_start3A_1607 = arith.constant 1 : i32
    %dma_start3A_1608 = arith.constant 0 : i32
    %dma_start3A_1609 = arith.constant 0 : i32
    %dma_start3A_1610 = tpu.memref_slice %arg7[%dma_start3A_1607, %dma_start3A_1608, %dma_start3A_1609] : memref<3x32x1024xf32, #tpu.memory_space<vmem>> -> memref<1x8x1024xf32, #tpu.memory_space<vmem>>
    %dma_start3A_1611 = tpu.memref_squeeze %dma_start3A_1610 : memref<1x8x1024xf32, #tpu.memory_space<vmem>> -> memref<8x1024xf32, #tpu.memory_space<vmem>>
    %dma_start3A_1612 = arith.constant 56 : i32
    %dma_start3A_1613 = tpu.memref_slice %arg6[%dma_start3A_1606, %dma_start3A_1612] : memref<4x64xi32, #tpu.memory_space<vmem>> -> memref<1x8xi32, #tpu.memory_space<vmem>>
    %dma_start3A_1614 = tpu.memref_squeeze %dma_start3A_1613 : memref<1x8xi32, #tpu.memory_space<vmem>> -> memref<8xi32, #tpu.memory_space<vmem>>
    %dma_start3A_1615 = arith.constant 0 : i32
    %dma_start3A_1616 = arith.constant 0 : i32
    %dma_start3A_1617 = tpu.memref_slice %arg3[%dma_start3A_1615, %dma_start3A_1616] : memref<100000x1024xf32, #tpu.memory_space<hbm>> -> memref<100000x1024xf32, #tpu.memory_space<hbm>>
    tpu.enqueue_indirect_dma source(%dma_start3A_1617 : memref<100000x1024xf32, #tpu.memory_space<hbm>>) target(%dma_start3A_1611 : memref<8x1024xf32, #tpu.memory_space<vmem>>) offsets(%dma_start3A_1614 : memref<8xi32, #tpu.memory_space<vmem>>) semaphore(%arg10 : memref<!tpu.dma_semaphore, #tpu.memory_space<semaphore_mem>>)
    %dma_start3A_1618 = arith.constant 1 : i32
    %dma_start3A_1619 = arith.constant 1 : i32
    %dma_start3A_1620 = arith.constant 8 : i32
    %dma_start3A_1621 = arith.constant 0 : i32
    %dma_start3A_1622 = tpu.memref_slice %arg7[%dma_start3A_1619, %dma_start3A_1620, %dma_start3A_1621] : memref<3x32x1024xf32, #tpu.memory_space<vmem>> -> memref<1x8x1024xf32, #tpu.memory_space<vmem>>
    %dma_start3A_1623 = tpu.memref_squeeze %dma_start3A_1622 : memref<1x8x1024xf32, #tpu.memory_space<vmem>> -> memref<8x1024xf32, #tpu.memory_space<vmem>>
    %dma_start3A_1624 = arith.constant 56 : i32
    %dma_start3A_1625 = tpu.memref_slice %arg6[%dma_start3A_1618, %dma_start3A_1624] : memref<4x64xi32, #tpu.memory_space<vmem>> -> memref<1x8xi32, #tpu.memory_space<vmem>>
    %dma_start3A_1626 = tpu.memref_squeeze %dma_start3A_1625 : memref<1x8xi32, #tpu.memory_space<vmem>> -> memref<8xi32, #tpu.memory_space<vmem>>
    %dma_start3A_1627 = arith.constant 0 : i32
    %dma_start3A_1628 = arith.constant 0 : i32
    %dma_start3A_1629 = tpu.memref_slice %arg3[%dma_start3A_1627, %dma_start3A_1628] : memref<100000x1024xf32, #tpu.memory_space<hbm>> -> memref<100000x1024xf32, #tpu.memory_space<hbm>>
    tpu.enqueue_indirect_dma source(%dma_start3A_1629 : memref<100000x1024xf32, #tpu.memory_space<hbm>>) target(%dma_start3A_1623 : memref<8x1024xf32, #tpu.memory_space<vmem>>) offsets(%dma_start3A_1626 : memref<8xi32, #tpu.memory_space<vmem>>) semaphore(%arg10 : memref<!tpu.dma_semaphore, #tpu.memory_space<semaphore_mem>>)
    %dma_start3A_1630 = arith.constant 2 : i32
    %dma_start3A_1631 = arith.constant 1 : i32
    %dma_start3A_1632 = arith.constant 16 : i32
    %dma_start3A_1633 = arith.constant 0 : i32
    %dma_start3A_1634 = tpu.memref_slice %arg7[%dma_start3A_1631, %dma_start3A_1632, %dma_start3A_1633] : memref<3x32x1024xf32, #tpu.memory_space<vmem>> -> memref<1x8x1024xf32, #tpu.memory_space<vmem>>
    %dma_start3A_1635 = tpu.memref_squeeze %dma_start3A_1634 : memref<1x8x1024xf32, #tpu.memory_space<vmem>> -> memref<8x1024xf32, #tpu.memory_space<vmem>>
    %dma_start3A_1636 = arith.constant 56 : i32
    %dma_start3A_1637 = tpu.memref_slice %arg6[%dma_start3A_1630, %dma_start3A_1636] : memref<4x64xi32, #tpu.memory_space<vmem>> -> memref<1x8xi32, #tpu.memory_space<vmem>>
    %dma_start3A_1638 = tpu.memref_squeeze %dma_start3A_1637 : memref<1x8xi32, #tpu.memory_space<vmem>> -> memref<8xi32, #tpu.memory_space<vmem>>
    %dma_start3A_1639 = arith.constant 0 : i32
    %dma_start3A_1640 = arith.constant 0 : i32
    %dma_start3A_1641 = tpu.memref_slice %arg3[%dma_start3A_1639, %dma_start3A_1640] : memref<100000x1024xf32, #tpu.memory_space<hbm>> -> memref<100000x1024xf32, #tpu.memory_space<hbm>>
    tpu.enqueue_indirect_dma source(%dma_start3A_1641 : memref<100000x1024xf32, #tpu.memory_space<hbm>>) target(%dma_start3A_1635 : memref<8x1024xf32, #tpu.memory_space<vmem>>) offsets(%dma_start3A_1638 : memref<8xi32, #tpu.memory_space<vmem>>) semaphore(%arg10 : memref<!tpu.dma_semaphore, #tpu.memory_space<semaphore_mem>>)
    %dma_start3A_1642 = arith.constant 3 : i32
    %dma_start3A_1643 = arith.constant 1 : i32
    %dma_start3A_1644 = arith.constant 24 : i32
    %dma_start3A_1645 = arith.constant 0 : i32
    %dma_start3A_1646 = tpu.memref_slice %arg7[%dma_start3A_1643, %dma_start3A_1644, %dma_start3A_1645] : memref<3x32x1024xf32, #tpu.memory_space<vmem>> -> memref<1x8x1024xf32, #tpu.memory_space<vmem>>
    %dma_start3A_1647 = tpu.memref_squeeze %dma_start3A_1646 : memref<1x8x1024xf32, #tpu.memory_space<vmem>> -> memref<8x1024xf32, #tpu.memory_space<vmem>>
    %dma_start3A_1648 = arith.constant 56 : i32
    %dma_start3A_1649 = tpu.memref_slice %arg6[%dma_start3A_1642, %dma_start3A_1648] : memref<4x64xi32, #tpu.memory_space<vmem>> -> memref<1x8xi32, #tpu.memory_space<vmem>>
    %dma_start3A_1650 = tpu.memref_squeeze %dma_start3A_1649 : memref<1x8xi32, #tpu.memory_space<vmem>> -> memref<8xi32, #tpu.memory_space<vmem>>
    %dma_start3A_1651 = arith.constant 0 : i32
    %dma_start3A_1652 = arith.constant 0 : i32
    %dma_start3A_1653 = tpu.memref_slice %arg3[%dma_start3A_1651, %dma_start3A_1652] : memref<100000x1024xf32, #tpu.memory_space<hbm>> -> memref<100000x1024xf32, #tpu.memory_space<hbm>>
    tpu.enqueue_indirect_dma source(%dma_start3A_1653 : memref<100000x1024xf32, #tpu.memory_space<hbm>>) target(%dma_start3A_1647 : memref<8x1024xf32, #tpu.memory_space<vmem>>) offsets(%dma_start3A_1650 : memref<8xi32, #tpu.memory_space<vmem>>) semaphore(%arg10 : memref<!tpu.dma_semaphore, #tpu.memory_space<semaphore_mem>>)
    %add3A_1654 = arith.constant 56 : i32
    %add3A_1655 = arith.addi %mul3A_2, %add3A_1654 : i32
    %dma_start3A_1656 = arith.constant 1 : i32
    %dma_start3A_1657 = arith.constant 0 : i32
    %dma_start3A_1658 = arith.constant 0 : i32
    %dma_start3A_1659 = tpu.memref_slice %arg8[%dma_start3A_1656, %dma_start3A_1657, %dma_start3A_1658] : memref<3x8x1024xf32, #tpu.memory_space<vmem>> -> memref<1x8x1024xf32, #tpu.memory_space<vmem>>
    %dma_start3A_1660 = tpu.memref_squeeze %dma_start3A_1659 : memref<1x8x1024xf32, #tpu.memory_space<vmem>> -> memref<8x1024xf32, #tpu.memory_space<vmem>>
    %dma_start3A_1661 = arith.constant 0 : i32
    %dma_start3A_1662 = tpu.memref_slice %arg4[%add3A_1655, %dma_start3A_1661] : memref<2048x1024xf32, #tpu.memory_space<hbm>> -> memref<8x1024xf32, #tpu.memory_space<hbm>>
    %dma_start3A_1663 = arith.constant 0 : i32
    %dma_start3A_1664 = arith.constant 0 : i32
    %dma_start3A_1665 = tpu.memref_slice %arg8[%dma_start3A_1656, %dma_start3A_1663, %dma_start3A_1664] : memref<3x8x1024xf32, #tpu.memory_space<vmem>> -> memref<1x8x1024xf32, #tpu.memory_space<vmem>>
    %dma_start3A_1666 = tpu.memref_squeeze %dma_start3A_1665 : memref<1x8x1024xf32, #tpu.memory_space<vmem>> -> memref<8x1024xf32, #tpu.memory_space<vmem>>
    %dma_start3A_1667 = arith.constant 0 : i32
    %dma_start3A_1668 = tpu.memref_slice %arg4[%add3A_1655, %dma_start3A_1667] : memref<2048x1024xf32, #tpu.memory_space<hbm>> -> memref<8x1024xf32, #tpu.memory_space<hbm>>
    tpu.enqueue_dma source(%dma_start3A_1668 : memref<8x1024xf32, #tpu.memory_space<hbm>>) target(%dma_start3A_1666 : memref<8x1024xf32, #tpu.memory_space<vmem>>) target_semaphore(%arg13 : memref<!tpu.dma_semaphore, #tpu.memory_space<semaphore_mem>>)
    %dma_wait3A_1669 = arith.constant 0 : i32
    %dma_wait3A_1670 = arith.constant 0 : i32
    %dma_wait3A_1671 = arith.constant 0 : i32
    %dma_wait3A_1672 = arith.constant 0 : i32
    %dma_wait3A_1673 = tpu.memref_slice %arg7[%dma_wait3A_1670, %dma_wait3A_1671, %dma_wait3A_1672] : memref<3x32x1024xf32, #tpu.memory_space<vmem>> -> memref<1x8x1024xf32, #tpu.memory_space<vmem>>
    %dma_wait3A_1674 = tpu.memref_squeeze %dma_wait3A_1673 : memref<1x8x1024xf32, #tpu.memory_space<vmem>> -> memref<8x1024xf32, #tpu.memory_space<vmem>>
    %dma_wait3A_1675 = arith.constant 48 : i32
    %dma_wait3A_1676 = tpu.memref_slice %arg6[%dma_wait3A_1669, %dma_wait3A_1675] : memref<4x64xi32, #tpu.memory_space<vmem>> -> memref<1x8xi32, #tpu.memory_space<vmem>>
    %dma_wait3A_1677 = tpu.memref_squeeze %dma_wait3A_1676 : memref<1x8xi32, #tpu.memory_space<vmem>> -> memref<8xi32, #tpu.memory_space<vmem>>
    %dma_wait3A_1678 = arith.constant 0 : i32
    %dma_wait3A_1679 = arith.constant 0 : i32
    %dma_wait3A_1680 = tpu.memref_slice %arg3[%dma_wait3A_1678, %dma_wait3A_1679] : memref<100000x1024xf32, #tpu.memory_space<hbm>> -> memref<100000x1024xf32, #tpu.memory_space<hbm>>
    tpu.wait_indirect_dma semaphore(%arg9 : memref<!tpu.dma_semaphore, #tpu.memory_space<semaphore_mem>>) src(%dma_wait3A_1680 : memref<100000x1024xf32, #tpu.memory_space<hbm>>) dst(%dma_wait3A_1674 : memref<8x1024xf32, #tpu.memory_space<vmem>>)
    %dma_wait3A_1681 = arith.constant 1 : i32
    %dma_wait3A_1682 = arith.constant 0 : i32
    %dma_wait3A_1683 = arith.constant 8 : i32
    %dma_wait3A_1684 = arith.constant 0 : i32
    %dma_wait3A_1685 = tpu.memref_slice %arg7[%dma_wait3A_1682, %dma_wait3A_1683, %dma_wait3A_1684] : memref<3x32x1024xf32, #tpu.memory_space<vmem>> -> memref<1x8x1024xf32, #tpu.memory_space<vmem>>
    %dma_wait3A_1686 = tpu.memref_squeeze %dma_wait3A_1685 : memref<1x8x1024xf32, #tpu.memory_space<vmem>> -> memref<8x1024xf32, #tpu.memory_space<vmem>>
    %dma_wait3A_1687 = arith.constant 48 : i32
    %dma_wait3A_1688 = tpu.memref_slice %arg6[%dma_wait3A_1681, %dma_wait3A_1687] : memref<4x64xi32, #tpu.memory_space<vmem>> -> memref<1x8xi32, #tpu.memory_space<vmem>>
    %dma_wait3A_1689 = tpu.memref_squeeze %dma_wait3A_1688 : memref<1x8xi32, #tpu.memory_space<vmem>> -> memref<8xi32, #tpu.memory_space<vmem>>
    %dma_wait3A_1690 = arith.constant 0 : i32
    %dma_wait3A_1691 = arith.constant 0 : i32
    %dma_wait3A_1692 = tpu.memref_slice %arg3[%dma_wait3A_1690, %dma_wait3A_1691] : memref<100000x1024xf32, #tpu.memory_space<hbm>> -> memref<100000x1024xf32, #tpu.memory_space<hbm>>
    tpu.wait_indirect_dma semaphore(%arg9 : memref<!tpu.dma_semaphore, #tpu.memory_space<semaphore_mem>>) src(%dma_wait3A_1692 : memref<100000x1024xf32, #tpu.memory_space<hbm>>) dst(%dma_wait3A_1686 : memref<8x1024xf32, #tpu.memory_space<vmem>>)
    %dma_wait3A_1693 = arith.constant 2 : i32
    %dma_wait3A_1694 = arith.constant 0 : i32
    %dma_wait3A_1695 = arith.constant 16 : i32
    %dma_wait3A_1696 = arith.constant 0 : i32
    %dma_wait3A_1697 = tpu.memref_slice %arg7[%dma_wait3A_1694, %dma_wait3A_1695, %dma_wait3A_1696] : memref<3x32x1024xf32, #tpu.memory_space<vmem>> -> memref<1x8x1024xf32, #tpu.memory_space<vmem>>
    %dma_wait3A_1698 = tpu.memref_squeeze %dma_wait3A_1697 : memref<1x8x1024xf32, #tpu.memory_space<vmem>> -> memref<8x1024xf32, #tpu.memory_space<vmem>>
    %dma_wait3A_1699 = arith.constant 48 : i32
    %dma_wait3A_1700 = tpu.memref_slice %arg6[%dma_wait3A_1693, %dma_wait3A_1699] : memref<4x64xi32, #tpu.memory_space<vmem>> -> memref<1x8xi32, #tpu.memory_space<vmem>>
    %dma_wait3A_1701 = tpu.memref_squeeze %dma_wait3A_1700 : memref<1x8xi32, #tpu.memory_space<vmem>> -> memref<8xi32, #tpu.memory_space<vmem>>
    %dma_wait3A_1702 = arith.constant 0 : i32
    %dma_wait3A_1703 = arith.constant 0 : i32
    %dma_wait3A_1704 = tpu.memref_slice %arg3[%dma_wait3A_1702, %dma_wait3A_1703] : memref<100000x1024xf32, #tpu.memory_space<hbm>> -> memref<100000x1024xf32, #tpu.memory_space<hbm>>
    tpu.wait_indirect_dma semaphore(%arg9 : memref<!tpu.dma_semaphore, #tpu.memory_space<semaphore_mem>>) src(%dma_wait3A_1704 : memref<100000x1024xf32, #tpu.memory_space<hbm>>) dst(%dma_wait3A_1698 : memref<8x1024xf32, #tpu.memory_space<vmem>>)
    %dma_wait3A_1705 = arith.constant 3 : i32
    %dma_wait3A_1706 = arith.constant 0 : i32
    %dma_wait3A_1707 = arith.constant 24 : i32
    %dma_wait3A_1708 = arith.constant 0 : i32
    %dma_wait3A_1709 = tpu.memref_slice %arg7[%dma_wait3A_1706, %dma_wait3A_1707, %dma_wait3A_1708] : memref<3x32x1024xf32, #tpu.memory_space<vmem>> -> memref<1x8x1024xf32, #tpu.memory_space<vmem>>
    %dma_wait3A_1710 = tpu.memref_squeeze %dma_wait3A_1709 : memref<1x8x1024xf32, #tpu.memory_space<vmem>> -> memref<8x1024xf32, #tpu.memory_space<vmem>>
    %dma_wait3A_1711 = arith.constant 48 : i32
    %dma_wait3A_1712 = tpu.memref_slice %arg6[%dma_wait3A_1705, %dma_wait3A_1711] : memref<4x64xi32, #tpu.memory_space<vmem>> -> memref<1x8xi32, #tpu.memory_space<vmem>>
    %dma_wait3A_1713 = tpu.memref_squeeze %dma_wait3A_1712 : memref<1x8xi32, #tpu.memory_space<vmem>> -> memref<8xi32, #tpu.memory_space<vmem>>
    %dma_wait3A_1714 = arith.constant 0 : i32
    %dma_wait3A_1715 = arith.constant 0 : i32
    %dma_wait3A_1716 = tpu.memref_slice %arg3[%dma_wait3A_1714, %dma_wait3A_1715] : memref<100000x1024xf32, #tpu.memory_space<hbm>> -> memref<100000x1024xf32, #tpu.memory_space<hbm>>
    tpu.wait_indirect_dma semaphore(%arg9 : memref<!tpu.dma_semaphore, #tpu.memory_space<semaphore_mem>>) src(%dma_wait3A_1716 : memref<100000x1024xf32, #tpu.memory_space<hbm>>) dst(%dma_wait3A_1710 : memref<8x1024xf32, #tpu.memory_space<vmem>>)
    %dma_wait3A_1717 = arith.constant 0 : i32
    %dma_wait3A_1718 = arith.constant 0 : i32
    %dma_wait3A_1719 = arith.constant 0 : i32
    %dma_wait3A_1720 = tpu.memref_slice %arg8[%dma_wait3A_1717, %dma_wait3A_1718, %dma_wait3A_1719] : memref<3x8x1024xf32, #tpu.memory_space<vmem>> -> memref<1x8x1024xf32, #tpu.memory_space<vmem>>
    %dma_wait3A_1721 = tpu.memref_squeeze %dma_wait3A_1720 : memref<1x8x1024xf32, #tpu.memory_space<vmem>> -> memref<8x1024xf32, #tpu.memory_space<vmem>>
    %dma_wait3A_1722 = arith.constant 0 : i32
    %dma_wait3A_1723 = tpu.memref_slice %arg4[%add3A_1389, %dma_wait3A_1722] : memref<2048x1024xf32, #tpu.memory_space<hbm>> -> memref<8x1024xf32, #tpu.memory_space<hbm>>
    %dma_wait3A_1724 = arith.constant 0 : i32
    %dma_wait3A_1725 = arith.constant 0 : i32
    %dma_wait3A_1726 = tpu.memref_slice %arg8[%dma_wait3A_1717, %dma_wait3A_1724, %dma_wait3A_1725] : memref<3x8x1024xf32, #tpu.memory_space<vmem>> -> memref<1x8x1024xf32, #tpu.memory_space<vmem>>
    %dma_wait3A_1727 = tpu.memref_squeeze %dma_wait3A_1726 : memref<1x8x1024xf32, #tpu.memory_space<vmem>> -> memref<8x1024xf32, #tpu.memory_space<vmem>>
    %dma_wait3A_1728 = arith.constant 0 : i32
    %dma_wait3A_1729 = tpu.memref_slice %arg4[%add3A_1389, %dma_wait3A_1728] : memref<2048x1024xf32, #tpu.memory_space<hbm>> -> memref<8x1024xf32, #tpu.memory_space<hbm>>
    tpu.wait_dma2 semaphore(%arg12 : memref<!tpu.dma_semaphore, #tpu.memory_space<semaphore_mem>>) src(%dma_wait3A_1729 : memref<8x1024xf32, #tpu.memory_space<hbm>>) dst(%dma_wait3A_1727 : memref<8x1024xf32, #tpu.memory_space<vmem>>)
    %scan3A_1730 = arith.constant 0 : i32
    %scan3A_1731 = arith.constant 0 : i32
    %scan3A_1732 = arith.constant 8 : i32
    %scan3A_1733 = arith.addi %scan3A_1731, %scan3A_1732 : i32
    %scan3A_1734 = arith.constant 1 : i32
    scf.for %scan3A_2139 = %scan3A_1731 to %scan3A_1733 step %scan3A_1734  : i32 {
      %parallel_loop3A = arith.constant 0 : i32
      %parallel_loop3A_2140 = arith.constant 1024 : i32
      %parallel_loop3A_2141 = arith.constant 16 : i32
      scf.for %parallel_loop3A_2142 = %parallel_loop3A to %parallel_loop3A_2140 step %parallel_loop3A_2141  : i32 {
        %parallel_loop3A_2143 = arith.constant 0 : i32
        %parallel_loop3A_2144 = arith.index_cast %parallel_loop3A_2143 : i32 to index
        %parallel_loop3A_2145 = arith.index_cast %scan3A_2139 : i32 to index
        %parallel_loop3A_2146 = arith.index_cast %parallel_loop3A_2142 : i32 to index
        %parallel_loop3A_2147 = tpu.vector_load %arg8[%parallel_loop3A_2144, %parallel_loop3A_2145, %parallel_loop3A_2146] {strides = array<i32>} : memref<3x8x1024xf32, #tpu.memory_space<vmem>>, vector<1x1x16xf32>,
        %parallel_loop3A_2148 = vector.shape_cast %parallel_loop3A_2147 : vector<1x1x16xf32> to vector<16xf32>
        %parallel_loop3A_2149 = arith.constant 0 : i32
        %parallel_loop3A_2150 = arith.addi %parallel_loop3A_2149, %scan3A_2139 : i32
        %parallel_loop3A_2151 = arith.constant 0 : i32
        %parallel_loop3A_2152 = arith.index_cast %parallel_loop3A_2151 : i32 to index
        %parallel_loop3A_2153 = arith.index_cast %parallel_loop3A_2150 : i32 to index
        %parallel_loop3A_2154 = arith.index_cast %parallel_loop3A_2142 : i32 to index
        %parallel_loop3A_2155 = tpu.vector_load %arg7[%parallel_loop3A_2152, %parallel_loop3A_2153, %parallel_loop3A_2154] {strides = array<i32>} : memref<3x32x1024xf32, #tpu.memory_space<vmem>>, vector<1x1x16xf32>,
        %parallel_loop3A_2156 = vector.shape_cast %parallel_loop3A_2155 : vector<1x1x16xf32> to vector<16xf32>
        %parallel_loop3A_2157 = arith.addf %parallel_loop3A_2156, %parallel_loop3A_2148 : vector<16xf32>
        %parallel_loop3A_2158 = arith.constant 0 : i32
        %parallel_loop3A_2159 = arith.addi %parallel_loop3A_2158, %scan3A_2139 : i32
        %parallel_loop3A_2160 = arith.constant 0 : i32
        %parallel_loop3A_2161 = arith.index_cast %parallel_loop3A_2160 : i32 to index
        %parallel_loop3A_2162 = arith.index_cast %parallel_loop3A_2159 : i32 to index
        %parallel_loop3A_2163 = arith.index_cast %parallel_loop3A_2142 : i32 to index
        %parallel_loop3A_2164 = tpu.vector_load %arg7[%parallel_loop3A_2161, %parallel_loop3A_2162, %parallel_loop3A_2163] {strides = array<i32>} : memref<3x32x1024xf32, #tpu.memory_space<vmem>>, vector<1x1x16xf32>,
        %parallel_loop3A_2165 = vector.shape_cast %parallel_loop3A_2164 : vector<1x1x16xf32> to vector<16xf32>
        %parallel_loop3A_2166 = vector.shape_cast %parallel_loop3A_2157 : vector<16xf32> to vector<1x1x16xf32>
        tpu.vector_store %arg7[%parallel_loop3A_2161, %parallel_loop3A_2162, %parallel_loop3A_2163], %parallel_loop3A_2166 {strides = array<i32>} : memref<3x32x1024xf32, #tpu.memory_space<vmem>>, vector<1x1x16xf32>,
        %parallel_loop3A_2167 = arith.constant 8 : i32
        %parallel_loop3A_2168 = arith.addi %parallel_loop3A_2167, %scan3A_2139 : i32
        %parallel_loop3A_2169 = arith.constant 0 : i32
        %parallel_loop3A_2170 = arith.index_cast %parallel_loop3A_2169 : i32 to index
        %parallel_loop3A_2171 = arith.index_cast %parallel_loop3A_2168 : i32 to index
        %parallel_loop3A_2172 = arith.index_cast %parallel_loop3A_2142 : i32 to index
        %parallel_loop3A_2173 = tpu.vector_load %arg7[%parallel_loop3A_2170, %parallel_loop3A_2171, %parallel_loop3A_2172] {strides = array<i32>} : memref<3x32x1024xf32, #tpu.memory_space<vmem>>, vector<1x1x16xf32>,
        %parallel_loop3A_2174 = vector.shape_cast %parallel_loop3A_2173 : vector<1x1x16xf32> to vector<16xf32>
        %parallel_loop3A_2175 = arith.addf %parallel_loop3A_2174, %parallel_loop3A_2148 : vector<16xf32>
        %parallel_loop3A_2176 = arith.constant 8 : i32
        %parallel_loop3A_2177 = arith.addi %parallel_loop3A_2176, %scan3A_2139 : i32
        %parallel_loop3A_2178 = arith.constant 0 : i32
        %parallel_loop3A_2179 = arith.index_cast %parallel_loop3A_2178 : i32 to index
        %parallel_loop3A_2180 = arith.index_cast %parallel_loop3A_2177 : i32 to index
        %parallel_loop3A_2181 = arith.index_cast %parallel_loop3A_2142 : i32 to index
        %parallel_loop3A_2182 = tpu.vector_load %arg7[%parallel_loop3A_2179, %parallel_loop3A_2180, %parallel_loop3A_2181] {strides = array<i32>} : memref<3x32x1024xf32, #tpu.memory_space<vmem>>, vector<1x1x16xf32>,
        %parallel_loop3A_2183 = vector.shape_cast %parallel_loop3A_2182 : vector<1x1x16xf32> to vector<16xf32>
        %parallel_loop3A_2184 = vector.shape_cast %parallel_loop3A_2175 : vector<16xf32> to vector<1x1x16xf32>
        tpu.vector_store %arg7[%parallel_loop3A_2179, %parallel_loop3A_2180, %parallel_loop3A_2181], %parallel_loop3A_2184 {strides = array<i32>} : memref<3x32x1024xf32, #tpu.memory_space<vmem>>, vector<1x1x16xf32>,
        %parallel_loop3A_2185 = arith.constant 16 : i32
        %parallel_loop3A_2186 = arith.addi %parallel_loop3A_2185, %scan3A_2139 : i32
        %parallel_loop3A_2187 = arith.constant 0 : i32
        %parallel_loop3A_2188 = arith.index_cast %parallel_loop3A_2187 : i32 to index
        %parallel_loop3A_2189 = arith.index_cast %parallel_loop3A_2186 : i32 to index
        %parallel_loop3A_2190 = arith.index_cast %parallel_loop3A_2142 : i32 to index
        %parallel_loop3A_2191 = tpu.vector_load %arg7[%parallel_loop3A_2188, %parallel_loop3A_2189, %parallel_loop3A_2190] {strides = array<i32>} : memref<3x32x1024xf32, #tpu.memory_space<vmem>>, vector<1x1x16xf32>,
        %parallel_loop3A_2192 = vector.shape_cast %parallel_loop3A_2191 : vector<1x1x16xf32> to vector<16xf32>
        %parallel_loop3A_2193 = arith.addf %parallel_loop3A_2192, %parallel_loop3A_2148 : vector<16xf32>
        %parallel_loop3A_2194 = arith.constant 16 : i32
        %parallel_loop3A_2195 = arith.addi %parallel_loop3A_2194, %scan3A_2139 : i32
        %parallel_loop3A_2196 = arith.constant 0 : i32
        %parallel_loop3A_2197 = arith.index_cast %parallel_loop3A_2196 : i32 to index
        %parallel_loop3A_2198 = arith.index_cast %parallel_loop3A_2195 : i32 to index
        %parallel_loop3A_2199 = arith.index_cast %parallel_loop3A_2142 : i32 to index
        %parallel_loop3A_2200 = tpu.vector_load %arg7[%parallel_loop3A_2197, %parallel_loop3A_2198, %parallel_loop3A_2199] {strides = array<i32>} : memref<3x32x1024xf32, #tpu.memory_space<vmem>>, vector<1x1x16xf32>,
        %parallel_loop3A_2201 = vector.shape_cast %parallel_loop3A_2200 : vector<1x1x16xf32> to vector<16xf32>
        %parallel_loop3A_2202 = vector.shape_cast %parallel_loop3A_2193 : vector<16xf32> to vector<1x1x16xf32>
        tpu.vector_store %arg7[%parallel_loop3A_2197, %parallel_loop3A_2198, %parallel_loop3A_2199], %parallel_loop3A_2202 {strides = array<i32>} : memref<3x32x1024xf32, #tpu.memory_space<vmem>>, vector<1x1x16xf32>,
        %parallel_loop3A_2203 = arith.constant 24 : i32
        %parallel_loop3A_2204 = arith.addi %parallel_loop3A_2203, %scan3A_2139 : i32
        %parallel_loop3A_2205 = arith.constant 0 : i32
        %parallel_loop3A_2206 = arith.index_cast %parallel_loop3A_2205 : i32 to index
        %parallel_loop3A_2207 = arith.index_cast %parallel_loop3A_2204 : i32 to index
        %parallel_loop3A_2208 = arith.index_cast %parallel_loop3A_2142 : i32 to index
        %parallel_loop3A_2209 = tpu.vector_load %arg7[%parallel_loop3A_2206, %parallel_loop3A_2207, %parallel_loop3A_2208] {strides = array<i32>} : memref<3x32x1024xf32, #tpu.memory_space<vmem>>, vector<1x1x16xf32>,
        %parallel_loop3A_2210 = vector.shape_cast %parallel_loop3A_2209 : vector<1x1x16xf32> to vector<16xf32>
        %parallel_loop3A_2211 = arith.addf %parallel_loop3A_2210, %parallel_loop3A_2148 : vector<16xf32>
        %parallel_loop3A_2212 = arith.constant 24 : i32
        %parallel_loop3A_2213 = arith.addi %parallel_loop3A_2212, %scan3A_2139 : i32
        %parallel_loop3A_2214 = arith.constant 0 : i32
        %parallel_loop3A_2215 = arith.index_cast %parallel_loop3A_2214 : i32 to index
        %parallel_loop3A_2216 = arith.index_cast %parallel_loop3A_2213 : i32 to index
        %parallel_loop3A_2217 = arith.index_cast %parallel_loop3A_2142 : i32 to index
        %parallel_loop3A_2218 = tpu.vector_load %arg7[%parallel_loop3A_2215, %parallel_loop3A_2216, %parallel_loop3A_2217] {strides = array<i32>} : memref<3x32x1024xf32, #tpu.memory_space<vmem>>, vector<1x1x16xf32>,
        %parallel_loop3A_2219 = vector.shape_cast %parallel_loop3A_2218 : vector<1x1x16xf32> to vector<16xf32>
        %parallel_loop3A_2220 = vector.shape_cast %parallel_loop3A_2211 : vector<16xf32> to vector<1x1x16xf32>
        tpu.vector_store %arg7[%parallel_loop3A_2215, %parallel_loop3A_2216, %parallel_loop3A_2217], %parallel_loop3A_2220 {strides = array<i32>} : memref<3x32x1024xf32, #tpu.memory_space<vmem>>, vector<1x1x16xf32>,
      } {sc.loop_unroll_factor = 8 : i64, sc.parallel_access}
    }
    %scan3A_1735 = arith.constant 8 : i32
    %add3A_1736 = arith.constant 48 : i32
    %add3A_1737 = arith.addi %mul3A_2, %add3A_1736 : i32
    %dma_start3A_1738 = arith.constant 0 : i32
    %dma_start3A_1739 = arith.constant 0 : i32
    %dma_start3A_1740 = arith.constant 0 : i32
    %dma_start3A_1741 = arith.constant 0 : i32
    %dma_start3A_1742 = tpu.memref_slice %arg7[%dma_start3A_1738, %dma_start3A_1740, %dma_start3A_1741] : memref<3x32x1024xf32, #tpu.memory_space<vmem>> -> memref<1x8x1024xf32, #tpu.memory_space<vmem>>
    %dma_start3A_1743 = tpu.memref_squeeze %dma_start3A_1742 : memref<1x8x1024xf32, #tpu.memory_space<vmem>> -> memref<8x1024xf32, #tpu.memory_space<vmem>>
    %dma_start3A_1744 = arith.constant 0 : i32
    %dma_start3A_1745 = tpu.memref_slice %arg5[%dma_start3A_1739, %add3A_1737, %dma_start3A_1744] : memref<4x2048x1024xf32, #tpu.memory_space<hbm>> -> memref<1x8x1024xf32, #tpu.memory_space<hbm>>
    %dma_start3A_1746 = tpu.memref_squeeze %dma_start3A_1745 : memref<1x8x1024xf32, #tpu.memory_space<hbm>> -> memref<8x1024xf32, #tpu.memory_space<hbm>>
    %dma_start3A_1747 = arith.constant 0 : i32
    %dma_start3A_1748 = tpu.memref_slice %arg5[%dma_start3A_1739, %add3A_1737, %dma_start3A_1747] : memref<4x2048x1024xf32, #tpu.memory_space<hbm>> -> memref<1x8x1024xf32, #tpu.memory_space<hbm>>
    %dma_start3A_1749 = tpu.memref_squeeze %dma_start3A_1748 : memref<1x8x1024xf32, #tpu.memory_space<hbm>> -> memref<8x1024xf32, #tpu.memory_space<hbm>>
    %dma_start3A_1750 = arith.constant 0 : i32
    %dma_start3A_1751 = arith.constant 0 : i32
    %dma_start3A_1752 = tpu.memref_slice %arg7[%dma_start3A_1738, %dma_start3A_1750, %dma_start3A_1751] : memref<3x32x1024xf32, #tpu.memory_space<vmem>> -> memref<1x8x1024xf32, #tpu.memory_space<vmem>>
    %dma_start3A_1753 = tpu.memref_squeeze %dma_start3A_1752 : memref<1x8x1024xf32, #tpu.memory_space<vmem>> -> memref<8x1024xf32, #tpu.memory_space<vmem>>
    tpu.enqueue_dma source(%dma_start3A_1753 : memref<8x1024xf32, #tpu.memory_space<vmem>>) target(%dma_start3A_1749 : memref<8x1024xf32, #tpu.memory_space<hbm>>) target_semaphore(%arg15 : memref<!tpu.dma_semaphore, #tpu.memory_space<semaphore_mem>>)
    %add3A_1754 = arith.constant 48 : i32
    %add3A_1755 = arith.addi %mul3A_2, %add3A_1754 : i32
    %dma_start3A_1756 = arith.constant 0 : i32
    %dma_start3A_1757 = arith.constant 1 : i32
    %dma_start3A_1758 = arith.constant 8 : i32
    %dma_start3A_1759 = arith.constant 0 : i32
    %dma_start3A_1760 = tpu.memref_slice %arg7[%dma_start3A_1756, %dma_start3A_1758, %dma_start3A_1759] : memref<3x32x1024xf32, #tpu.memory_space<vmem>> -> memref<1x8x1024xf32, #tpu.memory_space<vmem>>
    %dma_start3A_1761 = tpu.memref_squeeze %dma_start3A_1760 : memref<1x8x1024xf32, #tpu.memory_space<vmem>> -> memref<8x1024xf32, #tpu.memory_space<vmem>>
    %dma_start3A_1762 = arith.constant 0 : i32
    %dma_start3A_1763 = tpu.memref_slice %arg5[%dma_start3A_1757, %add3A_1755, %dma_start3A_1762] : memref<4x2048x1024xf32, #tpu.memory_space<hbm>> -> memref<1x8x1024xf32, #tpu.memory_space<hbm>>
    %dma_start3A_1764 = tpu.memref_squeeze %dma_start3A_1763 : memref<1x8x1024xf32, #tpu.memory_space<hbm>> -> memref<8x1024xf32, #tpu.memory_space<hbm>>
    %dma_start3A_1765 = arith.constant 0 : i32
    %dma_start3A_1766 = tpu.memref_slice %arg5[%dma_start3A_1757, %add3A_1755, %dma_start3A_1765] : memref<4x2048x1024xf32, #tpu.memory_space<hbm>> -> memref<1x8x1024xf32, #tpu.memory_space<hbm>>
    %dma_start3A_1767 = tpu.memref_squeeze %dma_start3A_1766 : memref<1x8x1024xf32, #tpu.memory_space<hbm>> -> memref<8x1024xf32, #tpu.memory_space<hbm>>
    %dma_start3A_1768 = arith.constant 8 : i32
    %dma_start3A_1769 = arith.constant 0 : i32
    %dma_start3A_1770 = tpu.memref_slice %arg7[%dma_start3A_1756, %dma_start3A_1768, %dma_start3A_1769] : memref<3x32x1024xf32, #tpu.memory_space<vmem>> -> memref<1x8x1024xf32, #tpu.memory_space<vmem>>
    %dma_start3A_1771 = tpu.memref_squeeze %dma_start3A_1770 : memref<1x8x1024xf32, #tpu.memory_space<vmem>> -> memref<8x1024xf32, #tpu.memory_space<vmem>>
    tpu.enqueue_dma source(%dma_start3A_1771 : memref<8x1024xf32, #tpu.memory_space<vmem>>) target(%dma_start3A_1767 : memref<8x1024xf32, #tpu.memory_space<hbm>>) target_semaphore(%arg15 : memref<!tpu.dma_semaphore, #tpu.memory_space<semaphore_mem>>)
    %add3A_1772 = arith.constant 48 : i32
    %add3A_1773 = arith.addi %mul3A_2, %add3A_1772 : i32
    %dma_start3A_1774 = arith.constant 0 : i32
    %dma_start3A_1775 = arith.constant 2 : i32
    %dma_start3A_1776 = arith.constant 16 : i32
    %dma_start3A_1777 = arith.constant 0 : i32
    %dma_start3A_1778 = tpu.memref_slice %arg7[%dma_start3A_1774, %dma_start3A_1776, %dma_start3A_1777] : memref<3x32x1024xf32, #tpu.memory_space<vmem>> -> memref<1x8x1024xf32, #tpu.memory_space<vmem>>
    %dma_start3A_1779 = tpu.memref_squeeze %dma_start3A_1778 : memref<1x8x1024xf32, #tpu.memory_space<vmem>> -> memref<8x1024xf32, #tpu.memory_space<vmem>>
    %dma_start3A_1780 = arith.constant 0 : i32
    %dma_start3A_1781 = tpu.memref_slice %arg5[%dma_start3A_1775, %add3A_1773, %dma_start3A_1780] : memref<4x2048x1024xf32, #tpu.memory_space<hbm>> -> memref<1x8x1024xf32, #tpu.memory_space<hbm>>
    %dma_start3A_1782 = tpu.memref_squeeze %dma_start3A_1781 : memref<1x8x1024xf32, #tpu.memory_space<hbm>> -> memref<8x1024xf32, #tpu.memory_space<hbm>>
    %dma_start3A_1783 = arith.constant 0 : i32
    %dma_start3A_1784 = tpu.memref_slice %arg5[%dma_start3A_1775, %add3A_1773, %dma_start3A_1783] : memref<4x2048x1024xf32, #tpu.memory_space<hbm>> -> memref<1x8x1024xf32, #tpu.memory_space<hbm>>
    %dma_start3A_1785 = tpu.memref_squeeze %dma_start3A_1784 : memref<1x8x1024xf32, #tpu.memory_space<hbm>> -> memref<8x1024xf32, #tpu.memory_space<hbm>>
    %dma_start3A_1786 = arith.constant 16 : i32
    %dma_start3A_1787 = arith.constant 0 : i32
    %dma_start3A_1788 = tpu.memref_slice %arg7[%dma_start3A_1774, %dma_start3A_1786, %dma_start3A_1787] : memref<3x32x1024xf32, #tpu.memory_space<vmem>> -> memref<1x8x1024xf32, #tpu.memory_space<vmem>>
    %dma_start3A_1789 = tpu.memref_squeeze %dma_start3A_1788 : memref<1x8x1024xf32, #tpu.memory_space<vmem>> -> memref<8x1024xf32, #tpu.memory_space<vmem>>
    tpu.enqueue_dma source(%dma_start3A_1789 : memref<8x1024xf32, #tpu.memory_space<vmem>>) target(%dma_start3A_1785 : memref<8x1024xf32, #tpu.memory_space<hbm>>) target_semaphore(%arg15 : memref<!tpu.dma_semaphore, #tpu.memory_space<semaphore_mem>>)
    %add3A_1790 = arith.constant 48 : i32
    %add3A_1791 = arith.addi %mul3A_2, %add3A_1790 : i32
    %dma_start3A_1792 = arith.constant 0 : i32
    %dma_start3A_1793 = arith.constant 3 : i32
    %dma_start3A_1794 = arith.constant 24 : i32
    %dma_start3A_1795 = arith.constant 0 : i32
    %dma_start3A_1796 = tpu.memref_slice %arg7[%dma_start3A_1792, %dma_start3A_1794, %dma_start3A_1795] : memref<3x32x1024xf32, #tpu.memory_space<vmem>> -> memref<1x8x1024xf32, #tpu.memory_space<vmem>>
    %dma_start3A_1797 = tpu.memref_squeeze %dma_start3A_1796 : memref<1x8x1024xf32, #tpu.memory_space<vmem>> -> memref<8x1024xf32, #tpu.memory_space<vmem>>
    %dma_start3A_1798 = arith.constant 0 : i32
    %dma_start3A_1799 = tpu.memref_slice %arg5[%dma_start3A_1793, %add3A_1791, %dma_start3A_1798] : memref<4x2048x1024xf32, #tpu.memory_space<hbm>> -> memref<1x8x1024xf32, #tpu.memory_space<hbm>>
    %dma_start3A_1800 = tpu.memref_squeeze %dma_start3A_1799 : memref<1x8x1024xf32, #tpu.memory_space<hbm>> -> memref<8x1024xf32, #tpu.memory_space<hbm>>
    %dma_start3A_1801 = arith.constant 0 : i32
    %dma_start3A_1802 = tpu.memref_slice %arg5[%dma_start3A_1793, %add3A_1791, %dma_start3A_1801] : memref<4x2048x1024xf32, #tpu.memory_space<hbm>> -> memref<1x8x1024xf32, #tpu.memory_space<hbm>>
    %dma_start3A_1803 = tpu.memref_squeeze %dma_start3A_1802 : memref<1x8x1024xf32, #tpu.memory_space<hbm>> -> memref<8x1024xf32, #tpu.memory_space<hbm>>
    %dma_start3A_1804 = arith.constant 24 : i32
    %dma_start3A_1805 = arith.constant 0 : i32
    %dma_start3A_1806 = tpu.memref_slice %arg7[%dma_start3A_1792, %dma_start3A_1804, %dma_start3A_1805] : memref<3x32x1024xf32, #tpu.memory_space<vmem>> -> memref<1x8x1024xf32, #tpu.memory_space<vmem>>
    %dma_start3A_1807 = tpu.memref_squeeze %dma_start3A_1806 : memref<1x8x1024xf32, #tpu.memory_space<vmem>> -> memref<8x1024xf32, #tpu.memory_space<vmem>>
    tpu.enqueue_dma source(%dma_start3A_1807 : memref<8x1024xf32, #tpu.memory_space<vmem>>) target(%dma_start3A_1803 : memref<8x1024xf32, #tpu.memory_space<hbm>>) target_semaphore(%arg15 : memref<!tpu.dma_semaphore, #tpu.memory_space<semaphore_mem>>)
    %dma_wait3A_1808 = arith.constant 0 : i32
    %dma_wait3A_1809 = arith.constant 1 : i32
    %dma_wait3A_1810 = arith.constant 0 : i32
    %dma_wait3A_1811 = arith.constant 0 : i32
    %dma_wait3A_1812 = tpu.memref_slice %arg7[%dma_wait3A_1809, %dma_wait3A_1810, %dma_wait3A_1811] : memref<3x32x1024xf32, #tpu.memory_space<vmem>> -> memref<1x8x1024xf32, #tpu.memory_space<vmem>>
    %dma_wait3A_1813 = tpu.memref_squeeze %dma_wait3A_1812 : memref<1x8x1024xf32, #tpu.memory_space<vmem>> -> memref<8x1024xf32, #tpu.memory_space<vmem>>
    %dma_wait3A_1814 = arith.constant 56 : i32
    %dma_wait3A_1815 = tpu.memref_slice %arg6[%dma_wait3A_1808, %dma_wait3A_1814] : memref<4x64xi32, #tpu.memory_space<vmem>> -> memref<1x8xi32, #tpu.memory_space<vmem>>
    %dma_wait3A_1816 = tpu.memref_squeeze %dma_wait3A_1815 : memref<1x8xi32, #tpu.memory_space<vmem>> -> memref<8xi32, #tpu.memory_space<vmem>>
    %dma_wait3A_1817 = arith.constant 0 : i32
    %dma_wait3A_1818 = arith.constant 0 : i32
    %dma_wait3A_1819 = tpu.memref_slice %arg3[%dma_wait3A_1817, %dma_wait3A_1818] : memref<100000x1024xf32, #tpu.memory_space<hbm>> -> memref<100000x1024xf32, #tpu.memory_space<hbm>>
    tpu.wait_indirect_dma semaphore(%arg10 : memref<!tpu.dma_semaphore, #tpu.memory_space<semaphore_mem>>) src(%dma_wait3A_1819 : memref<100000x1024xf32, #tpu.memory_space<hbm>>) dst(%dma_wait3A_1813 : memref<8x1024xf32, #tpu.memory_space<vmem>>)
    %dma_wait3A_1820 = arith.constant 1 : i32
    %dma_wait3A_1821 = arith.constant 1 : i32
    %dma_wait3A_1822 = arith.constant 8 : i32
    %dma_wait3A_1823 = arith.constant 0 : i32
    %dma_wait3A_1824 = tpu.memref_slice %arg7[%dma_wait3A_1821, %dma_wait3A_1822, %dma_wait3A_1823] : memref<3x32x1024xf32, #tpu.memory_space<vmem>> -> memref<1x8x1024xf32, #tpu.memory_space<vmem>>
    %dma_wait3A_1825 = tpu.memref_squeeze %dma_wait3A_1824 : memref<1x8x1024xf32, #tpu.memory_space<vmem>> -> memref<8x1024xf32, #tpu.memory_space<vmem>>
    %dma_wait3A_1826 = arith.constant 56 : i32
    %dma_wait3A_1827 = tpu.memref_slice %arg6[%dma_wait3A_1820, %dma_wait3A_1826] : memref<4x64xi32, #tpu.memory_space<vmem>> -> memref<1x8xi32, #tpu.memory_space<vmem>>
    %dma_wait3A_1828 = tpu.memref_squeeze %dma_wait3A_1827 : memref<1x8xi32, #tpu.memory_space<vmem>> -> memref<8xi32, #tpu.memory_space<vmem>>
    %dma_wait3A_1829 = arith.constant 0 : i32
    %dma_wait3A_1830 = arith.constant 0 : i32
    %dma_wait3A_1831 = tpu.memref_slice %arg3[%dma_wait3A_1829, %dma_wait3A_1830] : memref<100000x1024xf32, #tpu.memory_space<hbm>> -> memref<100000x1024xf32, #tpu.memory_space<hbm>>
    tpu.wait_indirect_dma semaphore(%arg10 : memref<!tpu.dma_semaphore, #tpu.memory_space<semaphore_mem>>) src(%dma_wait3A_1831 : memref<100000x1024xf32, #tpu.memory_space<hbm>>) dst(%dma_wait3A_1825 : memref<8x1024xf32, #tpu.memory_space<vmem>>)
    %dma_wait3A_1832 = arith.constant 2 : i32
    %dma_wait3A_1833 = arith.constant 1 : i32
    %dma_wait3A_1834 = arith.constant 16 : i32
    %dma_wait3A_1835 = arith.constant 0 : i32
    %dma_wait3A_1836 = tpu.memref_slice %arg7[%dma_wait3A_1833, %dma_wait3A_1834, %dma_wait3A_1835] : memref<3x32x1024xf32, #tpu.memory_space<vmem>> -> memref<1x8x1024xf32, #tpu.memory_space<vmem>>
    %dma_wait3A_1837 = tpu.memref_squeeze %dma_wait3A_1836 : memref<1x8x1024xf32, #tpu.memory_space<vmem>> -> memref<8x1024xf32, #tpu.memory_space<vmem>>
    %dma_wait3A_1838 = arith.constant 56 : i32
    %dma_wait3A_1839 = tpu.memref_slice %arg6[%dma_wait3A_1832, %dma_wait3A_1838] : memref<4x64xi32, #tpu.memory_space<vmem>> -> memref<1x8xi32, #tpu.memory_space<vmem>>
    %dma_wait3A_1840 = tpu.memref_squeeze %dma_wait3A_1839 : memref<1x8xi32, #tpu.memory_space<vmem>> -> memref<8xi32, #tpu.memory_space<vmem>>
    %dma_wait3A_1841 = arith.constant 0 : i32
    %dma_wait3A_1842 = arith.constant 0 : i32
    %dma_wait3A_1843 = tpu.memref_slice %arg3[%dma_wait3A_1841, %dma_wait3A_1842] : memref<100000x1024xf32, #tpu.memory_space<hbm>> -> memref<100000x1024xf32, #tpu.memory_space<hbm>>
    tpu.wait_indirect_dma semaphore(%arg10 : memref<!tpu.dma_semaphore, #tpu.memory_space<semaphore_mem>>) src(%dma_wait3A_1843 : memref<100000x1024xf32, #tpu.memory_space<hbm>>) dst(%dma_wait3A_1837 : memref<8x1024xf32, #tpu.memory_space<vmem>>)
    %dma_wait3A_1844 = arith.constant 3 : i32
    %dma_wait3A_1845 = arith.constant 1 : i32
    %dma_wait3A_1846 = arith.constant 24 : i32
    %dma_wait3A_1847 = arith.constant 0 : i32
    %dma_wait3A_1848 = tpu.memref_slice %arg7[%dma_wait3A_1845, %dma_wait3A_1846, %dma_wait3A_1847] : memref<3x32x1024xf32, #tpu.memory_space<vmem>> -> memref<1x8x1024xf32, #tpu.memory_space<vmem>>
    %dma_wait3A_1849 = tpu.memref_squeeze %dma_wait3A_1848 : memref<1x8x1024xf32, #tpu.memory_space<vmem>> -> memref<8x1024xf32, #tpu.memory_space<vmem>>
    %dma_wait3A_1850 = arith.constant 56 : i32
    %dma_wait3A_1851 = tpu.memref_slice %arg6[%dma_wait3A_1844, %dma_wait3A_1850] : memref<4x64xi32, #tpu.memory_space<vmem>> -> memref<1x8xi32, #tpu.memory_space<vmem>>
    %dma_wait3A_1852 = tpu.memref_squeeze %dma_wait3A_1851 : memref<1x8xi32, #tpu.memory_space<vmem>> -> memref<8xi32, #tpu.memory_space<vmem>>
    %dma_wait3A_1853 = arith.constant 0 : i32
    %dma_wait3A_1854 = arith.constant 0 : i32
    %dma_wait3A_1855 = tpu.memref_slice %arg3[%dma_wait3A_1853, %dma_wait3A_1854] : memref<100000x1024xf32, #tpu.memory_space<hbm>> -> memref<100000x1024xf32, #tpu.memory_space<hbm>>
    tpu.wait_indirect_dma semaphore(%arg10 : memref<!tpu.dma_semaphore, #tpu.memory_space<semaphore_mem>>) src(%dma_wait3A_1855 : memref<100000x1024xf32, #tpu.memory_space<hbm>>) dst(%dma_wait3A_1849 : memref<8x1024xf32, #tpu.memory_space<vmem>>)
    %dma_wait3A_1856 = arith.constant 1 : i32
    %dma_wait3A_1857 = arith.constant 0 : i32
    %dma_wait3A_1858 = arith.constant 0 : i32
    %dma_wait3A_1859 = tpu.memref_slice %arg8[%dma_wait3A_1856, %dma_wait3A_1857, %dma_wait3A_1858] : memref<3x8x1024xf32, #tpu.memory_space<vmem>> -> memref<1x8x1024xf32, #tpu.memory_space<vmem>>
    %dma_wait3A_1860 = tpu.memref_squeeze %dma_wait3A_1859 : memref<1x8x1024xf32, #tpu.memory_space<vmem>> -> memref<8x1024xf32, #tpu.memory_space<vmem>>
    %dma_wait3A_1861 = arith.constant 0 : i32
    %dma_wait3A_1862 = tpu.memref_slice %arg4[%add3A_1655, %dma_wait3A_1861] : memref<2048x1024xf32, #tpu.memory_space<hbm>> -> memref<8x1024xf32, #tpu.memory_space<hbm>>
    %dma_wait3A_1863 = arith.constant 0 : i32
    %dma_wait3A_1864 = arith.constant 0 : i32
    %dma_wait3A_1865 = tpu.memref_slice %arg8[%dma_wait3A_1856, %dma_wait3A_1863, %dma_wait3A_1864] : memref<3x8x1024xf32, #tpu.memory_space<vmem>> -> memref<1x8x1024xf32, #tpu.memory_space<vmem>>
    %dma_wait3A_1866 = tpu.memref_squeeze %dma_wait3A_1865 : memref<1x8x1024xf32, #tpu.memory_space<vmem>> -> memref<8x1024xf32, #tpu.memory_space<vmem>>
    %dma_wait3A_1867 = arith.constant 0 : i32
    %dma_wait3A_1868 = tpu.memref_slice %arg4[%add3A_1655, %dma_wait3A_1867] : memref<2048x1024xf32, #tpu.memory_space<hbm>> -> memref<8x1024xf32, #tpu.memory_space<hbm>>
    tpu.wait_dma2 semaphore(%arg13 : memref<!tpu.dma_semaphore, #tpu.memory_space<semaphore_mem>>) src(%dma_wait3A_1868 : memref<8x1024xf32, #tpu.memory_space<hbm>>) dst(%dma_wait3A_1866 : memref<8x1024xf32, #tpu.memory_space<vmem>>)
    %scan3A_1869 = arith.constant 0 : i32
    %scan3A_1870 = arith.constant 0 : i32
    %scan3A_1871 = arith.constant 8 : i32
    %scan3A_1872 = arith.addi %scan3A_1870, %scan3A_1871 : i32
    %scan3A_1873 = arith.constant 1 : i32
    scf.for %scan3A_2139 = %scan3A_1870 to %scan3A_1872 step %scan3A_1873  : i32 {
      %parallel_loop3A = arith.constant 0 : i32
      %parallel_loop3A_2140 = arith.constant 1024 : i32
      %parallel_loop3A_2141 = arith.constant 16 : i32
      scf.for %parallel_loop3A_2142 = %parallel_loop3A to %parallel_loop3A_2140 step %parallel_loop3A_2141  : i32 {
        %parallel_loop3A_2143 = arith.constant 1 : i32
        %parallel_loop3A_2144 = arith.index_cast %parallel_loop3A_2143 : i32 to index
        %parallel_loop3A_2145 = arith.index_cast %scan3A_2139 : i32 to index
        %parallel_loop3A_2146 = arith.index_cast %parallel_loop3A_2142 : i32 to index
        %parallel_loop3A_2147 = tpu.vector_load %arg8[%parallel_loop3A_2144, %parallel_loop3A_2145, %parallel_loop3A_2146] {strides = array<i32>} : memref<3x8x1024xf32, #tpu.memory_space<vmem>>, vector<1x1x16xf32>,
        %parallel_loop3A_2148 = vector.shape_cast %parallel_loop3A_2147 : vector<1x1x16xf32> to vector<16xf32>
        %parallel_loop3A_2149 = arith.constant 0 : i32
        %parallel_loop3A_2150 = arith.addi %parallel_loop3A_2149, %scan3A_2139 : i32
        %parallel_loop3A_2151 = arith.constant 1 : i32
        %parallel_loop3A_2152 = arith.index_cast %parallel_loop3A_2151 : i32 to index
        %parallel_loop3A_2153 = arith.index_cast %parallel_loop3A_2150 : i32 to index
        %parallel_loop3A_2154 = arith.index_cast %parallel_loop3A_2142 : i32 to index
        %parallel_loop3A_2155 = tpu.vector_load %arg7[%parallel_loop3A_2152, %parallel_loop3A_2153, %parallel_loop3A_2154] {strides = array<i32>} : memref<3x32x1024xf32, #tpu.memory_space<vmem>>, vector<1x1x16xf32>,
        %parallel_loop3A_2156 = vector.shape_cast %parallel_loop3A_2155 : vector<1x1x16xf32> to vector<16xf32>
        %parallel_loop3A_2157 = arith.addf %parallel_loop3A_2156, %parallel_loop3A_2148 : vector<16xf32>
        %parallel_loop3A_2158 = arith.constant 0 : i32
        %parallel_loop3A_2159 = arith.addi %parallel_loop3A_2158, %scan3A_2139 : i32
        %parallel_loop3A_2160 = arith.constant 1 : i32
        %parallel_loop3A_2161 = arith.index_cast %parallel_loop3A_2160 : i32 to index
        %parallel_loop3A_2162 = arith.index_cast %parallel_loop3A_2159 : i32 to index
        %parallel_loop3A_2163 = arith.index_cast %parallel_loop3A_2142 : i32 to index
        %parallel_loop3A_2164 = tpu.vector_load %arg7[%parallel_loop3A_2161, %parallel_loop3A_2162, %parallel_loop3A_2163] {strides = array<i32>} : memref<3x32x1024xf32, #tpu.memory_space<vmem>>, vector<1x1x16xf32>,
        %parallel_loop3A_2165 = vector.shape_cast %parallel_loop3A_2164 : vector<1x1x16xf32> to vector<16xf32>
        %parallel_loop3A_2166 = vector.shape_cast %parallel_loop3A_2157 : vector<16xf32> to vector<1x1x16xf32>
        tpu.vector_store %arg7[%parallel_loop3A_2161, %parallel_loop3A_2162, %parallel_loop3A_2163], %parallel_loop3A_2166 {strides = array<i32>} : memref<3x32x1024xf32, #tpu.memory_space<vmem>>, vector<1x1x16xf32>,
        %parallel_loop3A_2167 = arith.constant 8 : i32
        %parallel_loop3A_2168 = arith.addi %parallel_loop3A_2167, %scan3A_2139 : i32
        %parallel_loop3A_2169 = arith.constant 1 : i32
        %parallel_loop3A_2170 = arith.index_cast %parallel_loop3A_2169 : i32 to index
        %parallel_loop3A_2171 = arith.index_cast %parallel_loop3A_2168 : i32 to index
        %parallel_loop3A_2172 = arith.index_cast %parallel_loop3A_2142 : i32 to index
        %parallel_loop3A_2173 = tpu.vector_load %arg7[%parallel_loop3A_2170, %parallel_loop3A_2171, %parallel_loop3A_2172] {strides = array<i32>} : memref<3x32x1024xf32, #tpu.memory_space<vmem>>, vector<1x1x16xf32>,
        %parallel_loop3A_2174 = vector.shape_cast %parallel_loop3A_2173 : vector<1x1x16xf32> to vector<16xf32>
        %parallel_loop3A_2175 = arith.addf %parallel_loop3A_2174, %parallel_loop3A_2148 : vector<16xf32>
        %parallel_loop3A_2176 = arith.constant 8 : i32
        %parallel_loop3A_2177 = arith.addi %parallel_loop3A_2176, %scan3A_2139 : i32
        %parallel_loop3A_2178 = arith.constant 1 : i32
        %parallel_loop3A_2179 = arith.index_cast %parallel_loop3A_2178 : i32 to index
        %parallel_loop3A_2180 = arith.index_cast %parallel_loop3A_2177 : i32 to index
        %parallel_loop3A_2181 = arith.index_cast %parallel_loop3A_2142 : i32 to index
        %parallel_loop3A_2182 = tpu.vector_load %arg7[%parallel_loop3A_2179, %parallel_loop3A_2180, %parallel_loop3A_2181] {strides = array<i32>} : memref<3x32x1024xf32, #tpu.memory_space<vmem>>, vector<1x1x16xf32>,
        %parallel_loop3A_2183 = vector.shape_cast %parallel_loop3A_2182 : vector<1x1x16xf32> to vector<16xf32>
        %parallel_loop3A_2184 = vector.shape_cast %parallel_loop3A_2175 : vector<16xf32> to vector<1x1x16xf32>
        tpu.vector_store %arg7[%parallel_loop3A_2179, %parallel_loop3A_2180, %parallel_loop3A_2181], %parallel_loop3A_2184 {strides = array<i32>} : memref<3x32x1024xf32, #tpu.memory_space<vmem>>, vector<1x1x16xf32>,
        %parallel_loop3A_2185 = arith.constant 16 : i32
        %parallel_loop3A_2186 = arith.addi %parallel_loop3A_2185, %scan3A_2139 : i32
        %parallel_loop3A_2187 = arith.constant 1 : i32
        %parallel_loop3A_2188 = arith.index_cast %parallel_loop3A_2187 : i32 to index
        %parallel_loop3A_2189 = arith.index_cast %parallel_loop3A_2186 : i32 to index
        %parallel_loop3A_2190 = arith.index_cast %parallel_loop3A_2142 : i32 to index
        %parallel_loop3A_2191 = tpu.vector_load %arg7[%parallel_loop3A_2188, %parallel_loop3A_2189, %parallel_loop3A_2190] {strides = array<i32>} : memref<3x32x1024xf32, #tpu.memory_space<vmem>>, vector<1x1x16xf32>,
        %parallel_loop3A_2192 = vector.shape_cast %parallel_loop3A_2191 : vector<1x1x16xf32> to vector<16xf32>
        %parallel_loop3A_2193 = arith.addf %parallel_loop3A_2192, %parallel_loop3A_2148 : vector<16xf32>
        %parallel_loop3A_2194 = arith.constant 16 : i32
        %parallel_loop3A_2195 = arith.addi %parallel_loop3A_2194, %scan3A_2139 : i32
        %parallel_loop3A_2196 = arith.constant 1 : i32
        %parallel_loop3A_2197 = arith.index_cast %parallel_loop3A_2196 : i32 to index
        %parallel_loop3A_2198 = arith.index_cast %parallel_loop3A_2195 : i32 to index
        %parallel_loop3A_2199 = arith.index_cast %parallel_loop3A_2142 : i32 to index
        %parallel_loop3A_2200 = tpu.vector_load %arg7[%parallel_loop3A_2197, %parallel_loop3A_2198, %parallel_loop3A_2199] {strides = array<i32>} : memref<3x32x1024xf32, #tpu.memory_space<vmem>>, vector<1x1x16xf32>,
        %parallel_loop3A_2201 = vector.shape_cast %parallel_loop3A_2200 : vector<1x1x16xf32> to vector<16xf32>
        %parallel_loop3A_2202 = vector.shape_cast %parallel_loop3A_2193 : vector<16xf32> to vector<1x1x16xf32>
        tpu.vector_store %arg7[%parallel_loop3A_2197, %parallel_loop3A_2198, %parallel_loop3A_2199], %parallel_loop3A_2202 {strides = array<i32>} : memref<3x32x1024xf32, #tpu.memory_space<vmem>>, vector<1x1x16xf32>,
        %parallel_loop3A_2203 = arith.constant 24 : i32
        %parallel_loop3A_2204 = arith.addi %parallel_loop3A_2203, %scan3A_2139 : i32
        %parallel_loop3A_2205 = arith.constant 1 : i32
        %parallel_loop3A_2206 = arith.index_cast %parallel_loop3A_2205 : i32 to index
        %parallel_loop3A_2207 = arith.index_cast %parallel_loop3A_2204 : i32 to index
        %parallel_loop3A_2208 = arith.index_cast %parallel_loop3A_2142 : i32 to index
        %parallel_loop3A_2209 = tpu.vector_load %arg7[%parallel_loop3A_2206, %parallel_loop3A_2207, %parallel_loop3A_2208] {strides = array<i32>} : memref<3x32x1024xf32, #tpu.memory_space<vmem>>, vector<1x1x16xf32>,
        %parallel_loop3A_2210 = vector.shape_cast %parallel_loop3A_2209 : vector<1x1x16xf32> to vector<16xf32>
        %parallel_loop3A_2211 = arith.addf %parallel_loop3A_2210, %parallel_loop3A_2148 : vector<16xf32>
        %parallel_loop3A_2212 = arith.constant 24 : i32
        %parallel_loop3A_2213 = arith.addi %parallel_loop3A_2212, %scan3A_2139 : i32
        %parallel_loop3A_2214 = arith.constant 1 : i32
        %parallel_loop3A_2215 = arith.index_cast %parallel_loop3A_2214 : i32 to index
        %parallel_loop3A_2216 = arith.index_cast %parallel_loop3A_2213 : i32 to index
        %parallel_loop3A_2217 = arith.index_cast %parallel_loop3A_2142 : i32 to index
        %parallel_loop3A_2218 = tpu.vector_load %arg7[%parallel_loop3A_2215, %parallel_loop3A_2216, %parallel_loop3A_2217] {strides = array<i32>} : memref<3x32x1024xf32, #tpu.memory_space<vmem>>, vector<1x1x16xf32>,
        %parallel_loop3A_2219 = vector.shape_cast %parallel_loop3A_2218 : vector<1x1x16xf32> to vector<16xf32>
        %parallel_loop3A_2220 = vector.shape_cast %parallel_loop3A_2211 : vector<16xf32> to vector<1x1x16xf32>
        tpu.vector_store %arg7[%parallel_loop3A_2215, %parallel_loop3A_2216, %parallel_loop3A_2217], %parallel_loop3A_2220 {strides = array<i32>} : memref<3x32x1024xf32, #tpu.memory_space<vmem>>, vector<1x1x16xf32>,
      } {sc.loop_unroll_factor = 8 : i64, sc.parallel_access}
    }
    %scan3A_1874 = arith.constant 8 : i32
    %add3A_1875 = arith.constant 56 : i32
    %add3A_1876 = arith.addi %mul3A_2, %add3A_1875 : i32
    %dma_start3A_1877 = arith.constant 1 : i32
    %dma_start3A_1878 = arith.constant 0 : i32
    %dma_start3A_1879 = arith.constant 0 : i32
    %dma_start3A_1880 = arith.constant 0 : i32
    %dma_start3A_1881 = tpu.memref_slice %arg7[%dma_start3A_1877, %dma_start3A_1879, %dma_start3A_1880] : memref<3x32x1024xf32, #tpu.memory_space<vmem>> -> memref<1x8x1024xf32, #tpu.memory_space<vmem>>
    %dma_start3A_1882 = tpu.memref_squeeze %dma_start3A_1881 : memref<1x8x1024xf32, #tpu.memory_space<vmem>> -> memref<8x1024xf32, #tpu.memory_space<vmem>>
    %dma_start3A_1883 = arith.constant 0 : i32
    %dma_start3A_1884 = tpu.memref_slice %arg5[%dma_start3A_1878, %add3A_1876, %dma_start3A_1883] : memref<4x2048x1024xf32, #tpu.memory_space<hbm>> -> memref<1x8x1024xf32, #tpu.memory_space<hbm>>
    %dma_start3A_1885 = tpu.memref_squeeze %dma_start3A_1884 : memref<1x8x1024xf32, #tpu.memory_space<hbm>> -> memref<8x1024xf32, #tpu.memory_space<hbm>>
    %dma_start3A_1886 = arith.constant 0 : i32
    %dma_start3A_1887 = tpu.memref_slice %arg5[%dma_start3A_1878, %add3A_1876, %dma_start3A_1886] : memref<4x2048x1024xf32, #tpu.memory_space<hbm>> -> memref<1x8x1024xf32, #tpu.memory_space<hbm>>
    %dma_start3A_1888 = tpu.memref_squeeze %dma_start3A_1887 : memref<1x8x1024xf32, #tpu.memory_space<hbm>> -> memref<8x1024xf32, #tpu.memory_space<hbm>>
    %dma_start3A_1889 = arith.constant 0 : i32
    %dma_start3A_1890 = arith.constant 0 : i32
    %dma_start3A_1891 = tpu.memref_slice %arg7[%dma_start3A_1877, %dma_start3A_1889, %dma_start3A_1890] : memref<3x32x1024xf32, #tpu.memory_space<vmem>> -> memref<1x8x1024xf32, #tpu.memory_space<vmem>>
    %dma_start3A_1892 = tpu.memref_squeeze %dma_start3A_1891 : memref<1x8x1024xf32, #tpu.memory_space<vmem>> -> memref<8x1024xf32, #tpu.memory_space<vmem>>
    tpu.enqueue_dma source(%dma_start3A_1892 : memref<8x1024xf32, #tpu.memory_space<vmem>>) target(%dma_start3A_1888 : memref<8x1024xf32, #tpu.memory_space<hbm>>) target_semaphore(%arg16 : memref<!tpu.dma_semaphore, #tpu.memory_space<semaphore_mem>>)
    %add3A_1893 = arith.constant 56 : i32
    %add3A_1894 = arith.addi %mul3A_2, %add3A_1893 : i32
    %dma_start3A_1895 = arith.constant 1 : i32
    %dma_start3A_1896 = arith.constant 1 : i32
    %dma_start3A_1897 = arith.constant 8 : i32
    %dma_start3A_1898 = arith.constant 0 : i32
    %dma_start3A_1899 = tpu.memref_slice %arg7[%dma_start3A_1895, %dma_start3A_1897, %dma_start3A_1898] : memref<3x32x1024xf32, #tpu.memory_space<vmem>> -> memref<1x8x1024xf32, #tpu.memory_space<vmem>>
    %dma_start3A_1900 = tpu.memref_squeeze %dma_start3A_1899 : memref<1x8x1024xf32, #tpu.memory_space<vmem>> -> memref<8x1024xf32, #tpu.memory_space<vmem>>
    %dma_start3A_1901 = arith.constant 0 : i32
    %dma_start3A_1902 = tpu.memref_slice %arg5[%dma_start3A_1896, %add3A_1894, %dma_start3A_1901] : memref<4x2048x1024xf32, #tpu.memory_space<hbm>> -> memref<1x8x1024xf32, #tpu.memory_space<hbm>>
    %dma_start3A_1903 = tpu.memref_squeeze %dma_start3A_1902 : memref<1x8x1024xf32, #tpu.memory_space<hbm>> -> memref<8x1024xf32, #tpu.memory_space<hbm>>
    %dma_start3A_1904 = arith.constant 0 : i32
    %dma_start3A_1905 = tpu.memref_slice %arg5[%dma_start3A_1896, %add3A_1894, %dma_start3A_1904] : memref<4x2048x1024xf32, #tpu.memory_space<hbm>> -> memref<1x8x1024xf32, #tpu.memory_space<hbm>>
    %dma_start3A_1906 = tpu.memref_squeeze %dma_start3A_1905 : memref<1x8x1024xf32, #tpu.memory_space<hbm>> -> memref<8x1024xf32, #tpu.memory_space<hbm>>
    %dma_start3A_1907 = arith.constant 8 : i32
    %dma_start3A_1908 = arith.constant 0 : i32
    %dma_start3A_1909 = tpu.memref_slice %arg7[%dma_start3A_1895, %dma_start3A_1907, %dma_start3A_1908] : memref<3x32x1024xf32, #tpu.memory_space<vmem>> -> memref<1x8x1024xf32, #tpu.memory_space<vmem>>
    %dma_start3A_1910 = tpu.memref_squeeze %dma_start3A_1909 : memref<1x8x1024xf32, #tpu.memory_space<vmem>> -> memref<8x1024xf32, #tpu.memory_space<vmem>>
    tpu.enqueue_dma source(%dma_start3A_1910 : memref<8x1024xf32, #tpu.memory_space<vmem>>) target(%dma_start3A_1906 : memref<8x1024xf32, #tpu.memory_space<hbm>>) target_semaphore(%arg16 : memref<!tpu.dma_semaphore, #tpu.memory_space<semaphore_mem>>)
    %add3A_1911 = arith.constant 56 : i32
    %add3A_1912 = arith.addi %mul3A_2, %add3A_1911 : i32
    %dma_start3A_1913 = arith.constant 1 : i32
    %dma_start3A_1914 = arith.constant 2 : i32
    %dma_start3A_1915 = arith.constant 16 : i32
    %dma_start3A_1916 = arith.constant 0 : i32
    %dma_start3A_1917 = tpu.memref_slice %arg7[%dma_start3A_1913, %dma_start3A_1915, %dma_start3A_1916] : memref<3x32x1024xf32, #tpu.memory_space<vmem>> -> memref<1x8x1024xf32, #tpu.memory_space<vmem>>
    %dma_start3A_1918 = tpu.memref_squeeze %dma_start3A_1917 : memref<1x8x1024xf32, #tpu.memory_space<vmem>> -> memref<8x1024xf32, #tpu.memory_space<vmem>>
    %dma_start3A_1919 = arith.constant 0 : i32
    %dma_start3A_1920 = tpu.memref_slice %arg5[%dma_start3A_1914, %add3A_1912, %dma_start3A_1919] : memref<4x2048x1024xf32, #tpu.memory_space<hbm>> -> memref<1x8x1024xf32, #tpu.memory_space<hbm>>
    %dma_start3A_1921 = tpu.memref_squeeze %dma_start3A_1920 : memref<1x8x1024xf32, #tpu.memory_space<hbm>> -> memref<8x1024xf32, #tpu.memory_space<hbm>>
    %dma_start3A_1922 = arith.constant 0 : i32
    %dma_start3A_1923 = tpu.memref_slice %arg5[%dma_start3A_1914, %add3A_1912, %dma_start3A_1922] : memref<4x2048x1024xf32, #tpu.memory_space<hbm>> -> memref<1x8x1024xf32, #tpu.memory_space<hbm>>
    %dma_start3A_1924 = tpu.memref_squeeze %dma_start3A_1923 : memref<1x8x1024xf32, #tpu.memory_space<hbm>> -> memref<8x1024xf32, #tpu.memory_space<hbm>>
    %dma_start3A_1925 = arith.constant 16 : i32
    %dma_start3A_1926 = arith.constant 0 : i32
    %dma_start3A_1927 = tpu.memref_slice %arg7[%dma_start3A_1913, %dma_start3A_1925, %dma_start3A_1926] : memref<3x32x1024xf32, #tpu.memory_space<vmem>> -> memref<1x8x1024xf32, #tpu.memory_space<vmem>>
    %dma_start3A_1928 = tpu.memref_squeeze %dma_start3A_1927 : memref<1x8x1024xf32, #tpu.memory_space<vmem>> -> memref<8x1024xf32, #tpu.memory_space<vmem>>
    tpu.enqueue_dma source(%dma_start3A_1928 : memref<8x1024xf32, #tpu.memory_space<vmem>>) target(%dma_start3A_1924 : memref<8x1024xf32, #tpu.memory_space<hbm>>) target_semaphore(%arg16 : memref<!tpu.dma_semaphore, #tpu.memory_space<semaphore_mem>>)
    %add3A_1929 = arith.constant 56 : i32
    %add3A_1930 = arith.addi %mul3A_2, %add3A_1929 : i32
    %dma_start3A_1931 = arith.constant 1 : i32
    %dma_start3A_1932 = arith.constant 3 : i32
    %dma_start3A_1933 = arith.constant 24 : i32
    %dma_start3A_1934 = arith.constant 0 : i32
    %dma_start3A_1935 = tpu.memref_slice %arg7[%dma_start3A_1931, %dma_start3A_1933, %dma_start3A_1934] : memref<3x32x1024xf32, #tpu.memory_space<vmem>> -> memref<1x8x1024xf32, #tpu.memory_space<vmem>>
    %dma_start3A_1936 = tpu.memref_squeeze %dma_start3A_1935 : memref<1x8x1024xf32, #tpu.memory_space<vmem>> -> memref<8x1024xf32, #tpu.memory_space<vmem>>
    %dma_start3A_1937 = arith.constant 0 : i32
    %dma_start3A_1938 = tpu.memref_slice %arg5[%dma_start3A_1932, %add3A_1930, %dma_start3A_1937] : memref<4x2048x1024xf32, #tpu.memory_space<hbm>> -> memref<1x8x1024xf32, #tpu.memory_space<hbm>>
    %dma_start3A_1939 = tpu.memref_squeeze %dma_start3A_1938 : memref<1x8x1024xf32, #tpu.memory_space<hbm>> -> memref<8x1024xf32, #tpu.memory_space<hbm>>
    %dma_start3A_1940 = arith.constant 0 : i32
    %dma_start3A_1941 = tpu.memref_slice %arg5[%dma_start3A_1932, %add3A_1930, %dma_start3A_1940] : memref<4x2048x1024xf32, #tpu.memory_space<hbm>> -> memref<1x8x1024xf32, #tpu.memory_space<hbm>>
    %dma_start3A_1942 = tpu.memref_squeeze %dma_start3A_1941 : memref<1x8x1024xf32, #tpu.memory_space<hbm>> -> memref<8x1024xf32, #tpu.memory_space<hbm>>
    %dma_start3A_1943 = arith.constant 24 : i32
    %dma_start3A_1944 = arith.constant 0 : i32
    %dma_start3A_1945 = tpu.memref_slice %arg7[%dma_start3A_1931, %dma_start3A_1943, %dma_start3A_1944] : memref<3x32x1024xf32, #tpu.memory_space<vmem>> -> memref<1x8x1024xf32, #tpu.memory_space<vmem>>
    %dma_start3A_1946 = tpu.memref_squeeze %dma_start3A_1945 : memref<1x8x1024xf32, #tpu.memory_space<vmem>> -> memref<8x1024xf32, #tpu.memory_space<vmem>>
    tpu.enqueue_dma source(%dma_start3A_1946 : memref<8x1024xf32, #tpu.memory_space<vmem>>) target(%dma_start3A_1942 : memref<8x1024xf32, #tpu.memory_space<hbm>>) target_semaphore(%arg16 : memref<!tpu.dma_semaphore, #tpu.memory_space<semaphore_mem>>)
    %dma_wait3A_1947 = arith.constant 2 : i32
    %dma_wait3A_1948 = arith.constant 0 : i32
    %dma_wait3A_1949 = arith.constant 0 : i32
    %dma_wait3A_1950 = arith.constant 0 : i32
    %dma_wait3A_1951 = tpu.memref_slice %arg7[%dma_wait3A_1947, %dma_wait3A_1949, %dma_wait3A_1950] : memref<3x32x1024xf32, #tpu.memory_space<vmem>> -> memref<1x8x1024xf32, #tpu.memory_space<vmem>>
    %dma_wait3A_1952 = tpu.memref_squeeze %dma_wait3A_1951 : memref<1x8x1024xf32, #tpu.memory_space<vmem>> -> memref<8x1024xf32, #tpu.memory_space<vmem>>
    %dma_wait3A_1953 = arith.constant 0 : i32
    %dma_wait3A_1954 = tpu.memref_slice %arg5[%dma_wait3A_1948, %add3A_1471, %dma_wait3A_1953] : memref<4x2048x1024xf32, #tpu.memory_space<hbm>> -> memref<1x8x1024xf32, #tpu.memory_space<hbm>>
    %dma_wait3A_1955 = tpu.memref_squeeze %dma_wait3A_1954 : memref<1x8x1024xf32, #tpu.memory_space<hbm>> -> memref<8x1024xf32, #tpu.memory_space<hbm>>
    %dma_wait3A_1956 = arith.constant 0 : i32
    %dma_wait3A_1957 = tpu.memref_slice %arg5[%dma_wait3A_1948, %add3A_1471, %dma_wait3A_1956] : memref<4x2048x1024xf32, #tpu.memory_space<hbm>> -> memref<1x8x1024xf32, #tpu.memory_space<hbm>>
    %dma_wait3A_1958 = tpu.memref_squeeze %dma_wait3A_1957 : memref<1x8x1024xf32, #tpu.memory_space<hbm>> -> memref<8x1024xf32, #tpu.memory_space<hbm>>
    %dma_wait3A_1959 = arith.constant 0 : i32
    %dma_wait3A_1960 = arith.constant 0 : i32
    %dma_wait3A_1961 = tpu.memref_slice %arg7[%dma_wait3A_1947, %dma_wait3A_1959, %dma_wait3A_1960] : memref<3x32x1024xf32, #tpu.memory_space<vmem>> -> memref<1x8x1024xf32, #tpu.memory_space<vmem>>
    %dma_wait3A_1962 = tpu.memref_squeeze %dma_wait3A_1961 : memref<1x8x1024xf32, #tpu.memory_space<vmem>> -> memref<8x1024xf32, #tpu.memory_space<vmem>>
    tpu.wait_dma2 semaphore(%arg17 : memref<!tpu.dma_semaphore, #tpu.memory_space<semaphore_mem>>) src(%dma_wait3A_1962 : memref<8x1024xf32, #tpu.memory_space<vmem>>) dst(%dma_wait3A_1958 : memref<8x1024xf32, #tpu.memory_space<hbm>>)
    %dma_wait3A_1963 = arith.constant 2 : i32
    %dma_wait3A_1964 = arith.constant 1 : i32
    %dma_wait3A_1965 = arith.constant 8 : i32
    %dma_wait3A_1966 = arith.constant 0 : i32
    %dma_wait3A_1967 = tpu.memref_slice %arg7[%dma_wait3A_1963, %dma_wait3A_1965, %dma_wait3A_1966] : memref<3x32x1024xf32, #tpu.memory_space<vmem>> -> memref<1x8x1024xf32, #tpu.memory_space<vmem>>
    %dma_wait3A_1968 = tpu.memref_squeeze %dma_wait3A_1967 : memref<1x8x1024xf32, #tpu.memory_space<vmem>> -> memref<8x1024xf32, #tpu.memory_space<vmem>>
    %dma_wait3A_1969 = arith.constant 0 : i32
    %dma_wait3A_1970 = tpu.memref_slice %arg5[%dma_wait3A_1964, %add3A_1489, %dma_wait3A_1969] : memref<4x2048x1024xf32, #tpu.memory_space<hbm>> -> memref<1x8x1024xf32, #tpu.memory_space<hbm>>
    %dma_wait3A_1971 = tpu.memref_squeeze %dma_wait3A_1970 : memref<1x8x1024xf32, #tpu.memory_space<hbm>> -> memref<8x1024xf32, #tpu.memory_space<hbm>>
    %dma_wait3A_1972 = arith.constant 0 : i32
    %dma_wait3A_1973 = tpu.memref_slice %arg5[%dma_wait3A_1964, %add3A_1489, %dma_wait3A_1972] : memref<4x2048x1024xf32, #tpu.memory_space<hbm>> -> memref<1x8x1024xf32, #tpu.memory_space<hbm>>
    %dma_wait3A_1974 = tpu.memref_squeeze %dma_wait3A_1973 : memref<1x8x1024xf32, #tpu.memory_space<hbm>> -> memref<8x1024xf32, #tpu.memory_space<hbm>>
    %dma_wait3A_1975 = arith.constant 8 : i32
    %dma_wait3A_1976 = arith.constant 0 : i32
    %dma_wait3A_1977 = tpu.memref_slice %arg7[%dma_wait3A_1963, %dma_wait3A_1975, %dma_wait3A_1976] : memref<3x32x1024xf32, #tpu.memory_space<vmem>> -> memref<1x8x1024xf32, #tpu.memory_space<vmem>>
    %dma_wait3A_1978 = tpu.memref_squeeze %dma_wait3A_1977 : memref<1x8x1024xf32, #tpu.memory_space<vmem>> -> memref<8x1024xf32, #tpu.memory_space<vmem>>
    tpu.wait_dma2 semaphore(%arg17 : memref<!tpu.dma_semaphore, #tpu.memory_space<semaphore_mem>>) src(%dma_wait3A_1978 : memref<8x1024xf32, #tpu.memory_space<vmem>>) dst(%dma_wait3A_1974 : memref<8x1024xf32, #tpu.memory_space<hbm>>)
    %dma_wait3A_1979 = arith.constant 2 : i32
    %dma_wait3A_1980 = arith.constant 2 : i32
    %dma_wait3A_1981 = arith.constant 16 : i32
    %dma_wait3A_1982 = arith.constant 0 : i32
    %dma_wait3A_1983 = tpu.memref_slice %arg7[%dma_wait3A_1979, %dma_wait3A_1981, %dma_wait3A_1982] : memref<3x32x1024xf32, #tpu.memory_space<vmem>> -> memref<1x8x1024xf32, #tpu.memory_space<vmem>>
    %dma_wait3A_1984 = tpu.memref_squeeze %dma_wait3A_1983 : memref<1x8x1024xf32, #tpu.memory_space<vmem>> -> memref<8x1024xf32, #tpu.memory_space<vmem>>
    %dma_wait3A_1985 = arith.constant 0 : i32
    %dma_wait3A_1986 = tpu.memref_slice %arg5[%dma_wait3A_1980, %add3A_1507, %dma_wait3A_1985] : memref<4x2048x1024xf32, #tpu.memory_space<hbm>> -> memref<1x8x1024xf32, #tpu.memory_space<hbm>>
    %dma_wait3A_1987 = tpu.memref_squeeze %dma_wait3A_1986 : memref<1x8x1024xf32, #tpu.memory_space<hbm>> -> memref<8x1024xf32, #tpu.memory_space<hbm>>
    %dma_wait3A_1988 = arith.constant 0 : i32
    %dma_wait3A_1989 = tpu.memref_slice %arg5[%dma_wait3A_1980, %add3A_1507, %dma_wait3A_1988] : memref<4x2048x1024xf32, #tpu.memory_space<hbm>> -> memref<1x8x1024xf32, #tpu.memory_space<hbm>>
    %dma_wait3A_1990 = tpu.memref_squeeze %dma_wait3A_1989 : memref<1x8x1024xf32, #tpu.memory_space<hbm>> -> memref<8x1024xf32, #tpu.memory_space<hbm>>
    %dma_wait3A_1991 = arith.constant 16 : i32
    %dma_wait3A_1992 = arith.constant 0 : i32
    %dma_wait3A_1993 = tpu.memref_slice %arg7[%dma_wait3A_1979, %dma_wait3A_1991, %dma_wait3A_1992] : memref<3x32x1024xf32, #tpu.memory_space<vmem>> -> memref<1x8x1024xf32, #tpu.memory_space<vmem>>
    %dma_wait3A_1994 = tpu.memref_squeeze %dma_wait3A_1993 : memref<1x8x1024xf32, #tpu.memory_space<vmem>> -> memref<8x1024xf32, #tpu.memory_space<vmem>>
    tpu.wait_dma2 semaphore(%arg17 : memref<!tpu.dma_semaphore, #tpu.memory_space<semaphore_mem>>) src(%dma_wait3A_1994 : memref<8x1024xf32, #tpu.memory_space<vmem>>) dst(%dma_wait3A_1990 : memref<8x1024xf32, #tpu.memory_space<hbm>>)
    %dma_wait3A_1995 = arith.constant 2 : i32
    %dma_wait3A_1996 = arith.constant 3 : i32
    %dma_wait3A_1997 = arith.constant 24 : i32
    %dma_wait3A_1998 = arith.constant 0 : i32
    %dma_wait3A_1999 = tpu.memref_slice %arg7[%dma_wait3A_1995, %dma_wait3A_1997, %dma_wait3A_1998] : memref<3x32x1024xf32, #tpu.memory_space<vmem>> -> memref<1x8x1024xf32, #tpu.memory_space<vmem>>
    %dma_wait3A_2000 = tpu.memref_squeeze %dma_wait3A_1999 : memref<1x8x1024xf32, #tpu.memory_space<vmem>> -> memref<8x1024xf32, #tpu.memory_space<vmem>>
    %dma_wait3A_2001 = arith.constant 0 : i32
    %dma_wait3A_2002 = tpu.memref_slice %arg5[%dma_wait3A_1996, %add3A_1525, %dma_wait3A_2001] : memref<4x2048x1024xf32, #tpu.memory_space<hbm>> -> memref<1x8x1024xf32, #tpu.memory_space<hbm>>
    %dma_wait3A_2003 = tpu.memref_squeeze %dma_wait3A_2002 : memref<1x8x1024xf32, #tpu.memory_space<hbm>> -> memref<8x1024xf32, #tpu.memory_space<hbm>>
    %dma_wait3A_2004 = arith.constant 0 : i32
    %dma_wait3A_2005 = tpu.memref_slice %arg5[%dma_wait3A_1996, %add3A_1525, %dma_wait3A_2004] : memref<4x2048x1024xf32, #tpu.memory_space<hbm>> -> memref<1x8x1024xf32, #tpu.memory_space<hbm>>
    %dma_wait3A_2006 = tpu.memref_squeeze %dma_wait3A_2005 : memref<1x8x1024xf32, #tpu.memory_space<hbm>> -> memref<8x1024xf32, #tpu.memory_space<hbm>>
    %dma_wait3A_2007 = arith.constant 24 : i32
    %dma_wait3A_2008 = arith.constant 0 : i32
    %dma_wait3A_2009 = tpu.memref_slice %arg7[%dma_wait3A_1995, %dma_wait3A_2007, %dma_wait3A_2008] : memref<3x32x1024xf32, #tpu.memory_space<vmem>> -> memref<1x8x1024xf32, #tpu.memory_space<vmem>>
    %dma_wait3A_2010 = tpu.memref_squeeze %dma_wait3A_2009 : memref<1x8x1024xf32, #tpu.memory_space<vmem>> -> memref<8x1024xf32, #tpu.memory_space<vmem>>
    tpu.wait_dma2 semaphore(%arg17 : memref<!tpu.dma_semaphore, #tpu.memory_space<semaphore_mem>>) src(%dma_wait3A_2010 : memref<8x1024xf32, #tpu.memory_space<vmem>>) dst(%dma_wait3A_2006 : memref<8x1024xf32, #tpu.memory_space<hbm>>)
    %dma_wait3A_2011 = arith.constant 0 : i32
    %dma_wait3A_2012 = arith.constant 0 : i32
    %dma_wait3A_2013 = arith.constant 0 : i32
    %dma_wait3A_2014 = arith.constant 0 : i32
    %dma_wait3A_2015 = tpu.memref_slice %arg7[%dma_wait3A_2011, %dma_wait3A_2013, %dma_wait3A_2014] : memref<3x32x1024xf32, #tpu.memory_space<vmem>> -> memref<1x8x1024xf32, #tpu.memory_space<vmem>>
    %dma_wait3A_2016 = tpu.memref_squeeze %dma_wait3A_2015 : memref<1x8x1024xf32, #tpu.memory_space<vmem>> -> memref<8x1024xf32, #tpu.memory_space<vmem>>
    %dma_wait3A_2017 = arith.constant 0 : i32
    %dma_wait3A_2018 = tpu.memref_slice %arg5[%dma_wait3A_2012, %add3A_1737, %dma_wait3A_2017] : memref<4x2048x1024xf32, #tpu.memory_space<hbm>> -> memref<1x8x1024xf32, #tpu.memory_space<hbm>>
    %dma_wait3A_2019 = tpu.memref_squeeze %dma_wait3A_2018 : memref<1x8x1024xf32, #tpu.memory_space<hbm>> -> memref<8x1024xf32, #tpu.memory_space<hbm>>
    %dma_wait3A_2020 = arith.constant 0 : i32
    %dma_wait3A_2021 = tpu.memref_slice %arg5[%dma_wait3A_2012, %add3A_1737, %dma_wait3A_2020] : memref<4x2048x1024xf32, #tpu.memory_space<hbm>> -> memref<1x8x1024xf32, #tpu.memory_space<hbm>>
    %dma_wait3A_2022 = tpu.memref_squeeze %dma_wait3A_2021 : memref<1x8x1024xf32, #tpu.memory_space<hbm>> -> memref<8x1024xf32, #tpu.memory_space<hbm>>
    %dma_wait3A_2023 = arith.constant 0 : i32
    %dma_wait3A_2024 = arith.constant 0 : i32
    %dma_wait3A_2025 = tpu.memref_slice %arg7[%dma_wait3A_2011, %dma_wait3A_2023, %dma_wait3A_2024] : memref<3x32x1024xf32, #tpu.memory_space<vmem>> -> memref<1x8x1024xf32, #tpu.memory_space<vmem>>
    %dma_wait3A_2026 = tpu.memref_squeeze %dma_wait3A_2025 : memref<1x8x1024xf32, #tpu.memory_space<vmem>> -> memref<8x1024xf32, #tpu.memory_space<vmem>>
    tpu.wait_dma2 semaphore(%arg15 : memref<!tpu.dma_semaphore, #tpu.memory_space<semaphore_mem>>) src(%dma_wait3A_2026 : memref<8x1024xf32, #tpu.memory_space<vmem>>) dst(%dma_wait3A_2022 : memref<8x1024xf32, #tpu.memory_space<hbm>>)
    %dma_wait3A_2027 = arith.constant 0 : i32
    %dma_wait3A_2028 = arith.constant 1 : i32
    %dma_wait3A_2029 = arith.constant 8 : i32
    %dma_wait3A_2030 = arith.constant 0 : i32
    %dma_wait3A_2031 = tpu.memref_slice %arg7[%dma_wait3A_2027, %dma_wait3A_2029, %dma_wait3A_2030] : memref<3x32x1024xf32, #tpu.memory_space<vmem>> -> memref<1x8x1024xf32, #tpu.memory_space<vmem>>
    %dma_wait3A_2032 = tpu.memref_squeeze %dma_wait3A_2031 : memref<1x8x1024xf32, #tpu.memory_space<vmem>> -> memref<8x1024xf32, #tpu.memory_space<vmem>>
    %dma_wait3A_2033 = arith.constant 0 : i32
    %dma_wait3A_2034 = tpu.memref_slice %arg5[%dma_wait3A_2028, %add3A_1755, %dma_wait3A_2033] : memref<4x2048x1024xf32, #tpu.memory_space<hbm>> -> memref<1x8x1024xf32, #tpu.memory_space<hbm>>
    %dma_wait3A_2035 = tpu.memref_squeeze %dma_wait3A_2034 : memref<1x8x1024xf32, #tpu.memory_space<hbm>> -> memref<8x1024xf32, #tpu.memory_space<hbm>>
    %dma_wait3A_2036 = arith.constant 0 : i32
    %dma_wait3A_2037 = tpu.memref_slice %arg5[%dma_wait3A_2028, %add3A_1755, %dma_wait3A_2036] : memref<4x2048x1024xf32, #tpu.memory_space<hbm>> -> memref<1x8x1024xf32, #tpu.memory_space<hbm>>
    %dma_wait3A_2038 = tpu.memref_squeeze %dma_wait3A_2037 : memref<1x8x1024xf32, #tpu.memory_space<hbm>> -> memref<8x1024xf32, #tpu.memory_space<hbm>>
    %dma_wait3A_2039 = arith.constant 8 : i32
    %dma_wait3A_2040 = arith.constant 0 : i32
    %dma_wait3A_2041 = tpu.memref_slice %arg7[%dma_wait3A_2027, %dma_wait3A_2039, %dma_wait3A_2040] : memref<3x32x1024xf32, #tpu.memory_space<vmem>> -> memref<1x8x1024xf32, #tpu.memory_space<vmem>>
    %dma_wait3A_2042 = tpu.memref_squeeze %dma_wait3A_2041 : memref<1x8x1024xf32, #tpu.memory_space<vmem>> -> memref<8x1024xf32, #tpu.memory_space<vmem>>
    tpu.wait_dma2 semaphore(%arg15 : memref<!tpu.dma_semaphore, #tpu.memory_space<semaphore_mem>>) src(%dma_wait3A_2042 : memref<8x1024xf32, #tpu.memory_space<vmem>>) dst(%dma_wait3A_2038 : memref<8x1024xf32, #tpu.memory_space<hbm>>)
    %dma_wait3A_2043 = arith.constant 0 : i32
    %dma_wait3A_2044 = arith.constant 2 : i32
    %dma_wait3A_2045 = arith.constant 16 : i32
    %dma_wait3A_2046 = arith.constant 0 : i32
    %dma_wait3A_2047 = tpu.memref_slice %arg7[%dma_wait3A_2043, %dma_wait3A_2045, %dma_wait3A_2046] : memref<3x32x1024xf32, #tpu.memory_space<vmem>> -> memref<1x8x1024xf32, #tpu.memory_space<vmem>>
    %dma_wait3A_2048 = tpu.memref_squeeze %dma_wait3A_2047 : memref<1x8x1024xf32, #tpu.memory_space<vmem>> -> memref<8x1024xf32, #tpu.memory_space<vmem>>
    %dma_wait3A_2049 = arith.constant 0 : i32
    %dma_wait3A_2050 = tpu.memref_slice %arg5[%dma_wait3A_2044, %add3A_1773, %dma_wait3A_2049] : memref<4x2048x1024xf32, #tpu.memory_space<hbm>> -> memref<1x8x1024xf32, #tpu.memory_space<hbm>>
    %dma_wait3A_2051 = tpu.memref_squeeze %dma_wait3A_2050 : memref<1x8x1024xf32, #tpu.memory_space<hbm>> -> memref<8x1024xf32, #tpu.memory_space<hbm>>
    %dma_wait3A_2052 = arith.constant 0 : i32
    %dma_wait3A_2053 = tpu.memref_slice %arg5[%dma_wait3A_2044, %add3A_1773, %dma_wait3A_2052] : memref<4x2048x1024xf32, #tpu.memory_space<hbm>> -> memref<1x8x1024xf32, #tpu.memory_space<hbm>>
    %dma_wait3A_2054 = tpu.memref_squeeze %dma_wait3A_2053 : memref<1x8x1024xf32, #tpu.memory_space<hbm>> -> memref<8x1024xf32, #tpu.memory_space<hbm>>
    %dma_wait3A_2055 = arith.constant 16 : i32
    %dma_wait3A_2056 = arith.constant 0 : i32
    %dma_wait3A_2057 = tpu.memref_slice %arg7[%dma_wait3A_2043, %dma_wait3A_2055, %dma_wait3A_2056] : memref<3x32x1024xf32, #tpu.memory_space<vmem>> -> memref<1x8x1024xf32, #tpu.memory_space<vmem>>
    %dma_wait3A_2058 = tpu.memref_squeeze %dma_wait3A_2057 : memref<1x8x1024xf32, #tpu.memory_space<vmem>> -> memref<8x1024xf32, #tpu.memory_space<vmem>>
    tpu.wait_dma2 semaphore(%arg15 : memref<!tpu.dma_semaphore, #tpu.memory_space<semaphore_mem>>) src(%dma_wait3A_2058 : memref<8x1024xf32, #tpu.memory_space<vmem>>) dst(%dma_wait3A_2054 : memref<8x1024xf32, #tpu.memory_space<hbm>>)
    %dma_wait3A_2059 = arith.constant 0 : i32
    %dma_wait3A_2060 = arith.constant 3 : i32
    %dma_wait3A_2061 = arith.constant 24 : i32
    %dma_wait3A_2062 = arith.constant 0 : i32
    %dma_wait3A_2063 = tpu.memref_slice %arg7[%dma_wait3A_2059, %dma_wait3A_2061, %dma_wait3A_2062] : memref<3x32x1024xf32, #tpu.memory_space<vmem>> -> memref<1x8x1024xf32, #tpu.memory_space<vmem>>
    %dma_wait3A_2064 = tpu.memref_squeeze %dma_wait3A_2063 : memref<1x8x1024xf32, #tpu.memory_space<vmem>> -> memref<8x1024xf32, #tpu.memory_space<vmem>>
    %dma_wait3A_2065 = arith.constant 0 : i32
    %dma_wait3A_2066 = tpu.memref_slice %arg5[%dma_wait3A_2060, %add3A_1791, %dma_wait3A_2065] : memref<4x2048x1024xf32, #tpu.memory_space<hbm>> -> memref<1x8x1024xf32, #tpu.memory_space<hbm>>
    %dma_wait3A_2067 = tpu.memref_squeeze %dma_wait3A_2066 : memref<1x8x1024xf32, #tpu.memory_space<hbm>> -> memref<8x1024xf32, #tpu.memory_space<hbm>>
    %dma_wait3A_2068 = arith.constant 0 : i32
    %dma_wait3A_2069 = tpu.memref_slice %arg5[%dma_wait3A_2060, %add3A_1791, %dma_wait3A_2068] : memref<4x2048x1024xf32, #tpu.memory_space<hbm>> -> memref<1x8x1024xf32, #tpu.memory_space<hbm>>
    %dma_wait3A_2070 = tpu.memref_squeeze %dma_wait3A_2069 : memref<1x8x1024xf32, #tpu.memory_space<hbm>> -> memref<8x1024xf32, #tpu.memory_space<hbm>>
    %dma_wait3A_2071 = arith.constant 24 : i32
    %dma_wait3A_2072 = arith.constant 0 : i32
    %dma_wait3A_2073 = tpu.memref_slice %arg7[%dma_wait3A_2059, %dma_wait3A_2071, %dma_wait3A_2072] : memref<3x32x1024xf32, #tpu.memory_space<vmem>> -> memref<1x8x1024xf32, #tpu.memory_space<vmem>>
    %dma_wait3A_2074 = tpu.memref_squeeze %dma_wait3A_2073 : memref<1x8x1024xf32, #tpu.memory_space<vmem>> -> memref<8x1024xf32, #tpu.memory_space<vmem>>
    tpu.wait_dma2 semaphore(%arg15 : memref<!tpu.dma_semaphore, #tpu.memory_space<semaphore_mem>>) src(%dma_wait3A_2074 : memref<8x1024xf32, #tpu.memory_space<vmem>>) dst(%dma_wait3A_2070 : memref<8x1024xf32, #tpu.memory_space<hbm>>)
    %dma_wait3A_2075 = arith.constant 1 : i32
    %dma_wait3A_2076 = arith.constant 0 : i32
    %dma_wait3A_2077 = arith.constant 0 : i32
    %dma_wait3A_2078 = arith.constant 0 : i32
    %dma_wait3A_2079 = tpu.memref_slice %arg7[%dma_wait3A_2075, %dma_wait3A_2077, %dma_wait3A_2078] : memref<3x32x1024xf32, #tpu.memory_space<vmem>> -> memref<1x8x1024xf32, #tpu.memory_space<vmem>>
    %dma_wait3A_2080 = tpu.memref_squeeze %dma_wait3A_2079 : memref<1x8x1024xf32, #tpu.memory_space<vmem>> -> memref<8x1024xf32, #tpu.memory_space<vmem>>
    %dma_wait3A_2081 = arith.constant 0 : i32
    %dma_wait3A_2082 = tpu.memref_slice %arg5[%dma_wait3A_2076, %add3A_1876, %dma_wait3A_2081] : memref<4x2048x1024xf32, #tpu.memory_space<hbm>> -> memref<1x8x1024xf32, #tpu.memory_space<hbm>>
    %dma_wait3A_2083 = tpu.memref_squeeze %dma_wait3A_2082 : memref<1x8x1024xf32, #tpu.memory_space<hbm>> -> memref<8x1024xf32, #tpu.memory_space<hbm>>
    %dma_wait3A_2084 = arith.constant 0 : i32
    %dma_wait3A_2085 = tpu.memref_slice %arg5[%dma_wait3A_2076, %add3A_1876, %dma_wait3A_2084] : memref<4x2048x1024xf32, #tpu.memory_space<hbm>> -> memref<1x8x1024xf32, #tpu.memory_space<hbm>>
    %dma_wait3A_2086 = tpu.memref_squeeze %dma_wait3A_2085 : memref<1x8x1024xf32, #tpu.memory_space<hbm>> -> memref<8x1024xf32, #tpu.memory_space<hbm>>
    %dma_wait3A_2087 = arith.constant 0 : i32
    %dma_wait3A_2088 = arith.constant 0 : i32
    %dma_wait3A_2089 = tpu.memref_slice %arg7[%dma_wait3A_2075, %dma_wait3A_2087, %dma_wait3A_2088] : memref<3x32x1024xf32, #tpu.memory_space<vmem>> -> memref<1x8x1024xf32, #tpu.memory_space<vmem>>
    %dma_wait3A_2090 = tpu.memref_squeeze %dma_wait3A_2089 : memref<1x8x1024xf32, #tpu.memory_space<vmem>> -> memref<8x1024xf32, #tpu.memory_space<vmem>>
    tpu.wait_dma2 semaphore(%arg16 : memref<!tpu.dma_semaphore, #tpu.memory_space<semaphore_mem>>) src(%dma_wait3A_2090 : memref<8x1024xf32, #tpu.memory_space<vmem>>) dst(%dma_wait3A_2086 : memref<8x1024xf32, #tpu.memory_space<hbm>>)
    %dma_wait3A_2091 = arith.constant 1 : i32
    %dma_wait3A_2092 = arith.constant 1 : i32
    %dma_wait3A_2093 = arith.constant 8 : i32
    %dma_wait3A_2094 = arith.constant 0 : i32
    %dma_wait3A_2095 = tpu.memref_slice %arg7[%dma_wait3A_2091, %dma_wait3A_2093, %dma_wait3A_2094] : memref<3x32x1024xf32, #tpu.memory_space<vmem>> -> memref<1x8x1024xf32, #tpu.memory_space<vmem>>
    %dma_wait3A_2096 = tpu.memref_squeeze %dma_wait3A_2095 : memref<1x8x1024xf32, #tpu.memory_space<vmem>> -> memref<8x1024xf32, #tpu.memory_space<vmem>>
    %dma_wait3A_2097 = arith.constant 0 : i32
    %dma_wait3A_2098 = tpu.memref_slice %arg5[%dma_wait3A_2092, %add3A_1894, %dma_wait3A_2097] : memref<4x2048x1024xf32, #tpu.memory_space<hbm>> -> memref<1x8x1024xf32, #tpu.memory_space<hbm>>
    %dma_wait3A_2099 = tpu.memref_squeeze %dma_wait3A_2098 : memref<1x8x1024xf32, #tpu.memory_space<hbm>> -> memref<8x1024xf32, #tpu.memory_space<hbm>>
    %dma_wait3A_2100 = arith.constant 0 : i32
    %dma_wait3A_2101 = tpu.memref_slice %arg5[%dma_wait3A_2092, %add3A_1894, %dma_wait3A_2100] : memref<4x2048x1024xf32, #tpu.memory_space<hbm>> -> memref<1x8x1024xf32, #tpu.memory_space<hbm>>
    %dma_wait3A_2102 = tpu.memref_squeeze %dma_wait3A_2101 : memref<1x8x1024xf32, #tpu.memory_space<hbm>> -> memref<8x1024xf32, #tpu.memory_space<hbm>>
    %dma_wait3A_2103 = arith.constant 8 : i32
    %dma_wait3A_2104 = arith.constant 0 : i32
    %dma_wait3A_2105 = tpu.memref_slice %arg7[%dma_wait3A_2091, %dma_wait3A_2103, %dma_wait3A_2104] : memref<3x32x1024xf32, #tpu.memory_space<vmem>> -> memref<1x8x1024xf32, #tpu.memory_space<vmem>>
    %dma_wait3A_2106 = tpu.memref_squeeze %dma_wait3A_2105 : memref<1x8x1024xf32, #tpu.memory_space<vmem>> -> memref<8x1024xf32, #tpu.memory_space<vmem>>
    tpu.wait_dma2 semaphore(%arg16 : memref<!tpu.dma_semaphore, #tpu.memory_space<semaphore_mem>>) src(%dma_wait3A_2106 : memref<8x1024xf32, #tpu.memory_space<vmem>>) dst(%dma_wait3A_2102 : memref<8x1024xf32, #tpu.memory_space<hbm>>)
    %dma_wait3A_2107 = arith.constant 1 : i32
    %dma_wait3A_2108 = arith.constant 2 : i32
    %dma_wait3A_2109 = arith.constant 16 : i32
    %dma_wait3A_2110 = arith.constant 0 : i32
    %dma_wait3A_2111 = tpu.memref_slice %arg7[%dma_wait3A_2107, %dma_wait3A_2109, %dma_wait3A_2110] : memref<3x32x1024xf32, #tpu.memory_space<vmem>> -> memref<1x8x1024xf32, #tpu.memory_space<vmem>>
    %dma_wait3A_2112 = tpu.memref_squeeze %dma_wait3A_2111 : memref<1x8x1024xf32, #tpu.memory_space<vmem>> -> memref<8x1024xf32, #tpu.memory_space<vmem>>
    %dma_wait3A_2113 = arith.constant 0 : i32
    %dma_wait3A_2114 = tpu.memref_slice %arg5[%dma_wait3A_2108, %add3A_1912, %dma_wait3A_2113] : memref<4x2048x1024xf32, #tpu.memory_space<hbm>> -> memref<1x8x1024xf32, #tpu.memory_space<hbm>>
    %dma_wait3A_2115 = tpu.memref_squeeze %dma_wait3A_2114 : memref<1x8x1024xf32, #tpu.memory_space<hbm>> -> memref<8x1024xf32, #tpu.memory_space<hbm>>
    %dma_wait3A_2116 = arith.constant 0 : i32
    %dma_wait3A_2117 = tpu.memref_slice %arg5[%dma_wait3A_2108, %add3A_1912, %dma_wait3A_2116] : memref<4x2048x1024xf32, #tpu.memory_space<hbm>> -> memref<1x8x1024xf32, #tpu.memory_space<hbm>>
    %dma_wait3A_2118 = tpu.memref_squeeze %dma_wait3A_2117 : memref<1x8x1024xf32, #tpu.memory_space<hbm>> -> memref<8x1024xf32, #tpu.memory_space<hbm>>
    %dma_wait3A_2119 = arith.constant 16 : i32
    %dma_wait3A_2120 = arith.constant 0 : i32
    %dma_wait3A_2121 = tpu.memref_slice %arg7[%dma_wait3A_2107, %dma_wait3A_2119, %dma_wait3A_2120] : memref<3x32x1024xf32, #tpu.memory_space<vmem>> -> memref<1x8x1024xf32, #tpu.memory_space<vmem>>
    %dma_wait3A_2122 = tpu.memref_squeeze %dma_wait3A_2121 : memref<1x8x1024xf32, #tpu.memory_space<vmem>> -> memref<8x1024xf32, #tpu.memory_space<vmem>>
    tpu.wait_dma2 semaphore(%arg16 : memref<!tpu.dma_semaphore, #tpu.memory_space<semaphore_mem>>) src(%dma_wait3A_2122 : memref<8x1024xf32, #tpu.memory_space<vmem>>) dst(%dma_wait3A_2118 : memref<8x1024xf32, #tpu.memory_space<hbm>>)
    %dma_wait3A_2123 = arith.constant 1 : i32
    %dma_wait3A_2124 = arith.constant 3 : i32
    %dma_wait3A_2125 = arith.constant 24 : i32
    %dma_wait3A_2126 = arith.constant 0 : i32
    %dma_wait3A_2127 = tpu.memref_slice %arg7[%dma_wait3A_2123, %dma_wait3A_2125, %dma_wait3A_2126] : memref<3x32x1024xf32, #tpu.memory_space<vmem>> -> memref<1x8x1024xf32, #tpu.memory_space<vmem>>
    %dma_wait3A_2128 = tpu.memref_squeeze %dma_wait3A_2127 : memref<1x8x1024xf32, #tpu.memory_space<vmem>> -> memref<8x1024xf32, #tpu.memory_space<vmem>>
    %dma_wait3A_2129 = arith.constant 0 : i32
    %dma_wait3A_2130 = tpu.memref_slice %arg5[%dma_wait3A_2124, %add3A_1930, %dma_wait3A_2129] : memref<4x2048x1024xf32, #tpu.memory_space<hbm>> -> memref<1x8x1024xf32, #tpu.memory_space<hbm>>
    %dma_wait3A_2131 = tpu.memref_squeeze %dma_wait3A_2130 : memref<1x8x1024xf32, #tpu.memory_space<hbm>> -> memref<8x1024xf32, #tpu.memory_space<hbm>>
    %dma_wait3A_2132 = arith.constant 0 : i32
    %dma_wait3A_2133 = tpu.memref_slice %arg5[%dma_wait3A_2124, %add3A_1930, %dma_wait3A_2132] : memref<4x2048x1024xf32, #tpu.memory_space<hbm>> -> memref<1x8x1024xf32, #tpu.memory_space<hbm>>
    %dma_wait3A_2134 = tpu.memref_squeeze %dma_wait3A_2133 : memref<1x8x1024xf32, #tpu.memory_space<hbm>> -> memref<8x1024xf32, #tpu.memory_space<hbm>>
    %dma_wait3A_2135 = arith.constant 24 : i32
    %dma_wait3A_2136 = arith.constant 0 : i32
    %dma_wait3A_2137 = tpu.memref_slice %arg7[%dma_wait3A_2123, %dma_wait3A_2135, %dma_wait3A_2136] : memref<3x32x1024xf32, #tpu.memory_space<vmem>> -> memref<1x8x1024xf32, #tpu.memory_space<vmem>>
    %dma_wait3A_2138 = tpu.memref_squeeze %dma_wait3A_2137 : memref<1x8x1024xf32, #tpu.memory_space<vmem>> -> memref<8x1024xf32, #tpu.memory_space<vmem>>
    tpu.wait_dma2 semaphore(%arg16 : memref<!tpu.dma_semaphore, #tpu.memory_space<semaphore_mem>>) src(%dma_wait3A_2138 : memref<8x1024xf32, #tpu.memory_space<vmem>>) dst(%dma_wait3A_2134 : memref<8x1024xf32, #tpu.memory_space<hbm>>)
    return
  }
}

</mosaic_0001>

<sc_bundles>
// kernel: kernel.3.cloned.1.call-start
scs
__scs_entry_jumppad:
0x0: {  	(pc) =	sbr.rel $0x88, $3  }
0x1: {  	(tag) =	ssettag $0x0;
	lr =	simm.s32 $0x1  }
0x2: {  	[smem:$0x3F9E] =	sst lr;
	_ =	strace $0xD0000000  }
0x3: {  	_ = 	snop  }
0x4: {  	_ = 	snop  }
0x5: {  	_ = 	snop  }
0x6: {  	_ = 	snop  }
0x7: {  	_ = 	snop  }
__scs_overlays_trampoline_lowered:
0x8: {  	[smem:$0x3FAD] =	sst s0  }
0x9: {  	[smem:$0x3FAE] =	sst s1  }
0xa: {  	[smem:$0x3FAF] =	sst s2  }
0xb: {  	[smem:$0x3FB0] =	sst s3  }
0xc: {  	[smem:$0x3FB1] =	sst s4  }
0xd: {  	[smem:$0x3FB2] =	sst s5  }
0xe: {  	[smem:$0x3FB3] =	sst s6  }
0xf: {  	[smem:$0x3FB4] =	sst s7  }
0x10: {  	[smem:$0x3FB5] =	sst s8  }
0x11: {  	[smem:$0x3FB6] =	sst s9;
	s0 =	simm.s32 @!p0 $0x0  }
0x12: {  	s1 =	sld [smem:$0x3F9C];
	s0 =	simm.s32 @p0 $0x1  }
0x13: {  	[smem:$0x3FB7] =	sst s0;
	s0 =	simm.s32 @!p1 $0x0  }
0x14: {  	s2 =	sld [smem:$0x3F9B];
	s0 =	simm.s32 @p1 $0x1  }
0x15: {  	[smem:$0x3FB8] =	sst s0;
	s0 =	simm.s32 @!p2 $0x0  }
0x16: {  	s3 =	sld [smem:$0x3FDB];
	s0 =	simm.s32 @p2 $0x1  }
0x17: {  	s4 =	simm.s32 $0x1BF5;
	[smem:$0x3FBA] =	sst s0  }
0x18: {  	s0 =	sld [smem:$0x3F9D];
	_ =	swait.ge [sflag:s4], $0x0  }
0x19: {  	s7 =	sld [smem:$0x3F9E]  }
0x1a: {  	s8 =	sadd.s32 $0xFFFFE003, lr  }
0x1b: {  	s9 =	sadd.s32 $0xFFFFFEF7, lr;
	s5 =	simm.s32 $0xFFFFFFFF;
	p2 =	slt.u32 s8, $0xFFFFF086  }
0x1c: {  	p1 =	slt.u32 s9, $0xF7A;
	s5 =	simm.s32 @!p2 $0x0  }
0x1d: {  	s5 =	simm.s32 @p1 $0x1;
	p0 =	seq.s32 s7, s2  }
0x1e: {  	s7 =	smul.u32 @!p0 $0xF7A, s2;
	p2 =	seq.s32 @!p0 s5, $0x0  }
0x1f: {  	s9 =	smul.u32 $0xF7A, s1;
	s8 =	simm.s32 @!p0 $0x1BF5;
	p2 =	por !p2, p0  }
0x20: {  	[sflag:s8] =	ssyncset.s32 @!p0 $0xFFFFF086;
	s6 =	sadd.s32 @!p0 s3, s7;
	s7 =	simm.s32 @!p0 $0x108  }
0x21: {  	s3 =	sadd.s32 s3, s9;
	s6 =	sadd.s32 @!p0 $0x88, s6;
	s7 =	simm.s32 @p2 $0x1082  }
0x22: {  	[simem:s7], [sflag:s8] =	dma.local @!p0 [hbm:s6], $0xF7A  }
0x23: {  	s9 =	sor.u32 $0xD0000000, s2;
	s6 =	simm.s32 $0x108;
	_ =	swait.ge @!p0 [sflag:s8], $0x0  }
0x24: {  	s3 =	sadd.s32 $0x88, s3;
	s6 =	simm.s32 @!p1 $0x1082;
	[sflag:s4] =	ssyncset.s32 $0xFFFFF086  }
0x25: {  	[simem:s6], [sflag:s4] =	dma.local [hbm:s3], $0xF7A  }
0x26: {  	[smem:$0x3F9E] =	sst s1;
	(tag) =	ssettag s2;
	_ =	strace s9  }
0x27: {  	s1 =	sld [smem:$0x3FAE]  }
0x28: {  	s2 =	sld [smem:$0x3FAF]  }
0x29: {  	s4 =	sld [smem:$0x3FB1]  }
0x2a: {  	p0 =	seq.s32 s5, $0x0;
	s5 =	sld [smem:$0x3FB2]  }
0x2b: {  	s6 =	sld [smem:$0x3FB3]  }
0x2c: {  	s7 =	sld [smem:$0x3FB4]  }
0x2d: {  	s3 =	simm.s32 $0x108;
	s8 =	sld [smem:$0x3FB5]  }
0x2e: {  	s3 =	simm.s32 @!p0 $0x1082;
	s9 =	sld [smem:$0x3FB6]  }
0x2f: {  	lr =	sadd.s32 s0, s3;
	s0 =	sld [smem:$0x3FAD]  }
0x30: {  	s3 =	sld [smem:$0x3FB0]  }
0x31: {  	[smem:$0x3FB9] =	sst s10  }
0x32: {  	s10 =	sld [smem:$0x3FB7];
	_ =	sdelay $0x3  }
0x33: {  	p0 =	seq.s32 s10, $0x1;
	s10 =	sld [smem:$0x3FB9];
	_ =	sdelay $0x3  }
0x34: {  	[smem:$0x3FB9] =	sst s10  }
0x35: {  	s10 =	sld [smem:$0x3FB8];
	_ =	sdelay $0x3  }
0x36: {  	p1 =	seq.s32 s10, $0x1;
	s10 =	sld [smem:$0x3FB9];
	_ =	sdelay $0x3  }
0x37: {  	[smem:$0x3FB9] =	sst s10  }
0x38: {  	s10 =	sld [smem:$0x3FBA]  }
0x39: {  	_ = 	snop;
	(pc) =	sbr.ind lr, $3  }
0x3a: {  	_ = 	snop  }
0x3b: {  	_ = 	snop  }
0x3c: {  	p2 =	seq.s32 s10, $0x1;
	s10 =	sld [smem:$0x3FB9]  }
0x3d: {  	_ =	shalt  }
0x3e: {  	_ =	shalt  }
0x3f: {  	_ =	shalt  }
0x40: {  	_ =	shalt  }
0x41: {  	_ =	shalt  }
0x42: {  	_ =	shalt  }
0x43: {  	_ =	shalt  }
0x44: {  	_ =	shalt  }
0x45: {  	_ =	shalt  }
0x46: {  	_ =	shalt  }
0x47: {  	_ =	shalt  }
0x48: {  	_ =	shalt  }
0x49: {  	_ =	shalt  }
0x4a: {  	_ =	shalt  }
0x4b: {  	_ =	shalt  }
0x4c: {  	_ =	shalt  }
0x4d: {  	_ =	shalt  }
0x4e: {  	_ =	shalt  }
0x4f: {  	_ =	shalt  }
0x50: {  	_ =	shalt  }
0x51: {  	_ =	shalt  }
0x52: {  	_ =	shalt  }
0x53: {  	_ =	shalt  }
0x54: {  	_ =	shalt  }
0x55: {  	_ =	shalt  }
0x56: {  	_ =	shalt  }
0x57: {  	_ =	shalt  }
0x58: {  	_ =	shalt  }
0x59: {  	_ =	shalt  }
0x5a: {  	_ =	shalt  }
0x5b: {  	_ =	shalt  }
0x5c: {  	_ =	shalt  }
0x5d: {  	_ =	shalt  }
0x5e: {  	_ =	shalt  }
0x5f: {  	_ =	shalt  }
0x60: {  	_ =	shalt  }
0x61: {  	_ =	shalt  }
0x62: {  	_ =	shalt  }
0x63: {  	_ =	shalt  }
0x64: {  	_ =	shalt  }
0x65: {  	_ =	shalt  }
0x66: {  	_ =	shalt  }
0x67: {  	_ =	shalt  }
0x68: {  	_ =	shalt  }
0x69: {  	_ =	shalt  }
0x6a: {  	_ =	shalt  }
0x6b: {  	_ =	shalt  }
0x6c: {  	_ =	shalt  }
0x6d: {  	_ =	shalt  }
0x6e: {  	_ =	shalt  }
0x6f: {  	_ =	shalt  }
0x70: {  	_ =	shalt  }
0x71: {  	_ =	shalt  }
0x72: {  	_ =	shalt  }
0x73: {  	_ =	shalt  }
0x74: {  	_ =	shalt  }
0x75: {  	_ =	shalt  }
0x76: {  	_ =	shalt  }
0x77: {  	_ =	shalt  }
0x78: {  	_ =	shalt  }
0x79: {  	_ =	shalt  }
0x7a: {  	_ =	shalt  }
0x7b: {  	_ =	shalt  }
0x7c: {  	_ =	shalt  }
0x7d: {  	_ =	shalt  }
0x7e: {  	_ =	shalt  }
0x7f: {  	_ =	shalt  }
0x80: {  	_ =	shalt  }
0x81: {  	_ =	shalt  }
0x82: {  	_ =	shalt  }
0x83: {  	_ =	shalt  }
0x84: {  	_ =	shalt  }
0x85: {  	_ =	shalt  }
0x86: {  	_ =	shalt  }
0x87: {  	_ =	shalt  }
.Lfunc_end0:
.L_simem_size_0:
called_computation_lowered:
.L_overlay_start_0:
0x88: {  	s2 =	sld [smem:$0x3FD9]  }
0x89: {  	s3 =	sld [smem:$0x3FFE];
	_ =	sdelay $0x1  }
0x8a: {  	s1 =	srdreg.scid  }
0x8b: {  	s0 =	sand.u32 $0x1, s1  }
0x8c: {  	s17 =	sshll.u32 s0, $0xA;
	s2 =	sadd.s32 s3, s2  }
0x8d: {  	s2 =	sadd.s32 s2, s17  }
0x8e: {  	[smem:$0x3FC5] =	sst s2  }
0x8f: {  	_ = 	snop  }
0x90: {  	s2 =	sld [smem:$0x3FC8]  }
0x91: {  	s18 =	sld [smem:$0x3FC7]  }
0x92: {  	s4 =	sld [smem:$0x3FD0];
	(tm) =	ssettm $0x1  }
0x93: {  	s5 =	sld [smem:$0x3FFB];
	_ =	sdelay $0x3  }
0x94: {  	_ =	strace s5  }
0x95: {  	s5 =	sld [smem:$0x3FFC];
	_ =	sdelay $0x3  }
0x96: {  	_ =	strace s5  }
0x97: {  	s5 =	sld [smem:$0x3FFD];
	_ =	sdelay $0x3  }
0x98: {  	_ =	strace s5  }
0x99: {  	_ =	strace $0x8FFFFFFF  }
0x9a: {  	s19 =	sld [smem:$0x3FDB];
	_ =	sdelay $0x1  }
0x9b: {  	s6 =	simm.s32 $_scs_section_size  }
0x9c: {  	s7 =	simm.s32 $_size__tile_overlayer_lowered;
	s8 =	simm.s32 $_tile_overlayer_lowered  }
0x9d: {  	s22 =	simm.s32 $0x1BFF;
	s21 =	sshll.u32 s8, $0x1;
	s5 =	sadd.s32 s6, s19  }
0x9e: {  	s9 =	simm.s32 $0x0;
	s20 =	sshll.u32 s7, $0x1;
	s7 =	sadd.s32 s21, s5  }
0x9f: {  	[timem:s9], [sflag:s22] =	dma.local [hbm:s7], s20  }
0xa0: {  	_ =	swait.ge [sflag:s22], s20  }
0xa1: {  	s6 =	ssub.s32 $0x0, s20;
	[sflag:s22] =	ssyncset.done $0x0  }
0xa2: {  	[sflag:s22] =	ssyncadd.s32 s6;
	_ =	sdelay $0x1  }
0xa3: {  	s23 =	simm.s32 $0x1B8B  }
0xa4: {  	_ =	swait.ge [sflag:s23], $0x1  }
0xa5: {  	[sflag:s23] =	ssyncset.done $0x0  }
0xa6: {  	s25 =	simm.s32 $0x1B8E;
	s24 =	sld [smem:$0x3FFE];
	[sflag:s23] =	ssyncadd.s32 $0xFFFFFFFF  }
0xa7: {  	s26 =	simm.s32 $execute0_lowered;
	[smem:$0x3FD2] =	sst s25  }
0xa8: {  	s7 =	sshll.u32 s26, $0x1;
	_ =	strace $0x80000046;
	[dreg:$0x1] =	wrdreg $0xFFFFFFFF  }
0xa9: {  	s28 =	simm.s32 $_size_execute0_lowered;
	s5 =	sadd.s32 s5, s7;
	[dreg:$0x0] =	wrdreg $0x0  }
0xaa: {  	s7 =	sshll.u32 s28, $0x1;
	[dreg:$0x2] =	wrdreg s5  }
0xab: {  	[dreg:$0x3] =	wrdreg s7  }
0xac: {  	[dreg:$0x4] =	wrdreg $0xC0  }
0xad: {  	_ =	task [dreg:s9], $0x5FFFF  }
0xae: {  	[dreg:$0x1] =	wrdreg $0xFFFFFFFF  }
0xaf: {  	[dreg:$0x0] =	wrdreg $0x60  }
0xb0: {  	[dreg:$0x2] =	wrdreg s24  }
0xb1: {  	[dreg:$0x3] =	wrdreg s2  }
0xb2: {  	[dreg:$0x4] =	wrdreg s18  }
0xb3: {  	[dreg:$0x5] =	wrdreg s4  }
0xb4: {  	[dreg:$0x6] =	wrdreg $0x9  }
0xb5: {  	_ =	task.clear_ibuf [dreg:s9], $0x7FFFF;
	_ =	strace $0x90000046  }
0xb6: {  	s29 =	simm.s32 $0x9;
	_ =	strace $0x80000048  }
0xb7: {  	_ =	swait.ge [sflag:s29], $0x1  }
0xb8: {  	[sflag:s29] =	ssyncadd.s32 $0xFFFFFFFF  }
0xb9: {  	_ =	strace $0x90000048  }
0xba: {  	_ =	sfence  }
0xbb: {  	s30 =	sld [smem:$0x0];
	_ =	sdelay $0x2  }
0xbc: {  	s31 =	sshll.u32 s1, $0xD;
	s1 =	sshrl.u32 s1, $0x2  }
0xbd: {  	s3 =	sand.u32 $0x4000, s31;
	s1 =	sadd.s32 s1, s30  }
0xbe: {  	s0 =	sor.u32 s3, s0;
	s1 =	sshll.u32 s1, $0x11  }
0xbf: {  	s0 =	sor.u32 s1, s0  }
0xc0: {  	s0 =	sadd.s32 $0x8F2B, s0  }
0xc1: {  	[sflag:s0] =	ssyncadd.remote.s32 $0x1  }
0xc2: {  	_ =	sfence.sel $0xFFFF  }
0xc3: {  	[dreg:$0x0] =	wrdreg $0xFFFFFFFF;
	(pc) =	sbr.abs _section_cstart, $3  }
0xc4: {  	[dreg:$0x1] =	wrdreg $0xFFFFFFFF  }
0xc5: {  	_ =	task.clear_ibuf [dreg:s9], $0x2FFFF;
	_ =	strace $0x9FFFFFFF  }
0xc6: {  	(tm) =	ssettm $0x7FFFFFFF  }
0xc7: {  	_ =	shalt  }
tec
execute0_lowered:
.L_overlay_start_1:
0x0: {  	(tag) =	ssettag $0x1  }
0x1: {  	s0 =	rddreg [dreg:$0x0]  }
0x2: {  	s1 =	rddreg [dreg:$0x1];
	s2 =	srdreg.scid  }
0x3: {  	s4 =	rddreg [dreg:$0x2];
	s3 =	stileid.u32;
	s2 =	sand.u32 $0x1, s2  }
0x4: {  	s5 =	rddreg [dreg:$0x3];
	s3 =	sshll.u32 s3, $0x7;
	s6 =	sshll.u32 s2, $0x6  }
0x5: {  	s2 =	ssub.s32 $0x2, s2;
	s6 =	sor.u32 s6, s3;
	s3 =	simm.s32 $0x0  }
0x6: {  	s21 =	sshrl.u32 s2, $0x1;
	s7 =	sshrl.u32 s6, $0x3;
	s6 =	sshll.u32 s6, $0x7  }
0x7: {  	[smem:$0x7FF] =	sst s3;
	s2 =	ssub.s32 s2, s21;
	s25 =	sadd.s32 s4, s6  }
0x8: {  	_ =	strace $0x80000047;
	s21 =	smax.u32 s2, $0x1;
	[dreg:$0x9] =	wrdreg s25  }
0x9: {  	s0 =	sadd.s32 s7, s0;
	s8 =	sadd.s32 s5, s6;
	[dreg:$0x19] =	wrdreg s21  }
0xa: {  	s22 =	sadd.s32 $0x400, s0;
	[dreg:$0xb] =	wrdreg s8  }
0xb: {  	s23 =	sadd.s32 $0x500, s0;
	[dreg:$0x5] =	wrdreg s22  }
0xc: {  	s24 =	sadd.s32 $0x600, s0;
	[dreg:$0x6] =	wrdreg s23  }
0xd: {  	s26 =	sor.u32 $0x400, s6;
	s0 =	sadd.s32 $0x700, s0;
	[dreg:$0x7] =	wrdreg s24  }
0xe: {  	s11 =	sor.u32 $0xC00, s6;
	s9 =	sadd.s32 s4, s26;
	[dreg:$0x8] =	wrdreg s0  }
0xf: {  	s10 =	sor.u32 $0x800, s6;
	s12 =	sadd.s32 s4, s11;
	[dreg:$0xa] =	wrdreg s9  }
0x10: {  	s13 =	sor.u32 $0x1000, s6;
	s7 =	sadd.s32 s5, s10;
	[dreg:$0xe] =	wrdreg s12  }
0x11: {  	s15 =	sor.u32 $0x1400, s6;
	s14 =	sadd.s32 s4, s13;
	[dreg:$0xf] =	wrdreg s7  }
0x12: {  	s17 =	sor.u32 $0x1800, s6;
	s16 =	sadd.s32 s4, s15;
	[dreg:$0x10] =	wrdreg s14  }
0x13: {  	s18 =	sadd.s32 s4, s17;
	[dreg:$0x12] =	wrdreg s16  }
0x14: {  	s20 =	sadd.s32 s5, s17;
	[dreg:$0x14] =	wrdreg s18  }
0x15: {  	s25 =	sadd.s32 $0xC0000, s8;
	[dreg:$0x17] =	wrdreg s20  }
0x16: {  	s2 =	sadd.s32 $0x40400, s8;
	[dreg:$0x1c] =	wrdreg s25  }
0x17: {  	s19 =	sor.u32 $0x1C00, s6;
	s6 =	sadd.s32 $0x40800, s8;
	[dreg:$0x1d] =	wrdreg s2  }
0x18: {  	s17 =	sadd.s32 $0x81400, s8;
	[smem:$0x7EC] =	sst s6  }
0x19: {  	s21 =	sadd.s32 $0xC1800, s8;
	[smem:$0x7F6] =	sst s17  }
0x1a: {  	s9 =	sadd.s32 s4, s10;
	[smem:$0x7FA] =	sst s21  }
0x1b: {  	s0 =	sadd.s32 s5, s26;
	[dreg:$0xc] =	wrdreg s9  }
0x1c: {  	s7 =	sadd.s32 s5, s13;
	[dreg:$0xd] =	wrdreg s0  }
0x1d: {  	s4 =	sadd.s32 s4, s19;
	[dreg:$0x13] =	wrdreg s7  }
0x1e: {  	s22 =	sadd.s32 $0x40000, s8;
	[dreg:$0x16] =	wrdreg s4  }
0x1f: {  	s29 =	simm.s32 $0x200;
	s23 =	sadd.s32 $0x80000, s8;
	[dreg:$0x1a] =	wrdreg s22  }
0x20: {  	s31 =	simm.s32 $0xC200;
	s10 =	sadd.s32 $0x40C00, s8;
	[dreg:$0x1b] =	wrdreg s23  }
0x21: {  	s30 =	simm.s32 $0x7;
	s12 =	sadd.s32 $0xC0C00, s8;
	[smem:$0x7EF] =	sst s10  }
0x22: {  	s28 =	sadd.s32 $0x300, s1;
	s13 =	sadd.s32 $0x41000, s8;
	[smem:$0x7F1] =	sst s12  }
0x23: {  	s24 =	sadd.s32 $0x100, s1;
	s14 =	sadd.s32 $0x81000, s8;
	[smem:$0x7F2] =	sst s13  }
0x24: {  	s26 =	sadd.s32 $0x200, s1;
	s16 =	sadd.s32 $0x41400, s8;
	[smem:$0x7F3] =	sst s14  }
0x25: {  	s18 =	sadd.s32 $0xC1400, s8;
	s20 =	sadd.s32 $0x81800, s8;
	[smem:$0x7F5] =	sst s16  }
0x26: {  	s25 =	sadd.s32 $0xC1C00, s8;
	s17 =	simm.s32 $0x8200;
	[smem:$0x7F7] =	sst s18  }
0x27: {  	s21 =	simm.s32 $0xA200;
	s6 =	simm.s32 $0xE200;
	[smem:$0x7F9] =	sst s20  }
0x28: {  	s2 =	simm.s32 $0x3;
	s0 =	sadd.s32 s5, s11;
	[smem:$0x7FD] =	sst s25  }
0x29: {  	s4 =	sadd.s32 $0x80400, s8;
	s7 =	sadd.s32 $0x80800, s8;
	[dreg:$0x11] =	wrdreg s0  }
0x2a: {  	s9 =	sadd.s32 $0xC0800, s8;
	s11 =	sadd.s32 $0x80C00, s8;
	[dreg:$0x1e] =	wrdreg s4  }
0x2b: {  	s22 =	sadd.s32 $0x41C00, s8;
	s23 =	sadd.s32 $0x81C00, s8;
	[smem:$0x7ED] =	sst s7  }
0x2c: {  	s25 =	simm.s32 $0xA;
	s12 =	simm.s32 $0x6200;
	[smem:$0x7EE] =	sst s9  }
0x2d: {  	s14 =	simm.s32 $0x1;
	s20 =	simm.s32 $0x16200;
	[smem:$0x7F0] =	sst s11  }
0x2e: {  	s0 =	sadd.s32 s5, s15;
	s15 =	sadd.s32 $0xC1000, s8;
	[smem:$0x7FB] =	sst s22  }
0x2f: {  	[smem:$0x7FC] =	sst s23;
	s7 =	simm.s32 $0x4200;
	s22 =	simm.s32 $0x2  }
0x30: {  	s23 =	simm.s32 $0x5;
	s4 =	simm.s32 $0x6;
	[dreg:$0x15] =	wrdreg s0  }
0x31: {  	s9 =	simm.s32 $0x0;
	s0 =	sadd.s32 s5, s19;
	[smem:$0x7F4] =	sst s15  }
0x32: {  	v0 =	vlaneseq.u32;
	s5 =	sadd.s32 $0xC0400, s8;
	s19 =	sadd.s32 $0x41800, s8;
	[dreg:$0x18] =	wrdreg s0  }
0x33: {  	v1 =	vshrl.u32 v0, $0x3;
	s15 =	simm.s32 $0x4;
	s8 =	simm.s32 $0x9;
	[dreg:$0x1f] =	wrdreg s5  }
0x34: {  	vm0 =	vmmov $0xffff;
	v0 =	vand.u32 $0x7, v0;
	v1 =	vmul.u32 $0x8, v1;
	[smem:$0x7F8] =	sst s19;
	s0 =	simm.s32 $0x2200;
	s5 =	simm.s32 $0x8  }
.LBB2_1:
0x35: {  	s10 =	rddreg [dreg:$0x5]  }
0x36: {  	[tilespmem:s3], [sflag:$0xA] =	stream.linear.gather [hbm4b:s10+s3], $0x40, $0x38;
	[tilespmem:$0x1E200] =	vst v63  }
0x37: {  	_ =	swait.ge [sflag:s25], $0x40  }
0x38: {  	[sflag:s25] =	ssyncset.done $0x0  }
0x39: {  	s11 =	simm.s32 $0x80;
	s19 =	rddreg [dreg:$0x6];
	[sflag:s25] =	ssyncadd.s32 $0xFFFFFFC0  }
0x3a: {  	[tilespmem:s11], [sflag:$0xA] =	stream.linear.gather [hbm4b:s19+s3], $0x40, $0x38;
	[tilespmem:$0x1E200] =	vst v63  }
0x3b: {  	_ =	swait.ge [sflag:s25], $0x40  }
0x3c: {  	[sflag:s25] =	ssyncset.done $0x0  }
0x3d: {  	s16 =	simm.s32 $0x100;
	s13 =	rddreg [dreg:$0x7];
	[sflag:s25] =	ssyncadd.s32 $0xFFFFFFC0  }
0x3e: {  	[tilespmem:s16], [sflag:$0xA] =	stream.linear.gather [hbm4b:s13+s3], $0x40, $0x38;
	[tilespmem:$0x1E200] =	vst v63  }
0x3f: {  	_ =	swait.ge [sflag:s25], $0x40  }
0x40: {  	[sflag:s25] =	ssyncset.done $0x0  }
0x41: {  	s19 =	simm.s32 $0x180;
	s18 =	rddreg [dreg:$0x8];
	[sflag:s25] =	ssyncadd.s32 $0xFFFFFFC0  }
0x42: {  	[tilespmem:s19], [sflag:$0xA] =	stream.linear.gather [hbm4b:s18+s3], $0x40, $0x38;
	[tilespmem:$0x1E200] =	vst v63  }
0x43: {  	_ =	swait.ge [sflag:s25], $0x40  }
0x44: {  	[sflag:s25] =	ssyncset.done $0x0  }
0x45: {  	[sflag:s25] =	ssyncadd.s32 $0xFFFFFFC0  }
0x46: {  	v2 =	vld.msk [tilespmem:$0x0], $0xff;
	_ =	sdelay $0x4  }
0x47: {  	v3 =	vshll.u32 v2, $0x3  }
0x48: {  	v2 =	vand.u32 $0x7, v2;
	v3 =	vand.u32 $0xFFFFFFC0, v3  }
0x49: {  	v2 =	vor.u32 v2, v3  }
0x4a: {  	v2 =	vperm.xlane v2, v0;
	_ =	sdelay $0x1  }
0x4b: {  	v2 =	vadd.s32 v1, v2;
	_ =	sdelay $0x4  }
0x4c: {  	[tilespmem:s29], [sflag:$0x1] =	stream.indirect_vreg.gather [hbm4b:s1+s3], $0x80, v2, vm0, $0xb8;
	[tilespmem:$0x1E200] =	vst v63  }
0x4d: {  	s13 =	simm.s32 $0xA00  }
0x4e: {  	[tilespmem:s13], [sflag:$0x1] =	stream.indirect_vreg.gather [hbm4b:s24+s3], $0x80, v2, vm0, $0xb8;
	[tilespmem:$0x1E200] =	vst v63  }
0x4f: {  	s16 =	simm.s32 $0x1200  }
0x50: {  	[tilespmem:s16], [sflag:$0x1] =	stream.indirect_vreg.gather [hbm4b:s26+s3], $0x80, v2, vm0, $0xb8;
	[tilespmem:$0x1E200] =	vst v63  }
0x51: {  	s18 =	simm.s32 $0x1A00  }
0x52: {  	[tilespmem:s18], [sflag:$0x1] =	stream.indirect_vreg.gather [hbm4b:s28+s3], $0x80, v2, vm0, $0xb8;
	[tilespmem:$0x1E200] =	vst v63  }
0x53: {  	v2 =	vld.msk [tilespmem:$0x80], $0xff;
	_ =	sdelay $0x4  }
0x54: {  	v3 =	vshll.u32 v2, $0x3  }
0x55: {  	v2 =	vand.u32 $0x7, v2;
	v3 =	vand.u32 $0xFFFFFFC0, v3  }
0x56: {  	v2 =	vor.u32 v2, v3  }
0x57: {  	v2 =	vperm.xlane v2, v0;
	_ =	sdelay $0x1  }
0x58: {  	v2 =	vadd.s32 v1, v2;
	_ =	sdelay $0x4  }
0x59: {  	[tilespmem:s0], [sflag:$0x1] =	stream.indirect_vreg.gather [hbm4b:s1+s3], $0x80, v2, vm0, $0xb8;
	[tilespmem:$0x1E200] =	vst v63  }
0x5a: {  	s19 =	simm.s32 $0x2A00  }
0x5b: {  	[tilespmem:s19], [sflag:$0x1] =	stream.indirect_vreg.gather [hbm4b:s24+s3], $0x80, v2, vm0, $0xb8;
	[tilespmem:$0x1E200] =	vst v63  }
0x5c: {  	s11 =	simm.s32 $0x3200  }
0x5d: {  	[tilespmem:s11], [sflag:$0x1] =	stream.indirect_vreg.gather [hbm4b:s26+s3], $0x80, v2, vm0, $0xb8;
	[tilespmem:$0x1E200] =	vst v63  }
0x5e: {  	s13 =	simm.s32 $0x3A00  }
0x5f: {  	[tilespmem:s13], [sflag:$0x1] =	stream.indirect_vreg.gather [hbm4b:s28+s3], $0x80, v2, vm0, $0xb8;
	[tilespmem:$0x1E200] =	vst v63  }
0x60: {  	v2 =	vld.msk [tilespmem:$0x100], $0xff;
	_ =	sdelay $0x4  }
0x61: {  	v3 =	vshll.u32 v2, $0x3  }
0x62: {  	v2 =	vand.u32 $0x7, v2;
	v3 =	vand.u32 $0xFFFFFFC0, v3  }
0x63: {  	v2 =	vor.u32 v2, v3  }
0x64: {  	v2 =	vperm.xlane v2, v0;
	_ =	sdelay $0x1  }
0x65: {  	v2 =	vadd.s32 v1, v2;
	_ =	sdelay $0x4  }
0x66: {  	[tilespmem:s7], [sflag:$0x1] =	stream.indirect_vreg.gather [hbm4b:s1+s3], $0x80, v2, vm0, $0xb8;
	[tilespmem:$0x1E200] =	vst v63  }
0x67: {  	s16 =	simm.s32 $0x4A00  }
0x68: {  	[tilespmem:s16], [sflag:$0x1] =	stream.indirect_vreg.gather [hbm4b:s24+s3], $0x80, v2, vm0, $0xb8;
	[tilespmem:$0x1E200] =	vst v63  }
0x69: {  	s18 =	simm.s32 $0x5200  }
0x6a: {  	[tilespmem:s18], [sflag:$0x1] =	stream.indirect_vreg.gather [hbm4b:s26+s3], $0x80, v2, vm0, $0xb8;
	[tilespmem:$0x1E200] =	vst v63  }
0x6b: {  	s19 =	simm.s32 $0x5A00  }
0x6c: {  	[tilespmem:s19], [sflag:$0x1] =	stream.indirect_vreg.gather [hbm4b:s28+s3], $0x80, v2, vm0, $0xb8;
	[tilespmem:$0x1E200] =	vst v63  }
0x6d: {  	v2 =	vld.msk [tilespmem:$0x180], $0xff;
	_ =	sdelay $0x4  }
0x6e: {  	v3 =	vshll.u32 v2, $0x3  }
0x6f: {  	v2 =	vand.u32 $0x7, v2;
	v3 =	vand.u32 $0xFFFFFFC0, v3  }
0x70: {  	v2 =	vor.u32 v2, v3  }
0x71: {  	v2 =	vperm.xlane v2, v0;
	_ =	sdelay $0x1  }
0x72: {  	v2 =	vadd.s32 v1, v2;
	_ =	sdelay $0x4  }
0x73: {  	[tilespmem:s12], [sflag:$0x1] =	stream.indirect_vreg.gather [hbm4b:s1+s3], $0x80, v2, vm0, $0xb8;
	[tilespmem:$0x1E200] =	vst v63  }
0x74: {  	s11 =	simm.s32 $0x6A00  }
0x75: {  	[tilespmem:s11], [sflag:$0x1] =	stream.indirect_vreg.gather [hbm4b:s24+s3], $0x80, v2, vm0, $0xb8;
	[tilespmem:$0x1E200] =	vst v63  }
0x76: {  	s13 =	simm.s32 $0x7200  }
0x77: {  	[tilespmem:s13], [sflag:$0x1] =	stream.indirect_vreg.gather [hbm4b:s26+s3], $0x80, v2, vm0, $0xb8;
	[tilespmem:$0x1E200] =	vst v63  }
0x78: {  	s16 =	simm.s32 $0x7A00  }
0x79: {  	[tilespmem:s16], [sflag:$0x1] =	stream.indirect_vreg.gather [hbm4b:s28+s3], $0x80, v2, vm0, $0xb8;
	[tilespmem:$0x1E200] =	vst v63  }
0x7a: {  	s18 =	rddreg [dreg:$0x9];
	s19 =	simm.s32 $0x18200  }
0x7b: {  	[tilespmem:s19], [sflag:$0x4] =	stream.linear.gather [hbm4b:s18+s3], $0x2000, $0x38;
	[tilespmem:$0x1E200] =	vst v63  }
0x7c: {  	v2 =	vld.msk [tilespmem:$0x8], $0xff;
	_ =	sdelay $0x4  }
0x7d: {  	v3 =	vshll.u32 v2, $0x3  }
0x7e: {  	v2 =	vand.u32 $0x7, v2;
	v3 =	vand.u32 $0xFFFFFFC0, v3  }
0x7f: {  	v2 =	vor.u32 v2, v3  }
0x80: {  	v2 =	vperm.xlane v2, v0;
	_ =	sdelay $0x1  }
0x81: {  	v2 =	vadd.s32 v1, v2;
	_ =	sdelay $0x4  }
0x82: {  	[tilespmem:s17], [sflag:$0x2] =	stream.indirect_vreg.gather [hbm4b:s1+s3], $0x80, v2, vm0, $0xb8;
	[tilespmem:$0x1E200] =	vst v63  }
0x83: {  	s13 =	simm.s32 $0x8A00  }
0x84: {  	[tilespmem:s13], [sflag:$0x2] =	stream.indirect_vreg.gather [hbm4b:s24+s3], $0x80, v2, vm0, $0xb8;
	[tilespmem:$0x1E200] =	vst v63  }
0x85: {  	s16 =	simm.s32 $0x9200  }
0x86: {  	[tilespmem:s16], [sflag:$0x2] =	stream.indirect_vreg.gather [hbm4b:s26+s3], $0x80, v2, vm0, $0xb8;
	[tilespmem:$0x1E200] =	vst v63  }
0x87: {  	s18 =	simm.s32 $0x9A00  }
0x88: {  	[tilespmem:s18], [sflag:$0x2] =	stream.indirect_vreg.gather [hbm4b:s28+s3], $0x80, v2, vm0, $0xb8;
	[tilespmem:$0x1E200] =	vst v63  }
0x89: {  	v2 =	vld.msk [tilespmem:$0x88], $0xff;
	_ =	sdelay $0x4  }
0x8a: {  	v3 =	vshll.u32 v2, $0x3  }
0x8b: {  	v2 =	vand.u32 $0x7, v2;
	v3 =	vand.u32 $0xFFFFFFC0, v3  }
0x8c: {  	v2 =	vor.u32 v2, v3  }
0x8d: {  	v2 =	vperm.xlane v2, v0;
	_ =	sdelay $0x1  }
0x8e: {  	v2 =	vadd.s32 v1, v2;
	_ =	sdelay $0x4  }
0x8f: {  	[tilespmem:s21], [sflag:$0x2] =	stream.indirect_vreg.gather [hbm4b:s1+s3], $0x80, v2, vm0, $0xb8;
	[tilespmem:$0x1E200] =	vst v63  }
0x90: {  	s19 =	simm.s32 $0xAA00  }
0x91: {  	[tilespmem:s19], [sflag:$0x2] =	stream.indirect_vreg.gather [hbm4b:s24+s3], $0x80, v2, vm0, $0xb8;
	[tilespmem:$0x1E200] =	vst v63  }
0x92: {  	s11 =	simm.s32 $0xB200  }
0x93: {  	[tilespmem:s11], [sflag:$0x2] =	stream.indirect_vreg.gather [hbm4b:s26+s3], $0x80, v2, vm0, $0xb8;
	[tilespmem:$0x1E200] =	vst v63  }
0x94: {  	s13 =	simm.s32 $0xBA00  }
0x95: {  	[tilespmem:s13], [sflag:$0x2] =	stream.indirect_vreg.gather [hbm4b:s28+s3], $0x80, v2, vm0, $0xb8;
	[tilespmem:$0x1E200] =	vst v63  }
0x96: {  	v2 =	vld.msk [tilespmem:$0x108], $0xff;
	_ =	sdelay $0x4  }
0x97: {  	v3 =	vshll.u32 v2, $0x3  }
0x98: {  	v2 =	vand.u32 $0x7, v2;
	v3 =	vand.u32 $0xFFFFFFC0, v3  }
0x99: {  	v2 =	vor.u32 v2, v3  }
0x9a: {  	v2 =	vperm.xlane v2, v0;
	_ =	sdelay $0x1  }
0x9b: {  	v2 =	vadd.s32 v1, v2;
	_ =	sdelay $0x4  }
0x9c: {  	[tilespmem:s31], [sflag:$0x2] =	stream.indirect_vreg.gather [hbm4b:s1+s3], $0x80, v2, vm0, $0xb8;
	[tilespmem:$0x1E200] =	vst v63  }
0x9d: {  	s16 =	simm.s32 $0xCA00  }
0x9e: {  	[tilespmem:s16], [sflag:$0x2] =	stream.indirect_vreg.gather [hbm4b:s24+s3], $0x80, v2, vm0, $0xb8;
	[tilespmem:$0x1E200] =	vst v63  }
0x9f: {  	s18 =	simm.s32 $0xD200  }
0xa0: {  	[tilespmem:s18], [sflag:$0x2] =	stream.indirect_vreg.gather [hbm4b:s26+s3], $0x80, v2, vm0, $0xb8;
	[tilespmem:$0x1E200] =	vst v63  }
0xa1: {  	s19 =	simm.s32 $0xDA00  }
0xa2: {  	[tilespmem:s19], [sflag:$0x2] =	stream.indirect_vreg.gather [hbm4b:s28+s3], $0x80, v2, vm0, $0xb8;
	[tilespmem:$0x1E200] =	vst v63  }
0xa3: {  	v2 =	vld.msk [tilespmem:$0x188], $0xff;
	_ =	sdelay $0x4  }
0xa4: {  	v3 =	vshll.u32 v2, $0x3  }
0xa5: {  	v2 =	vand.u32 $0x7, v2;
	v3 =	vand.u32 $0xFFFFFFC0, v3  }
0xa6: {  	v2 =	vor.u32 v2, v3  }
0xa7: {  	v2 =	vperm.xlane v2, v0;
	_ =	sdelay $0x1  }
0xa8: {  	v2 =	vadd.s32 v1, v2;
	_ =	sdelay $0x4  }
0xa9: {  	[tilespmem:s6], [sflag:$0x2] =	stream.indirect_vreg.gather [hbm4b:s1+s3], $0x80, v2, vm0, $0xb8;
	[tilespmem:$0x1E200] =	vst v63  }
0xaa: {  	s11 =	simm.s32 $0xEA00  }
0xab: {  	[tilespmem:s11], [sflag:$0x2] =	stream.indirect_vreg.gather [hbm4b:s24+s3], $0x80, v2, vm0, $0xb8;
	[tilespmem:$0x1E200] =	vst v63  }
0xac: {  	s13 =	simm.s32 $0xF200  }
0xad: {  	[tilespmem:s13], [sflag:$0x2] =	stream.indirect_vreg.gather [hbm4b:s26+s3], $0x80, v2, vm0, $0xb8;
	[tilespmem:$0x1E200] =	vst v63  }
0xae: {  	s16 =	simm.s32 $0xFA00  }
0xaf: {  	[tilespmem:s16], [sflag:$0x2] =	stream.indirect_vreg.gather [hbm4b:s28+s3], $0x80, v2, vm0, $0xb8;
	[tilespmem:$0x1E200] =	vst v63  }
0xb0: {  	s18 =	rddreg [dreg:$0xa];
	s19 =	simm.s32 $0x1A200  }
0xb1: {  	[tilespmem:s19], [sflag:$0x5] =	stream.linear.gather [hbm4b:s18+s3], $0x2000, $0x38;
	[tilespmem:$0x1E200] =	vst v63  }
0xb2: {  	_ =	swait.ge [sflag:s14], $0x2000  }
0xb3: {  	[sflag:s14] =	ssyncset.done $0x0  }
0xb4: {  	[sflag:s14] =	ssyncadd.s32 $0xFFFFE000  }
0xb5: {  	_ =	swait.ge [sflag:s14], $0x2000  }
0xb6: {  	[sflag:s14] =	ssyncset.done $0x0  }
0xb7: {  	[sflag:s14] =	ssyncadd.s32 $0xFFFFE000  }
0xb8: {  	_ =	swait.ge [sflag:s14], $0x2000  }
0xb9: {  	[sflag:s14] =	ssyncset.done $0x0  }
0xba: {  	[sflag:s14] =	ssyncadd.s32 $0xFFFFE000  }
0xbb: {  	_ =	swait.ge [sflag:s14], $0x2000  }
0xbc: {  	[sflag:s14] =	ssyncset.done $0x0  }
0xbd: {  	[sflag:s14] =	ssyncadd.s32 $0xFFFFE000  }
0xbe: {  	_ =	swait.ge [sflag:s15], $0x2000  }
0xbf: {  	[sflag:s15] =	ssyncset.done $0x0  }
0xc0: {  	s11 =	simm.s32 $0x0;
	s13 =	simm.s32 $0x0;
	[sflag:s15] =	ssyncadd.s32 $0xFFFFE000  }
.LBB2_2:
0xc1: {  	s10 =	sshra.s32 s11, $0x2  }
0xc2: {  	v2 =	vld [tilespmem:s10+$0x18270]  }
0xc3: {  	v3 =	vld [tilespmem:s10+$0x6270]  }
0xc4: {  	v4 =	vld [tilespmem:s10+$0x18200]  }
0xc5: {  	v5 =	vld [tilespmem:s10+$0x200]  }
0xc6: {  	v6 =	vld [tilespmem:s10+$0x2200]  }
0xc7: {  	v7 =	vld [tilespmem:s10+$0x4200]  }
0xc8: {  	v8 =	vld [tilespmem:s10+$0x6200]  }
0xc9: {  	v9 =	vld [tilespmem:s10+$0x18210]  }
0xca: {  	v10 =	vld [tilespmem:s10+$0x210]  }
0xcb: {  	v11 =	vld [tilespmem:s10+$0x2210]  }
0xcc: {  	v12 =	vld [tilespmem:s10+$0x4210]  }
0xcd: {  	v13 =	vld [tilespmem:s10+$0x6210]  }
0xce: {  	v14 =	vld [tilespmem:s10+$0x18220];
	v3 =	vadd.f32 v3, v2  }
0xcf: {  	v15 =	vld [tilespmem:s10+$0x220];
	v5 =	vadd.f32 v5, v4  }
0xd0: {  	v63 =	vld [tilespmem:s10+$0x6230];
	[tilespmem:s10+$0x6270] =	vst v3;
	v3 =	vadd.f32 v6, v4  }
0xd1: {  	v6 =	vld [tilespmem:s10+$0x2220];
	[tilespmem:s10+$0x200] =	vst v5;
	v5 =	vadd.f32 v7, v4  }
0xd2: {  	v7 =	vld [tilespmem:s10+$0x4220];
	[tilespmem:s10+$0x2200] =	vst v3;
	v3 =	vadd.f32 v8, v4  }
0xd3: {  	v4 =	vld [tilespmem:s10+$0x6220];
	[tilespmem:s10+$0x4200] =	vst v5;
	v5 =	vadd.f32 v10, v9  }
0xd4: {  	v8 =	vld [tilespmem:s10+$0x18230];
	[tilespmem:s10+$0x6200] =	vst v3;
	v3 =	vadd.f32 v11, v9  }
0xd5: {  	v10 =	vld [tilespmem:s10+$0x230];
	[tilespmem:s10+$0x210] =	vst v5;
	v5 =	vadd.f32 v12, v9  }
0xd6: {  	v11 =	vld [tilespmem:s10+$0x2230];
	[tilespmem:s10+$0x2210] =	vst v3;
	v3 =	vadd.f32 v13, v9  }
0xd7: {  	v9 =	vld [tilespmem:s10+$0x4230];
	[tilespmem:s10+$0x4210] =	vst v5;
	v5 =	vadd.f32 v15, v14  }
0xd8: {  	[tilespmem:s10+$0x6210] =	vst v3;
	v3 =	vadd.f32 v6, v14;
	v6 =	vld [tilespmem:s10+$0x18240]  }
0xd9: {  	[tilespmem:s10+$0x220] =	vst v5;
	v5 =	vadd.f32 v7, v14;
	v7 =	vld [tilespmem:s10+$0x240]  }
0xda: {  	[tilespmem:s10+$0x2220] =	vst v3;
	v3 =	vadd.f32 v4, v14;
	v4 =	vld [tilespmem:s10+$0x2240]  }
0xdb: {  	[tilespmem:s10+$0x4220] =	vst v5;
	v5 =	vadd.f32 v10, v8;
	v10 =	vld [tilespmem:s10+$0x4240]  }
0xdc: {  	[tilespmem:s10+$0x6220] =	vst v3;
	v3 =	vadd.f32 v11, v8;
	v11 =	vld [tilespmem:s10+$0x6240]  }
0xdd: {  	[tilespmem:s10+$0x230] =	vst v5;
	v5 =	vadd.f32 v9, v8;
	v9 =	vld [tilespmem:s10+$0x18250]  }
0xde: {  	[tilespmem:s10+$0x2230] =	vst v3;
	v3 =	vadd.f32 v63, v8;
	v8 =	vld [tilespmem:s10+$0x250]  }
0xdf: {  	[tilespmem:s10+$0x4230] =	vst v5;
	v5 =	vadd.f32 v7, v6;
	v7 =	vld [tilespmem:s10+$0x2250]  }
0xe0: {  	[tilespmem:s10+$0x6230] =	vst v3;
	v3 =	vadd.f32 v4, v6;
	v4 =	vld [tilespmem:s10+$0x4250]  }
0xe1: {  	[tilespmem:s10+$0x240] =	vst v5;
	v5 =	vadd.f32 v10, v6;
	v10 =	vld [tilespmem:s10+$0x6250]  }
0xe2: {  	v6 =	vadd.f32 v11, v6;
	v11 =	vld [tilespmem:s10+$0x260];
	[tilespmem:s10+$0x2240] =	vst v3  }
0xe3: {  	v3 =	vld [tilespmem:s10+$0x18260];
	[tilespmem:s10+$0x4240] =	vst v5;
	v5 =	vadd.f32 v8, v9  }
0xe4: {  	[tilespmem:s10+$0x6240] =	vst v6;
	v6 =	vadd.f32 v7, v9;
	v8 =	vld [tilespmem:s10+$0x2260]  }
0xe5: {  	[tilespmem:s10+$0x250] =	vst v5;
	v4 =	vadd.f32 v4, v9;
	v5 =	vld [tilespmem:s10+$0x4260]  }
0xe6: {  	[tilespmem:s10+$0x2250] =	vst v6;
	v7 =	vadd.f32 v10, v9;
	v6 =	vld [tilespmem:s10+$0x6260]  }
0xe7: {  	[tilespmem:s10+$0x4250] =	vst v4;
	v4 =	vld [tilespmem:s10+$0x270]  }
0xe8: {  	s16 =	simm.s32 $0x0;
	s18 =	sadd.s32 $0x1000, s11;
	[tilespmem:s10+$0x6250] =	vst v7;
	v9 =	vadd.f32 v11, v3;
	v7 =	vld [tilespmem:s10+$0x2270]  }
.LBB2_3:
0xe9: {  	s19 =	sshra.s32 s18, $0x2;
	v8 =	vadd.f32 v8, v3;
	v10 =	vld [tilespmem:s10+$0x4270]  }
0xea: {  	s16 =	sadd.s32 $0x80, s16;
	v11 =	vld [tilespmem:s19+$0x18270];
	[tilespmem:s10+$0x260] =	vst v9;
	v5 =	vadd.f32 v5, v3  }
0xeb: {  	p0 =	slt.u32 s16, $0x380;
	v9 =	vld [tilespmem:s19+$0x6270];
	[tilespmem:s10+$0x2260] =	vst v8;
	v3 =	vadd.f32 v6, v3  }
0xec: {  	v6 =	vld [tilespmem:s19+$0x18200];
	[tilespmem:s10+$0x4260] =	vst v5;
	v4 =	vadd.f32 v4, v2  }
0xed: {  	v5 =	vld [tilespmem:s19+$0x200];
	[tilespmem:s10+$0x6260] =	vst v3;
	v3 =	vadd.f32 v7, v2  }
0xee: {  	v7 =	vld [tilespmem:s19+$0x2200];
	[tilespmem:s10+$0x270] =	vst v4;
	v4 =	vadd.f32 v10, v2  }
0xef: {  	v8 =	vld [tilespmem:s19+$0x4200];
	[tilespmem:s10+$0x2270] =	vst v3;
	v2 =	vmov v11  }
0xf0: {  	v3 =	vld [tilespmem:s19+$0x6200];
	v9 =	vadd.f32 v9, v2;
	[tilespmem:s10+$0x4270] =	vst v4;
	s10 =	smov.u32 s19  }
0xf1: {  	v4 =	vld [tilespmem:s10+$0x18210]  }
0xf2: {  	v5 =	vadd.f32 v5, v6;
	v10 =	vld [tilespmem:s10+$0x210];
	[tilespmem:s10+$0x6270] =	vst v9  }
0xf3: {  	v7 =	vadd.f32 v7, v6;
	v9 =	vld [tilespmem:s10+$0x2210]  }
0xf4: {  	[tilespmem:s10+$0x200] =	vst v5;
	v5 =	vadd.f32 v8, v6;
	v8 =	vld [tilespmem:s10+$0x4210]  }
0xf5: {  	[tilespmem:s10+$0x2200] =	vst v7;
	v3 =	vadd.f32 v3, v6;
	v6 =	vld [tilespmem:s10+$0x6210]  }
0xf6: {  	[tilespmem:s10+$0x4200] =	vst v5;
	v5 =	vld [tilespmem:s10+$0x18220]  }
0xf7: {  	[tilespmem:s10+$0x6200] =	vst v3;
	v3 =	vadd.f32 v10, v4;
	v7 =	vld [tilespmem:s10+$0x220]  }
0xf8: {  	v9 =	vadd.f32 v9, v4;
	v10 =	vld [tilespmem:s10+$0x2220]  }
0xf9: {  	[tilespmem:s10+$0x210] =	vst v3;
	v3 =	vadd.f32 v8, v4;
	v8 =	vld [tilespmem:s10+$0x4220]  }
0xfa: {  	[tilespmem:s10+$0x2210] =	vst v9;
	v4 =	vadd.f32 v6, v4;
	v6 =	vld [tilespmem:s10+$0x6220]  }
0xfb: {  	[tilespmem:s10+$0x4210] =	vst v3;
	v3 =	vld [tilespmem:s10+$0x18230]  }
0xfc: {  	[tilespmem:s10+$0x6210] =	vst v4;
	v4 =	vadd.f32 v7, v5;
	v7 =	vld [tilespmem:s10+$0x230]  }
0xfd: {  	v9 =	vadd.f32 v10, v5;
	v10 =	vld [tilespmem:s10+$0x2230]  }
0xfe: {  	[tilespmem:s10+$0x220] =	vst v4;
	v4 =	vadd.f32 v8, v5;
	v8 =	vld [tilespmem:s10+$0x4230]  }
0xff: {  	[tilespmem:s10+$0x2220] =	vst v9;
	v5 =	vadd.f32 v6, v5;
	v6 =	vld [tilespmem:s10+$0x6230]  }
0x100: {  	[tilespmem:s10+$0x4220] =	vst v4;
	v4 =	vld [tilespmem:s10+$0x18240]  }
0x101: {  	[tilespmem:s10+$0x6220] =	vst v5;
	v5 =	vadd.f32 v7, v3;
	v7 =	vld [tilespmem:s10+$0x240]  }
0x102: {  	v9 =	vadd.f32 v10, v3;
	v10 =	vld [tilespmem:s10+$0x2240]  }
0x103: {  	[tilespmem:s10+$0x230] =	vst v5;
	v5 =	vadd.f32 v8, v3;
	v8 =	vld [tilespmem:s10+$0x4240]  }
0x104: {  	[tilespmem:s10+$0x2230] =	vst v9;
	v3 =	vadd.f32 v6, v3;
	v6 =	vld [tilespmem:s10+$0x6240]  }
0x105: {  	[tilespmem:s10+$0x4230] =	vst v5;
	v9 =	vld [tilespmem:s10+$0x18250]  }
0x106: {  	[tilespmem:s10+$0x6230] =	vst v3;
	v3 =	vadd.f32 v7, v4;
	v5 =	vld [tilespmem:s10+$0x250]  }
0x107: {  	v7 =	vadd.f32 v10, v4;
	v10 =	vld [tilespmem:s10+$0x2250]  }
0x108: {  	[tilespmem:s10+$0x240] =	vst v3;
	v3 =	vadd.f32 v8, v4;
	v11 =	vld [tilespmem:s10+$0x4250]  }
0x109: {  	[tilespmem:s10+$0x2240] =	vst v7;
	v4 =	vadd.f32 v6, v4;
	v6 =	vld [tilespmem:s10+$0x6250]  }
0x10a: {  	[tilespmem:s10+$0x4240] =	vst v3;
	v3 =	vld [tilespmem:s10+$0x18260]  }
0x10b: {  	[tilespmem:s10+$0x6240] =	vst v4;
	v4 =	vadd.f32 v5, v9;
	v7 =	vld [tilespmem:s10+$0x260]  }
.Ltmp0:
0x10c: {  	v10 =	vadd.f32 v10, v9;
	v8 =	vld [tilespmem:s10+$0x2260];
	(pc) =	sbr.rel @p0 .LBB2_3-.Ltmp0, $4  }
0x10d: {  	[tilespmem:s10+$0x250] =	vst v4;
	v4 =	vadd.f32 v11, v9;
	v5 =	vld [tilespmem:s10+$0x4260]  }
0x10e: {  	[tilespmem:s10+$0x2250] =	vst v10;
	v9 =	vadd.f32 v6, v9;
	v6 =	vld [tilespmem:s10+$0x6260]  }
0x10f: {  	[tilespmem:s10+$0x4250] =	vst v4;
	v4 =	vld [tilespmem:s10+$0x270]  }
0x110: {  	s18 =	sadd.s32 $0x1000, s18;
	[tilespmem:s10+$0x6250] =	vst v9;
	v9 =	vadd.f32 v7, v3;
	v7 =	vld [tilespmem:s10+$0x2270]  }
0x111: {  	v8 =	vadd.f32 v8, v3;
	v10 =	vld [tilespmem:s10+$0x4270]  }
0x112: {  	s13 =	sadd.s32 $0x1, s13;
	[tilespmem:s10+$0x260] =	vst v9;
	v5 =	vadd.f32 v5, v3  }
0x113: {  	p0 =	sne.s32 s13, $0x8;
	[tilespmem:s10+$0x2260] =	vst v8;
	v3 =	vadd.f32 v6, v3  }
.Ltmp1:
0x114: {  	[tilespmem:s10+$0x4260] =	vst v5;
	v4 =	vadd.f32 v4, v2;
	(pc) =	sbr.rel @p0 .LBB2_2-.Ltmp1, $4  }
0x115: {  	[tilespmem:s10+$0x6260] =	vst v3;
	v3 =	vadd.f32 v7, v2  }
0x116: {  	[tilespmem:s10+$0x270] =	vst v4;
	v2 =	vadd.f32 v10, v2  }
0x117: {  	[tilespmem:s10+$0x2270] =	vst v3  }
0x118: {  	s11 =	sadd.s32 $0x200, s11;
	[tilespmem:s10+$0x4270] =	vst v2  }
0x119: {  	s11 =	simm.s32 $0x0;
	s10 =	rddreg [dreg:$0xb]  }
0x11a: {  	[hbm4b:s10+s11] =	stream.linear.scatter [tilespmem:s29], [sflag:$0x7], $0x2000, $0x38;
	[tilespmem:$0x1E200] =	vst v63  }
0x11b: {  	s16 =	rddreg [dreg:$0x1a]  }
0x11c: {  	[hbm4b:s16+s11] =	stream.linear.scatter [tilespmem:s0], [sflag:$0x7], $0x2000, $0x38;
	[tilespmem:$0x1E200] =	vst v63  }
0x11d: {  	s18 =	rddreg [dreg:$0x1b]  }
0x11e: {  	[hbm4b:s18+s11] =	stream.linear.scatter [tilespmem:s7], [sflag:$0x7], $0x2000, $0x38;
	[tilespmem:$0x1E200] =	vst v63  }
0x11f: {  	s19 =	rddreg [dreg:$0x1c]  }
0x120: {  	[hbm4b:s19+s11] =	stream.linear.scatter [tilespmem:s12], [sflag:$0x7], $0x2000, $0x38;
	[tilespmem:$0x1E200] =	vst v63  }
0x121: {  	v2 =	vld.msk [tilespmem:$0x10], $0xff;
	_ =	sdelay $0x4  }
0x122: {  	v3 =	vshll.u32 v2, $0x3  }
0x123: {  	v2 =	vand.u32 $0x7, v2;
	v3 =	vand.u32 $0xFFFFFFC0, v3  }
0x124: {  	v2 =	vor.u32 v2, v3  }
0x125: {  	v2 =	vperm.xlane v2, v0;
	_ =	sdelay $0x1  }
0x126: {  	v2 =	vadd.s32 v1, v2;
	_ =	sdelay $0x3  }
0x127: {  	s13 =	simm.s32 $0x10200  }
0x128: {  	[tilespmem:s13], [sflag:$0x3] =	stream.indirect_vreg.gather [hbm4b:s1+s11], $0x80, v2, vm0, $0xb8;
	[tilespmem:$0x1E200] =	vst v63  }
0x129: {  	s16 =	simm.s32 $0x10A00  }
0x12a: {  	[tilespmem:s16], [sflag:$0x3] =	stream.indirect_vreg.gather [hbm4b:s24+s11], $0x80, v2, vm0, $0xb8;
	[tilespmem:$0x1E200] =	vst v63  }
0x12b: {  	s18 =	simm.s32 $0x11200  }
0x12c: {  	[tilespmem:s18], [sflag:$0x3] =	stream.indirect_vreg.gather [hbm4b:s26+s11], $0x80, v2, vm0, $0xb8;
	[tilespmem:$0x1E200] =	vst v63  }
0x12d: {  	s19 =	simm.s32 $0x11A00  }
0x12e: {  	[tilespmem:s19], [sflag:$0x3] =	stream.indirect_vreg.gather [hbm4b:s28+s11], $0x80, v2, vm0, $0xb8;
	[tilespmem:$0x1E200] =	vst v63  }
0x12f: {  	v2 =	vld.msk [tilespmem:$0x90], $0xff;
	_ =	sdelay $0x4  }
0x130: {  	v3 =	vshll.u32 v2, $0x3  }
0x131: {  	v2 =	vand.u32 $0x7, v2;
	v3 =	vand.u32 $0xFFFFFFC0, v3  }
0x132: {  	v2 =	vor.u32 v2, v3  }
0x133: {  	v2 =	vperm.xlane v2, v0;
	_ =	sdelay $0x1  }
0x134: {  	v2 =	vadd.s32 v1, v2;
	_ =	sdelay $0x3  }
0x135: {  	s13 =	simm.s32 $0x12200  }
0x136: {  	[tilespmem:s13], [sflag:$0x3] =	stream.indirect_vreg.gather [hbm4b:s1+s11], $0x80, v2, vm0, $0xb8;
	[tilespmem:$0x1E200] =	vst v63  }
0x137: {  	s16 =	simm.s32 $0x12A00  }
0x138: {  	[tilespmem:s16], [sflag:$0x3] =	stream.indirect_vreg.gather [hbm4b:s24+s11], $0x80, v2, vm0, $0xb8;
	[tilespmem:$0x1E200] =	vst v63  }
0x139: {  	s18 =	simm.s32 $0x13200  }
0x13a: {  	[tilespmem:s18], [sflag:$0x3] =	stream.indirect_vreg.gather [hbm4b:s26+s11], $0x80, v2, vm0, $0xb8;
	[tilespmem:$0x1E200] =	vst v63  }
0x13b: {  	s19 =	simm.s32 $0x13A00  }
0x13c: {  	[tilespmem:s19], [sflag:$0x3] =	stream.indirect_vreg.gather [hbm4b:s28+s11], $0x80, v2, vm0, $0xb8;
	[tilespmem:$0x1E200] =	vst v63  }
0x13d: {  	v2 =	vld.msk [tilespmem:$0x110], $0xff;
	_ =	sdelay $0x4  }
0x13e: {  	v3 =	vshll.u32 v2, $0x3  }
0x13f: {  	v2 =	vand.u32 $0x7, v2;
	v3 =	vand.u32 $0xFFFFFFC0, v3  }
0x140: {  	v2 =	vor.u32 v2, v3  }
0x141: {  	v2 =	vperm.xlane v2, v0;
	_ =	sdelay $0x1  }
0x142: {  	v2 =	vadd.s32 v1, v2;
	_ =	sdelay $0x3  }
0x143: {  	s13 =	simm.s32 $0x14200  }
0x144: {  	[tilespmem:s13], [sflag:$0x3] =	stream.indirect_vreg.gather [hbm4b:s1+s11], $0x80, v2, vm0, $0xb8;
	[tilespmem:$0x1E200] =	vst v63  }
0x145: {  	s16 =	simm.s32 $0x14A00  }
0x146: {  	[tilespmem:s16], [sflag:$0x3] =	stream.indirect_vreg.gather [hbm4b:s24+s11], $0x80, v2, vm0, $0xb8;
	[tilespmem:$0x1E200] =	vst v63  }
0x147: {  	s18 =	simm.s32 $0x15200  }
0x148: {  	[tilespmem:s18], [sflag:$0x3] =	stream.indirect_vreg.gather [hbm4b:s26+s11], $0x80, v2, vm0, $0xb8;
	[tilespmem:$0x1E200] =	vst v63  }
0x149: {  	s19 =	simm.s32 $0x15A00  }
0x14a: {  	[tilespmem:s19], [sflag:$0x3] =	stream.indirect_vreg.gather [hbm4b:s28+s11], $0x80, v2, vm0, $0xb8;
	[tilespmem:$0x1E200] =	vst v63  }
0x14b: {  	v2 =	vld.msk [tilespmem:$0x190], $0xff;
	_ =	sdelay $0x4  }
0x14c: {  	v3 =	vshll.u32 v2, $0x3  }
0x14d: {  	v2 =	vand.u32 $0x7, v2;
	v3 =	vand.u32 $0xFFFFFFC0, v3  }
0x14e: {  	v2 =	vor.u32 v2, v3  }
0x14f: {  	v2 =	vperm.xlane v2, v0;
	_ =	sdelay $0x1  }
0x150: {  	v2 =	vadd.s32 v1, v2;
	_ =	sdelay $0x4  }
0x151: {  	[tilespmem:s20], [sflag:$0x3] =	stream.indirect_vreg.gather [hbm4b:s1+s11], $0x80, v2, vm0, $0xb8;
	[tilespmem:$0x1E200] =	vst v63  }
0x152: {  	s13 =	simm.s32 $0x16A00  }
0x153: {  	[tilespmem:s13], [sflag:$0x3] =	stream.indirect_vreg.gather [hbm4b:s24+s11], $0x80, v2, vm0, $0xb8;
	[tilespmem:$0x1E200] =	vst v63  }
0x154: {  	s16 =	simm.s32 $0x17200  }
0x155: {  	[tilespmem:s16], [sflag:$0x3] =	stream.indirect_vreg.gather [hbm4b:s26+s11], $0x80, v2, vm0, $0xb8;
	[tilespmem:$0x1E200] =	vst v63  }
0x156: {  	s18 =	simm.s32 $0x17A00  }
0x157: {  	[tilespmem:s18], [sflag:$0x3] =	stream.indirect_vreg.gather [hbm4b:s28+s11], $0x80, v2, vm0, $0xb8;
	[tilespmem:$0x1E200] =	vst v63  }
0x158: {  	s19 =	rddreg [dreg:$0xc];
	s13 =	simm.s32 $0x1C200  }
0x159: {  	[tilespmem:s13], [sflag:$0x6] =	stream.linear.gather [hbm4b:s19+s11], $0x2000, $0x38;
	[tilespmem:$0x1E200] =	vst v63  }
0x15a: {  	_ =	swait.ge [sflag:s22], $0x2000  }
0x15b: {  	[sflag:s22] =	ssyncset.done $0x0  }
0x15c: {  	[sflag:s22] =	ssyncadd.s32 $0xFFFFE000  }
0x15d: {  	_ =	swait.ge [sflag:s22], $0x2000  }
0x15e: {  	[sflag:s22] =	ssyncset.done $0x0  }
0x15f: {  	[sflag:s22] =	ssyncadd.s32 $0xFFFFE000  }
0x160: {  	_ =	swait.ge [sflag:s22], $0x2000  }
0x161: {  	[sflag:s22] =	ssyncset.done $0x0  }
0x162: {  	[sflag:s22] =	ssyncadd.s32 $0xFFFFE000  }
0x163: {  	_ =	swait.ge [sflag:s22], $0x2000  }
0x164: {  	[sflag:s22] =	ssyncset.done $0x0  }
0x165: {  	[sflag:s22] =	ssyncadd.s32 $0xFFFFE000  }
0x166: {  	_ =	swait.ge [sflag:s23], $0x2000  }
0x167: {  	[sflag:s23] =	ssyncset.done $0x0  }
0x168: {  	s13 =	simm.s32 $0x0;
	[sflag:s23] =	ssyncadd.s32 $0xFFFFE000  }
.LBB2_6:
0x169: {  	s10 =	sshra.s32 s11, $0x2  }
0x16a: {  	v2 =	vld [tilespmem:s10+$0x1A270]  }
0x16b: {  	v3 =	vld [tilespmem:s10+$0xE270]  }
0x16c: {  	v4 =	vld [tilespmem:s10+$0x1A200]  }
0x16d: {  	v5 =	vld [tilespmem:s10+$0x8200]  }
0x16e: {  	v6 =	vld [tilespmem:s10+$0xA200]  }
0x16f: {  	v7 =	vld [tilespmem:s10+$0xC200]  }
0x170: {  	v8 =	vld [tilespmem:s10+$0xE200]  }
0x171: {  	v9 =	vld [tilespmem:s10+$0x1A210]  }
0x172: {  	v10 =	vld [tilespmem:s10+$0x8210]  }
0x173: {  	v11 =	vld [tilespmem:s10+$0xA210]  }
0x174: {  	v12 =	vld [tilespmem:s10+$0xC210]  }
0x175: {  	v13 =	vld [tilespmem:s10+$0xE210]  }
0x176: {  	v14 =	vld [tilespmem:s10+$0x1A220];
	v3 =	vadd.f32 v3, v2  }
0x177: {  	v15 =	vld [tilespmem:s10+$0x8220];
	v5 =	vadd.f32 v5, v4  }
0x178: {  	v63 =	vld [tilespmem:s10+$0xE230];
	[tilespmem:s10+$0xE270] =	vst v3;
	v3 =	vadd.f32 v6, v4  }
0x179: {  	v6 =	vld [tilespmem:s10+$0xA220];
	[tilespmem:s10+$0x8200] =	vst v5;
	v5 =	vadd.f32 v7, v4  }
0x17a: {  	v7 =	vld [tilespmem:s10+$0xC220];
	[tilespmem:s10+$0xA200] =	vst v3;
	v3 =	vadd.f32 v8, v4  }
0x17b: {  	v4 =	vld [tilespmem:s10+$0xE220];
	[tilespmem:s10+$0xC200] =	vst v5;
	v5 =	vadd.f32 v10, v9  }
0x17c: {  	v8 =	vld [tilespmem:s10+$0x1A230];
	[tilespmem:s10+$0xE200] =	vst v3;
	v3 =	vadd.f32 v11, v9  }
0x17d: {  	v10 =	vld [tilespmem:s10+$0x8230];
	[tilespmem:s10+$0x8210] =	vst v5;
	v5 =	vadd.f32 v12, v9  }
0x17e: {  	v11 =	vld [tilespmem:s10+$0xA230];
	[tilespmem:s10+$0xA210] =	vst v3;
	v3 =	vadd.f32 v13, v9  }
0x17f: {  	v9 =	vld [tilespmem:s10+$0xC230];
	[tilespmem:s10+$0xC210] =	vst v5;
	v5 =	vadd.f32 v15, v14  }
0x180: {  	[tilespmem:s10+$0xE210] =	vst v3;
	v3 =	vadd.f32 v6, v14;
	v6 =	vld [tilespmem:s10+$0x1A240]  }
0x181: {  	[tilespmem:s10+$0x8220] =	vst v5;
	v5 =	vadd.f32 v7, v14;
	v7 =	vld [tilespmem:s10+$0x8240]  }
0x182: {  	[tilespmem:s10+$0xA220] =	vst v3;
	v3 =	vadd.f32 v4, v14;
	v4 =	vld [tilespmem:s10+$0xA240]  }
0x183: {  	[tilespmem:s10+$0xC220] =	vst v5;
	v5 =	vadd.f32 v10, v8;
	v10 =	vld [tilespmem:s10+$0xC240]  }
0x184: {  	[tilespmem:s10+$0xE220] =	vst v3;
	v3 =	vadd.f32 v11, v8;
	v11 =	vld [tilespmem:s10+$0xE240]  }
0x185: {  	[tilespmem:s10+$0x8230] =	vst v5;
	v5 =	vadd.f32 v9, v8;
	v9 =	vld [tilespmem:s10+$0x1A250]  }
0x186: {  	[tilespmem:s10+$0xA230] =	vst v3;
	v3 =	vadd.f32 v63, v8;
	v8 =	vld [tilespmem:s10+$0x8250]  }
0x187: {  	[tilespmem:s10+$0xC230] =	vst v5;
	v5 =	vadd.f32 v7, v6;
	v7 =	vld [tilespmem:s10+$0xA250]  }
0x188: {  	[tilespmem:s10+$0xE230] =	vst v3;
	v3 =	vadd.f32 v4, v6;
	v4 =	vld [tilespmem:s10+$0xC250]  }
0x189: {  	[tilespmem:s10+$0x8240] =	vst v5;
	v5 =	vadd.f32 v10, v6;
	v10 =	vld [tilespmem:s10+$0xE250]  }
0x18a: {  	v6 =	vadd.f32 v11, v6;
	v11 =	vld [tilespmem:s10+$0x8260];
	[tilespmem:s10+$0xA240] =	vst v3  }
0x18b: {  	v3 =	vld [tilespmem:s10+$0x1A260];
	[tilespmem:s10+$0xC240] =	vst v5;
	v5 =	vadd.f32 v8, v9  }
0x18c: {  	[tilespmem:s10+$0xE240] =	vst v6;
	v6 =	vadd.f32 v7, v9;
	v8 =	vld [tilespmem:s10+$0xA260]  }
0x18d: {  	[tilespmem:s10+$0x8250] =	vst v5;
	v4 =	vadd.f32 v4, v9;
	v5 =	vld [tilespmem:s10+$0xC260]  }
0x18e: {  	[tilespmem:s10+$0xA250] =	vst v6;
	v7 =	vadd.f32 v10, v9;
	v6 =	vld [tilespmem:s10+$0xE260]  }
0x18f: {  	[tilespmem:s10+$0xC250] =	vst v4;
	v4 =	vld [tilespmem:s10+$0x8270]  }
0x190: {  	s16 =	simm.s32 $0x0;
	s18 =	sadd.s32 $0x1000, s11;
	[tilespmem:s10+$0xE250] =	vst v7;
	v9 =	vadd.f32 v11, v3;
	v7 =	vld [tilespmem:s10+$0xA270]  }
.LBB2_7:
0x191: {  	s19 =	sshra.s32 s18, $0x2;
	v8 =	vadd.f32 v8, v3;
	v10 =	vld [tilespmem:s10+$0xC270]  }
0x192: {  	s16 =	sadd.s32 $0x80, s16;
	v11 =	vld [tilespmem:s19+$0x1A270];
	[tilespmem:s10+$0x8260] =	vst v9;
	v5 =	vadd.f32 v5, v3  }
0x193: {  	p0 =	slt.u32 s16, $0x380;
	v9 =	vld [tilespmem:s19+$0xE270];
	[tilespmem:s10+$0xA260] =	vst v8;
	v3 =	vadd.f32 v6, v3  }
0x194: {  	v6 =	vld [tilespmem:s19+$0x1A200];
	[tilespmem:s10+$0xC260] =	vst v5;
	v4 =	vadd.f32 v4, v2  }
0x195: {  	v5 =	vld [tilespmem:s19+$0x8200];
	[tilespmem:s10+$0xE260] =	vst v3;
	v3 =	vadd.f32 v7, v2  }
0x196: {  	v7 =	vld [tilespmem:s19+$0xA200];
	[tilespmem:s10+$0x8270] =	vst v4;
	v4 =	vadd.f32 v10, v2  }
0x197: {  	v8 =	vld [tilespmem:s19+$0xC200];
	[tilespmem:s10+$0xA270] =	vst v3;
	v2 =	vmov v11  }
0x198: {  	v3 =	vld [tilespmem:s19+$0xE200];
	v9 =	vadd.f32 v9, v2;
	[tilespmem:s10+$0xC270] =	vst v4;
	s10 =	smov.u32 s19  }
0x199: {  	v4 =	vld [tilespmem:s10+$0x1A210]  }
0x19a: {  	v5 =	vadd.f32 v5, v6;
	v10 =	vld [tilespmem:s10+$0x8210];
	[tilespmem:s10+$0xE270] =	vst v9  }
0x19b: {  	v7 =	vadd.f32 v7, v6;
	v9 =	vld [tilespmem:s10+$0xA210]  }
0x19c: {  	[tilespmem:s10+$0x8200] =	vst v5;
	v5 =	vadd.f32 v8, v6;
	v8 =	vld [tilespmem:s10+$0xC210]  }
0x19d: {  	[tilespmem:s10+$0xA200] =	vst v7;
	v3 =	vadd.f32 v3, v6;
	v6 =	vld [tilespmem:s10+$0xE210]  }
0x19e: {  	[tilespmem:s10+$0xC200] =	vst v5;
	v5 =	vld [tilespmem:s10+$0x1A220]  }
0x19f: {  	[tilespmem:s10+$0xE200] =	vst v3;
	v3 =	vadd.f32 v10, v4;
	v7 =	vld [tilespmem:s10+$0x8220]  }
0x1a0: {  	v9 =	vadd.f32 v9, v4;
	v10 =	vld [tilespmem:s10+$0xA220]  }
0x1a1: {  	[tilespmem:s10+$0x8210] =	vst v3;
	v3 =	vadd.f32 v8, v4;
	v8 =	vld [tilespmem:s10+$0xC220]  }
0x1a2: {  	[tilespmem:s10+$0xA210] =	vst v9;
	v4 =	vadd.f32 v6, v4;
	v6 =	vld [tilespmem:s10+$0xE220]  }
0x1a3: {  	[tilespmem:s10+$0xC210] =	vst v3;
	v3 =	vld [tilespmem:s10+$0x1A230]  }
0x1a4: {  	[tilespmem:s10+$0xE210] =	vst v4;
	v4 =	vadd.f32 v7, v5;
	v7 =	vld [tilespmem:s10+$0x8230]  }
0x1a5: {  	v9 =	vadd.f32 v10, v5;
	v10 =	vld [tilespmem:s10+$0xA230]  }
0x1a6: {  	[tilespmem:s10+$0x8220] =	vst v4;
	v4 =	vadd.f32 v8, v5;
	v8 =	vld [tilespmem:s10+$0xC230]  }
0x1a7: {  	[tilespmem:s10+$0xA220] =	vst v9;
	v5 =	vadd.f32 v6, v5;
	v6 =	vld [tilespmem:s10+$0xE230]  }
0x1a8: {  	[tilespmem:s10+$0xC220] =	vst v4;
	v4 =	vld [tilespmem:s10+$0x1A240]  }
0x1a9: {  	[tilespmem:s10+$0xE220] =	vst v5;
	v5 =	vadd.f32 v7, v3;
	v7 =	vld [tilespmem:s10+$0x8240]  }
0x1aa: {  	v9 =	vadd.f32 v10, v3;
	v10 =	vld [tilespmem:s10+$0xA240]  }
0x1ab: {  	[tilespmem:s10+$0x8230] =	vst v5;
	v5 =	vadd.f32 v8, v3;
	v8 =	vld [tilespmem:s10+$0xC240]  }
0x1ac: {  	[tilespmem:s10+$0xA230] =	vst v9;
	v3 =	vadd.f32 v6, v3;
	v6 =	vld [tilespmem:s10+$0xE240]  }
0x1ad: {  	[tilespmem:s10+$0xC230] =	vst v5;
	v9 =	vld [tilespmem:s10+$0x1A250]  }
0x1ae: {  	[tilespmem:s10+$0xE230] =	vst v3;
	v3 =	vadd.f32 v7, v4;
	v5 =	vld [tilespmem:s10+$0x8250]  }
0x1af: {  	v7 =	vadd.f32 v10, v4;
	v10 =	vld [tilespmem:s10+$0xA250]  }
0x1b0: {  	[tilespmem:s10+$0x8240] =	vst v3;
	v3 =	vadd.f32 v8, v4;
	v11 =	vld [tilespmem:s10+$0xC250]  }
0x1b1: {  	[tilespmem:s10+$0xA240] =	vst v7;
	v4 =	vadd.f32 v6, v4;
	v6 =	vld [tilespmem:s10+$0xE250]  }
0x1b2: {  	[tilespmem:s10+$0xC240] =	vst v3;
	v3 =	vld [tilespmem:s10+$0x1A260]  }
0x1b3: {  	[tilespmem:s10+$0xE240] =	vst v4;
	v4 =	vadd.f32 v5, v9;
	v7 =	vld [tilespmem:s10+$0x8260]  }
.Ltmp2:
0x1b4: {  	v10 =	vadd.f32 v10, v9;
	v8 =	vld [tilespmem:s10+$0xA260];
	(pc) =	sbr.rel @p0 .LBB2_7-.Ltmp2, $4  }
0x1b5: {  	[tilespmem:s10+$0x8250] =	vst v4;
	v4 =	vadd.f32 v11, v9;
	v5 =	vld [tilespmem:s10+$0xC260]  }
0x1b6: {  	[tilespmem:s10+$0xA250] =	vst v10;
	v9 =	vadd.f32 v6, v9;
	v6 =	vld [tilespmem:s10+$0xE260]  }
0x1b7: {  	[tilespmem:s10+$0xC250] =	vst v4;
	v4 =	vld [tilespmem:s10+$0x8270]  }
0x1b8: {  	s18 =	sadd.s32 $0x1000, s18;
	[tilespmem:s10+$0xE250] =	vst v9;
	v9 =	vadd.f32 v7, v3;
	v7 =	vld [tilespmem:s10+$0xA270]  }
0x1b9: {  	v8 =	vadd.f32 v8, v3;
	v10 =	vld [tilespmem:s10+$0xC270]  }
0x1ba: {  	s13 =	sadd.s32 $0x1, s13;
	[tilespmem:s10+$0x8260] =	vst v9;
	v5 =	vadd.f32 v5, v3  }
0x1bb: {  	p0 =	sne.s32 s13, $0x8;
	[tilespmem:s10+$0xA260] =	vst v8;
	v3 =	vadd.f32 v6, v3  }
.Ltmp3:
0x1bc: {  	[tilespmem:s10+$0xC260] =	vst v5;
	v4 =	vadd.f32 v4, v2;
	(pc) =	sbr.rel @p0 .LBB2_6-.Ltmp3, $4  }
0x1bd: {  	[tilespmem:s10+$0xE260] =	vst v3;
	v3 =	vadd.f32 v7, v2  }
0x1be: {  	[tilespmem:s10+$0x8270] =	vst v4;
	v2 =	vadd.f32 v10, v2  }
0x1bf: {  	[tilespmem:s10+$0xA270] =	vst v3  }
0x1c0: {  	s11 =	sadd.s32 $0x200, s11;
	[tilespmem:s10+$0xC270] =	vst v2  }
0x1c1: {  	s11 =	simm.s32 $0x0;
	s10 =	rddreg [dreg:$0xd]  }
0x1c2: {  	[hbm4b:s10+s11] =	stream.linear.scatter [tilespmem:s17], [sflag:$0x8], $0x2000, $0x38;
	[tilespmem:$0x1E200] =	vst v63  }
0x1c3: {  	s13 =	rddreg [dreg:$0x1d]  }
0x1c4: {  	[hbm4b:s13+s11] =	stream.linear.scatter [tilespmem:s21], [sflag:$0x8], $0x2000, $0x38;
	[tilespmem:$0x1E200] =	vst v63  }
0x1c5: {  	s16 =	rddreg [dreg:$0x1e]  }
0x1c6: {  	[hbm4b:s16+s11] =	stream.linear.scatter [tilespmem:s31], [sflag:$0x8], $0x2000, $0x38;
	[tilespmem:$0x1E200] =	vst v63  }
0x1c7: {  	s18 =	rddreg [dreg:$0x1f]  }
0x1c8: {  	[hbm4b:s18+s11] =	stream.linear.scatter [tilespmem:s6], [sflag:$0x8], $0x2000, $0x38;
	[tilespmem:$0x1E200] =	vst v63  }
0x1c9: {  	_ =	swait.ge [sflag:s30], $0x2000  }
0x1ca: {  	[sflag:s30] =	ssyncset.done $0x0  }
0x1cb: {  	[sflag:s30] =	ssyncadd.s32 $0xFFFFE000  }
0x1cc: {  	_ =	swait.ge [sflag:s30], $0x2000  }
0x1cd: {  	[sflag:s30] =	ssyncset.done $0x0  }
0x1ce: {  	[sflag:s30] =	ssyncadd.s32 $0xFFFFE000  }
0x1cf: {  	_ =	swait.ge [sflag:s30], $0x2000  }
0x1d0: {  	[sflag:s30] =	ssyncset.done $0x0  }
0x1d1: {  	[sflag:s30] =	ssyncadd.s32 $0xFFFFE000  }
0x1d2: {  	_ =	swait.ge [sflag:s30], $0x2000  }
0x1d3: {  	[sflag:s30] =	ssyncset.done $0x0  }
0x1d4: {  	[sflag:s30] =	ssyncadd.s32 $0xFFFFE000  }
0x1d5: {  	v2 =	vld.msk [tilespmem:$0x18], $0xff;
	_ =	sdelay $0x4  }
0x1d6: {  	v3 =	vshll.u32 v2, $0x3  }
0x1d7: {  	v2 =	vand.u32 $0x7, v2;
	v3 =	vand.u32 $0xFFFFFFC0, v3  }
0x1d8: {  	v2 =	vor.u32 v2, v3  }
0x1d9: {  	v2 =	vperm.xlane v2, v0;
	_ =	sdelay $0x1  }
0x1da: {  	v2 =	vadd.s32 v1, v2;
	_ =	sdelay $0x4  }
0x1db: {  	[tilespmem:s29], [sflag:$0x1] =	stream.indirect_vreg.gather [hbm4b:s1+s11], $0x80, v2, vm0, $0xb8;
	[tilespmem:$0x1E200] =	vst v63  }
0x1dc: {  	s19 =	simm.s32 $0xA00  }
0x1dd: {  	[tilespmem:s19], [sflag:$0x1] =	stream.indirect_vreg.gather [hbm4b:s24+s11], $0x80, v2, vm0, $0xb8;
	[tilespmem:$0x1E200] =	vst v63  }
0x1de: {  	s13 =	simm.s32 $0x1200  }
0x1df: {  	[tilespmem:s13], [sflag:$0x1] =	stream.indirect_vreg.gather [hbm4b:s26+s11], $0x80, v2, vm0, $0xb8;
	[tilespmem:$0x1E200] =	vst v63  }
0x1e0: {  	s16 =	simm.s32 $0x1A00  }
0x1e1: {  	[tilespmem:s16], [sflag:$0x1] =	stream.indirect_vreg.gather [hbm4b:s28+s11], $0x80, v2, vm0, $0xb8;
	[tilespmem:$0x1E200] =	vst v63  }
0x1e2: {  	v2 =	vld.msk [tilespmem:$0x98], $0xff;
	_ =	sdelay $0x4  }
0x1e3: {  	v3 =	vshll.u32 v2, $0x3  }
0x1e4: {  	v2 =	vand.u32 $0x7, v2;
	v3 =	vand.u32 $0xFFFFFFC0, v3  }
0x1e5: {  	v2 =	vor.u32 v2, v3  }
0x1e6: {  	v2 =	vperm.xlane v2, v0;
	_ =	sdelay $0x1  }
0x1e7: {  	v2 =	vadd.s32 v1, v2;
	_ =	sdelay $0x4  }
0x1e8: {  	[tilespmem:s0], [sflag:$0x1] =	stream.indirect_vreg.gather [hbm4b:s1+s11], $0x80, v2, vm0, $0xb8;
	[tilespmem:$0x1E200] =	vst v63  }
0x1e9: {  	s18 =	simm.s32 $0x2A00  }
0x1ea: {  	[tilespmem:s18], [sflag:$0x1] =	stream.indirect_vreg.gather [hbm4b:s24+s11], $0x80, v2, vm0, $0xb8;
	[tilespmem:$0x1E200] =	vst v63  }
0x1eb: {  	s19 =	simm.s32 $0x3200  }
0x1ec: {  	[tilespmem:s19], [sflag:$0x1] =	stream.indirect_vreg.gather [hbm4b:s26+s11], $0x80, v2, vm0, $0xb8;
	[tilespmem:$0x1E200] =	vst v63  }
0x1ed: {  	s13 =	simm.s32 $0x3A00  }
0x1ee: {  	[tilespmem:s13], [sflag:$0x1] =	stream.indirect_vreg.gather [hbm4b:s28+s11], $0x80, v2, vm0, $0xb8;
	[tilespmem:$0x1E200] =	vst v63  }
0x1ef: {  	v2 =	vld.msk [tilespmem:$0x118], $0xff;
	_ =	sdelay $0x4  }
0x1f0: {  	v3 =	vshll.u32 v2, $0x3  }
0x1f1: {  	v2 =	vand.u32 $0x7, v2;
	v3 =	vand.u32 $0xFFFFFFC0, v3  }
0x1f2: {  	v2 =	vor.u32 v2, v3  }
0x1f3: {  	v2 =	vperm.xlane v2, v0;
	_ =	sdelay $0x1  }
0x1f4: {  	v2 =	vadd.s32 v1, v2;
	_ =	sdelay $0x4  }
0x1f5: {  	[tilespmem:s7], [sflag:$0x1] =	stream.indirect_vreg.gather [hbm4b:s1+s11], $0x80, v2, vm0, $0xb8;
	[tilespmem:$0x1E200] =	vst v63  }
0x1f6: {  	s16 =	simm.s32 $0x4A00  }
0x1f7: {  	[tilespmem:s16], [sflag:$0x1] =	stream.indirect_vreg.gather [hbm4b:s24+s11], $0x80, v2, vm0, $0xb8;
	[tilespmem:$0x1E200] =	vst v63  }
0x1f8: {  	s18 =	simm.s32 $0x5200  }
0x1f9: {  	[tilespmem:s18], [sflag:$0x1] =	stream.indirect_vreg.gather [hbm4b:s26+s11], $0x80, v2, vm0, $0xb8;
	[tilespmem:$0x1E200] =	vst v63  }
0x1fa: {  	s19 =	simm.s32 $0x5A00  }
0x1fb: {  	[tilespmem:s19], [sflag:$0x1] =	stream.indirect_vreg.gather [hbm4b:s28+s11], $0x80, v2, vm0, $0xb8;
	[tilespmem:$0x1E200] =	vst v63  }
0x1fc: {  	v2 =	vld.msk [tilespmem:$0x198], $0xff;
	_ =	sdelay $0x4  }
0x1fd: {  	v3 =	vshll.u32 v2, $0x3  }
0x1fe: {  	v2 =	vand.u32 $0x7, v2;
	v3 =	vand.u32 $0xFFFFFFC0, v3  }
0x1ff: {  	v2 =	vor.u32 v2, v3  }
0x200: {  	v2 =	vperm.xlane v2, v0;
	_ =	sdelay $0x1  }
0x201: {  	v2 =	vadd.s32 v1, v2;
	_ =	sdelay $0x4  }
0x202: {  	[tilespmem:s12], [sflag:$0x1] =	stream.indirect_vreg.gather [hbm4b:s1+s11], $0x80, v2, vm0, $0xb8;
	[tilespmem:$0x1E200] =	vst v63  }
0x203: {  	s13 =	simm.s32 $0x6A00  }
0x204: {  	[tilespmem:s13], [sflag:$0x1] =	stream.indirect_vreg.gather [hbm4b:s24+s11], $0x80, v2, vm0, $0xb8;
	[tilespmem:$0x1E200] =	vst v63  }
0x205: {  	s16 =	simm.s32 $0x7200  }
0x206: {  	[tilespmem:s16], [sflag:$0x1] =	stream.indirect_vreg.gather [hbm4b:s26+s11], $0x80, v2, vm0, $0xb8;
	[tilespmem:$0x1E200] =	vst v63  }
0x207: {  	s18 =	simm.s32 $0x7A00  }
0x208: {  	[tilespmem:s18], [sflag:$0x1] =	stream.indirect_vreg.gather [hbm4b:s28+s11], $0x80, v2, vm0, $0xb8;
	[tilespmem:$0x1E200] =	vst v63  }
0x209: {  	s19 =	rddreg [dreg:$0xe];
	s13 =	simm.s32 $0x18200  }
0x20a: {  	[tilespmem:s13], [sflag:$0x4] =	stream.linear.gather [hbm4b:s19+s11], $0x2000, $0x38;
	[tilespmem:$0x1E200] =	vst v63  }
0x20b: {  	_ =	swait.ge [sflag:s2], $0x2000  }
0x20c: {  	[sflag:s2] =	ssyncset.done $0x0  }
0x20d: {  	[sflag:s2] =	ssyncadd.s32 $0xFFFFE000  }
0x20e: {  	_ =	swait.ge [sflag:s2], $0x2000  }
0x20f: {  	[sflag:s2] =	ssyncset.done $0x0  }
0x210: {  	[sflag:s2] =	ssyncadd.s32 $0xFFFFE000  }
0x211: {  	_ =	swait.ge [sflag:s2], $0x2000  }
0x212: {  	[sflag:s2] =	ssyncset.done $0x0  }
0x213: {  	[sflag:s2] =	ssyncadd.s32 $0xFFFFE000  }
0x214: {  	_ =	swait.ge [sflag:s2], $0x2000  }
0x215: {  	[sflag:s2] =	ssyncset.done $0x0  }
0x216: {  	[sflag:s2] =	ssyncadd.s32 $0xFFFFE000  }
0x217: {  	_ =	swait.ge [sflag:s4], $0x2000  }
0x218: {  	[sflag:s4] =	ssyncset.done $0x0  }
0x219: {  	s13 =	simm.s32 $0x0;
	[sflag:s4] =	ssyncadd.s32 $0xFFFFE000  }
.LBB2_10:
0x21a: {  	s10 =	sshra.s32 s11, $0x2  }
0x21b: {  	v2 =	vld [tilespmem:s10+$0x1C270]  }
0x21c: {  	v3 =	vld [tilespmem:s10+$0x16270]  }
0x21d: {  	v4 =	vld [tilespmem:s10+$0x1C200]  }
0x21e: {  	v5 =	vld [tilespmem:s10+$0x10200]  }
0x21f: {  	v6 =	vld [tilespmem:s10+$0x12200]  }
0x220: {  	v7 =	vld [tilespmem:s10+$0x14200]  }
0x221: {  	v8 =	vld [tilespmem:s10+$0x16200]  }
0x222: {  	v9 =	vld [tilespmem:s10+$0x1C210]  }
0x223: {  	v10 =	vld [tilespmem:s10+$0x10210]  }
0x224: {  	v11 =	vld [tilespmem:s10+$0x12210]  }
0x225: {  	v12 =	vld [tilespmem:s10+$0x14210]  }
0x226: {  	v13 =	vld [tilespmem:s10+$0x16210]  }
0x227: {  	v14 =	vld [tilespmem:s10+$0x1C220];
	v3 =	vadd.f32 v3, v2  }
0x228: {  	v15 =	vld [tilespmem:s10+$0x10220];
	v5 =	vadd.f32 v5, v4  }
0x229: {  	v63 =	vld [tilespmem:s10+$0x16230];
	[tilespmem:s10+$0x16270] =	vst v3;
	v3 =	vadd.f32 v6, v4  }
0x22a: {  	v6 =	vld [tilespmem:s10+$0x12220];
	[tilespmem:s10+$0x10200] =	vst v5;
	v5 =	vadd.f32 v7, v4  }
0x22b: {  	v7 =	vld [tilespmem:s10+$0x14220];
	[tilespmem:s10+$0x12200] =	vst v3;
	v3 =	vadd.f32 v8, v4  }
0x22c: {  	v4 =	vld [tilespmem:s10+$0x16220];
	[tilespmem:s10+$0x14200] =	vst v5;
	v5 =	vadd.f32 v10, v9  }
0x22d: {  	v8 =	vld [tilespmem:s10+$0x1C230];
	[tilespmem:s10+$0x16200] =	vst v3;
	v3 =	vadd.f32 v11, v9  }
0x22e: {  	v10 =	vld [tilespmem:s10+$0x10230];
	[tilespmem:s10+$0x10210] =	vst v5;
	v5 =	vadd.f32 v12, v9  }
0x22f: {  	v11 =	vld [tilespmem:s10+$0x12230];
	[tilespmem:s10+$0x12210] =	vst v3;
	v3 =	vadd.f32 v13, v9  }
0x230: {  	v9 =	vld [tilespmem:s10+$0x14230];
	[tilespmem:s10+$0x14210] =	vst v5;
	v5 =	vadd.f32 v15, v14  }
0x231: {  	[tilespmem:s10+$0x16210] =	vst v3;
	v3 =	vadd.f32 v6, v14;
	v6 =	vld [tilespmem:s10+$0x1C240]  }
0x232: {  	[tilespmem:s10+$0x10220] =	vst v5;
	v5 =	vadd.f32 v7, v14;
	v7 =	vld [tilespmem:s10+$0x10240]  }
0x233: {  	[tilespmem:s10+$0x12220] =	vst v3;
	v3 =	vadd.f32 v4, v14;
	v4 =	vld [tilespmem:s10+$0x12240]  }
0x234: {  	[tilespmem:s10+$0x14220] =	vst v5;
	v5 =	vadd.f32 v10, v8;
	v10 =	vld [tilespmem:s10+$0x14240]  }
0x235: {  	[tilespmem:s10+$0x16220] =	vst v3;
	v3 =	vadd.f32 v11, v8;
	v11 =	vld [tilespmem:s10+$0x16240]  }
0x236: {  	[tilespmem:s10+$0x10230] =	vst v5;
	v5 =	vadd.f32 v9, v8;
	v9 =	vld [tilespmem:s10+$0x1C250]  }
0x237: {  	[tilespmem:s10+$0x12230] =	vst v3;
	v3 =	vadd.f32 v63, v8;
	v8 =	vld [tilespmem:s10+$0x10250]  }
0x238: {  	[tilespmem:s10+$0x14230] =	vst v5;
	v5 =	vadd.f32 v7, v6;
	v7 =	vld [tilespmem:s10+$0x12250]  }
0x239: {  	[tilespmem:s10+$0x16230] =	vst v3;
	v3 =	vadd.f32 v4, v6;
	v4 =	vld [tilespmem:s10+$0x14250]  }
0x23a: {  	[tilespmem:s10+$0x10240] =	vst v5;
	v5 =	vadd.f32 v10, v6;
	v10 =	vld [tilespmem:s10+$0x16250]  }
0x23b: {  	v6 =	vadd.f32 v11, v6;
	v11 =	vld [tilespmem:s10+$0x10260];
	[tilespmem:s10+$0x12240] =	vst v3  }
0x23c: {  	v3 =	vld [tilespmem:s10+$0x1C260];
	[tilespmem:s10+$0x14240] =	vst v5;
	v5 =	vadd.f32 v8, v9  }
0x23d: {  	[tilespmem:s10+$0x16240] =	vst v6;
	v6 =	vadd.f32 v7, v9;
	v8 =	vld [tilespmem:s10+$0x12260]  }
0x23e: {  	[tilespmem:s10+$0x10250] =	vst v5;
	v4 =	vadd.f32 v4, v9;
	v5 =	vld [tilespmem:s10+$0x14260]  }
0x23f: {  	[tilespmem:s10+$0x12250] =	vst v6;
	v7 =	vadd.f32 v10, v9;
	v6 =	vld [tilespmem:s10+$0x16260]  }
0x240: {  	[tilespmem:s10+$0x14250] =	vst v4;
	v4 =	vld [tilespmem:s10+$0x10270]  }
0x241: {  	s16 =	simm.s32 $0x0;
	s18 =	sadd.s32 $0x1000, s11;
	[tilespmem:s10+$0x16250] =	vst v7;
	v9 =	vadd.f32 v11, v3;
	v7 =	vld [tilespmem:s10+$0x12270]  }
.LBB2_11:
0x242: {  	s19 =	sshra.s32 s18, $0x2;
	v8 =	vadd.f32 v8, v3;
	v10 =	vld [tilespmem:s10+$0x14270]  }
0x243: {  	s16 =	sadd.s32 $0x80, s16;
	v11 =	vld [tilespmem:s19+$0x1C270];
	[tilespmem:s10+$0x10260] =	vst v9;
	v5 =	vadd.f32 v5, v3  }
0x244: {  	p0 =	slt.u32 s16, $0x380;
	v9 =	vld [tilespmem:s19+$0x16270];
	[tilespmem:s10+$0x12260] =	vst v8;
	v3 =	vadd.f32 v6, v3  }
0x245: {  	v6 =	vld [tilespmem:s19+$0x1C200];
	[tilespmem:s10+$0x14260] =	vst v5;
	v4 =	vadd.f32 v4, v2  }
0x246: {  	v5 =	vld [tilespmem:s19+$0x10200];
	[tilespmem:s10+$0x16260] =	vst v3;
	v3 =	vadd.f32 v7, v2  }
0x247: {  	v7 =	vld [tilespmem:s19+$0x12200];
	[tilespmem:s10+$0x10270] =	vst v4;
	v4 =	vadd.f32 v10, v2  }
0x248: {  	v8 =	vld [tilespmem:s19+$0x14200];
	[tilespmem:s10+$0x12270] =	vst v3;
	v2 =	vmov v11  }
0x249: {  	v3 =	vld [tilespmem:s19+$0x16200];
	v9 =	vadd.f32 v9, v2;
	[tilespmem:s10+$0x14270] =	vst v4;
	s10 =	smov.u32 s19  }
0x24a: {  	v4 =	vld [tilespmem:s10+$0x1C210]  }
0x24b: {  	v5 =	vadd.f32 v5, v6;
	v10 =	vld [tilespmem:s10+$0x10210];
	[tilespmem:s10+$0x16270] =	vst v9  }
0x24c: {  	v7 =	vadd.f32 v7, v6;
	v9 =	vld [tilespmem:s10+$0x12210]  }
0x24d: {  	[tilespmem:s10+$0x10200] =	vst v5;
	v5 =	vadd.f32 v8, v6;
	v8 =	vld [tilespmem:s10+$0x14210]  }
0x24e: {  	[tilespmem:s10+$0x12200] =	vst v7;
	v3 =	vadd.f32 v3, v6;
	v6 =	vld [tilespmem:s10+$0x16210]  }
0x24f: {  	[tilespmem:s10+$0x14200] =	vst v5;
	v5 =	vld [tilespmem:s10+$0x1C220]  }
0x250: {  	[tilespmem:s10+$0x16200] =	vst v3;
	v3 =	vadd.f32 v10, v4;
	v7 =	vld [tilespmem:s10+$0x10220]  }
0x251: {  	v9 =	vadd.f32 v9, v4;
	v10 =	vld [tilespmem:s10+$0x12220]  }
0x252: {  	[tilespmem:s10+$0x10210] =	vst v3;
	v3 =	vadd.f32 v8, v4;
	v8 =	vld [tilespmem:s10+$0x14220]  }
0x253: {  	[tilespmem:s10+$0x12210] =	vst v9;
	v4 =	vadd.f32 v6, v4;
	v6 =	vld [tilespmem:s10+$0x16220]  }
0x254: {  	[tilespmem:s10+$0x14210] =	vst v3;
	v3 =	vld [tilespmem:s10+$0x1C230]  }
0x255: {  	[tilespmem:s10+$0x16210] =	vst v4;
	v4 =	vadd.f32 v7, v5;
	v7 =	vld [tilespmem:s10+$0x10230]  }
0x256: {  	v9 =	vadd.f32 v10, v5;
	v10 =	vld [tilespmem:s10+$0x12230]  }
0x257: {  	[tilespmem:s10+$0x10220] =	vst v4;
	v4 =	vadd.f32 v8, v5;
	v8 =	vld [tilespmem:s10+$0x14230]  }
0x258: {  	[tilespmem:s10+$0x12220] =	vst v9;
	v5 =	vadd.f32 v6, v5;
	v6 =	vld [tilespmem:s10+$0x16230]  }
0x259: {  	[tilespmem:s10+$0x14220] =	vst v4;
	v4 =	vld [tilespmem:s10+$0x1C240]  }
0x25a: {  	[tilespmem:s10+$0x16220] =	vst v5;
	v5 =	vadd.f32 v7, v3;
	v7 =	vld [tilespmem:s10+$0x10240]  }
0x25b: {  	v9 =	vadd.f32 v10, v3;
	v10 =	vld [tilespmem:s10+$0x12240]  }
0x25c: {  	[tilespmem:s10+$0x10230] =	vst v5;
	v5 =	vadd.f32 v8, v3;
	v8 =	vld [tilespmem:s10+$0x14240]  }
0x25d: {  	[tilespmem:s10+$0x12230] =	vst v9;
	v3 =	vadd.f32 v6, v3;
	v6 =	vld [tilespmem:s10+$0x16240]  }
0x25e: {  	[tilespmem:s10+$0x14230] =	vst v5;
	v9 =	vld [tilespmem:s10+$0x1C250]  }
0x25f: {  	[tilespmem:s10+$0x16230] =	vst v3;
	v3 =	vadd.f32 v7, v4;
	v5 =	vld [tilespmem:s10+$0x10250]  }
0x260: {  	v7 =	vadd.f32 v10, v4;
	v10 =	vld [tilespmem:s10+$0x12250]  }
0x261: {  	[tilespmem:s10+$0x10240] =	vst v3;
	v3 =	vadd.f32 v8, v4;
	v11 =	vld [tilespmem:s10+$0x14250]  }
0x262: {  	[tilespmem:s10+$0x12240] =	vst v7;
	v4 =	vadd.f32 v6, v4;
	v6 =	vld [tilespmem:s10+$0x16250]  }
0x263: {  	[tilespmem:s10+$0x14240] =	vst v3;
	v3 =	vld [tilespmem:s10+$0x1C260]  }
0x264: {  	[tilespmem:s10+$0x16240] =	vst v4;
	v4 =	vadd.f32 v5, v9;
	v7 =	vld [tilespmem:s10+$0x10260]  }
.Ltmp4:
0x265: {  	v10 =	vadd.f32 v10, v9;
	v8 =	vld [tilespmem:s10+$0x12260];
	(pc) =	sbr.rel @p0 .LBB2_11-.Ltmp4, $4  }
0x266: {  	[tilespmem:s10+$0x10250] =	vst v4;
	v4 =	vadd.f32 v11, v9;
	v5 =	vld [tilespmem:s10+$0x14260]  }
0x267: {  	[tilespmem:s10+$0x12250] =	vst v10;
	v9 =	vadd.f32 v6, v9;
	v6 =	vld [tilespmem:s10+$0x16260]  }
0x268: {  	[tilespmem:s10+$0x14250] =	vst v4;
	v4 =	vld [tilespmem:s10+$0x10270]  }
0x269: {  	s18 =	sadd.s32 $0x1000, s18;
	[tilespmem:s10+$0x16250] =	vst v9;
	v9 =	vadd.f32 v7, v3;
	v7 =	vld [tilespmem:s10+$0x12270]  }
0x26a: {  	v8 =	vadd.f32 v8, v3;
	v10 =	vld [tilespmem:s10+$0x14270]  }
0x26b: {  	s13 =	sadd.s32 $0x1, s13;
	[tilespmem:s10+$0x10260] =	vst v9;
	v5 =	vadd.f32 v5, v3  }
0x26c: {  	p0 =	sne.s32 s13, $0x8;
	[tilespmem:s10+$0x12260] =	vst v8;
	v3 =	vadd.f32 v6, v3  }
.Ltmp5:
0x26d: {  	[tilespmem:s10+$0x14260] =	vst v5;
	v4 =	vadd.f32 v4, v2;
	(pc) =	sbr.rel @p0 .LBB2_10-.Ltmp5, $4  }
0x26e: {  	[tilespmem:s10+$0x16260] =	vst v3;
	v3 =	vadd.f32 v7, v2  }
0x26f: {  	[tilespmem:s10+$0x10270] =	vst v4;
	v2 =	vadd.f32 v10, v2  }
0x270: {  	[tilespmem:s10+$0x12270] =	vst v3  }
0x271: {  	s11 =	sadd.s32 $0x200, s11;
	[tilespmem:s10+$0x14270] =	vst v2  }
0x272: {  	s11 =	simm.s32 $0x0;
	s10 =	rddreg [dreg:$0xf];
	s13 =	simm.s32 $0x10200  }
0x273: {  	[hbm4b:s10+s11] =	stream.linear.scatter [tilespmem:s13], [sflag:$0x9], $0x2000, $0x38;
	[tilespmem:$0x1E200] =	vst v63  }
0x274: {  	s13 =	sld [smem:$0x7EC];
	_ =	sdelay $0x1  }
0x275: {  	s16 =	simm.s32 $0x12200;
	s18 =	sld [smem:$0x7ED]  }
0x276: {  	[hbm4b:s13+s11] =	stream.linear.scatter [tilespmem:s16], [sflag:$0x9], $0x2000, $0x38;
	[tilespmem:$0x1E200] =	vst v63  }
0x277: {  	s19 =	simm.s32 $0x14200;
	s16 =	sld [smem:$0x7EE]  }
0x278: {  	[hbm4b:s18+s11] =	stream.linear.scatter [tilespmem:s19], [sflag:$0x9], $0x2000, $0x38;
	[tilespmem:$0x1E200] =	vst v63  }
0x279: {  	_ = 	snop  }
0x27a: {  	[hbm4b:s16+s11] =	stream.linear.scatter [tilespmem:s20], [sflag:$0x9], $0x2000, $0x38;
	[tilespmem:$0x1E200] =	vst v63  }
0x27b: {  	_ =	swait.ge [sflag:s5], $0x2000  }
0x27c: {  	[sflag:s5] =	ssyncset.done $0x0  }
0x27d: {  	[sflag:s5] =	ssyncadd.s32 $0xFFFFE000  }
0x27e: {  	_ =	swait.ge [sflag:s5], $0x2000  }
0x27f: {  	[sflag:s5] =	ssyncset.done $0x0  }
0x280: {  	[sflag:s5] =	ssyncadd.s32 $0xFFFFE000  }
0x281: {  	_ =	swait.ge [sflag:s5], $0x2000  }
0x282: {  	[sflag:s5] =	ssyncset.done $0x0  }
0x283: {  	[sflag:s5] =	ssyncadd.s32 $0xFFFFE000  }
0x284: {  	_ =	swait.ge [sflag:s5], $0x2000  }
0x285: {  	[sflag:s5] =	ssyncset.done $0x0  }
0x286: {  	[sflag:s5] =	ssyncadd.s32 $0xFFFFE000  }
0x287: {  	v2 =	vld.msk [tilespmem:$0x20], $0xff;
	_ =	sdelay $0x4  }
0x288: {  	v3 =	vshll.u32 v2, $0x3  }
0x289: {  	v2 =	vand.u32 $0x7, v2;
	v3 =	vand.u32 $0xFFFFFFC0, v3  }
0x28a: {  	v2 =	vor.u32 v2, v3  }
0x28b: {  	v2 =	vperm.xlane v2, v0;
	_ =	sdelay $0x1  }
0x28c: {  	v2 =	vadd.s32 v1, v2;
	_ =	sdelay $0x4  }
0x28d: {  	[tilespmem:s17], [sflag:$0x2] =	stream.indirect_vreg.gather [hbm4b:s1+s11], $0x80, v2, vm0, $0xb8;
	[tilespmem:$0x1E200] =	vst v63  }
0x28e: {  	s18 =	simm.s32 $0x8A00  }
0x28f: {  	[tilespmem:s18], [sflag:$0x2] =	stream.indirect_vreg.gather [hbm4b:s24+s11], $0x80, v2, vm0, $0xb8;
	[tilespmem:$0x1E200] =	vst v63  }
0x290: {  	s19 =	simm.s32 $0x9200  }
0x291: {  	[tilespmem:s19], [sflag:$0x2] =	stream.indirect_vreg.gather [hbm4b:s26+s11], $0x80, v2, vm0, $0xb8;
	[tilespmem:$0x1E200] =	vst v63  }
0x292: {  	s13 =	simm.s32 $0x9A00  }
0x293: {  	[tilespmem:s13], [sflag:$0x2] =	stream.indirect_vreg.gather [hbm4b:s28+s11], $0x80, v2, vm0, $0xb8;
	[tilespmem:$0x1E200] =	vst v63  }
0x294: {  	v2 =	vld.msk [tilespmem:$0xA0], $0xff;
	_ =	sdelay $0x4  }
0x295: {  	v3 =	vshll.u32 v2, $0x3  }
0x296: {  	v2 =	vand.u32 $0x7, v2;
	v3 =	vand.u32 $0xFFFFFFC0, v3  }
0x297: {  	v2 =	vor.u32 v2, v3  }
0x298: {  	v2 =	vperm.xlane v2, v0;
	_ =	sdelay $0x1  }
0x299: {  	v2 =	vadd.s32 v1, v2;
	_ =	sdelay $0x4  }
0x29a: {  	[tilespmem:s21], [sflag:$0x2] =	stream.indirect_vreg.gather [hbm4b:s1+s11], $0x80, v2, vm0, $0xb8;
	[tilespmem:$0x1E200] =	vst v63  }
0x29b: {  	s16 =	simm.s32 $0xAA00  }
0x29c: {  	[tilespmem:s16], [sflag:$0x2] =	stream.indirect_vreg.gather [hbm4b:s24+s11], $0x80, v2, vm0, $0xb8;
	[tilespmem:$0x1E200] =	vst v63  }
0x29d: {  	s18 =	simm.s32 $0xB200  }
0x29e: {  	[tilespmem:s18], [sflag:$0x2] =	stream.indirect_vreg.gather [hbm4b:s26+s11], $0x80, v2, vm0, $0xb8;
	[tilespmem:$0x1E200] =	vst v63  }
0x29f: {  	s19 =	simm.s32 $0xBA00  }
0x2a0: {  	[tilespmem:s19], [sflag:$0x2] =	stream.indirect_vreg.gather [hbm4b:s28+s11], $0x80, v2, vm0, $0xb8;
	[tilespmem:$0x1E200] =	vst v63  }
0x2a1: {  	v2 =	vld.msk [tilespmem:$0x120], $0xff;
	_ =	sdelay $0x4  }
0x2a2: {  	v3 =	vshll.u32 v2, $0x3  }
0x2a3: {  	v2 =	vand.u32 $0x7, v2;
	v3 =	vand.u32 $0xFFFFFFC0, v3  }
0x2a4: {  	v2 =	vor.u32 v2, v3  }
0x2a5: {  	v2 =	vperm.xlane v2, v0;
	_ =	sdelay $0x1  }
0x2a6: {  	v2 =	vadd.s32 v1, v2;
	_ =	sdelay $0x4  }
0x2a7: {  	[tilespmem:s31], [sflag:$0x2] =	stream.indirect_vreg.gather [hbm4b:s1+s11], $0x80, v2, vm0, $0xb8;
	[tilespmem:$0x1E200] =	vst v63  }
0x2a8: {  	s13 =	simm.s32 $0xCA00  }
0x2a9: {  	[tilespmem:s13], [sflag:$0x2] =	stream.indirect_vreg.gather [hbm4b:s24+s11], $0x80, v2, vm0, $0xb8;
	[tilespmem:$0x1E200] =	vst v63  }
0x2aa: {  	s16 =	simm.s32 $0xD200  }
0x2ab: {  	[tilespmem:s16], [sflag:$0x2] =	stream.indirect_vreg.gather [hbm4b:s26+s11], $0x80, v2, vm0, $0xb8;
	[tilespmem:$0x1E200] =	vst v63  }
0x2ac: {  	s18 =	simm.s32 $0xDA00  }
0x2ad: {  	[tilespmem:s18], [sflag:$0x2] =	stream.indirect_vreg.gather [hbm4b:s28+s11], $0x80, v2, vm0, $0xb8;
	[tilespmem:$0x1E200] =	vst v63  }
0x2ae: {  	v2 =	vld.msk [tilespmem:$0x1A0], $0xff;
	_ =	sdelay $0x4  }
0x2af: {  	v3 =	vshll.u32 v2, $0x3  }
0x2b0: {  	v2 =	vand.u32 $0x7, v2;
	v3 =	vand.u32 $0xFFFFFFC0, v3  }
0x2b1: {  	v2 =	vor.u32 v2, v3  }
0x2b2: {  	v2 =	vperm.xlane v2, v0;
	_ =	sdelay $0x1  }
0x2b3: {  	v2 =	vadd.s32 v1, v2;
	_ =	sdelay $0x4  }
0x2b4: {  	[tilespmem:s6], [sflag:$0x2] =	stream.indirect_vreg.gather [hbm4b:s1+s11], $0x80, v2, vm0, $0xb8;
	[tilespmem:$0x1E200] =	vst v63  }
0x2b5: {  	s19 =	simm.s32 $0xEA00  }
0x2b6: {  	[tilespmem:s19], [sflag:$0x2] =	stream.indirect_vreg.gather [hbm4b:s24+s11], $0x80, v2, vm0, $0xb8;
	[tilespmem:$0x1E200] =	vst v63  }
0x2b7: {  	s13 =	simm.s32 $0xF200  }
0x2b8: {  	[tilespmem:s13], [sflag:$0x2] =	stream.indirect_vreg.gather [hbm4b:s26+s11], $0x80, v2, vm0, $0xb8;
	[tilespmem:$0x1E200] =	vst v63  }
0x2b9: {  	s16 =	simm.s32 $0xFA00  }
0x2ba: {  	[tilespmem:s16], [sflag:$0x2] =	stream.indirect_vreg.gather [hbm4b:s28+s11], $0x80, v2, vm0, $0xb8;
	[tilespmem:$0x1E200] =	vst v63  }
0x2bb: {  	s18 =	rddreg [dreg:$0x10];
	s19 =	simm.s32 $0x1A200  }
0x2bc: {  	[tilespmem:s19], [sflag:$0x5] =	stream.linear.gather [hbm4b:s18+s11], $0x2000, $0x38;
	[tilespmem:$0x1E200] =	vst v63  }
0x2bd: {  	_ =	swait.ge [sflag:s14], $0x2000  }
0x2be: {  	[sflag:s14] =	ssyncset.done $0x0  }
0x2bf: {  	[sflag:s14] =	ssyncadd.s32 $0xFFFFE000  }
0x2c0: {  	_ =	swait.ge [sflag:s14], $0x2000  }
0x2c1: {  	[sflag:s14] =	ssyncset.done $0x0  }
0x2c2: {  	[sflag:s14] =	ssyncadd.s32 $0xFFFFE000  }
0x2c3: {  	_ =	swait.ge [sflag:s14], $0x2000  }
0x2c4: {  	[sflag:s14] =	ssyncset.done $0x0  }
0x2c5: {  	[sflag:s14] =	ssyncadd.s32 $0xFFFFE000  }
0x2c6: {  	_ =	swait.ge [sflag:s14], $0x2000  }
0x2c7: {  	[sflag:s14] =	ssyncset.done $0x0  }
0x2c8: {  	[sflag:s14] =	ssyncadd.s32 $0xFFFFE000  }
0x2c9: {  	_ =	swait.ge [sflag:s15], $0x2000  }
0x2ca: {  	[sflag:s15] =	ssyncset.done $0x0  }
0x2cb: {  	s13 =	simm.s32 $0x0;
	[sflag:s15] =	ssyncadd.s32 $0xFFFFE000  }
.LBB2_14:
0x2cc: {  	s10 =	sshra.s32 s11, $0x2  }
0x2cd: {  	v2 =	vld [tilespmem:s10+$0x18270]  }
0x2ce: {  	v3 =	vld [tilespmem:s10+$0x6270]  }
0x2cf: {  	v4 =	vld [tilespmem:s10+$0x18200]  }
0x2d0: {  	v5 =	vld [tilespmem:s10+$0x200]  }
0x2d1: {  	v6 =	vld [tilespmem:s10+$0x2200]  }
0x2d2: {  	v7 =	vld [tilespmem:s10+$0x4200]  }
0x2d3: {  	v8 =	vld [tilespmem:s10+$0x6200]  }
0x2d4: {  	v9 =	vld [tilespmem:s10+$0x18210]  }
0x2d5: {  	v10 =	vld [tilespmem:s10+$0x210]  }
0x2d6: {  	v11 =	vld [tilespmem:s10+$0x2210]  }
0x2d7: {  	v12 =	vld [tilespmem:s10+$0x4210]  }
0x2d8: {  	v13 =	vld [tilespmem:s10+$0x6210]  }
0x2d9: {  	v14 =	vld [tilespmem:s10+$0x18220];
	v3 =	vadd.f32 v3, v2  }
0x2da: {  	v15 =	vld [tilespmem:s10+$0x220];
	v5 =	vadd.f32 v5, v4  }
0x2db: {  	v63 =	vld [tilespmem:s10+$0x6230];
	[tilespmem:s10+$0x6270] =	vst v3;
	v3 =	vadd.f32 v6, v4  }
0x2dc: {  	v6 =	vld [tilespmem:s10+$0x2220];
	[tilespmem:s10+$0x200] =	vst v5;
	v5 =	vadd.f32 v7, v4  }
0x2dd: {  	v7 =	vld [tilespmem:s10+$0x4220];
	[tilespmem:s10+$0x2200] =	vst v3;
	v3 =	vadd.f32 v8, v4  }
0x2de: {  	v4 =	vld [tilespmem:s10+$0x6220];
	[tilespmem:s10+$0x4200] =	vst v5;
	v5 =	vadd.f32 v10, v9  }
0x2df: {  	v8 =	vld [tilespmem:s10+$0x18230];
	[tilespmem:s10+$0x6200] =	vst v3;
	v3 =	vadd.f32 v11, v9  }
0x2e0: {  	v10 =	vld [tilespmem:s10+$0x230];
	[tilespmem:s10+$0x210] =	vst v5;
	v5 =	vadd.f32 v12, v9  }
0x2e1: {  	v11 =	vld [tilespmem:s10+$0x2230];
	[tilespmem:s10+$0x2210] =	vst v3;
	v3 =	vadd.f32 v13, v9  }
0x2e2: {  	v9 =	vld [tilespmem:s10+$0x4230];
	[tilespmem:s10+$0x4210] =	vst v5;
	v5 =	vadd.f32 v15, v14  }
0x2e3: {  	[tilespmem:s10+$0x6210] =	vst v3;
	v3 =	vadd.f32 v6, v14;
	v6 =	vld [tilespmem:s10+$0x18240]  }
0x2e4: {  	[tilespmem:s10+$0x220] =	vst v5;
	v5 =	vadd.f32 v7, v14;
	v7 =	vld [tilespmem:s10+$0x240]  }
0x2e5: {  	[tilespmem:s10+$0x2220] =	vst v3;
	v3 =	vadd.f32 v4, v14;
	v4 =	vld [tilespmem:s10+$0x2240]  }
0x2e6: {  	[tilespmem:s10+$0x4220] =	vst v5;
	v5 =	vadd.f32 v10, v8;
	v10 =	vld [tilespmem:s10+$0x4240]  }
0x2e7: {  	[tilespmem:s10+$0x6220] =	vst v3;
	v3 =	vadd.f32 v11, v8;
	v11 =	vld [tilespmem:s10+$0x6240]  }
0x2e8: {  	[tilespmem:s10+$0x230] =	vst v5;
	v5 =	vadd.f32 v9, v8;
	v9 =	vld [tilespmem:s10+$0x18250]  }
0x2e9: {  	[tilespmem:s10+$0x2230] =	vst v3;
	v3 =	vadd.f32 v63, v8;
	v8 =	vld [tilespmem:s10+$0x250]  }
0x2ea: {  	[tilespmem:s10+$0x4230] =	vst v5;
	v5 =	vadd.f32 v7, v6;
	v7 =	vld [tilespmem:s10+$0x2250]  }
0x2eb: {  	[tilespmem:s10+$0x6230] =	vst v3;
	v3 =	vadd.f32 v4, v6;
	v4 =	vld [tilespmem:s10+$0x4250]  }
0x2ec: {  	[tilespmem:s10+$0x240] =	vst v5;
	v5 =	vadd.f32 v10, v6;
	v10 =	vld [tilespmem:s10+$0x6250]  }
0x2ed: {  	v6 =	vadd.f32 v11, v6;
	v11 =	vld [tilespmem:s10+$0x260];
	[tilespmem:s10+$0x2240] =	vst v3  }
0x2ee: {  	v3 =	vld [tilespmem:s10+$0x18260];
	[tilespmem:s10+$0x4240] =	vst v5;
	v5 =	vadd.f32 v8, v9  }
0x2ef: {  	[tilespmem:s10+$0x6240] =	vst v6;
	v6 =	vadd.f32 v7, v9;
	v8 =	vld [tilespmem:s10+$0x2260]  }
0x2f0: {  	[tilespmem:s10+$0x250] =	vst v5;
	v4 =	vadd.f32 v4, v9;
	v5 =	vld [tilespmem:s10+$0x4260]  }
0x2f1: {  	[tilespmem:s10+$0x2250] =	vst v6;
	v7 =	vadd.f32 v10, v9;
	v6 =	vld [tilespmem:s10+$0x6260]  }
0x2f2: {  	[tilespmem:s10+$0x4250] =	vst v4;
	v4 =	vld [tilespmem:s10+$0x270]  }
0x2f3: {  	s16 =	simm.s32 $0x0;
	s18 =	sadd.s32 $0x1000, s11;
	[tilespmem:s10+$0x6250] =	vst v7;
	v9 =	vadd.f32 v11, v3;
	v7 =	vld [tilespmem:s10+$0x2270]  }
.LBB2_15:
0x2f4: {  	s19 =	sshra.s32 s18, $0x2;
	v8 =	vadd.f32 v8, v3;
	v10 =	vld [tilespmem:s10+$0x4270]  }
0x2f5: {  	s16 =	sadd.s32 $0x80, s16;
	v11 =	vld [tilespmem:s19+$0x18270];
	[tilespmem:s10+$0x260] =	vst v9;
	v5 =	vadd.f32 v5, v3  }
0x2f6: {  	p0 =	slt.u32 s16, $0x380;
	v9 =	vld [tilespmem:s19+$0x6270];
	[tilespmem:s10+$0x2260] =	vst v8;
	v3 =	vadd.f32 v6, v3  }
0x2f7: {  	v6 =	vld [tilespmem:s19+$0x18200];
	[tilespmem:s10+$0x4260] =	vst v5;
	v4 =	vadd.f32 v4, v2  }
0x2f8: {  	v5 =	vld [tilespmem:s19+$0x200];
	[tilespmem:s10+$0x6260] =	vst v3;
	v3 =	vadd.f32 v7, v2  }
0x2f9: {  	v7 =	vld [tilespmem:s19+$0x2200];
	[tilespmem:s10+$0x270] =	vst v4;
	v4 =	vadd.f32 v10, v2  }
0x2fa: {  	v8 =	vld [tilespmem:s19+$0x4200];
	[tilespmem:s10+$0x2270] =	vst v3;
	v2 =	vmov v11  }
0x2fb: {  	v3 =	vld [tilespmem:s19+$0x6200];
	v9 =	vadd.f32 v9, v2;
	[tilespmem:s10+$0x4270] =	vst v4;
	s10 =	smov.u32 s19  }
0x2fc: {  	v4 =	vld [tilespmem:s10+$0x18210]  }
0x2fd: {  	v5 =	vadd.f32 v5, v6;
	v10 =	vld [tilespmem:s10+$0x210];
	[tilespmem:s10+$0x6270] =	vst v9  }
0x2fe: {  	v7 =	vadd.f32 v7, v6;
	v9 =	vld [tilespmem:s10+$0x2210]  }
0x2ff: {  	[tilespmem:s10+$0x200] =	vst v5;
	v5 =	vadd.f32 v8, v6;
	v8 =	vld [tilespmem:s10+$0x4210]  }
0x300: {  	[tilespmem:s10+$0x2200] =	vst v7;
	v3 =	vadd.f32 v3, v6;
	v6 =	vld [tilespmem:s10+$0x6210]  }
0x301: {  	[tilespmem:s10+$0x4200] =	vst v5;
	v5 =	vld [tilespmem:s10+$0x18220]  }
0x302: {  	[tilespmem:s10+$0x6200] =	vst v3;
	v3 =	vadd.f32 v10, v4;
	v7 =	vld [tilespmem:s10+$0x220]  }
0x303: {  	v9 =	vadd.f32 v9, v4;
	v10 =	vld [tilespmem:s10+$0x2220]  }
0x304: {  	[tilespmem:s10+$0x210] =	vst v3;
	v3 =	vadd.f32 v8, v4;
	v8 =	vld [tilespmem:s10+$0x4220]  }
0x305: {  	[tilespmem:s10+$0x2210] =	vst v9;
	v4 =	vadd.f32 v6, v4;
	v6 =	vld [tilespmem:s10+$0x6220]  }
0x306: {  	[tilespmem:s10+$0x4210] =	vst v3;
	v3 =	vld [tilespmem:s10+$0x18230]  }
0x307: {  	[tilespmem:s10+$0x6210] =	vst v4;
	v4 =	vadd.f32 v7, v5;
	v7 =	vld [tilespmem:s10+$0x230]  }
0x308: {  	v9 =	vadd.f32 v10, v5;
	v10 =	vld [tilespmem:s10+$0x2230]  }
0x309: {  	[tilespmem:s10+$0x220] =	vst v4;
	v4 =	vadd.f32 v8, v5;
	v8 =	vld [tilespmem:s10+$0x4230]  }
0x30a: {  	[tilespmem:s10+$0x2220] =	vst v9;
	v5 =	vadd.f32 v6, v5;
	v6 =	vld [tilespmem:s10+$0x6230]  }
0x30b: {  	[tilespmem:s10+$0x4220] =	vst v4;
	v4 =	vld [tilespmem:s10+$0x18240]  }
0x30c: {  	[tilespmem:s10+$0x6220] =	vst v5;
	v5 =	vadd.f32 v7, v3;
	v7 =	vld [tilespmem:s10+$0x240]  }
0x30d: {  	v9 =	vadd.f32 v10, v3;
	v10 =	vld [tilespmem:s10+$0x2240]  }
0x30e: {  	[tilespmem:s10+$0x230] =	vst v5;
	v5 =	vadd.f32 v8, v3;
	v8 =	vld [tilespmem:s10+$0x4240]  }
0x30f: {  	[tilespmem:s10+$0x2230] =	vst v9;
	v3 =	vadd.f32 v6, v3;
	v6 =	vld [tilespmem:s10+$0x6240]  }
0x310: {  	[tilespmem:s10+$0x4230] =	vst v5;
	v9 =	vld [tilespmem:s10+$0x18250]  }
0x311: {  	[tilespmem:s10+$0x6230] =	vst v3;
	v3 =	vadd.f32 v7, v4;
	v5 =	vld [tilespmem:s10+$0x250]  }
0x312: {  	v7 =	vadd.f32 v10, v4;
	v10 =	vld [tilespmem:s10+$0x2250]  }
0x313: {  	[tilespmem:s10+$0x240] =	vst v3;
	v3 =	vadd.f32 v8, v4;
	v11 =	vld [tilespmem:s10+$0x4250]  }
0x314: {  	[tilespmem:s10+$0x2240] =	vst v7;
	v4 =	vadd.f32 v6, v4;
	v6 =	vld [tilespmem:s10+$0x6250]  }
0x315: {  	[tilespmem:s10+$0x4240] =	vst v3;
	v3 =	vld [tilespmem:s10+$0x18260]  }
0x316: {  	[tilespmem:s10+$0x6240] =	vst v4;
	v4 =	vadd.f32 v5, v9;
	v7 =	vld [tilespmem:s10+$0x260]  }
.Ltmp6:
0x317: {  	v10 =	vadd.f32 v10, v9;
	v8 =	vld [tilespmem:s10+$0x2260];
	(pc) =	sbr.rel @p0 .LBB2_15-.Ltmp6, $4  }
0x318: {  	[tilespmem:s10+$0x250] =	vst v4;
	v4 =	vadd.f32 v11, v9;
	v5 =	vld [tilespmem:s10+$0x4260]  }
0x319: {  	[tilespmem:s10+$0x2250] =	vst v10;
	v9 =	vadd.f32 v6, v9;
	v6 =	vld [tilespmem:s10+$0x6260]  }
0x31a: {  	[tilespmem:s10+$0x4250] =	vst v4;
	v4 =	vld [tilespmem:s10+$0x270]  }
0x31b: {  	s18 =	sadd.s32 $0x1000, s18;
	[tilespmem:s10+$0x6250] =	vst v9;
	v9 =	vadd.f32 v7, v3;
	v7 =	vld [tilespmem:s10+$0x2270]  }
0x31c: {  	v8 =	vadd.f32 v8, v3;
	v10 =	vld [tilespmem:s10+$0x4270]  }
0x31d: {  	s13 =	sadd.s32 $0x1, s13;
	[tilespmem:s10+$0x260] =	vst v9;
	v5 =	vadd.f32 v5, v3  }
0x31e: {  	p0 =	sne.s32 s13, $0x8;
	[tilespmem:s10+$0x2260] =	vst v8;
	v3 =	vadd.f32 v6, v3  }
.Ltmp7:
0x31f: {  	[tilespmem:s10+$0x4260] =	vst v5;
	v4 =	vadd.f32 v4, v2;
	(pc) =	sbr.rel @p0 .LBB2_14-.Ltmp7, $4  }
0x320: {  	[tilespmem:s10+$0x6260] =	vst v3;
	v3 =	vadd.f32 v7, v2  }
0x321: {  	[tilespmem:s10+$0x270] =	vst v4;
	v2 =	vadd.f32 v10, v2  }
0x322: {  	[tilespmem:s10+$0x2270] =	vst v3  }
0x323: {  	s11 =	sadd.s32 $0x200, s11;
	[tilespmem:s10+$0x4270] =	vst v2  }
0x324: {  	s10 =	rddreg [dreg:$0x11]  }
0x325: {  	s11 =	simm.s32 $0x0;
	s16 =	sld [smem:$0x7EF]  }
0x326: {  	[hbm4b:s10+s11] =	stream.linear.scatter [tilespmem:s29], [sflag:$0x7], $0x2000, $0x38;
	[tilespmem:$0x1E200] =	vst v63  }
0x327: {  	s18 =	sld [smem:$0x7F0]  }
0x328: {  	[hbm4b:s16+s11] =	stream.linear.scatter [tilespmem:s0], [sflag:$0x7], $0x2000, $0x38;
	[tilespmem:$0x1E200] =	vst v63  }
0x329: {  	s19 =	sld [smem:$0x7F1]  }
0x32a: {  	[hbm4b:s18+s11] =	stream.linear.scatter [tilespmem:s7], [sflag:$0x7], $0x2000, $0x38;
	[tilespmem:$0x1E200] =	vst v63  }
0x32b: {  	_ = 	snop  }
0x32c: {  	[hbm4b:s19+s11] =	stream.linear.scatter [tilespmem:s12], [sflag:$0x7], $0x2000, $0x38;
	[tilespmem:$0x1E200] =	vst v63  }
0x32d: {  	_ =	swait.ge [sflag:s8], $0x2000  }
0x32e: {  	[sflag:s8] =	ssyncset.done $0x0  }
0x32f: {  	[sflag:s8] =	ssyncadd.s32 $0xFFFFE000  }
0x330: {  	_ =	swait.ge [sflag:s8], $0x2000  }
0x331: {  	[sflag:s8] =	ssyncset.done $0x0  }
0x332: {  	[sflag:s8] =	ssyncadd.s32 $0xFFFFE000  }
0x333: {  	_ =	swait.ge [sflag:s8], $0x2000  }
0x334: {  	[sflag:s8] =	ssyncset.done $0x0  }
0x335: {  	[sflag:s8] =	ssyncadd.s32 $0xFFFFE000  }
0x336: {  	_ =	swait.ge [sflag:s8], $0x2000  }
0x337: {  	[sflag:s8] =	ssyncset.done $0x0  }
0x338: {  	[sflag:s8] =	ssyncadd.s32 $0xFFFFE000  }
0x339: {  	v2 =	vld.msk [tilespmem:$0x28], $0xff;
	_ =	sdelay $0x4  }
0x33a: {  	v3 =	vshll.u32 v2, $0x3  }
0x33b: {  	v2 =	vand.u32 $0x7, v2;
	v3 =	vand.u32 $0xFFFFFFC0, v3  }
0x33c: {  	v2 =	vor.u32 v2, v3  }
0x33d: {  	v2 =	vperm.xlane v2, v0;
	_ =	sdelay $0x1  }
0x33e: {  	v2 =	vadd.s32 v1, v2;
	_ =	sdelay $0x3  }
0x33f: {  	s13 =	simm.s32 $0x10200  }
0x340: {  	[tilespmem:s13], [sflag:$0x3] =	stream.indirect_vreg.gather [hbm4b:s1+s11], $0x80, v2, vm0, $0xb8;
	[tilespmem:$0x1E200] =	vst v63  }
0x341: {  	s16 =	simm.s32 $0x10A00  }
0x342: {  	[tilespmem:s16], [sflag:$0x3] =	stream.indirect_vreg.gather [hbm4b:s24+s11], $0x80, v2, vm0, $0xb8;
	[tilespmem:$0x1E200] =	vst v63  }
0x343: {  	s18 =	simm.s32 $0x11200  }
0x344: {  	[tilespmem:s18], [sflag:$0x3] =	stream.indirect_vreg.gather [hbm4b:s26+s11], $0x80, v2, vm0, $0xb8;
	[tilespmem:$0x1E200] =	vst v63  }
0x345: {  	s19 =	simm.s32 $0x11A00  }
0x346: {  	[tilespmem:s19], [sflag:$0x3] =	stream.indirect_vreg.gather [hbm4b:s28+s11], $0x80, v2, vm0, $0xb8;
	[tilespmem:$0x1E200] =	vst v63  }
0x347: {  	v2 =	vld.msk [tilespmem:$0xA8], $0xff;
	_ =	sdelay $0x4  }
0x348: {  	v3 =	vshll.u32 v2, $0x3  }
0x349: {  	v2 =	vand.u32 $0x7, v2;
	v3 =	vand.u32 $0xFFFFFFC0, v3  }
0x34a: {  	v2 =	vor.u32 v2, v3  }
0x34b: {  	v2 =	vperm.xlane v2, v0;
	_ =	sdelay $0x1  }
0x34c: {  	v2 =	vadd.s32 v1, v2;
	_ =	sdelay $0x3  }
0x34d: {  	s13 =	simm.s32 $0x12200  }
0x34e: {  	[tilespmem:s13], [sflag:$0x3] =	stream.indirect_vreg.gather [hbm4b:s1+s11], $0x80, v2, vm0, $0xb8;
	[tilespmem:$0x1E200] =	vst v63  }
0x34f: {  	s16 =	simm.s32 $0x12A00  }
0x350: {  	[tilespmem:s16], [sflag:$0x3] =	stream.indirect_vreg.gather [hbm4b:s24+s11], $0x80, v2, vm0, $0xb8;
	[tilespmem:$0x1E200] =	vst v63  }
0x351: {  	s18 =	simm.s32 $0x13200  }
0x352: {  	[tilespmem:s18], [sflag:$0x3] =	stream.indirect_vreg.gather [hbm4b:s26+s11], $0x80, v2, vm0, $0xb8;
	[tilespmem:$0x1E200] =	vst v63  }
0x353: {  	s19 =	simm.s32 $0x13A00  }
0x354: {  	[tilespmem:s19], [sflag:$0x3] =	stream.indirect_vreg.gather [hbm4b:s28+s11], $0x80, v2, vm0, $0xb8;
	[tilespmem:$0x1E200] =	vst v63  }
0x355: {  	v2 =	vld.msk [tilespmem:$0x128], $0xff;
	_ =	sdelay $0x4  }
0x356: {  	v3 =	vshll.u32 v2, $0x3  }
0x357: {  	v2 =	vand.u32 $0x7, v2;
	v3 =	vand.u32 $0xFFFFFFC0, v3  }
0x358: {  	v2 =	vor.u32 v2, v3  }
0x359: {  	v2 =	vperm.xlane v2, v0;
	_ =	sdelay $0x1  }
0x35a: {  	v2 =	vadd.s32 v1, v2;
	_ =	sdelay $0x3  }
0x35b: {  	s13 =	simm.s32 $0x14200  }
0x35c: {  	[tilespmem:s13], [sflag:$0x3] =	stream.indirect_vreg.gather [hbm4b:s1+s11], $0x80, v2, vm0, $0xb8;
	[tilespmem:$0x1E200] =	vst v63  }
0x35d: {  	s16 =	simm.s32 $0x14A00  }
0x35e: {  	[tilespmem:s16], [sflag:$0x3] =	stream.indirect_vreg.gather [hbm4b:s24+s11], $0x80, v2, vm0, $0xb8;
	[tilespmem:$0x1E200] =	vst v63  }
0x35f: {  	s18 =	simm.s32 $0x15200  }
0x360: {  	[tilespmem:s18], [sflag:$0x3] =	stream.indirect_vreg.gather [hbm4b:s26+s11], $0x80, v2, vm0, $0xb8;
	[tilespmem:$0x1E200] =	vst v63  }
0x361: {  	s19 =	simm.s32 $0x15A00  }
0x362: {  	[tilespmem:s19], [sflag:$0x3] =	stream.indirect_vreg.gather [hbm4b:s28+s11], $0x80, v2, vm0, $0xb8;
	[tilespmem:$0x1E200] =	vst v63  }
0x363: {  	v2 =	vld.msk [tilespmem:$0x1A8], $0xff;
	_ =	sdelay $0x4  }
0x364: {  	v3 =	vshll.u32 v2, $0x3  }
0x365: {  	v2 =	vand.u32 $0x7, v2;
	v3 =	vand.u32 $0xFFFFFFC0, v3  }
0x366: {  	v2 =	vor.u32 v2, v3  }
0x367: {  	v2 =	vperm.xlane v2, v0;
	_ =	sdelay $0x1  }
0x368: {  	v2 =	vadd.s32 v1, v2;
	_ =	sdelay $0x4  }
0x369: {  	[tilespmem:s20], [sflag:$0x3] =	stream.indirect_vreg.gather [hbm4b:s1+s11], $0x80, v2, vm0, $0xb8;
	[tilespmem:$0x1E200] =	vst v63  }
0x36a: {  	s13 =	simm.s32 $0x16A00  }
0x36b: {  	[tilespmem:s13], [sflag:$0x3] =	stream.indirect_vreg.gather [hbm4b:s24+s11], $0x80, v2, vm0, $0xb8;
	[tilespmem:$0x1E200] =	vst v63  }
0x36c: {  	s16 =	simm.s32 $0x17200  }
0x36d: {  	[tilespmem:s16], [sflag:$0x3] =	stream.indirect_vreg.gather [hbm4b:s26+s11], $0x80, v2, vm0, $0xb8;
	[tilespmem:$0x1E200] =	vst v63  }
0x36e: {  	s18 =	simm.s32 $0x17A00  }
0x36f: {  	[tilespmem:s18], [sflag:$0x3] =	stream.indirect_vreg.gather [hbm4b:s28+s11], $0x80, v2, vm0, $0xb8;
	[tilespmem:$0x1E200] =	vst v63  }
0x370: {  	s19 =	rddreg [dreg:$0x12];
	s13 =	simm.s32 $0x1C200  }
0x371: {  	[tilespmem:s13], [sflag:$0x6] =	stream.linear.gather [hbm4b:s19+s11], $0x2000, $0x38;
	[tilespmem:$0x1E200] =	vst v63  }
0x372: {  	_ =	swait.ge [sflag:s22], $0x2000  }
0x373: {  	[sflag:s22] =	ssyncset.done $0x0  }
0x374: {  	[sflag:s22] =	ssyncadd.s32 $0xFFFFE000  }
0x375: {  	_ =	swait.ge [sflag:s22], $0x2000  }
0x376: {  	[sflag:s22] =	ssyncset.done $0x0  }
0x377: {  	[sflag:s22] =	ssyncadd.s32 $0xFFFFE000  }
0x378: {  	_ =	swait.ge [sflag:s22], $0x2000  }
0x379: {  	[sflag:s22] =	ssyncset.done $0x0  }
0x37a: {  	[sflag:s22] =	ssyncadd.s32 $0xFFFFE000  }
0x37b: {  	_ =	swait.ge [sflag:s22], $0x2000  }
0x37c: {  	[sflag:s22] =	ssyncset.done $0x0  }
0x37d: {  	[sflag:s22] =	ssyncadd.s32 $0xFFFFE000  }
0x37e: {  	_ =	swait.ge [sflag:s23], $0x2000  }
0x37f: {  	[sflag:s23] =	ssyncset.done $0x0  }
0x380: {  	s13 =	simm.s32 $0x0;
	[sflag:s23] =	ssyncadd.s32 $0xFFFFE000  }
.LBB2_18:
0x381: {  	s10 =	sshra.s32 s11, $0x2  }
0x382: {  	v2 =	vld [tilespmem:s10+$0x1A270]  }
0x383: {  	v3 =	vld [tilespmem:s10+$0xE270]  }
0x384: {  	v4 =	vld [tilespmem:s10+$0x1A200]  }
0x385: {  	v5 =	vld [tilespmem:s10+$0x8200]  }
0x386: {  	v6 =	vld [tilespmem:s10+$0xA200]  }
0x387: {  	v7 =	vld [tilespmem:s10+$0xC200]  }
0x388: {  	v8 =	vld [tilespmem:s10+$0xE200]  }
0x389: {  	v9 =	vld [tilespmem:s10+$0x1A210]  }
0x38a: {  	v10 =	vld [tilespmem:s10+$0x8210]  }
0x38b: {  	v11 =	vld [tilespmem:s10+$0xA210]  }
0x38c: {  	v12 =	vld [tilespmem:s10+$0xC210]  }
0x38d: {  	v13 =	vld [tilespmem:s10+$0xE210]  }
0x38e: {  	v14 =	vld [tilespmem:s10+$0x1A220];
	v3 =	vadd.f32 v3, v2  }
0x38f: {  	v15 =	vld [tilespmem:s10+$0x8220];
	v5 =	vadd.f32 v5, v4  }
0x390: {  	v63 =	vld [tilespmem:s10+$0xE230];
	[tilespmem:s10+$0xE270] =	vst v3;
	v3 =	vadd.f32 v6, v4  }
0x391: {  	v6 =	vld [tilespmem:s10+$0xA220];
	[tilespmem:s10+$0x8200] =	vst v5;
	v5 =	vadd.f32 v7, v4  }
0x392: {  	v7 =	vld [tilespmem:s10+$0xC220];
	[tilespmem:s10+$0xA200] =	vst v3;
	v3 =	vadd.f32 v8, v4  }
0x393: {  	v4 =	vld [tilespmem:s10+$0xE220];
	[tilespmem:s10+$0xC200] =	vst v5;
	v5 =	vadd.f32 v10, v9  }
0x394: {  	v8 =	vld [tilespmem:s10+$0x1A230];
	[tilespmem:s10+$0xE200] =	vst v3;
	v3 =	vadd.f32 v11, v9  }
0x395: {  	v10 =	vld [tilespmem:s10+$0x8230];
	[tilespmem:s10+$0x8210] =	vst v5;
	v5 =	vadd.f32 v12, v9  }
0x396: {  	v11 =	vld [tilespmem:s10+$0xA230];
	[tilespmem:s10+$0xA210] =	vst v3;
	v3 =	vadd.f32 v13, v9  }
0x397: {  	v9 =	vld [tilespmem:s10+$0xC230];
	[tilespmem:s10+$0xC210] =	vst v5;
	v5 =	vadd.f32 v15, v14  }
0x398: {  	[tilespmem:s10+$0xE210] =	vst v3;
	v3 =	vadd.f32 v6, v14;
	v6 =	vld [tilespmem:s10+$0x1A240]  }
0x399: {  	[tilespmem:s10+$0x8220] =	vst v5;
	v5 =	vadd.f32 v7, v14;
	v7 =	vld [tilespmem:s10+$0x8240]  }
0x39a: {  	[tilespmem:s10+$0xA220] =	vst v3;
	v3 =	vadd.f32 v4, v14;
	v4 =	vld [tilespmem:s10+$0xA240]  }
0x39b: {  	[tilespmem:s10+$0xC220] =	vst v5;
	v5 =	vadd.f32 v10, v8;
	v10 =	vld [tilespmem:s10+$0xC240]  }
0x39c: {  	[tilespmem:s10+$0xE220] =	vst v3;
	v3 =	vadd.f32 v11, v8;
	v11 =	vld [tilespmem:s10+$0xE240]  }
0x39d: {  	[tilespmem:s10+$0x8230] =	vst v5;
	v5 =	vadd.f32 v9, v8;
	v9 =	vld [tilespmem:s10+$0x1A250]  }
0x39e: {  	[tilespmem:s10+$0xA230] =	vst v3;
	v3 =	vadd.f32 v63, v8;
	v8 =	vld [tilespmem:s10+$0x8250]  }
0x39f: {  	[tilespmem:s10+$0xC230] =	vst v5;
	v5 =	vadd.f32 v7, v6;
	v7 =	vld [tilespmem:s10+$0xA250]  }
0x3a0: {  	[tilespmem:s10+$0xE230] =	vst v3;
	v3 =	vadd.f32 v4, v6;
	v4 =	vld [tilespmem:s10+$0xC250]  }
0x3a1: {  	[tilespmem:s10+$0x8240] =	vst v5;
	v5 =	vadd.f32 v10, v6;
	v10 =	vld [tilespmem:s10+$0xE250]  }
0x3a2: {  	v6 =	vadd.f32 v11, v6;
	v11 =	vld [tilespmem:s10+$0x8260];
	[tilespmem:s10+$0xA240] =	vst v3  }
0x3a3: {  	v3 =	vld [tilespmem:s10+$0x1A260];
	[tilespmem:s10+$0xC240] =	vst v5;
	v5 =	vadd.f32 v8, v9  }
0x3a4: {  	[tilespmem:s10+$0xE240] =	vst v6;
	v6 =	vadd.f32 v7, v9;
	v8 =	vld [tilespmem:s10+$0xA260]  }
0x3a5: {  	[tilespmem:s10+$0x8250] =	vst v5;
	v4 =	vadd.f32 v4, v9;
	v5 =	vld [tilespmem:s10+$0xC260]  }
0x3a6: {  	[tilespmem:s10+$0xA250] =	vst v6;
	v7 =	vadd.f32 v10, v9;
	v6 =	vld [tilespmem:s10+$0xE260]  }
0x3a7: {  	[tilespmem:s10+$0xC250] =	vst v4;
	v4 =	vld [tilespmem:s10+$0x8270]  }
0x3a8: {  	s16 =	simm.s32 $0x0;
	s18 =	sadd.s32 $0x1000, s11;
	[tilespmem:s10+$0xE250] =	vst v7;
	v9 =	vadd.f32 v11, v3;
	v7 =	vld [tilespmem:s10+$0xA270]  }
.LBB2_19:
0x3a9: {  	s19 =	sshra.s32 s18, $0x2;
	v8 =	vadd.f32 v8, v3;
	v10 =	vld [tilespmem:s10+$0xC270]  }
0x3aa: {  	s16 =	sadd.s32 $0x80, s16;
	v11 =	vld [tilespmem:s19+$0x1A270];
	[tilespmem:s10+$0x8260] =	vst v9;
	v5 =	vadd.f32 v5, v3  }
0x3ab: {  	p0 =	slt.u32 s16, $0x380;
	v9 =	vld [tilespmem:s19+$0xE270];
	[tilespmem:s10+$0xA260] =	vst v8;
	v3 =	vadd.f32 v6, v3  }
0x3ac: {  	v6 =	vld [tilespmem:s19+$0x1A200];
	[tilespmem:s10+$0xC260] =	vst v5;
	v4 =	vadd.f32 v4, v2  }
0x3ad: {  	v5 =	vld [tilespmem:s19+$0x8200];
	[tilespmem:s10+$0xE260] =	vst v3;
	v3 =	vadd.f32 v7, v2  }
0x3ae: {  	v7 =	vld [tilespmem:s19+$0xA200];
	[tilespmem:s10+$0x8270] =	vst v4;
	v4 =	vadd.f32 v10, v2  }
0x3af: {  	v8 =	vld [tilespmem:s19+$0xC200];
	[tilespmem:s10+$0xA270] =	vst v3;
	v2 =	vmov v11  }
0x3b0: {  	v3 =	vld [tilespmem:s19+$0xE200];
	v9 =	vadd.f32 v9, v2;
	[tilespmem:s10+$0xC270] =	vst v4;
	s10 =	smov.u32 s19  }
0x3b1: {  	v4 =	vld [tilespmem:s10+$0x1A210]  }
0x3b2: {  	v5 =	vadd.f32 v5, v6;
	v10 =	vld [tilespmem:s10+$0x8210];
	[tilespmem:s10+$0xE270] =	vst v9  }
0x3b3: {  	v7 =	vadd.f32 v7, v6;
	v9 =	vld [tilespmem:s10+$0xA210]  }
0x3b4: {  	[tilespmem:s10+$0x8200] =	vst v5;
	v5 =	vadd.f32 v8, v6;
	v8 =	vld [tilespmem:s10+$0xC210]  }
0x3b5: {  	[tilespmem:s10+$0xA200] =	vst v7;
	v3 =	vadd.f32 v3, v6;
	v6 =	vld [tilespmem:s10+$0xE210]  }
0x3b6: {  	[tilespmem:s10+$0xC200] =	vst v5;
	v5 =	vld [tilespmem:s10+$0x1A220]  }
0x3b7: {  	[tilespmem:s10+$0xE200] =	vst v3;
	v3 =	vadd.f32 v10, v4;
	v7 =	vld [tilespmem:s10+$0x8220]  }
0x3b8: {  	v9 =	vadd.f32 v9, v4;
	v10 =	vld [tilespmem:s10+$0xA220]  }
0x3b9: {  	[tilespmem:s10+$0x8210] =	vst v3;
	v3 =	vadd.f32 v8, v4;
	v8 =	vld [tilespmem:s10+$0xC220]  }
0x3ba: {  	[tilespmem:s10+$0xA210] =	vst v9;
	v4 =	vadd.f32 v6, v4;
	v6 =	vld [tilespmem:s10+$0xE220]  }
0x3bb: {  	[tilespmem:s10+$0xC210] =	vst v3;
	v3 =	vld [tilespmem:s10+$0x1A230]  }
0x3bc: {  	[tilespmem:s10+$0xE210] =	vst v4;
	v4 =	vadd.f32 v7, v5;
	v7 =	vld [tilespmem:s10+$0x8230]  }
0x3bd: {  	v9 =	vadd.f32 v10, v5;
	v10 =	vld [tilespmem:s10+$0xA230]  }
0x3be: {  	[tilespmem:s10+$0x8220] =	vst v4;
	v4 =	vadd.f32 v8, v5;
	v8 =	vld [tilespmem:s10+$0xC230]  }
0x3bf: {  	[tilespmem:s10+$0xA220] =	vst v9;
	v5 =	vadd.f32 v6, v5;
	v6 =	vld [tilespmem:s10+$0xE230]  }
0x3c0: {  	[tilespmem:s10+$0xC220] =	vst v4;
	v4 =	vld [tilespmem:s10+$0x1A240]  }
0x3c1: {  	[tilespmem:s10+$0xE220] =	vst v5;
	v5 =	vadd.f32 v7, v3;
	v7 =	vld [tilespmem:s10+$0x8240]  }
0x3c2: {  	v9 =	vadd.f32 v10, v3;
	v10 =	vld [tilespmem:s10+$0xA240]  }
0x3c3: {  	[tilespmem:s10+$0x8230] =	vst v5;
	v5 =	vadd.f32 v8, v3;
	v8 =	vld [tilespmem:s10+$0xC240]  }
0x3c4: {  	[tilespmem:s10+$0xA230] =	vst v9;
	v3 =	vadd.f32 v6, v3;
	v6 =	vld [tilespmem:s10+$0xE240]  }
0x3c5: {  	[tilespmem:s10+$0xC230] =	vst v5;
	v9 =	vld [tilespmem:s10+$0x1A250]  }
0x3c6: {  	[tilespmem:s10+$0xE230] =	vst v3;
	v3 =	vadd.f32 v7, v4;
	v5 =	vld [tilespmem:s10+$0x8250]  }
0x3c7: {  	v7 =	vadd.f32 v10, v4;
	v10 =	vld [tilespmem:s10+$0xA250]  }
0x3c8: {  	[tilespmem:s10+$0x8240] =	vst v3;
	v3 =	vadd.f32 v8, v4;
	v11 =	vld [tilespmem:s10+$0xC250]  }
0x3c9: {  	[tilespmem:s10+$0xA240] =	vst v7;
	v4 =	vadd.f32 v6, v4;
	v6 =	vld [tilespmem:s10+$0xE250]  }
0x3ca: {  	[tilespmem:s10+$0xC240] =	vst v3;
	v3 =	vld [tilespmem:s10+$0x1A260]  }
0x3cb: {  	[tilespmem:s10+$0xE240] =	vst v4;
	v4 =	vadd.f32 v5, v9;
	v7 =	vld [tilespmem:s10+$0x8260]  }
.Ltmp8:
0x3cc: {  	v10 =	vadd.f32 v10, v9;
	v8 =	vld [tilespmem:s10+$0xA260];
	(pc) =	sbr.rel @p0 .LBB2_19-.Ltmp8, $4  }
0x3cd: {  	[tilespmem:s10+$0x8250] =	vst v4;
	v4 =	vadd.f32 v11, v9;
	v5 =	vld [tilespmem:s10+$0xC260]  }
0x3ce: {  	[tilespmem:s10+$0xA250] =	vst v10;
	v9 =	vadd.f32 v6, v9;
	v6 =	vld [tilespmem:s10+$0xE260]  }
0x3cf: {  	[tilespmem:s10+$0xC250] =	vst v4;
	v4 =	vld [tilespmem:s10+$0x8270]  }
0x3d0: {  	s18 =	sadd.s32 $0x1000, s18;
	[tilespmem:s10+$0xE250] =	vst v9;
	v9 =	vadd.f32 v7, v3;
	v7 =	vld [tilespmem:s10+$0xA270]  }
0x3d1: {  	v8 =	vadd.f32 v8, v3;
	v10 =	vld [tilespmem:s10+$0xC270]  }
0x3d2: {  	s13 =	sadd.s32 $0x1, s13;
	[tilespmem:s10+$0x8260] =	vst v9;
	v5 =	vadd.f32 v5, v3  }
0x3d3: {  	p0 =	sne.s32 s13, $0x8;
	[tilespmem:s10+$0xA260] =	vst v8;
	v3 =	vadd.f32 v6, v3  }
.Ltmp9:
0x3d4: {  	[tilespmem:s10+$0xC260] =	vst v5;
	v4 =	vadd.f32 v4, v2;
	(pc) =	sbr.rel @p0 .LBB2_18-.Ltmp9, $4  }
0x3d5: {  	[tilespmem:s10+$0xE260] =	vst v3;
	v3 =	vadd.f32 v7, v2  }
0x3d6: {  	[tilespmem:s10+$0x8270] =	vst v4;
	v2 =	vadd.f32 v10, v2  }
0x3d7: {  	[tilespmem:s10+$0xA270] =	vst v3  }
0x3d8: {  	s11 =	sadd.s32 $0x200, s11;
	[tilespmem:s10+$0xC270] =	vst v2  }
0x3d9: {  	s10 =	rddreg [dreg:$0x13]  }
0x3da: {  	s11 =	simm.s32 $0x0;
	s13 =	sld [smem:$0x7F2]  }
0x3db: {  	[hbm4b:s10+s11] =	stream.linear.scatter [tilespmem:s17], [sflag:$0x8], $0x2000, $0x38;
	[tilespmem:$0x1E200] =	vst v63  }
0x3dc: {  	s16 =	sld [smem:$0x7F3]  }
0x3dd: {  	[hbm4b:s13+s11] =	stream.linear.scatter [tilespmem:s21], [sflag:$0x8], $0x2000, $0x38;
	[tilespmem:$0x1E200] =	vst v63  }
0x3de: {  	s18 =	sld [smem:$0x7F4]  }
0x3df: {  	[hbm4b:s16+s11] =	stream.linear.scatter [tilespmem:s31], [sflag:$0x8], $0x2000, $0x38;
	[tilespmem:$0x1E200] =	vst v63  }
0x3e0: {  	_ = 	snop  }
0x3e1: {  	[hbm4b:s18+s11] =	stream.linear.scatter [tilespmem:s6], [sflag:$0x8], $0x2000, $0x38;
	[tilespmem:$0x1E200] =	vst v63  }
0x3e2: {  	_ =	swait.ge [sflag:s30], $0x2000  }
0x3e3: {  	[sflag:s30] =	ssyncset.done $0x0  }
0x3e4: {  	[sflag:s30] =	ssyncadd.s32 $0xFFFFE000  }
0x3e5: {  	_ =	swait.ge [sflag:s30], $0x2000  }
0x3e6: {  	[sflag:s30] =	ssyncset.done $0x0  }
0x3e7: {  	[sflag:s30] =	ssyncadd.s32 $0xFFFFE000  }
0x3e8: {  	_ =	swait.ge [sflag:s30], $0x2000  }
0x3e9: {  	[sflag:s30] =	ssyncset.done $0x0  }
0x3ea: {  	[sflag:s30] =	ssyncadd.s32 $0xFFFFE000  }
0x3eb: {  	_ =	swait.ge [sflag:s30], $0x2000  }
0x3ec: {  	[sflag:s30] =	ssyncset.done $0x0  }
0x3ed: {  	[sflag:s30] =	ssyncadd.s32 $0xFFFFE000  }
0x3ee: {  	v2 =	vld.msk [tilespmem:$0x30], $0xff;
	_ =	sdelay $0x4  }
0x3ef: {  	v3 =	vshll.u32 v2, $0x3  }
0x3f0: {  	v2 =	vand.u32 $0x7, v2;
	v3 =	vand.u32 $0xFFFFFFC0, v3  }
0x3f1: {  	v2 =	vor.u32 v2, v3  }
0x3f2: {  	v2 =	vperm.xlane v2, v0;
	_ =	sdelay $0x1  }
0x3f3: {  	v2 =	vadd.s32 v1, v2;
	_ =	sdelay $0x4  }
0x3f4: {  	[tilespmem:s29], [sflag:$0x1] =	stream.indirect_vreg.gather [hbm4b:s1+s11], $0x80, v2, vm0, $0xb8;
	[tilespmem:$0x1E200] =	vst v63  }
0x3f5: {  	s19 =	simm.s32 $0xA00  }
0x3f6: {  	[tilespmem:s19], [sflag:$0x1] =	stream.indirect_vreg.gather [hbm4b:s24+s11], $0x80, v2, vm0, $0xb8;
	[tilespmem:$0x1E200] =	vst v63  }
0x3f7: {  	s13 =	simm.s32 $0x1200  }
0x3f8: {  	[tilespmem:s13], [sflag:$0x1] =	stream.indirect_vreg.gather [hbm4b:s26+s11], $0x80, v2, vm0, $0xb8;
	[tilespmem:$0x1E200] =	vst v63  }
0x3f9: {  	s16 =	simm.s32 $0x1A00  }
0x3fa: {  	[tilespmem:s16], [sflag:$0x1] =	stream.indirect_vreg.gather [hbm4b:s28+s11], $0x80, v2, vm0, $0xb8;
	[tilespmem:$0x1E200] =	vst v63  }
0x3fb: {  	v2 =	vld.msk [tilespmem:$0xB0], $0xff;
	_ =	sdelay $0x4  }
0x3fc: {  	v3 =	vshll.u32 v2, $0x3  }
0x3fd: {  	v2 =	vand.u32 $0x7, v2;
	v3 =	vand.u32 $0xFFFFFFC0, v3  }
0x3fe: {  	v2 =	vor.u32 v2, v3  }
0x3ff: {  	v2 =	vperm.xlane v2, v0;
	_ =	sdelay $0x1  }
0x400: {  	v2 =	vadd.s32 v1, v2;
	_ =	sdelay $0x4  }
0x401: {  	[tilespmem:s0], [sflag:$0x1] =	stream.indirect_vreg.gather [hbm4b:s1+s11], $0x80, v2, vm0, $0xb8;
	[tilespmem:$0x1E200] =	vst v63  }
0x402: {  	s18 =	simm.s32 $0x2A00  }
0x403: {  	[tilespmem:s18], [sflag:$0x1] =	stream.indirect_vreg.gather [hbm4b:s24+s11], $0x80, v2, vm0, $0xb8;
	[tilespmem:$0x1E200] =	vst v63  }
0x404: {  	s19 =	simm.s32 $0x3200  }
0x405: {  	[tilespmem:s19], [sflag:$0x1] =	stream.indirect_vreg.gather [hbm4b:s26+s11], $0x80, v2, vm0, $0xb8;
	[tilespmem:$0x1E200] =	vst v63  }
0x406: {  	s13 =	simm.s32 $0x3A00  }
0x407: {  	[tilespmem:s13], [sflag:$0x1] =	stream.indirect_vreg.gather [hbm4b:s28+s11], $0x80, v2, vm0, $0xb8;
	[tilespmem:$0x1E200] =	vst v63  }
0x408: {  	v2 =	vld.msk [tilespmem:$0x130], $0xff;
	_ =	sdelay $0x4  }
0x409: {  	v3 =	vshll.u32 v2, $0x3  }
0x40a: {  	v2 =	vand.u32 $0x7, v2;
	v3 =	vand.u32 $0xFFFFFFC0, v3  }
0x40b: {  	v2 =	vor.u32 v2, v3  }
0x40c: {  	v2 =	vperm.xlane v2, v0;
	_ =	sdelay $0x1  }
0x40d: {  	v2 =	vadd.s32 v1, v2;
	_ =	sdelay $0x4  }
0x40e: {  	[tilespmem:s7], [sflag:$0x1] =	stream.indirect_vreg.gather [hbm4b:s1+s11], $0x80, v2, vm0, $0xb8;
	[tilespmem:$0x1E200] =	vst v63  }
0x40f: {  	s16 =	simm.s32 $0x4A00  }
0x410: {  	[tilespmem:s16], [sflag:$0x1] =	stream.indirect_vreg.gather [hbm4b:s24+s11], $0x80, v2, vm0, $0xb8;
	[tilespmem:$0x1E200] =	vst v63  }
0x411: {  	s18 =	simm.s32 $0x5200  }
0x412: {  	[tilespmem:s18], [sflag:$0x1] =	stream.indirect_vreg.gather [hbm4b:s26+s11], $0x80, v2, vm0, $0xb8;
	[tilespmem:$0x1E200] =	vst v63  }
0x413: {  	s19 =	simm.s32 $0x5A00  }
0x414: {  	[tilespmem:s19], [sflag:$0x1] =	stream.indirect_vreg.gather [hbm4b:s28+s11], $0x80, v2, vm0, $0xb8;
	[tilespmem:$0x1E200] =	vst v63  }
0x415: {  	v2 =	vld.msk [tilespmem:$0x1B0], $0xff;
	_ =	sdelay $0x4  }
0x416: {  	v3 =	vshll.u32 v2, $0x3  }
0x417: {  	v2 =	vand.u32 $0x7, v2;
	v3 =	vand.u32 $0xFFFFFFC0, v3  }
0x418: {  	v2 =	vor.u32 v2, v3  }
0x419: {  	v2 =	vperm.xlane v2, v0;
	_ =	sdelay $0x1  }
0x41a: {  	v2 =	vadd.s32 v1, v2;
	_ =	sdelay $0x4  }
0x41b: {  	[tilespmem:s12], [sflag:$0x1] =	stream.indirect_vreg.gather [hbm4b:s1+s11], $0x80, v2, vm0, $0xb8;
	[tilespmem:$0x1E200] =	vst v63  }
0x41c: {  	s13 =	simm.s32 $0x6A00  }
0x41d: {  	[tilespmem:s13], [sflag:$0x1] =	stream.indirect_vreg.gather [hbm4b:s24+s11], $0x80, v2, vm0, $0xb8;
	[tilespmem:$0x1E200] =	vst v63  }
0x41e: {  	s16 =	simm.s32 $0x7200  }
0x41f: {  	[tilespmem:s16], [sflag:$0x1] =	stream.indirect_vreg.gather [hbm4b:s26+s11], $0x80, v2, vm0, $0xb8;
	[tilespmem:$0x1E200] =	vst v63  }
0x420: {  	s18 =	simm.s32 $0x7A00  }
0x421: {  	[tilespmem:s18], [sflag:$0x1] =	stream.indirect_vreg.gather [hbm4b:s28+s11], $0x80, v2, vm0, $0xb8;
	[tilespmem:$0x1E200] =	vst v63  }
0x422: {  	s19 =	rddreg [dreg:$0x14];
	s13 =	simm.s32 $0x18200  }
0x423: {  	[tilespmem:s13], [sflag:$0x4] =	stream.linear.gather [hbm4b:s19+s11], $0x2000, $0x38;
	[tilespmem:$0x1E200] =	vst v63  }
0x424: {  	_ =	swait.ge [sflag:s2], $0x2000  }
0x425: {  	[sflag:s2] =	ssyncset.done $0x0  }
0x426: {  	[sflag:s2] =	ssyncadd.s32 $0xFFFFE000  }
0x427: {  	_ =	swait.ge [sflag:s2], $0x2000  }
0x428: {  	[sflag:s2] =	ssyncset.done $0x0  }
0x429: {  	[sflag:s2] =	ssyncadd.s32 $0xFFFFE000  }
0x42a: {  	_ =	swait.ge [sflag:s2], $0x2000  }
0x42b: {  	[sflag:s2] =	ssyncset.done $0x0  }
0x42c: {  	[sflag:s2] =	ssyncadd.s32 $0xFFFFE000  }
0x42d: {  	_ =	swait.ge [sflag:s2], $0x2000  }
0x42e: {  	[sflag:s2] =	ssyncset.done $0x0  }
0x42f: {  	[sflag:s2] =	ssyncadd.s32 $0xFFFFE000  }
0x430: {  	_ =	swait.ge [sflag:s4], $0x2000  }
0x431: {  	[sflag:s4] =	ssyncset.done $0x0  }
0x432: {  	s13 =	simm.s32 $0x0;
	[sflag:s4] =	ssyncadd.s32 $0xFFFFE000  }
.LBB2_22:
0x433: {  	s10 =	sshra.s32 s11, $0x2  }
0x434: {  	v2 =	vld [tilespmem:s10+$0x1C270]  }
0x435: {  	v3 =	vld [tilespmem:s10+$0x16270]  }
0x436: {  	v4 =	vld [tilespmem:s10+$0x1C200]  }
0x437: {  	v5 =	vld [tilespmem:s10+$0x10200]  }
0x438: {  	v6 =	vld [tilespmem:s10+$0x12200]  }
0x439: {  	v7 =	vld [tilespmem:s10+$0x14200]  }
0x43a: {  	v8 =	vld [tilespmem:s10+$0x16200]  }
0x43b: {  	v9 =	vld [tilespmem:s10+$0x1C210]  }
0x43c: {  	v10 =	vld [tilespmem:s10+$0x10210]  }
0x43d: {  	v11 =	vld [tilespmem:s10+$0x12210]  }
0x43e: {  	v12 =	vld [tilespmem:s10+$0x14210]  }
0x43f: {  	v13 =	vld [tilespmem:s10+$0x16210]  }
0x440: {  	v14 =	vld [tilespmem:s10+$0x1C220];
	v3 =	vadd.f32 v3, v2  }
0x441: {  	v15 =	vld [tilespmem:s10+$0x10220];
	v5 =	vadd.f32 v5, v4  }
0x442: {  	v63 =	vld [tilespmem:s10+$0x16230];
	[tilespmem:s10+$0x16270] =	vst v3;
	v3 =	vadd.f32 v6, v4  }
0x443: {  	v6 =	vld [tilespmem:s10+$0x12220];
	[tilespmem:s10+$0x10200] =	vst v5;
	v5 =	vadd.f32 v7, v4  }
0x444: {  	v7 =	vld [tilespmem:s10+$0x14220];
	[tilespmem:s10+$0x12200] =	vst v3;
	v3 =	vadd.f32 v8, v4  }
0x445: {  	v4 =	vld [tilespmem:s10+$0x16220];
	[tilespmem:s10+$0x14200] =	vst v5;
	v5 =	vadd.f32 v10, v9  }
0x446: {  	v8 =	vld [tilespmem:s10+$0x1C230];
	[tilespmem:s10+$0x16200] =	vst v3;
	v3 =	vadd.f32 v11, v9  }
0x447: {  	v10 =	vld [tilespmem:s10+$0x10230];
	[tilespmem:s10+$0x10210] =	vst v5;
	v5 =	vadd.f32 v12, v9  }
0x448: {  	v11 =	vld [tilespmem:s10+$0x12230];
	[tilespmem:s10+$0x12210] =	vst v3;
	v3 =	vadd.f32 v13, v9  }
0x449: {  	v9 =	vld [tilespmem:s10+$0x14230];
	[tilespmem:s10+$0x14210] =	vst v5;
	v5 =	vadd.f32 v15, v14  }
0x44a: {  	[tilespmem:s10+$0x16210] =	vst v3;
	v3 =	vadd.f32 v6, v14;
	v6 =	vld [tilespmem:s10+$0x1C240]  }
0x44b: {  	[tilespmem:s10+$0x10220] =	vst v5;
	v5 =	vadd.f32 v7, v14;
	v7 =	vld [tilespmem:s10+$0x10240]  }
0x44c: {  	[tilespmem:s10+$0x12220] =	vst v3;
	v3 =	vadd.f32 v4, v14;
	v4 =	vld [tilespmem:s10+$0x12240]  }
0x44d: {  	[tilespmem:s10+$0x14220] =	vst v5;
	v5 =	vadd.f32 v10, v8;
	v10 =	vld [tilespmem:s10+$0x14240]  }
0x44e: {  	[tilespmem:s10+$0x16220] =	vst v3;
	v3 =	vadd.f32 v11, v8;
	v11 =	vld [tilespmem:s10+$0x16240]  }
0x44f: {  	[tilespmem:s10+$0x10230] =	vst v5;
	v5 =	vadd.f32 v9, v8;
	v9 =	vld [tilespmem:s10+$0x1C250]  }
0x450: {  	[tilespmem:s10+$0x12230] =	vst v3;
	v3 =	vadd.f32 v63, v8;
	v8 =	vld [tilespmem:s10+$0x10250]  }
0x451: {  	[tilespmem:s10+$0x14230] =	vst v5;
	v5 =	vadd.f32 v7, v6;
	v7 =	vld [tilespmem:s10+$0x12250]  }
0x452: {  	[tilespmem:s10+$0x16230] =	vst v3;
	v3 =	vadd.f32 v4, v6;
	v4 =	vld [tilespmem:s10+$0x14250]  }
0x453: {  	[tilespmem:s10+$0x10240] =	vst v5;
	v5 =	vadd.f32 v10, v6;
	v10 =	vld [tilespmem:s10+$0x16250]  }
0x454: {  	v6 =	vadd.f32 v11, v6;
	v11 =	vld [tilespmem:s10+$0x10260];
	[tilespmem:s10+$0x12240] =	vst v3  }
0x455: {  	v3 =	vld [tilespmem:s10+$0x1C260];
	[tilespmem:s10+$0x14240] =	vst v5;
	v5 =	vadd.f32 v8, v9  }
0x456: {  	[tilespmem:s10+$0x16240] =	vst v6;
	v6 =	vadd.f32 v7, v9;
	v8 =	vld [tilespmem:s10+$0x12260]  }
0x457: {  	[tilespmem:s10+$0x10250] =	vst v5;
	v4 =	vadd.f32 v4, v9;
	v5 =	vld [tilespmem:s10+$0x14260]  }
0x458: {  	[tilespmem:s10+$0x12250] =	vst v6;
	v7 =	vadd.f32 v10, v9;
	v6 =	vld [tilespmem:s10+$0x16260]  }
0x459: {  	[tilespmem:s10+$0x14250] =	vst v4;
	v4 =	vld [tilespmem:s10+$0x10270]  }
0x45a: {  	s16 =	simm.s32 $0x0;
	s18 =	sadd.s32 $0x1000, s11;
	[tilespmem:s10+$0x16250] =	vst v7;
	v9 =	vadd.f32 v11, v3;
	v7 =	vld [tilespmem:s10+$0x12270]  }
.LBB2_23:
0x45b: {  	s19 =	sshra.s32 s18, $0x2;
	v8 =	vadd.f32 v8, v3;
	v10 =	vld [tilespmem:s10+$0x14270]  }
0x45c: {  	s16 =	sadd.s32 $0x80, s16;
	v11 =	vld [tilespmem:s19+$0x1C270];
	[tilespmem:s10+$0x10260] =	vst v9;
	v5 =	vadd.f32 v5, v3  }
0x45d: {  	p0 =	slt.u32 s16, $0x380;
	v9 =	vld [tilespmem:s19+$0x16270];
	[tilespmem:s10+$0x12260] =	vst v8;
	v3 =	vadd.f32 v6, v3  }
0x45e: {  	v6 =	vld [tilespmem:s19+$0x1C200];
	[tilespmem:s10+$0x14260] =	vst v5;
	v4 =	vadd.f32 v4, v2  }
0x45f: {  	v5 =	vld [tilespmem:s19+$0x10200];
	[tilespmem:s10+$0x16260] =	vst v3;
	v3 =	vadd.f32 v7, v2  }
0x460: {  	v7 =	vld [tilespmem:s19+$0x12200];
	[tilespmem:s10+$0x10270] =	vst v4;
	v4 =	vadd.f32 v10, v2  }
0x461: {  	v8 =	vld [tilespmem:s19+$0x14200];
	[tilespmem:s10+$0x12270] =	vst v3;
	v2 =	vmov v11  }
0x462: {  	v3 =	vld [tilespmem:s19+$0x16200];
	v9 =	vadd.f32 v9, v2;
	[tilespmem:s10+$0x14270] =	vst v4;
	s10 =	smov.u32 s19  }
0x463: {  	v4 =	vld [tilespmem:s10+$0x1C210]  }
0x464: {  	v5 =	vadd.f32 v5, v6;
	v10 =	vld [tilespmem:s10+$0x10210];
	[tilespmem:s10+$0x16270] =	vst v9  }
0x465: {  	v7 =	vadd.f32 v7, v6;
	v9 =	vld [tilespmem:s10+$0x12210]  }
0x466: {  	[tilespmem:s10+$0x10200] =	vst v5;
	v5 =	vadd.f32 v8, v6;
	v8 =	vld [tilespmem:s10+$0x14210]  }
0x467: {  	[tilespmem:s10+$0x12200] =	vst v7;
	v3 =	vadd.f32 v3, v6;
	v6 =	vld [tilespmem:s10+$0x16210]  }
0x468: {  	[tilespmem:s10+$0x14200] =	vst v5;
	v5 =	vld [tilespmem:s10+$0x1C220]  }
0x469: {  	[tilespmem:s10+$0x16200] =	vst v3;
	v3 =	vadd.f32 v10, v4;
	v7 =	vld [tilespmem:s10+$0x10220]  }
0x46a: {  	v9 =	vadd.f32 v9, v4;
	v10 =	vld [tilespmem:s10+$0x12220]  }
0x46b: {  	[tilespmem:s10+$0x10210] =	vst v3;
	v3 =	vadd.f32 v8, v4;
	v8 =	vld [tilespmem:s10+$0x14220]  }
0x46c: {  	[tilespmem:s10+$0x12210] =	vst v9;
	v4 =	vadd.f32 v6, v4;
	v6 =	vld [tilespmem:s10+$0x16220]  }
0x46d: {  	[tilespmem:s10+$0x14210] =	vst v3;
	v3 =	vld [tilespmem:s10+$0x1C230]  }
0x46e: {  	[tilespmem:s10+$0x16210] =	vst v4;
	v4 =	vadd.f32 v7, v5;
	v7 =	vld [tilespmem:s10+$0x10230]  }
0x46f: {  	v9 =	vadd.f32 v10, v5;
	v10 =	vld [tilespmem:s10+$0x12230]  }
0x470: {  	[tilespmem:s10+$0x10220] =	vst v4;
	v4 =	vadd.f32 v8, v5;
	v8 =	vld [tilespmem:s10+$0x14230]  }
0x471: {  	[tilespmem:s10+$0x12220] =	vst v9;
	v5 =	vadd.f32 v6, v5;
	v6 =	vld [tilespmem:s10+$0x16230]  }
0x472: {  	[tilespmem:s10+$0x14220] =	vst v4;
	v4 =	vld [tilespmem:s10+$0x1C240]  }
0x473: {  	[tilespmem:s10+$0x16220] =	vst v5;
	v5 =	vadd.f32 v7, v3;
	v7 =	vld [tilespmem:s10+$0x10240]  }
0x474: {  	v9 =	vadd.f32 v10, v3;
	v10 =	vld [tilespmem:s10+$0x12240]  }
0x475: {  	[tilespmem:s10+$0x10230] =	vst v5;
	v5 =	vadd.f32 v8, v3;
	v8 =	vld [tilespmem:s10+$0x14240]  }
0x476: {  	[tilespmem:s10+$0x12230] =	vst v9;
	v3 =	vadd.f32 v6, v3;
	v6 =	vld [tilespmem:s10+$0x16240]  }
0x477: {  	[tilespmem:s10+$0x14230] =	vst v5;
	v9 =	vld [tilespmem:s10+$0x1C250]  }
0x478: {  	[tilespmem:s10+$0x16230] =	vst v3;
	v3 =	vadd.f32 v7, v4;
	v5 =	vld [tilespmem:s10+$0x10250]  }
0x479: {  	v7 =	vadd.f32 v10, v4;
	v10 =	vld [tilespmem:s10+$0x12250]  }
0x47a: {  	[tilespmem:s10+$0x10240] =	vst v3;
	v3 =	vadd.f32 v8, v4;
	v11 =	vld [tilespmem:s10+$0x14250]  }
0x47b: {  	[tilespmem:s10+$0x12240] =	vst v7;
	v4 =	vadd.f32 v6, v4;
	v6 =	vld [tilespmem:s10+$0x16250]  }
0x47c: {  	[tilespmem:s10+$0x14240] =	vst v3;
	v3 =	vld [tilespmem:s10+$0x1C260]  }
0x47d: {  	[tilespmem:s10+$0x16240] =	vst v4;
	v4 =	vadd.f32 v5, v9;
	v7 =	vld [tilespmem:s10+$0x10260]  }
.Ltmp10:
0x47e: {  	v10 =	vadd.f32 v10, v9;
	v8 =	vld [tilespmem:s10+$0x12260];
	(pc) =	sbr.rel @p0 .LBB2_23-.Ltmp10, $4  }
0x47f: {  	[tilespmem:s10+$0x10250] =	vst v4;
	v4 =	vadd.f32 v11, v9;
	v5 =	vld [tilespmem:s10+$0x14260]  }
0x480: {  	[tilespmem:s10+$0x12250] =	vst v10;
	v9 =	vadd.f32 v6, v9;
	v6 =	vld [tilespmem:s10+$0x16260]  }
0x481: {  	[tilespmem:s10+$0x14250] =	vst v4;
	v4 =	vld [tilespmem:s10+$0x10270]  }
0x482: {  	s18 =	sadd.s32 $0x1000, s18;
	[tilespmem:s10+$0x16250] =	vst v9;
	v9 =	vadd.f32 v7, v3;
	v7 =	vld [tilespmem:s10+$0x12270]  }
0x483: {  	v8 =	vadd.f32 v8, v3;
	v10 =	vld [tilespmem:s10+$0x14270]  }
0x484: {  	s13 =	sadd.s32 $0x1, s13;
	[tilespmem:s10+$0x10260] =	vst v9;
	v5 =	vadd.f32 v5, v3  }
0x485: {  	p0 =	sne.s32 s13, $0x8;
	[tilespmem:s10+$0x12260] =	vst v8;
	v3 =	vadd.f32 v6, v3  }
.Ltmp11:
0x486: {  	[tilespmem:s10+$0x14260] =	vst v5;
	v4 =	vadd.f32 v4, v2;
	(pc) =	sbr.rel @p0 .LBB2_22-.Ltmp11, $4  }
0x487: {  	[tilespmem:s10+$0x16260] =	vst v3;
	v3 =	vadd.f32 v7, v2  }
0x488: {  	[tilespmem:s10+$0x10270] =	vst v4;
	v2 =	vadd.f32 v10, v2  }
0x489: {  	[tilespmem:s10+$0x12270] =	vst v3  }
0x48a: {  	s11 =	sadd.s32 $0x200, s11;
	[tilespmem:s10+$0x14270] =	vst v2  }
0x48b: {  	s11 =	simm.s32 $0x0;
	s10 =	rddreg [dreg:$0x15];
	s13 =	simm.s32 $0x10200  }
0x48c: {  	[hbm4b:s10+s11] =	stream.linear.scatter [tilespmem:s13], [sflag:$0x9], $0x2000, $0x38;
	[tilespmem:$0x1E200] =	vst v63  }
0x48d: {  	s13 =	sld [smem:$0x7F5];
	_ =	sdelay $0x1  }
0x48e: {  	s16 =	simm.s32 $0x12200;
	s18 =	sld [smem:$0x7F6]  }
0x48f: {  	[hbm4b:s13+s11] =	stream.linear.scatter [tilespmem:s16], [sflag:$0x9], $0x2000, $0x38;
	[tilespmem:$0x1E200] =	vst v63  }
0x490: {  	s19 =	simm.s32 $0x14200;
	s16 =	sld [smem:$0x7F7]  }
0x491: {  	[hbm4b:s18+s11] =	stream.linear.scatter [tilespmem:s19], [sflag:$0x9], $0x2000, $0x38;
	[tilespmem:$0x1E200] =	vst v63  }
0x492: {  	_ = 	snop  }
0x493: {  	[hbm4b:s16+s11] =	stream.linear.scatter [tilespmem:s20], [sflag:$0x9], $0x2000, $0x38;
	[tilespmem:$0x1E200] =	vst v63  }
0x494: {  	_ =	swait.ge [sflag:s5], $0x2000  }
0x495: {  	[sflag:s5] =	ssyncset.done $0x0  }
0x496: {  	[sflag:s5] =	ssyncadd.s32 $0xFFFFE000  }
0x497: {  	_ =	swait.ge [sflag:s5], $0x2000  }
0x498: {  	[sflag:s5] =	ssyncset.done $0x0  }
0x499: {  	[sflag:s5] =	ssyncadd.s32 $0xFFFFE000  }
0x49a: {  	_ =	swait.ge [sflag:s5], $0x2000  }
0x49b: {  	[sflag:s5] =	ssyncset.done $0x0  }
0x49c: {  	[sflag:s5] =	ssyncadd.s32 $0xFFFFE000  }
0x49d: {  	_ =	swait.ge [sflag:s5], $0x2000  }
0x49e: {  	[sflag:s5] =	ssyncset.done $0x0  }
0x49f: {  	[sflag:s5] =	ssyncadd.s32 $0xFFFFE000  }
0x4a0: {  	v2 =	vld.msk [tilespmem:$0x38], $0xff;
	_ =	sdelay $0x4  }
0x4a1: {  	v3 =	vshll.u32 v2, $0x3  }
0x4a2: {  	v2 =	vand.u32 $0x7, v2;
	v3 =	vand.u32 $0xFFFFFFC0, v3  }
0x4a3: {  	v2 =	vor.u32 v2, v3  }
0x4a4: {  	v2 =	vperm.xlane v2, v0;
	_ =	sdelay $0x1  }
0x4a5: {  	v2 =	vadd.s32 v1, v2;
	_ =	sdelay $0x4  }
0x4a6: {  	[tilespmem:s17], [sflag:$0x2] =	stream.indirect_vreg.gather [hbm4b:s1+s11], $0x80, v2, vm0, $0xb8;
	[tilespmem:$0x1E200] =	vst v63  }
0x4a7: {  	s18 =	simm.s32 $0x8A00  }
0x4a8: {  	[tilespmem:s18], [sflag:$0x2] =	stream.indirect_vreg.gather [hbm4b:s24+s11], $0x80, v2, vm0, $0xb8;
	[tilespmem:$0x1E200] =	vst v63  }
0x4a9: {  	s19 =	simm.s32 $0x9200  }
0x4aa: {  	[tilespmem:s19], [sflag:$0x2] =	stream.indirect_vreg.gather [hbm4b:s26+s11], $0x80, v2, vm0, $0xb8;
	[tilespmem:$0x1E200] =	vst v63  }
0x4ab: {  	s13 =	simm.s32 $0x9A00  }
0x4ac: {  	[tilespmem:s13], [sflag:$0x2] =	stream.indirect_vreg.gather [hbm4b:s28+s11], $0x80, v2, vm0, $0xb8;
	[tilespmem:$0x1E200] =	vst v63  }
0x4ad: {  	v2 =	vld.msk [tilespmem:$0xB8], $0xff;
	_ =	sdelay $0x4  }
0x4ae: {  	v3 =	vshll.u32 v2, $0x3  }
0x4af: {  	v2 =	vand.u32 $0x7, v2;
	v3 =	vand.u32 $0xFFFFFFC0, v3  }
0x4b0: {  	v2 =	vor.u32 v2, v3  }
0x4b1: {  	v2 =	vperm.xlane v2, v0;
	_ =	sdelay $0x1  }
0x4b2: {  	v2 =	vadd.s32 v1, v2;
	_ =	sdelay $0x4  }
0x4b3: {  	[tilespmem:s21], [sflag:$0x2] =	stream.indirect_vreg.gather [hbm4b:s1+s11], $0x80, v2, vm0, $0xb8;
	[tilespmem:$0x1E200] =	vst v63  }
0x4b4: {  	s16 =	simm.s32 $0xAA00  }
0x4b5: {  	[tilespmem:s16], [sflag:$0x2] =	stream.indirect_vreg.gather [hbm4b:s24+s11], $0x80, v2, vm0, $0xb8;
	[tilespmem:$0x1E200] =	vst v63  }
0x4b6: {  	s18 =	simm.s32 $0xB200  }
0x4b7: {  	[tilespmem:s18], [sflag:$0x2] =	stream.indirect_vreg.gather [hbm4b:s26+s11], $0x80, v2, vm0, $0xb8;
	[tilespmem:$0x1E200] =	vst v63  }
0x4b8: {  	s19 =	simm.s32 $0xBA00  }
0x4b9: {  	[tilespmem:s19], [sflag:$0x2] =	stream.indirect_vreg.gather [hbm4b:s28+s11], $0x80, v2, vm0, $0xb8;
	[tilespmem:$0x1E200] =	vst v63  }
0x4ba: {  	v2 =	vld.msk [tilespmem:$0x138], $0xff;
	_ =	sdelay $0x4  }
0x4bb: {  	v3 =	vshll.u32 v2, $0x3  }
0x4bc: {  	v2 =	vand.u32 $0x7, v2;
	v3 =	vand.u32 $0xFFFFFFC0, v3  }
0x4bd: {  	v2 =	vor.u32 v2, v3  }
0x4be: {  	v2 =	vperm.xlane v2, v0;
	_ =	sdelay $0x1  }
0x4bf: {  	v2 =	vadd.s32 v1, v2;
	_ =	sdelay $0x4  }
0x4c0: {  	[tilespmem:s31], [sflag:$0x2] =	stream.indirect_vreg.gather [hbm4b:s1+s11], $0x80, v2, vm0, $0xb8;
	[tilespmem:$0x1E200] =	vst v63  }
0x4c1: {  	s13 =	simm.s32 $0xCA00  }
0x4c2: {  	[tilespmem:s13], [sflag:$0x2] =	stream.indirect_vreg.gather [hbm4b:s24+s11], $0x80, v2, vm0, $0xb8;
	[tilespmem:$0x1E200] =	vst v63  }
0x4c3: {  	s16 =	simm.s32 $0xD200  }
0x4c4: {  	[tilespmem:s16], [sflag:$0x2] =	stream.indirect_vreg.gather [hbm4b:s26+s11], $0x80, v2, vm0, $0xb8;
	[tilespmem:$0x1E200] =	vst v63  }
0x4c5: {  	s18 =	simm.s32 $0xDA00  }
0x4c6: {  	[tilespmem:s18], [sflag:$0x2] =	stream.indirect_vreg.gather [hbm4b:s28+s11], $0x80, v2, vm0, $0xb8;
	[tilespmem:$0x1E200] =	vst v63  }
0x4c7: {  	v2 =	vld.msk [tilespmem:$0x1B8], $0xff;
	_ =	sdelay $0x4  }
0x4c8: {  	v3 =	vshll.u32 v2, $0x3  }
0x4c9: {  	v2 =	vand.u32 $0x7, v2;
	v3 =	vand.u32 $0xFFFFFFC0, v3  }
0x4ca: {  	v2 =	vor.u32 v2, v3  }
0x4cb: {  	v2 =	vperm.xlane v2, v0;
	_ =	sdelay $0x1  }
0x4cc: {  	v2 =	vadd.s32 v1, v2;
	_ =	sdelay $0x4  }
0x4cd: {  	[tilespmem:s6], [sflag:$0x2] =	stream.indirect_vreg.gather [hbm4b:s1+s11], $0x80, v2, vm0, $0xb8;
	[tilespmem:$0x1E200] =	vst v63  }
0x4ce: {  	s19 =	simm.s32 $0xEA00  }
0x4cf: {  	[tilespmem:s19], [sflag:$0x2] =	stream.indirect_vreg.gather [hbm4b:s24+s11], $0x80, v2, vm0, $0xb8;
	[tilespmem:$0x1E200] =	vst v63  }
0x4d0: {  	s13 =	simm.s32 $0xF200  }
0x4d1: {  	[tilespmem:s13], [sflag:$0x2] =	stream.indirect_vreg.gather [hbm4b:s26+s11], $0x80, v2, vm0, $0xb8;
	[tilespmem:$0x1E200] =	vst v63  }
0x4d2: {  	s16 =	simm.s32 $0xFA00  }
0x4d3: {  	[tilespmem:s16], [sflag:$0x2] =	stream.indirect_vreg.gather [hbm4b:s28+s11], $0x80, v2, vm0, $0xb8;
	[tilespmem:$0x1E200] =	vst v63  }
0x4d4: {  	s18 =	rddreg [dreg:$0x16];
	s19 =	simm.s32 $0x1A200  }
0x4d5: {  	[tilespmem:s19], [sflag:$0x5] =	stream.linear.gather [hbm4b:s18+s11], $0x2000, $0x38;
	[tilespmem:$0x1E200] =	vst v63  }
0x4d6: {  	_ =	swait.ge [sflag:s14], $0x2000  }
0x4d7: {  	[sflag:s14] =	ssyncset.done $0x0  }
0x4d8: {  	[sflag:s14] =	ssyncadd.s32 $0xFFFFE000  }
0x4d9: {  	_ =	swait.ge [sflag:s14], $0x2000  }
0x4da: {  	[sflag:s14] =	ssyncset.done $0x0  }
0x4db: {  	[sflag:s14] =	ssyncadd.s32 $0xFFFFE000  }
0x4dc: {  	_ =	swait.ge [sflag:s14], $0x2000  }
0x4dd: {  	[sflag:s14] =	ssyncset.done $0x0  }
0x4de: {  	[sflag:s14] =	ssyncadd.s32 $0xFFFFE000  }
0x4df: {  	_ =	swait.ge [sflag:s14], $0x2000  }
0x4e0: {  	[sflag:s14] =	ssyncset.done $0x0  }
0x4e1: {  	[sflag:s14] =	ssyncadd.s32 $0xFFFFE000  }
0x4e2: {  	_ =	swait.ge [sflag:s15], $0x2000  }
0x4e3: {  	[sflag:s15] =	ssyncset.done $0x0  }
0x4e4: {  	s13 =	simm.s32 $0x0;
	[sflag:s15] =	ssyncadd.s32 $0xFFFFE000  }
.LBB2_26:
0x4e5: {  	s10 =	sshra.s32 s11, $0x2  }
0x4e6: {  	v2 =	vld [tilespmem:s10+$0x18270]  }
0x4e7: {  	v3 =	vld [tilespmem:s10+$0x6270]  }
0x4e8: {  	v4 =	vld [tilespmem:s10+$0x18200]  }
0x4e9: {  	v5 =	vld [tilespmem:s10+$0x200]  }
0x4ea: {  	v6 =	vld [tilespmem:s10+$0x2200]  }
0x4eb: {  	v7 =	vld [tilespmem:s10+$0x4200]  }
0x4ec: {  	v8 =	vld [tilespmem:s10+$0x6200]  }
0x4ed: {  	v9 =	vld [tilespmem:s10+$0x18210]  }
0x4ee: {  	v10 =	vld [tilespmem:s10+$0x210]  }
0x4ef: {  	v11 =	vld [tilespmem:s10+$0x2210]  }
0x4f0: {  	v12 =	vld [tilespmem:s10+$0x4210]  }
0x4f1: {  	v13 =	vld [tilespmem:s10+$0x6210]  }
0x4f2: {  	v14 =	vld [tilespmem:s10+$0x18220];
	v3 =	vadd.f32 v3, v2  }
0x4f3: {  	v15 =	vld [tilespmem:s10+$0x220];
	v5 =	vadd.f32 v5, v4  }
0x4f4: {  	v63 =	vld [tilespmem:s10+$0x6230];
	[tilespmem:s10+$0x6270] =	vst v3;
	v3 =	vadd.f32 v6, v4  }
0x4f5: {  	v6 =	vld [tilespmem:s10+$0x2220];
	[tilespmem:s10+$0x200] =	vst v5;
	v5 =	vadd.f32 v7, v4  }
0x4f6: {  	v7 =	vld [tilespmem:s10+$0x4220];
	[tilespmem:s10+$0x2200] =	vst v3;
	v3 =	vadd.f32 v8, v4  }
0x4f7: {  	v4 =	vld [tilespmem:s10+$0x6220];
	[tilespmem:s10+$0x4200] =	vst v5;
	v5 =	vadd.f32 v10, v9  }
0x4f8: {  	v8 =	vld [tilespmem:s10+$0x18230];
	[tilespmem:s10+$0x6200] =	vst v3;
	v3 =	vadd.f32 v11, v9  }
0x4f9: {  	v10 =	vld [tilespmem:s10+$0x230];
	[tilespmem:s10+$0x210] =	vst v5;
	v5 =	vadd.f32 v12, v9  }
0x4fa: {  	v11 =	vld [tilespmem:s10+$0x2230];
	[tilespmem:s10+$0x2210] =	vst v3;
	v3 =	vadd.f32 v13, v9  }
0x4fb: {  	v9 =	vld [tilespmem:s10+$0x4230];
	[tilespmem:s10+$0x4210] =	vst v5;
	v5 =	vadd.f32 v15, v14  }
0x4fc: {  	[tilespmem:s10+$0x6210] =	vst v3;
	v3 =	vadd.f32 v6, v14;
	v6 =	vld [tilespmem:s10+$0x18240]  }
0x4fd: {  	[tilespmem:s10+$0x220] =	vst v5;
	v5 =	vadd.f32 v7, v14;
	v7 =	vld [tilespmem:s10+$0x240]  }
0x4fe: {  	[tilespmem:s10+$0x2220] =	vst v3;
	v3 =	vadd.f32 v4, v14;
	v4 =	vld [tilespmem:s10+$0x2240]  }
0x4ff: {  	[tilespmem:s10+$0x4220] =	vst v5;
	v5 =	vadd.f32 v10, v8;
	v10 =	vld [tilespmem:s10+$0x4240]  }
0x500: {  	[tilespmem:s10+$0x6220] =	vst v3;
	v3 =	vadd.f32 v11, v8;
	v11 =	vld [tilespmem:s10+$0x6240]  }
0x501: {  	[tilespmem:s10+$0x230] =	vst v5;
	v5 =	vadd.f32 v9, v8;
	v9 =	vld [tilespmem:s10+$0x18250]  }
0x502: {  	[tilespmem:s10+$0x2230] =	vst v3;
	v3 =	vadd.f32 v63, v8;
	v8 =	vld [tilespmem:s10+$0x250]  }
0x503: {  	[tilespmem:s10+$0x4230] =	vst v5;
	v5 =	vadd.f32 v7, v6;
	v7 =	vld [tilespmem:s10+$0x2250]  }
0x504: {  	[tilespmem:s10+$0x6230] =	vst v3;
	v3 =	vadd.f32 v4, v6;
	v4 =	vld [tilespmem:s10+$0x4250]  }
0x505: {  	[tilespmem:s10+$0x240] =	vst v5;
	v5 =	vadd.f32 v10, v6;
	v10 =	vld [tilespmem:s10+$0x6250]  }
0x506: {  	v6 =	vadd.f32 v11, v6;
	v11 =	vld [tilespmem:s10+$0x260];
	[tilespmem:s10+$0x2240] =	vst v3  }
0x507: {  	v3 =	vld [tilespmem:s10+$0x18260];
	[tilespmem:s10+$0x4240] =	vst v5;
	v5 =	vadd.f32 v8, v9  }
0x508: {  	[tilespmem:s10+$0x6240] =	vst v6;
	v6 =	vadd.f32 v7, v9;
	v8 =	vld [tilespmem:s10+$0x2260]  }
0x509: {  	[tilespmem:s10+$0x250] =	vst v5;
	v4 =	vadd.f32 v4, v9;
	v5 =	vld [tilespmem:s10+$0x4260]  }
0x50a: {  	[tilespmem:s10+$0x2250] =	vst v6;
	v7 =	vadd.f32 v10, v9;
	v6 =	vld [tilespmem:s10+$0x6260]  }
0x50b: {  	[tilespmem:s10+$0x4250] =	vst v4;
	v4 =	vld [tilespmem:s10+$0x270]  }
0x50c: {  	s16 =	simm.s32 $0x0;
	s18 =	sadd.s32 $0x1000, s11;
	[tilespmem:s10+$0x6250] =	vst v7;
	v9 =	vadd.f32 v11, v3;
	v7 =	vld [tilespmem:s10+$0x2270]  }
.LBB2_27:
0x50d: {  	s19 =	sshra.s32 s18, $0x2;
	v8 =	vadd.f32 v8, v3;
	v10 =	vld [tilespmem:s10+$0x4270]  }
0x50e: {  	s16 =	sadd.s32 $0x80, s16;
	v11 =	vld [tilespmem:s19+$0x18270];
	[tilespmem:s10+$0x260] =	vst v9;
	v5 =	vadd.f32 v5, v3  }
0x50f: {  	p0 =	slt.u32 s16, $0x380;
	v9 =	vld [tilespmem:s19+$0x6270];
	[tilespmem:s10+$0x2260] =	vst v8;
	v3 =	vadd.f32 v6, v3  }
0x510: {  	v6 =	vld [tilespmem:s19+$0x18200];
	[tilespmem:s10+$0x4260] =	vst v5;
	v4 =	vadd.f32 v4, v2  }
0x511: {  	v5 =	vld [tilespmem:s19+$0x200];
	[tilespmem:s10+$0x6260] =	vst v3;
	v3 =	vadd.f32 v7, v2  }
0x512: {  	v7 =	vld [tilespmem:s19+$0x2200];
	[tilespmem:s10+$0x270] =	vst v4;
	v4 =	vadd.f32 v10, v2  }
0x513: {  	v8 =	vld [tilespmem:s19+$0x4200];
	[tilespmem:s10+$0x2270] =	vst v3;
	v2 =	vmov v11  }
0x514: {  	v3 =	vld [tilespmem:s19+$0x6200];
	v9 =	vadd.f32 v9, v2;
	[tilespmem:s10+$0x4270] =	vst v4;
	s10 =	smov.u32 s19  }
0x515: {  	v4 =	vld [tilespmem:s10+$0x18210]  }
0x516: {  	v5 =	vadd.f32 v5, v6;
	v10 =	vld [tilespmem:s10+$0x210];
	[tilespmem:s10+$0x6270] =	vst v9  }
0x517: {  	v7 =	vadd.f32 v7, v6;
	v9 =	vld [tilespmem:s10+$0x2210]  }
0x518: {  	[tilespmem:s10+$0x200] =	vst v5;
	v5 =	vadd.f32 v8, v6;
	v8 =	vld [tilespmem:s10+$0x4210]  }
0x519: {  	[tilespmem:s10+$0x2200] =	vst v7;
	v3 =	vadd.f32 v3, v6;
	v6 =	vld [tilespmem:s10+$0x6210]  }
0x51a: {  	[tilespmem:s10+$0x4200] =	vst v5;
	v5 =	vld [tilespmem:s10+$0x18220]  }
0x51b: {  	[tilespmem:s10+$0x6200] =	vst v3;
	v3 =	vadd.f32 v10, v4;
	v7 =	vld [tilespmem:s10+$0x220]  }
0x51c: {  	v9 =	vadd.f32 v9, v4;
	v10 =	vld [tilespmem:s10+$0x2220]  }
0x51d: {  	[tilespmem:s10+$0x210] =	vst v3;
	v3 =	vadd.f32 v8, v4;
	v8 =	vld [tilespmem:s10+$0x4220]  }
0x51e: {  	[tilespmem:s10+$0x2210] =	vst v9;
	v4 =	vadd.f32 v6, v4;
	v6 =	vld [tilespmem:s10+$0x6220]  }
0x51f: {  	[tilespmem:s10+$0x4210] =	vst v3;
	v3 =	vld [tilespmem:s10+$0x18230]  }
0x520: {  	[tilespmem:s10+$0x6210] =	vst v4;
	v4 =	vadd.f32 v7, v5;
	v7 =	vld [tilespmem:s10+$0x230]  }
0x521: {  	v9 =	vadd.f32 v10, v5;
	v10 =	vld [tilespmem:s10+$0x2230]  }
0x522: {  	[tilespmem:s10+$0x220] =	vst v4;
	v4 =	vadd.f32 v8, v5;
	v8 =	vld [tilespmem:s10+$0x4230]  }
0x523: {  	[tilespmem:s10+$0x2220] =	vst v9;
	v5 =	vadd.f32 v6, v5;
	v6 =	vld [tilespmem:s10+$0x6230]  }
0x524: {  	[tilespmem:s10+$0x4220] =	vst v4;
	v4 =	vld [tilespmem:s10+$0x18240]  }
0x525: {  	[tilespmem:s10+$0x6220] =	vst v5;
	v5 =	vadd.f32 v7, v3;
	v7 =	vld [tilespmem:s10+$0x240]  }
0x526: {  	v9 =	vadd.f32 v10, v3;
	v10 =	vld [tilespmem:s10+$0x2240]  }
0x527: {  	[tilespmem:s10+$0x230] =	vst v5;
	v5 =	vadd.f32 v8, v3;
	v8 =	vld [tilespmem:s10+$0x4240]  }
0x528: {  	[tilespmem:s10+$0x2230] =	vst v9;
	v3 =	vadd.f32 v6, v3;
	v6 =	vld [tilespmem:s10+$0x6240]  }
0x529: {  	[tilespmem:s10+$0x4230] =	vst v5;
	v9 =	vld [tilespmem:s10+$0x18250]  }
0x52a: {  	[tilespmem:s10+$0x6230] =	vst v3;
	v3 =	vadd.f32 v7, v4;
	v5 =	vld [tilespmem:s10+$0x250]  }
0x52b: {  	v7 =	vadd.f32 v10, v4;
	v10 =	vld [tilespmem:s10+$0x2250]  }
0x52c: {  	[tilespmem:s10+$0x240] =	vst v3;
	v3 =	vadd.f32 v8, v4;
	v11 =	vld [tilespmem:s10+$0x4250]  }
0x52d: {  	[tilespmem:s10+$0x2240] =	vst v7;
	v4 =	vadd.f32 v6, v4;
	v6 =	vld [tilespmem:s10+$0x6250]  }
0x52e: {  	[tilespmem:s10+$0x4240] =	vst v3;
	v3 =	vld [tilespmem:s10+$0x18260]  }
0x52f: {  	[tilespmem:s10+$0x6240] =	vst v4;
	v4 =	vadd.f32 v5, v9;
	v7 =	vld [tilespmem:s10+$0x260]  }
.Ltmp12:
0x530: {  	v10 =	vadd.f32 v10, v9;
	v8 =	vld [tilespmem:s10+$0x2260];
	(pc) =	sbr.rel @p0 .LBB2_27-.Ltmp12, $4  }
0x531: {  	[tilespmem:s10+$0x250] =	vst v4;
	v4 =	vadd.f32 v11, v9;
	v5 =	vld [tilespmem:s10+$0x4260]  }
0x532: {  	[tilespmem:s10+$0x2250] =	vst v10;
	v9 =	vadd.f32 v6, v9;
	v6 =	vld [tilespmem:s10+$0x6260]  }
0x533: {  	[tilespmem:s10+$0x4250] =	vst v4;
	v4 =	vld [tilespmem:s10+$0x270]  }
0x534: {  	s18 =	sadd.s32 $0x1000, s18;
	[tilespmem:s10+$0x6250] =	vst v9;
	v9 =	vadd.f32 v7, v3;
	v7 =	vld [tilespmem:s10+$0x2270]  }
0x535: {  	v8 =	vadd.f32 v8, v3;
	v10 =	vld [tilespmem:s10+$0x4270]  }
0x536: {  	s13 =	sadd.s32 $0x1, s13;
	[tilespmem:s10+$0x260] =	vst v9;
	v5 =	vadd.f32 v5, v3  }
0x537: {  	p0 =	sne.s32 s13, $0x8;
	[tilespmem:s10+$0x2260] =	vst v8;
	v3 =	vadd.f32 v6, v3  }
.Ltmp13:
0x538: {  	[tilespmem:s10+$0x4260] =	vst v5;
	v4 =	vadd.f32 v4, v2;
	(pc) =	sbr.rel @p0 .LBB2_26-.Ltmp13, $4  }
0x539: {  	[tilespmem:s10+$0x6260] =	vst v3;
	v3 =	vadd.f32 v7, v2  }
0x53a: {  	[tilespmem:s10+$0x270] =	vst v4;
	v2 =	vadd.f32 v10, v2  }
0x53b: {  	[tilespmem:s10+$0x2270] =	vst v3  }
0x53c: {  	s11 =	sadd.s32 $0x200, s11;
	[tilespmem:s10+$0x4270] =	vst v2  }
0x53d: {  	s10 =	rddreg [dreg:$0x17]  }
0x53e: {  	s11 =	simm.s32 $0x0;
	s16 =	sld [smem:$0x7F8]  }
0x53f: {  	[hbm4b:s10+s11] =	stream.linear.scatter [tilespmem:s29], [sflag:$0x7], $0x2000, $0x38;
	[tilespmem:$0x1E200] =	vst v63  }
0x540: {  	s18 =	sld [smem:$0x7F9]  }
0x541: {  	[hbm4b:s16+s11] =	stream.linear.scatter [tilespmem:s0], [sflag:$0x7], $0x2000, $0x38;
	[tilespmem:$0x1E200] =	vst v63  }
0x542: {  	s19 =	sld [smem:$0x7FA]  }
0x543: {  	[hbm4b:s18+s11] =	stream.linear.scatter [tilespmem:s7], [sflag:$0x7], $0x2000, $0x38;
	[tilespmem:$0x1E200] =	vst v63  }
0x544: {  	_ = 	snop  }
0x545: {  	[hbm4b:s19+s11] =	stream.linear.scatter [tilespmem:s12], [sflag:$0x7], $0x2000, $0x38;
	[tilespmem:$0x1E200] =	vst v63  }
0x546: {  	_ =	swait.ge [sflag:s22], $0x2000  }
0x547: {  	[sflag:s22] =	ssyncset.done $0x0  }
0x548: {  	[sflag:s22] =	ssyncadd.s32 $0xFFFFE000  }
0x549: {  	_ =	swait.ge [sflag:s22], $0x2000  }
0x54a: {  	[sflag:s22] =	ssyncset.done $0x0  }
0x54b: {  	[sflag:s22] =	ssyncadd.s32 $0xFFFFE000  }
0x54c: {  	_ =	swait.ge [sflag:s22], $0x2000  }
0x54d: {  	[sflag:s22] =	ssyncset.done $0x0  }
0x54e: {  	[sflag:s22] =	ssyncadd.s32 $0xFFFFE000  }
0x54f: {  	_ =	swait.ge [sflag:s22], $0x2000  }
0x550: {  	[sflag:s22] =	ssyncset.done $0x0  }
0x551: {  	[sflag:s22] =	ssyncadd.s32 $0xFFFFE000  }
0x552: {  	_ =	swait.ge [sflag:s23], $0x2000  }
0x553: {  	[sflag:s23] =	ssyncset.done $0x0  }
0x554: {  	s13 =	simm.s32 $0x0;
	[sflag:s23] =	ssyncadd.s32 $0xFFFFE000  }
.LBB2_30:
0x555: {  	s10 =	sshra.s32 s11, $0x2  }
0x556: {  	v2 =	vld [tilespmem:s10+$0x1A270]  }
0x557: {  	v3 =	vld [tilespmem:s10+$0xE270]  }
0x558: {  	v4 =	vld [tilespmem:s10+$0x1A200]  }
0x559: {  	v5 =	vld [tilespmem:s10+$0x8200]  }
0x55a: {  	v6 =	vld [tilespmem:s10+$0xA200]  }
0x55b: {  	v7 =	vld [tilespmem:s10+$0xC200]  }
0x55c: {  	v8 =	vld [tilespmem:s10+$0xE200]  }
0x55d: {  	v9 =	vld [tilespmem:s10+$0x1A210]  }
0x55e: {  	v10 =	vld [tilespmem:s10+$0x8210]  }
0x55f: {  	v11 =	vld [tilespmem:s10+$0xA210]  }
0x560: {  	v12 =	vld [tilespmem:s10+$0xC210]  }
0x561: {  	v13 =	vld [tilespmem:s10+$0xE210]  }
0x562: {  	v14 =	vld [tilespmem:s10+$0x1A220];
	v3 =	vadd.f32 v3, v2  }
0x563: {  	v15 =	vld [tilespmem:s10+$0x8220];
	v5 =	vadd.f32 v5, v4  }
0x564: {  	v63 =	vld [tilespmem:s10+$0xE230];
	[tilespmem:s10+$0xE270] =	vst v3;
	v3 =	vadd.f32 v6, v4  }
0x565: {  	v6 =	vld [tilespmem:s10+$0xA220];
	[tilespmem:s10+$0x8200] =	vst v5;
	v5 =	vadd.f32 v7, v4  }
0x566: {  	v7 =	vld [tilespmem:s10+$0xC220];
	[tilespmem:s10+$0xA200] =	vst v3;
	v3 =	vadd.f32 v8, v4  }
0x567: {  	v4 =	vld [tilespmem:s10+$0xE220];
	[tilespmem:s10+$0xC200] =	vst v5;
	v5 =	vadd.f32 v10, v9  }
0x568: {  	v8 =	vld [tilespmem:s10+$0x1A230];
	[tilespmem:s10+$0xE200] =	vst v3;
	v3 =	vadd.f32 v11, v9  }
0x569: {  	v10 =	vld [tilespmem:s10+$0x8230];
	[tilespmem:s10+$0x8210] =	vst v5;
	v5 =	vadd.f32 v12, v9  }
0x56a: {  	v11 =	vld [tilespmem:s10+$0xA230];
	[tilespmem:s10+$0xA210] =	vst v3;
	v3 =	vadd.f32 v13, v9  }
0x56b: {  	v9 =	vld [tilespmem:s10+$0xC230];
	[tilespmem:s10+$0xC210] =	vst v5;
	v5 =	vadd.f32 v15, v14  }
0x56c: {  	[tilespmem:s10+$0xE210] =	vst v3;
	v3 =	vadd.f32 v6, v14;
	v6 =	vld [tilespmem:s10+$0x1A240]  }
0x56d: {  	[tilespmem:s10+$0x8220] =	vst v5;
	v5 =	vadd.f32 v7, v14;
	v7 =	vld [tilespmem:s10+$0x8240]  }
0x56e: {  	[tilespmem:s10+$0xA220] =	vst v3;
	v3 =	vadd.f32 v4, v14;
	v4 =	vld [tilespmem:s10+$0xA240]  }
0x56f: {  	[tilespmem:s10+$0xC220] =	vst v5;
	v5 =	vadd.f32 v10, v8;
	v10 =	vld [tilespmem:s10+$0xC240]  }
0x570: {  	[tilespmem:s10+$0xE220] =	vst v3;
	v3 =	vadd.f32 v11, v8;
	v11 =	vld [tilespmem:s10+$0xE240]  }
0x571: {  	[tilespmem:s10+$0x8230] =	vst v5;
	v5 =	vadd.f32 v9, v8;
	v9 =	vld [tilespmem:s10+$0x1A250]  }
0x572: {  	[tilespmem:s10+$0xA230] =	vst v3;
	v3 =	vadd.f32 v63, v8;
	v8 =	vld [tilespmem:s10+$0x8250]  }
0x573: {  	[tilespmem:s10+$0xC230] =	vst v5;
	v5 =	vadd.f32 v7, v6;
	v7 =	vld [tilespmem:s10+$0xA250]  }
0x574: {  	[tilespmem:s10+$0xE230] =	vst v3;
	v3 =	vadd.f32 v4, v6;
	v4 =	vld [tilespmem:s10+$0xC250]  }
0x575: {  	[tilespmem:s10+$0x8240] =	vst v5;
	v5 =	vadd.f32 v10, v6;
	v10 =	vld [tilespmem:s10+$0xE250]  }
0x576: {  	v6 =	vadd.f32 v11, v6;
	v11 =	vld [tilespmem:s10+$0x8260];
	[tilespmem:s10+$0xA240] =	vst v3  }
0x577: {  	v3 =	vld [tilespmem:s10+$0x1A260];
	[tilespmem:s10+$0xC240] =	vst v5;
	v5 =	vadd.f32 v8, v9  }
0x578: {  	[tilespmem:s10+$0xE240] =	vst v6;
	v6 =	vadd.f32 v7, v9;
	v8 =	vld [tilespmem:s10+$0xA260]  }
0x579: {  	[tilespmem:s10+$0x8250] =	vst v5;
	v4 =	vadd.f32 v4, v9;
	v5 =	vld [tilespmem:s10+$0xC260]  }
0x57a: {  	[tilespmem:s10+$0xA250] =	vst v6;
	v7 =	vadd.f32 v10, v9;
	v6 =	vld [tilespmem:s10+$0xE260]  }
0x57b: {  	[tilespmem:s10+$0xC250] =	vst v4;
	v4 =	vld [tilespmem:s10+$0x8270]  }
0x57c: {  	s16 =	simm.s32 $0x0;
	s18 =	sadd.s32 $0x1000, s11;
	[tilespmem:s10+$0xE250] =	vst v7;
	v9 =	vadd.f32 v11, v3;
	v7 =	vld [tilespmem:s10+$0xA270]  }
.LBB2_31:
0x57d: {  	s19 =	sshra.s32 s18, $0x2;
	v8 =	vadd.f32 v8, v3;
	v10 =	vld [tilespmem:s10+$0xC270]  }
0x57e: {  	s16 =	sadd.s32 $0x80, s16;
	v11 =	vld [tilespmem:s19+$0x1A270];
	[tilespmem:s10+$0x8260] =	vst v9;
	v5 =	vadd.f32 v5, v3  }
0x57f: {  	p0 =	slt.u32 s16, $0x380;
	v9 =	vld [tilespmem:s19+$0xE270];
	[tilespmem:s10+$0xA260] =	vst v8;
	v3 =	vadd.f32 v6, v3  }
0x580: {  	v6 =	vld [tilespmem:s19+$0x1A200];
	[tilespmem:s10+$0xC260] =	vst v5;
	v4 =	vadd.f32 v4, v2  }
0x581: {  	v5 =	vld [tilespmem:s19+$0x8200];
	[tilespmem:s10+$0xE260] =	vst v3;
	v3 =	vadd.f32 v7, v2  }
0x582: {  	v7 =	vld [tilespmem:s19+$0xA200];
	[tilespmem:s10+$0x8270] =	vst v4;
	v4 =	vadd.f32 v10, v2  }
0x583: {  	v8 =	vld [tilespmem:s19+$0xC200];
	[tilespmem:s10+$0xA270] =	vst v3;
	v2 =	vmov v11  }
0x584: {  	v3 =	vld [tilespmem:s19+$0xE200];
	v9 =	vadd.f32 v9, v2;
	[tilespmem:s10+$0xC270] =	vst v4;
	s10 =	smov.u32 s19  }
0x585: {  	v4 =	vld [tilespmem:s10+$0x1A210]  }
0x586: {  	v5 =	vadd.f32 v5, v6;
	v10 =	vld [tilespmem:s10+$0x8210];
	[tilespmem:s10+$0xE270] =	vst v9  }
0x587: {  	v7 =	vadd.f32 v7, v6;
	v9 =	vld [tilespmem:s10+$0xA210]  }
0x588: {  	[tilespmem:s10+$0x8200] =	vst v5;
	v5 =	vadd.f32 v8, v6;
	v8 =	vld [tilespmem:s10+$0xC210]  }
0x589: {  	[tilespmem:s10+$0xA200] =	vst v7;
	v3 =	vadd.f32 v3, v6;
	v6 =	vld [tilespmem:s10+$0xE210]  }
0x58a: {  	[tilespmem:s10+$0xC200] =	vst v5;
	v5 =	vld [tilespmem:s10+$0x1A220]  }
0x58b: {  	[tilespmem:s10+$0xE200] =	vst v3;
	v3 =	vadd.f32 v10, v4;
	v7 =	vld [tilespmem:s10+$0x8220]  }
0x58c: {  	v9 =	vadd.f32 v9, v4;
	v10 =	vld [tilespmem:s10+$0xA220]  }
0x58d: {  	[tilespmem:s10+$0x8210] =	vst v3;
	v3 =	vadd.f32 v8, v4;
	v8 =	vld [tilespmem:s10+$0xC220]  }
0x58e: {  	[tilespmem:s10+$0xA210] =	vst v9;
	v4 =	vadd.f32 v6, v4;
	v6 =	vld [tilespmem:s10+$0xE220]  }
0x58f: {  	[tilespmem:s10+$0xC210] =	vst v3;
	v3 =	vld [tilespmem:s10+$0x1A230]  }
0x590: {  	[tilespmem:s10+$0xE210] =	vst v4;
	v4 =	vadd.f32 v7, v5;
	v7 =	vld [tilespmem:s10+$0x8230]  }
0x591: {  	v9 =	vadd.f32 v10, v5;
	v10 =	vld [tilespmem:s10+$0xA230]  }
0x592: {  	[tilespmem:s10+$0x8220] =	vst v4;
	v4 =	vadd.f32 v8, v5;
	v8 =	vld [tilespmem:s10+$0xC230]  }
0x593: {  	[tilespmem:s10+$0xA220] =	vst v9;
	v5 =	vadd.f32 v6, v5;
	v6 =	vld [tilespmem:s10+$0xE230]  }
0x594: {  	[tilespmem:s10+$0xC220] =	vst v4;
	v4 =	vld [tilespmem:s10+$0x1A240]  }
0x595: {  	[tilespmem:s10+$0xE220] =	vst v5;
	v5 =	vadd.f32 v7, v3;
	v7 =	vld [tilespmem:s10+$0x8240]  }
0x596: {  	v9 =	vadd.f32 v10, v3;
	v10 =	vld [tilespmem:s10+$0xA240]  }
0x597: {  	[tilespmem:s10+$0x8230] =	vst v5;
	v5 =	vadd.f32 v8, v3;
	v8 =	vld [tilespmem:s10+$0xC240]  }
0x598: {  	[tilespmem:s10+$0xA230] =	vst v9;
	v3 =	vadd.f32 v6, v3;
	v6 =	vld [tilespmem:s10+$0xE240]  }
0x599: {  	[tilespmem:s10+$0xC230] =	vst v5;
	v9 =	vld [tilespmem:s10+$0x1A250]  }
0x59a: {  	[tilespmem:s10+$0xE230] =	vst v3;
	v3 =	vadd.f32 v7, v4;
	v5 =	vld [tilespmem:s10+$0x8250]  }
0x59b: {  	v7 =	vadd.f32 v10, v4;
	v10 =	vld [tilespmem:s10+$0xA250]  }
0x59c: {  	[tilespmem:s10+$0x8240] =	vst v3;
	v3 =	vadd.f32 v8, v4;
	v11 =	vld [tilespmem:s10+$0xC250]  }
0x59d: {  	[tilespmem:s10+$0xA240] =	vst v7;
	v4 =	vadd.f32 v6, v4;
	v6 =	vld [tilespmem:s10+$0xE250]  }
0x59e: {  	[tilespmem:s10+$0xC240] =	vst v3;
	v3 =	vld [tilespmem:s10+$0x1A260]  }
0x59f: {  	[tilespmem:s10+$0xE240] =	vst v4;
	v4 =	vadd.f32 v5, v9;
	v7 =	vld [tilespmem:s10+$0x8260]  }
.Ltmp14:
0x5a0: {  	v10 =	vadd.f32 v10, v9;
	v8 =	vld [tilespmem:s10+$0xA260];
	(pc) =	sbr.rel @p0 .LBB2_31-.Ltmp14, $4  }
0x5a1: {  	[tilespmem:s10+$0x8250] =	vst v4;
	v4 =	vadd.f32 v11, v9;
	v5 =	vld [tilespmem:s10+$0xC260]  }
0x5a2: {  	[tilespmem:s10+$0xA250] =	vst v10;
	v9 =	vadd.f32 v6, v9;
	v6 =	vld [tilespmem:s10+$0xE260]  }
0x5a3: {  	[tilespmem:s10+$0xC250] =	vst v4;
	v4 =	vld [tilespmem:s10+$0x8270]  }
0x5a4: {  	s18 =	sadd.s32 $0x1000, s18;
	[tilespmem:s10+$0xE250] =	vst v9;
	v9 =	vadd.f32 v7, v3;
	v7 =	vld [tilespmem:s10+$0xA270]  }
0x5a5: {  	v8 =	vadd.f32 v8, v3;
	v10 =	vld [tilespmem:s10+$0xC270]  }
0x5a6: {  	s13 =	sadd.s32 $0x1, s13;
	[tilespmem:s10+$0x8260] =	vst v9;
	v5 =	vadd.f32 v5, v3  }
0x5a7: {  	p0 =	sne.s32 s13, $0x8;
	[tilespmem:s10+$0xA260] =	vst v8;
	v3 =	vadd.f32 v6, v3  }
.Ltmp15:
0x5a8: {  	[tilespmem:s10+$0xC260] =	vst v5;
	v4 =	vadd.f32 v4, v2;
	(pc) =	sbr.rel @p0 .LBB2_30-.Ltmp15, $4  }
0x5a9: {  	[tilespmem:s10+$0xE260] =	vst v3;
	v3 =	vadd.f32 v7, v2  }
0x5aa: {  	[tilespmem:s10+$0x8270] =	vst v4;
	v2 =	vadd.f32 v10, v2  }
0x5ab: {  	[tilespmem:s10+$0xA270] =	vst v3  }
0x5ac: {  	s11 =	sadd.s32 $0x200, s11;
	[tilespmem:s10+$0xC270] =	vst v2  }
0x5ad: {  	s10 =	rddreg [dreg:$0x18]  }
0x5ae: {  	s13 =	sld [smem:$0x7FB]  }
0x5af: {  	[hbm4b:s10+s3] =	stream.linear.scatter [tilespmem:s17], [sflag:$0x8], $0x2000, $0x38;
	[tilespmem:$0x1E200] =	vst v63  }
0x5b0: {  	s16 =	sld [smem:$0x7FC]  }
0x5b1: {  	[hbm4b:s13+s3] =	stream.linear.scatter [tilespmem:s21], [sflag:$0x8], $0x2000, $0x38;
	[tilespmem:$0x1E200] =	vst v63  }
0x5b2: {  	s18 =	sld [smem:$0x7FD]  }
0x5b3: {  	[hbm4b:s16+s3] =	stream.linear.scatter [tilespmem:s31], [sflag:$0x8], $0x2000, $0x38;
	[tilespmem:$0x1E200] =	vst v63  }
0x5b4: {  	_ = 	snop  }
0x5b5: {  	[hbm4b:s18+s3] =	stream.linear.scatter [tilespmem:s6], [sflag:$0x8], $0x2000, $0x38;
	[tilespmem:$0x1E200] =	vst v63  }
0x5b6: {  	_ =	swait.ge [sflag:s8], $0x2000  }
0x5b7: {  	[sflag:s8] =	ssyncset.done $0x0  }
0x5b8: {  	[sflag:s8] =	ssyncadd.s32 $0xFFFFE000  }
0x5b9: {  	_ =	swait.ge [sflag:s8], $0x2000  }
0x5ba: {  	[sflag:s8] =	ssyncset.done $0x0  }
0x5bb: {  	[sflag:s8] =	ssyncadd.s32 $0xFFFFE000  }
0x5bc: {  	_ =	swait.ge [sflag:s8], $0x2000  }
0x5bd: {  	[sflag:s8] =	ssyncset.done $0x0  }
0x5be: {  	[sflag:s8] =	ssyncadd.s32 $0xFFFFE000  }
0x5bf: {  	_ =	swait.ge [sflag:s8], $0x2000  }
0x5c0: {  	[sflag:s8] =	ssyncset.done $0x0  }
0x5c1: {  	[sflag:s8] =	ssyncadd.s32 $0xFFFFE000  }
0x5c2: {  	_ =	swait.ge [sflag:s30], $0x2000  }
0x5c3: {  	[sflag:s30] =	ssyncset.done $0x0  }
0x5c4: {  	[sflag:s30] =	ssyncadd.s32 $0xFFFFE000  }
0x5c5: {  	_ =	swait.ge [sflag:s30], $0x2000  }
0x5c6: {  	[sflag:s30] =	ssyncset.done $0x0  }
0x5c7: {  	[sflag:s30] =	ssyncadd.s32 $0xFFFFE000  }
0x5c8: {  	_ =	swait.ge [sflag:s30], $0x2000  }
0x5c9: {  	[sflag:s30] =	ssyncset.done $0x0  }
0x5ca: {  	[sflag:s30] =	ssyncadd.s32 $0xFFFFE000  }
0x5cb: {  	_ =	swait.ge [sflag:s30], $0x2000  }
0x5cc: {  	[sflag:s30] =	ssyncset.done $0x0  }
0x5cd: {  	[sflag:s30] =	ssyncadd.s32 $0xFFFFE000  }
0x5ce: {  	_ =	swait.ge [sflag:s5], $0x2000  }
0x5cf: {  	[sflag:s5] =	ssyncset.done $0x0  }
0x5d0: {  	[sflag:s5] =	ssyncadd.s32 $0xFFFFE000  }
0x5d1: {  	_ =	swait.ge [sflag:s5], $0x2000  }
0x5d2: {  	[sflag:s5] =	ssyncset.done $0x0  }
0x5d3: {  	[sflag:s5] =	ssyncadd.s32 $0xFFFFE000  }
0x5d4: {  	_ =	swait.ge [sflag:s5], $0x2000  }
0x5d5: {  	[sflag:s5] =	ssyncset.done $0x0  }
0x5d6: {  	[sflag:s5] =	ssyncadd.s32 $0xFFFFE000  }
0x5d7: {  	_ =	swait.ge [sflag:s5], $0x2000  }
0x5d8: {  	s9 =	sadd.s32 $0x1, s9;
	s19 =	rddreg [dreg:$0x19]  }
0x5d9: {  	p0 =	sne.s32 s9, s19  }
.Ltmp16:
0x5da: {  	_ = 	snop;
	(pc) =	sbr.rel @p0 .LBB2_1-.Ltmp16, $3  }
0x5db: {  	_ =	sdelay $0x1  }
0x5dc: {  	[sflag:s5] =	ssyncset.done $0x0  }
0x5dd: {  	[sflag:s5] =	ssyncadd.s32 $0xFFFFE000  }
0x5de: {  	_ =	sfence.sel $0x180000  }
0x5df: {  	[bflag:$0x0] =	sbarrier.arrive $0xFFFF  }
0x5e0: {  	_ =	strace $0x90000047  }
0x5e1: {  	s0 =	stileid.u32;
	[bflag:$0x2] =	sbarrier.arrive $0xFFFF  }
0x5e2: {  	p0 =	sne.s32 s0, $0x0;
	s0 =	rddreg [dreg:$0x4]  }
0x5e3: {  	s0 =	sadd.s32 @!p0 $0x100000, s0  }
0x5e4: {  	[sflag:s0] =	ssyncadd.tile.s32 @!p0 $0x1;
	_ =	shalt  }
.Lfunc_end2:
_tile_overlayer_lowered:
.L_overlay_start_2:
0x5e5: {  	(tag) =	ssettag $0x2  }
0x5e6: {  	s0 =	rddreg [dreg:$0x0];
	s2 =	stileid.u32  }
0x5e7: {  	s1 =	rddreg [dreg:$0x1];
	p0 =	sne.s32 s2, $0x0  }
0x5e8: {  	s3 =	rddreg [dreg:$0x2];
	[bflag:$0x3] =	sbarrier.arrive $0xFFFF;
	s2 =	simm.s32 @!p0 $0x1C0A  }
0x5e9: {  	[timem:s3], [sflag:s2] =	dma.local @!p0 [hbm:s0], s1  }
0x5ea: {  	s0 =	simm.s32 @!p0 $0xA  }
0x5eb: {  	_ =	swait.ge @!p0 [sflag:s0], s1  }
0x5ec: {  	s1 =	ssub.s32 @!p0 $0x0, s1;
	[sflag:s0] =	ssyncset.done @!p0 $0x0  }
0x5ed: {  	[sflag:s0] =	ssyncadd.s32 @!p0 s1  }
0x5ee: {  	[bflag:$0x3] =	sbarrier.arrive $0xFFFF  }
0x5ef: {  	_ =	shalt  }

</sc_bundles>
